<compile_context>
chip_gen: v7x
topology: tpu7x:2x2x1
jax: 0.10.2.dev20260603
libtpu: 0.0.44.dev20260713+nightly
codegen_flags: <defaults>
</compile_context>

<pallas_src>
import functools

import jax
import jax.numpy as jnp
from jax import lax
from jax.experimental import pallas as pl
from jax.experimental.pallas import tpu as pltpu
from jax.experimental.pallas import tpu_sc as plsc

_COST_POINT = 0.1
_QT = 512
_NQ = 4096
_NG = 1024
_CR = 32


def _cost_body(coords_ref, probs_ref, gtc_ref, lab_ref, maskf_ref, c_ref):
    px = coords_ref[0, :, 0:1]
    py = coords_ref[0, :, 1:2]
    gx = gtc_ref[0, 0:1, :]
    gy = gtc_ref[0, 1:2, :]
    dx = px - gx
    dy = py - gy
    dist = jnp.sqrt(dx * dx + dy * dy)

    probs = probs_ref[0, :, :]
    lab = lab_ref[0, :, :]
    b0 = (lab & 1) != 0
    b1 = (lab & 2) != 0
    b2 = lab >= 4
    p = [probs[:, c:c + 1] for c in range(6)]
    q01 = jnp.where(b0, p[1], p[0])
    q23 = jnp.where(b0, p[3], p[2])
    q45 = jnp.where(b0, p[5], p[4])
    gathered = jnp.where(b2, q45, jnp.where(b1, q23, q01))

    C = _COST_POINT * dist + (-gathered)
    c_ref[0, :, :] = jnp.where(maskf_ref[0, :, :] > 0, C, jnp.inf)


def _insert8(t, ix, v, qi):
    b0 = v < t[0]
    b1 = v < t[1]
    b2 = v < t[2]
    b3 = v < t[3]
    t3n = jnp.where(b3, jnp.where(b2, t[2], v), t[3])
    i3n = jnp.where(b3, jnp.where(b2, ix[2], qi), ix[3])
    t2n = jnp.where(b2, jnp.where(b1, t[1], v), t[2])
    i2n = jnp.where(b2, jnp.where(b1, ix[1], qi), ix[2])
    t1n = jnp.where(b1, jnp.where(b0, t[0], v), t[1])
    i1n = jnp.where(b1, jnp.where(b0, ix[0], qi), ix[1])
    t0n = jnp.where(b0, v, t[0])
    i0n = jnp.where(b0, qi, ix[0])
    return [t0n, t1n, t2n, t3n], [i0n, i1n, i2n, i3n]


def _sc_body(chbm, out_hbm, tv, ti, buf0, buf1, shv, shi, mbv, mbi,
             sem0, sem1):
    c = lax.axis_index("c")
    s = lax.axis_index("s")
    b = c * 4 + s // 4
    qslot = s % 4
    qbase = qslot * 1024
    zeros16 = jnp.zeros((16,), jnp.int32)
    inf16 = jnp.full((16,), jnp.inf, jnp.float32)

    def init_g(g, _):
        sl = pl.ds(g * 16, 16)
        for j in range(4):
            tv[j, sl] = inf16
            ti[j, sl] = zeros16 + (qbase + j)
        return 0
    lax.fori_loop(0, _NG // 16, init_g, 0)

    nch = 1024 // _CR
    pltpu.async_copy(chbm.at[b, pl.ds(qbase, _CR), :], buf0, sem0)
    pltpu.async_copy(chbm.at[b, pl.ds(qbase + _CR, _CR), :], buf1, sem1)

    def scan_chunk(buf, k):
        def g_body(g, _):
            sl = pl.ds(g * 16, 16)
            for r8 in range(_CR // 8):
                t3 = tv[3, sl]
                m = buf[r8 * 8, sl]
                for i in range(1, 8):
                    m = jnp.minimum(m, buf[r8 * 8 + i, sl])
                cnt = plsc.all_reduce_population_count(m < t3)
                anyhit = cnt[0]

                @pl.when(anyhit > 0)
                def _insert():
                    t = [tv[j, sl] for j in range(4)]
                    ix = [ti[j, sl] for j in range(4)]
                    for i in range(8):
                        v = buf[r8 * 8 + i, sl]
                        qi = zeros16 + (qbase + k * _CR + r8 * 8 + i)
                        t, ix = _insert8(t, ix, v, qi)
                    for j in range(4):
                        tv[j, sl] = t[j]
                        ti[j, sl] = ix[j]
            return 0
        lax.fori_loop(0, _NG // 16, g_body, 0)

    def outer(k2, _):
        for (buf, sem, off) in ((buf0, sem0, 0), (buf1, sem1, 1)):
            k = k2 * 2 + off
            pltpu.make_async_copy(
                chbm.at[b, pl.ds(qbase + k * _CR, _CR), :], buf, sem).wait()
            scan_chunk(buf, k)

            @pl.when(k + 2 < nch)
            def _prefetch():
                pltpu.async_copy(
                    chbm.at[b, pl.ds(qbase + (k + 2) * _CR, _CR), :], buf, sem)
        return 0
    lax.fori_loop(0, nch // 2, outer, 0)

    pltpu.sync_copy(tv, shv.at[s])
    pltpu.sync_copy(ti, shi.at[s])
    plsc.subcore_barrier()

    @pl.when(qslot == 0)
    def _merge():
        for w in range(1, 4):
            pltpu.sync_copy(shv.at[s + w], mbv)
            pltpu.sync_copy(shi.at[s + w], mbi)

            def mg(g, _):
                sl = pl.ds(g * 16, 16)
                t = [tv[j, sl] for j in range(4)]
                ix = [ti[j, sl] for j in range(4)]
                for j in range(4):
                    t, ix = _insert8(t, ix, mbv[j, sl], mbi[j, sl])
                for j in range(4):
                    tv[j, sl] = t[j]
                    ti[j, sl] = ix[j]
                return 0
            lax.fori_loop(0, _NG // 16, mg, 0)
        pltpu.sync_copy(ti, out_hbm.at[b])


@jax.jit
def kernel(pred_coords, pred_logits, gt_coords, gt_labels, gt_masks):
    bs, nq, _ = pred_coords.shape
    ng = gt_coords.shape[1]
    pred_probs = jax.nn.softmax(pred_logits, axis=-1)
    gtc_t = jnp.swapaxes(gt_coords, 1, 2)
    lab = gt_labels.astype(jnp.int32).reshape(bs, 1, ng)
    maskf = gt_masks.astype(jnp.float32).reshape(bs, 1, ng)

    cmat = pl.pallas_call(
        _cost_body,
        grid=(bs, nq // _QT),
        in_specs=[
            pl.BlockSpec((1, _QT, 2), lambda b, q: (b, q, 0)),
            pl.BlockSpec((1, _QT, 6), lambda b, q: (b, q, 0)),
            pl.BlockSpec((1, 2, ng), lambda b, q: (b, 0, 0)),
            pl.BlockSpec((1, 1, ng), lambda b, q: (b, 0, 0)),
            pl.BlockSpec((1, 1, ng), lambda b, q: (b, 0, 0)),
        ],
        out_specs=pl.BlockSpec((1, _QT, ng), lambda b, q: (b, q, 0)),
        out_shape=jax.ShapeDtypeStruct((bs, nq, ng), jnp.float32),
        compiler_params=pltpu.CompilerParams(
            dimension_semantics=("parallel", "arbitrary")),
    )(pred_coords, pred_probs, gtc_t, lab, maskf)

    sc_fn = pl.kernel(
        _sc_body,
        out_type=jax.ShapeDtypeStruct((bs, 4, ng), jnp.int32),
        mesh=plsc.VectorSubcoreMesh(core_axis_name="c", subcore_axis_name="s",
                                    num_cores=2, num_subcores=16),
        compiler_params=pltpu.CompilerParams(needs_layout_passes=False),
        scratch_types=[
            pltpu.VMEM((4, ng), jnp.float32),
            pltpu.VMEM((4, ng), jnp.int32),
            pltpu.VMEM((_CR, ng), jnp.float32),
            pltpu.VMEM((_CR, ng), jnp.float32),
            pltpu.VMEM_SHARED((16, 4, ng), jnp.float32),
            pltpu.VMEM_SHARED((16, 4, ng), jnp.int32),
            pltpu.VMEM((4, ng), jnp.float32),
            pltpu.VMEM((4, ng), jnp.int32),
            pltpu.SemaphoreType.DMA,
            pltpu.SemaphoreType.DMA,
        ],
    )
    return sc_fn(cmat)

# --- scband reference (transcript-rebuilt; emitter-appended) ---
"""Pipeline reference for scband-matcher-87170656239838 (READ-ONLY COPY).

The authoritative reference and input builder live on the scoring server;
editing this copy changes nothing except your own understanding.
"""

import jax, jax.numpy as jnp
import numpy as np

COST_POINT = 0.1
COST_CLASS = 1.0
TOP_K = 4


def setup_inputs(seed: int = 0) -> dict:
    key = jax.random.key(seed)
    k1, k2, k3, k4, k5 = jax.random.split(key, 5)
    pred_coords = jax.random.uniform(k1, (8, 4096, 2), dtype=jnp.float32)
    pred_logits = jax.random.normal(k2, (8, 4096, 6), dtype=jnp.float32)
    gt_coords = jax.random.uniform(k3, (8, 1024, 2), dtype=jnp.float32)
    gt_labels = jax.random.randint(k4, (8, 1024), 0, 6)
    gt_masks = jax.random.randint(k5, (8, 1024), 0, 2).astype(bool)
    return {
        "pred_coords": pred_coords,
        "pred_logits": pred_logits,
        "gt_coords": gt_coords,
        "gt_labels": gt_labels,
        "gt_masks": gt_masks,
    }


def reference(pred_coords, pred_logits, gt_coords, gt_labels, gt_masks):
    bs, n_queries = pred_coords.shape[:2]
    n_gt = gt_coords.shape[1]
    # softmax over class dim
    pred_probs = jax.nn.softmax(pred_logits, axis=-1)
    # cdist p=2: [bs, nq, ngt]
    diff = pred_coords[:, :, None, :] - gt_coords[:, None, :, :]
    cost_point = jnp.sqrt(jnp.sum(diff * diff, axis=-1))
    # gather class prob of each gt label for every query
    labels_exp = jnp.broadcast_to(gt_labels[:, None, :], (bs, n_queries, n_gt))
    cost_class = -jnp.take_along_axis(pred_probs, labels_exp, axis=2)
    C = COST_POINT * cost_point + COST_CLASS * cost_class
    # masked_fill(~mask, inf)
    C = jnp.where(gt_masks[:, None, :], C, jnp.inf)
    # topk smallest along query dim (dim=-2)
    neg_t = jnp.swapaxes(-C, 1, 2)  # [bs, ngt, nq]
    _, idx = jax.lax.top_k(neg_t, TOP_K)  # smallest-C indices, [bs, ngt, k]
    topk_idx = jnp.swapaxes(idx, 1, 2)  # [bs, k, ngt]
    return topk_idx

if __name__ == "__main__":
    import jax
    _d = setup_inputs()
    print(jax.jit(kernel)(*tuple(_d.values())))

</pallas_src>

<mosaic_0001>
#map = affine_map<(d0, d1) -> (0, 0, 0)>
module attributes {stable_mosaic.version = 14 : i64} {
  func.func @_sc_body(%arg0: i32, %arg1: i32, %arg2: memref<8x4096x1024xf32, #tpu.memory_space<hbm>>, %arg3: memref<8x4x1024xi32, #tpu.memory_space<hbm>>, %arg4: memref<4x1024xf32, #tpu.memory_space<vmem>>, %arg5: memref<4x1024xi32, #tpu.memory_space<vmem>>, %arg6: memref<32x1024xf32, #tpu.memory_space<vmem>>, %arg7: memref<32x1024xf32, #tpu.memory_space<vmem>>, %arg8: memref<16x4x1024xf32, #tpu.memory_space<vmem_shared>>, %arg9: memref<16x4x1024xi32, #tpu.memory_space<vmem_shared>>, %arg10: memref<4x1024xf32, #tpu.memory_space<vmem>>, %arg11: memref<4x1024xi32, #tpu.memory_space<vmem>>, %arg12: memref<!tpu.dma_semaphore, #tpu.memory_space<semaphore_mem>>, %arg13: memref<!tpu.dma_semaphore, #tpu.memory_space<semaphore_mem>>) attributes {dimension_semantics = [#tpu.dimension_semantics<core_parallel>, #tpu.dimension_semantics<subcore_parallel>], iteration_bounds = array<i64: 2, 16>, scalar_prefetch = 0 : i64, scratch_operands = 10 : i64, tpu.core_type = #tpu.core_type<sc_vector_subcore>, window_params = [{transform_indices = #map}, {transform_indices = #map}]} {
    %mul3A = arith.constant 4 : i32
    %mul3A_0 = arith.muli %arg0, %mul3A : i32
    %jit3A = arith.constant 4 : i32
    %div3A = arith.divsi %arg1, %jit3A : i32
    %sign3A = arith.constant 0 : i32
    %sign3A_1 = arith.cmpi sgt, %arg1, %sign3A : i32
    %sign3A_2 = arith.extui %sign3A_1 : i1 to i32
    %sign3A_3 = arith.constant 0 : i32
    %sign3A_4 = arith.cmpi slt, %arg1, %sign3A_3 : i32
    %sign3A_5 = arith.extui %sign3A_4 : i1 to i32
    %sign3A_6 = arith.subi %sign3A_2, %sign3A_5 : i32
    %sign3A_7 = arith.constant 0 : i32
    %sign3A_8 = arith.cmpi sgt, %jit3A, %sign3A_7 : i32
    %sign3A_9 = arith.extui %sign3A_8 : i1 to i32
    %sign3A_10 = arith.constant 0 : i32
    %sign3A_11 = arith.cmpi slt, %jit3A, %sign3A_10 : i32
    %sign3A_12 = arith.extui %sign3A_11 : i1 to i32
    %sign3A_13 = arith.subi %sign3A_9, %sign3A_12 : i32
    %ne3A = arith.cmpi ne, %sign3A_6, %sign3A_13 : i32
    %rem3A = arith.remsi %arg1, %jit3A : i32
    %ne3A_14 = arith.constant 0 : i32
    %ne3A_15 = arith.cmpi ne, %rem3A, %ne3A_14 : i32
    %and3A = arith.andi %ne3A, %ne3A_15 : i1
    %sub3A = arith.constant 1 : i32
    %sub3A_16 = arith.subi %div3A, %sub3A : i32
    %select_n3A = arith.select %and3A, %sub3A_16, %div3A : i32
    %add3A = arith.addi %mul3A_0, %select_n3A : i32
    %jit3A_17 = arith.constant 4 : i32
    %eq3A = arith.constant 0 : i32
    %eq3A_18 = arith.cmpi eq, %jit3A_17, %eq3A : i32
    %jit3A_19 = arith.constant 1 : i32
    %select_n3A_20 = arith.select %eq3A_18, %jit3A_19, %jit3A_17 : i32
    %rem3A_21 = arith.remsi %arg1, %select_n3A_20 : i32
    %ne3A_22 = arith.constant 0 : i32
    %ne3A_23 = arith.cmpi ne, %rem3A_21, %ne3A_22 : i32
    %lt3A = arith.constant 0 : i32
    %lt3A_24 = arith.cmpi slt, %rem3A_21, %lt3A : i32
    %lt3A_25 = arith.constant 0 : i32
    %lt3A_26 = arith.cmpi slt, %select_n3A_20, %lt3A_25 : i32
    %ne3A_27 = arith.xori %lt3A_24, %lt3A_26 : i1
    %and3A_28 = arith.andi %ne3A_27, %ne3A_23 : i1
    %add3A_29 = arith.addi %rem3A_21, %select_n3A_20 : i32
    %select_n3A_30 = arith.select %and3A_28, %add3A_29, %rem3A_21 : i32
    %mul3A_31 = arith.constant 1024 : i32
    %mul3A_32 = arith.muli %select_n3A_30, %mul3A_31 : i32
    %broadcast_in_dim3A = arith.constant 0 : i32
    %broadcast_in_dim3A_33 = vector.broadcast %broadcast_in_dim3A : i32 to vector<16xi32>
    %broadcast_in_dim3A_34 = arith.constant 0x7F800000 : f32
    %broadcast_in_dim3A_35 = vector.broadcast %broadcast_in_dim3A_34 : f32 to vector<16xf32>
    %scan3A = arith.constant 0 : i32
    %scan3A_36 = arith.constant 0 : i32
    %scan3A_37 = arith.constant 64 : i32
    %scan3A_38 = arith.addi %scan3A_36, %scan3A_37 : i32
    %scan3A_39 = arith.constant 1 : i32
    %scan3A_40 = scf.for %scan3A_65 = %scan3A_36 to %scan3A_38 step %scan3A_39 iter_args(%scan3A_66 = %scan3A) -> (i32)  : i32 {
      %mul3A_67 = arith.constant 16 : i32
      %mul3A_68 = arith.muli %scan3A_65, %mul3A_67 : i32
      %swap3A = arith.constant 0 : i32
      %swap3A_69 = arith.index_cast %swap3A : i32 to index
      %swap3A_70 = arith.index_cast %mul3A_68 : i32 to index
      %swap3A_71 = tpu.vector_load %arg4[%swap3A_69, %swap3A_70] {strides = array<i32>} : memref<4x1024xf32, #tpu.memory_space<vmem>>, vector<16xf32>,
      tpu.vector_store %arg4[%swap3A_69, %swap3A_70], %broadcast_in_dim3A_35 {strides = array<i32>} : memref<4x1024xf32, #tpu.memory_space<vmem>>, vector<16xf32>,
      %add3A_72 = arith.constant 0 : i32
      %add3A_73 = arith.addi %mul3A_32, %add3A_72 : i32
      %add3A_74 = vector.broadcast %add3A_73 : i32 to vector<16xi32>
      %add3A_75 = arith.addi %broadcast_in_dim3A_33, %add3A_74 : vector<16xi32>
      %swap3A_76 = arith.constant 0 : i32
      %swap3A_77 = arith.index_cast %swap3A_76 : i32 to index
      %swap3A_78 = arith.index_cast %mul3A_68 : i32 to index
      %swap3A_79 = tpu.vector_load %arg5[%swap3A_77, %swap3A_78] {strides = array<i32>} : memref<4x1024xi32, #tpu.memory_space<vmem>>, vector<16xi32>,
      tpu.vector_store %arg5[%swap3A_77, %swap3A_78], %add3A_75 {strides = array<i32>} : memref<4x1024xi32, #tpu.memory_space<vmem>>, vector<16xi32>,
      %swap3A_80 = arith.constant 1 : i32
      %swap3A_81 = arith.index_cast %swap3A_80 : i32 to index
      %swap3A_82 = arith.index_cast %mul3A_68 : i32 to index
      %swap3A_83 = tpu.vector_load %arg4[%swap3A_81, %swap3A_82] {strides = array<i32>} : memref<4x1024xf32, #tpu.memory_space<vmem>>, vector<16xf32>,
      tpu.vector_store %arg4[%swap3A_81, %swap3A_82], %broadcast_in_dim3A_35 {strides = array<i32>} : memref<4x1024xf32, #tpu.memory_space<vmem>>, vector<16xf32>,
      %add3A_84 = arith.constant 1 : i32
      %add3A_85 = arith.addi %mul3A_32, %add3A_84 : i32
      %add3A_86 = vector.broadcast %add3A_85 : i32 to vector<16xi32>
      %add3A_87 = arith.addi %broadcast_in_dim3A_33, %add3A_86 : vector<16xi32>
      %swap3A_88 = arith.constant 1 : i32
      %swap3A_89 = arith.index_cast %swap3A_88 : i32 to index
      %swap3A_90 = arith.index_cast %mul3A_68 : i32 to index
      %swap3A_91 = tpu.vector_load %arg5[%swap3A_89, %swap3A_90] {strides = array<i32>} : memref<4x1024xi32, #tpu.memory_space<vmem>>, vector<16xi32>,
      tpu.vector_store %arg5[%swap3A_89, %swap3A_90], %add3A_87 {strides = array<i32>} : memref<4x1024xi32, #tpu.memory_space<vmem>>, vector<16xi32>,
      %swap3A_92 = arith.constant 2 : i32
      %swap3A_93 = arith.index_cast %swap3A_92 : i32 to index
      %swap3A_94 = arith.index_cast %mul3A_68 : i32 to index
      %swap3A_95 = tpu.vector_load %arg4[%swap3A_93, %swap3A_94] {strides = array<i32>} : memref<4x1024xf32, #tpu.memory_space<vmem>>, vector<16xf32>,
      tpu.vector_store %arg4[%swap3A_93, %swap3A_94], %broadcast_in_dim3A_35 {strides = array<i32>} : memref<4x1024xf32, #tpu.memory_space<vmem>>, vector<16xf32>,
      %add3A_96 = arith.constant 2 : i32
      %add3A_97 = arith.addi %mul3A_32, %add3A_96 : i32
      %add3A_98 = vector.broadcast %add3A_97 : i32 to vector<16xi32>
      %add3A_99 = arith.addi %broadcast_in_dim3A_33, %add3A_98 : vector<16xi32>
      %swap3A_100 = arith.constant 2 : i32
      %swap3A_101 = arith.index_cast %swap3A_100 : i32 to index
      %swap3A_102 = arith.index_cast %mul3A_68 : i32 to index
      %swap3A_103 = tpu.vector_load %arg5[%swap3A_101, %swap3A_102] {strides = array<i32>} : memref<4x1024xi32, #tpu.memory_space<vmem>>, vector<16xi32>,
      tpu.vector_store %arg5[%swap3A_101, %swap3A_102], %add3A_99 {strides = array<i32>} : memref<4x1024xi32, #tpu.memory_space<vmem>>, vector<16xi32>,
      %swap3A_104 = arith.constant 3 : i32
      %swap3A_105 = arith.index_cast %swap3A_104 : i32 to index
      %swap3A_106 = arith.index_cast %mul3A_68 : i32 to index
      %swap3A_107 = tpu.vector_load %arg4[%swap3A_105, %swap3A_106] {strides = array<i32>} : memref<4x1024xf32, #tpu.memory_space<vmem>>, vector<16xf32>,
      tpu.vector_store %arg4[%swap3A_105, %swap3A_106], %broadcast_in_dim3A_35 {strides = array<i32>} : memref<4x1024xf32, #tpu.memory_space<vmem>>, vector<16xf32>,
      %add3A_108 = arith.constant 3 : i32
      %add3A_109 = arith.addi %mul3A_32, %add3A_108 : i32
      %add3A_110 = vector.broadcast %add3A_109 : i32 to vector<16xi32>
      %add3A_111 = arith.addi %broadcast_in_dim3A_33, %add3A_110 : vector<16xi32>
      %swap3A_112 = arith.constant 3 : i32
      %swap3A_113 = arith.index_cast %swap3A_112 : i32 to index
      %swap3A_114 = arith.index_cast %mul3A_68 : i32 to index
      %swap3A_115 = tpu.vector_load %arg5[%swap3A_113, %swap3A_114] {strides = array<i32>} : memref<4x1024xi32, #tpu.memory_space<vmem>>, vector<16xi32>,
      tpu.vector_store %arg5[%swap3A_113, %swap3A_114], %add3A_111 {strides = array<i32>} : memref<4x1024xi32, #tpu.memory_space<vmem>>, vector<16xi32>,
      %scan3A_116 = arith.constant 0 : i32
      scf.yield %scan3A_116 : i32
    }
    %scan3A_41 = arith.constant 64 : i32
    %dma_start3A = arith.constant 0 : i32
    %dma_start3A_42 = tpu.memref_slice %arg2[%add3A, %mul3A_32, %dma_start3A] : memref<8x4096x1024xf32, #tpu.memory_space<hbm>> -> memref<1x32x1024xf32, #tpu.memory_space<hbm>>
    %dma_start3A_43 = tpu.memref_squeeze %dma_start3A_42 : memref<1x32x1024xf32, #tpu.memory_space<hbm>> -> memref<32x1024xf32, #tpu.memory_space<hbm>>
    %dma_start3A_44 = arith.constant 0 : i32
    %dma_start3A_45 = tpu.memref_slice %arg2[%add3A, %mul3A_32, %dma_start3A_44] : memref<8x4096x1024xf32, #tpu.memory_space<hbm>> -> memref<1x32x1024xf32, #tpu.memory_space<hbm>>
    %dma_start3A_46 = tpu.memref_squeeze %dma_start3A_45 : memref<1x32x1024xf32, #tpu.memory_space<hbm>> -> memref<32x1024xf32, #tpu.memory_space<hbm>>
    tpu.enqueue_dma source(%dma_start3A_46 : memref<32x1024xf32, #tpu.memory_space<hbm>>) target(%arg6 : memref<32x1024xf32, #tpu.memory_space<vmem>>) target_semaphore(%arg12 : memref<!tpu.dma_semaphore, #tpu.memory_space<semaphore_mem>>)
    %add3A_47 = arith.constant 32 : i32
    %add3A_48 = arith.addi %mul3A_32, %add3A_47 : i32
    %dma_start3A_49 = arith.constant 0 : i32
    %dma_start3A_50 = tpu.memref_slice %arg2[%add3A, %add3A_48, %dma_start3A_49] : memref<8x4096x1024xf32, #tpu.memory_space<hbm>> -> memref<1x32x1024xf32, #tpu.memory_space<hbm>>
    %dma_start3A_51 = tpu.memref_squeeze %dma_start3A_50 : memref<1x32x1024xf32, #tpu.memory_space<hbm>> -> memref<32x1024xf32, #tpu.memory_space<hbm>>
    %dma_start3A_52 = arith.constant 0 : i32
    %dma_start3A_53 = tpu.memref_slice %arg2[%add3A, %add3A_48, %dma_start3A_52] : memref<8x4096x1024xf32, #tpu.memory_space<hbm>> -> memref<1x32x1024xf32, #tpu.memory_space<hbm>>
    %dma_start3A_54 = tpu.memref_squeeze %dma_start3A_53 : memref<1x32x1024xf32, #tpu.memory_space<hbm>> -> memref<32x1024xf32, #tpu.memory_space<hbm>>
    tpu.enqueue_dma source(%dma_start3A_54 : memref<32x1024xf32, #tpu.memory_space<hbm>>) target(%arg7 : memref<32x1024xf32, #tpu.memory_space<vmem>>) target_semaphore(%arg13 : memref<!tpu.dma_semaphore, #tpu.memory_space<semaphore_mem>>)
    %scan3A_55 = arith.constant 0 : i32
    %scan3A_56 = arith.constant 0 : i32
    %scan3A_57 = arith.constant 16 : i32
    %scan3A_58 = arith.addi %scan3A_56, %scan3A_57 : i32
    %scan3A_59 = arith.constant 1 : i32
    %scan3A_60 = scf.for %scan3A_65 = %scan3A_56 to %scan3A_58 step %scan3A_59 iter_args(%scan3A_66 = %scan3A_55) -> (i32)  : i32 {
      %mul3A_67 = arith.constant 2 : i32
      %mul3A_68 = arith.muli %scan3A_65, %mul3A_67 : i32
      %add3A_69 = arith.constant 0 : i32
      %add3A_70 = arith.addi %mul3A_68, %add3A_69 : i32
      %mul3A_71 = arith.constant 32 : i32
      %mul3A_72 = arith.muli %add3A_70, %mul3A_71 : i32
      %add3A_73 = arith.addi %mul3A_32, %mul3A_72 : i32
      %dma_wait3A = arith.constant 0 : i32
      %dma_wait3A_74 = tpu.memref_slice %arg2[%add3A, %add3A_73, %dma_wait3A] : memref<8x4096x1024xf32, #tpu.memory_space<hbm>> -> memref<1x32x1024xf32, #tpu.memory_space<hbm>>
      %dma_wait3A_75 = tpu.memref_squeeze %dma_wait3A_74 : memref<1x32x1024xf32, #tpu.memory_space<hbm>> -> memref<32x1024xf32, #tpu.memory_space<hbm>>
      %dma_wait3A_76 = arith.constant 0 : i32
      %dma_wait3A_77 = tpu.memref_slice %arg2[%add3A, %add3A_73, %dma_wait3A_76] : memref<8x4096x1024xf32, #tpu.memory_space<hbm>> -> memref<1x32x1024xf32, #tpu.memory_space<hbm>>
      %dma_wait3A_78 = tpu.memref_squeeze %dma_wait3A_77 : memref<1x32x1024xf32, #tpu.memory_space<hbm>> -> memref<32x1024xf32, #tpu.memory_space<hbm>>
      tpu.wait_dma2 semaphore(%arg12 : memref<!tpu.dma_semaphore, #tpu.memory_space<semaphore_mem>>) src(%dma_wait3A_78 : memref<32x1024xf32, #tpu.memory_space<hbm>>) dst(%arg6 : memref<32x1024xf32, #tpu.memory_space<vmem>>)
      %scan3A_79 = arith.constant 0 : i32
      %scan3A_80 = arith.constant 0 : i32
      %scan3A_81 = arith.constant 64 : i32
      %scan3A_82 = arith.addi %scan3A_80, %scan3A_81 : i32
      %scan3A_83 = arith.constant 1 : i32
      %scan3A_84 = scf.for %scan3A_121 = %scan3A_80 to %scan3A_82 step %scan3A_83 iter_args(%scan3A_122 = %scan3A_79) -> (i32)  : i32 {
        %mul3A_123 = arith.constant 16 : i32
        %mul3A_124 = arith.muli %scan3A_121, %mul3A_123 : i32
        %get3A = arith.constant 3 : i32
        %get3A_125 = arith.index_cast %get3A : i32 to index
        %get3A_126 = arith.index_cast %mul3A_124 : i32 to index
        %get3A_127 = tpu.vector_load %arg4[%get3A_125, %get3A_126] {strides = array<i32>} : memref<4x1024xf32, #tpu.memory_space<vmem>>, vector<16xf32>,
        %get3A_128 = arith.constant 0 : i32
        %get3A_129 = arith.index_cast %get3A_128 : i32 to index
        %get3A_130 = arith.index_cast %mul3A_124 : i32 to index
        %get3A_131 = tpu.vector_load %arg6[%get3A_129, %get3A_130] {strides = array<i32>} : memref<32x1024xf32, #tpu.memory_space<vmem>>, vector<16xf32>,
        %get3A_132 = arith.constant 1 : i32
        %get3A_133 = arith.index_cast %get3A_132 : i32 to index
        %get3A_134 = arith.index_cast %mul3A_124 : i32 to index
        %get3A_135 = tpu.vector_load %arg6[%get3A_133, %get3A_134] {strides = array<i32>} : memref<32x1024xf32, #tpu.memory_space<vmem>>, vector<16xf32>,
        %min3A = arith.minimumf %get3A_131, %get3A_135 : vector<16xf32>
        %get3A_136 = arith.constant 2 : i32
        %get3A_137 = arith.index_cast %get3A_136 : i32 to index
        %get3A_138 = arith.index_cast %mul3A_124 : i32 to index
        %get3A_139 = tpu.vector_load %arg6[%get3A_137, %get3A_138] {strides = array<i32>} : memref<32x1024xf32, #tpu.memory_space<vmem>>, vector<16xf32>,
        %min3A_140 = arith.minimumf %min3A, %get3A_139 : vector<16xf32>
        %get3A_141 = arith.constant 3 : i32
        %get3A_142 = arith.index_cast %get3A_141 : i32 to index
        %get3A_143 = arith.index_cast %mul3A_124 : i32 to index
        %get3A_144 = tpu.vector_load %arg6[%get3A_142, %get3A_143] {strides = array<i32>} : memref<32x1024xf32, #tpu.memory_space<vmem>>, vector<16xf32>,
        %min3A_145 = arith.minimumf %min3A_140, %get3A_144 : vector<16xf32>
        %get3A_146 = arith.constant 4 : i32
        %get3A_147 = arith.index_cast %get3A_146 : i32 to index
        %get3A_148 = arith.index_cast %mul3A_124 : i32 to index
        %get3A_149 = tpu.vector_load %arg6[%get3A_147, %get3A_148] {strides = array<i32>} : memref<32x1024xf32, #tpu.memory_space<vmem>>, vector<16xf32>,
        %min3A_150 = arith.minimumf %min3A_145, %get3A_149 : vector<16xf32>
        %get3A_151 = arith.constant 5 : i32
        %get3A_152 = arith.index_cast %get3A_151 : i32 to index
        %get3A_153 = arith.index_cast %mul3A_124 : i32 to index
        %get3A_154 = tpu.vector_load %arg6[%get3A_152, %get3A_153] {strides = array<i32>} : memref<32x1024xf32, #tpu.memory_space<vmem>>, vector<16xf32>,
        %min3A_155 = arith.minimumf %min3A_150, %get3A_154 : vector<16xf32>
        %get3A_156 = arith.constant 6 : i32
        %get3A_157 = arith.index_cast %get3A_156 : i32 to index
        %get3A_158 = arith.index_cast %mul3A_124 : i32 to index
        %get3A_159 = tpu.vector_load %arg6[%get3A_157, %get3A_158] {strides = array<i32>} : memref<32x1024xf32, #tpu.memory_space<vmem>>, vector<16xf32>,
        %min3A_160 = arith.minimumf %min3A_155, %get3A_159 : vector<16xf32>
        %get3A_161 = arith.constant 7 : i32
        %get3A_162 = arith.index_cast %get3A_161 : i32 to index
        %get3A_163 = arith.index_cast %mul3A_124 : i32 to index
        %get3A_164 = tpu.vector_load %arg6[%get3A_162, %get3A_163] {strides = array<i32>} : memref<32x1024xf32, #tpu.memory_space<vmem>>, vector<16xf32>,
        %min3A_165 = arith.minimumf %min3A_160, %get3A_164 : vector<16xf32>
        %lt3A_166 = arith.cmpf olt, %min3A_165, %get3A_127 : vector<16xf32>
        %all_reduce_population_count3A = tpu.all_reduce %lt3A_166 {dim = 0 : i64, kind = #tpu.reduction_kind<sum>} : vector<16xi1> -> vector<16xi32>
        %slice3A = vector.extract_strided_slice %all_reduce_population_count3A {offsets = [0], sizes = [1], strides = [1]} : vector<16xi32> to vector<1xi32>
        %squeeze3A = vector.extract %slice3A[0] : i32 from vector<1xi32>
        %gt3A = arith.constant 0 : i32
        %gt3A_167 = arith.cmpi sgt, %squeeze3A, %gt3A : i32
        %convert_element_type3A_168 = arith.extui %gt3A_167 : i1 to i32
        %cond3A_169 = arith.constant 0 : i32
        %cond3A_170 = arith.cmpi ne, %convert_element_type3A_168, %cond3A_169 : i32
        scf.if %cond3A_170 {
          %get3A_328 = arith.constant 0 : i32
          %get3A_329 = arith.index_cast %get3A_328 : i32 to index
          %get3A_330 = arith.index_cast %mul3A_124 : i32 to index
          %get3A_331 = tpu.vector_load %arg4[%get3A_329, %get3A_330] {strides = array<i32>} : memref<4x1024xf32, #tpu.memory_space<vmem>>, vector<16xf32>,
          %get3A_332 = arith.constant 1 : i32
          %get3A_333 = arith.index_cast %get3A_332 : i32 to index
          %get3A_334 = arith.index_cast %mul3A_124 : i32 to index
          %get3A_335 = tpu.vector_load %arg4[%get3A_333, %get3A_334] {strides = array<i32>} : memref<4x1024xf32, #tpu.memory_space<vmem>>, vector<16xf32>,
          %get3A_336 = arith.constant 2 : i32
          %get3A_337 = arith.index_cast %get3A_336 : i32 to index
          %get3A_338 = arith.index_cast %mul3A_124 : i32 to index
          %get3A_339 = tpu.vector_load %arg4[%get3A_337, %get3A_338] {strides = array<i32>} : memref<4x1024xf32, #tpu.memory_space<vmem>>, vector<16xf32>,
          %get3A_340 = arith.constant 3 : i32
          %get3A_341 = arith.index_cast %get3A_340 : i32 to index
          %get3A_342 = arith.index_cast %mul3A_124 : i32 to index
          %get3A_343 = tpu.vector_load %arg4[%get3A_341, %get3A_342] {strides = array<i32>} : memref<4x1024xf32, #tpu.memory_space<vmem>>, vector<16xf32>,
          %get3A_344 = arith.constant 0 : i32
          %get3A_345 = arith.index_cast %get3A_344 : i32 to index
          %get3A_346 = arith.index_cast %mul3A_124 : i32 to index
          %get3A_347 = tpu.vector_load %arg5[%get3A_345, %get3A_346] {strides = array<i32>} : memref<4x1024xi32, #tpu.memory_space<vmem>>, vector<16xi32>,
          %get3A_348 = arith.constant 1 : i32
          %get3A_349 = arith.index_cast %get3A_348 : i32 to index
          %get3A_350 = arith.index_cast %mul3A_124 : i32 to index
          %get3A_351 = tpu.vector_load %arg5[%get3A_349, %get3A_350] {strides = array<i32>} : memref<4x1024xi32, #tpu.memory_space<vmem>>, vector<16xi32>,
          %get3A_352 = arith.constant 2 : i32
          %get3A_353 = arith.index_cast %get3A_352 : i32 to index
          %get3A_354 = arith.index_cast %mul3A_124 : i32 to index
          %get3A_355 = tpu.vector_load %arg5[%get3A_353, %get3A_354] {strides = array<i32>} : memref<4x1024xi32, #tpu.memory_space<vmem>>, vector<16xi32>,
          %get3A_356 = arith.constant 3 : i32
          %get3A_357 = arith.index_cast %get3A_356 : i32 to index
          %get3A_358 = arith.index_cast %mul3A_124 : i32 to index
          %get3A_359 = tpu.vector_load %arg5[%get3A_357, %get3A_358] {strides = array<i32>} : memref<4x1024xi32, #tpu.memory_space<vmem>>, vector<16xi32>,
          %get3A_360 = arith.constant 0 : i32
          %get3A_361 = arith.index_cast %get3A_360 : i32 to index
          %get3A_362 = arith.index_cast %mul3A_124 : i32 to index
          %get3A_363 = tpu.vector_load %arg6[%get3A_361, %get3A_362] {strides = array<i32>} : memref<32x1024xf32, #tpu.memory_space<vmem>>, vector<16xf32>,
          %mul3A_364 = arith.constant 32 : i32
          %mul3A_365 = arith.muli %add3A_70, %mul3A_364 : i32
          %add3A_366 = arith.addi %mul3A_32, %mul3A_365 : i32
          %add3A_367 = arith.constant 0 : i32
          %add3A_368 = arith.addi %add3A_366, %add3A_367 : i32
          %add3A_369 = arith.constant 0 : i32
          %add3A_370 = arith.addi %add3A_368, %add3A_369 : i32
          %add3A_371 = vector.broadcast %add3A_370 : i32 to vector<16xi32>
          %add3A_372 = arith.addi %broadcast_in_dim3A_33, %add3A_371 : vector<16xi32>
          %lt3A_373 = arith.cmpf olt, %get3A_363, %get3A_331 : vector<16xf32>
          %lt3A_374 = arith.cmpf olt, %get3A_363, %get3A_335 : vector<16xf32>
          %lt3A_375 = arith.cmpf olt, %get3A_363, %get3A_339 : vector<16xf32>
          %lt3A_376 = arith.cmpf olt, %get3A_363, %get3A_343 : vector<16xf32>
          %select_n3A_377 = arith.select %lt3A_375, %get3A_339, %get3A_363 : vector<16xi1>, vector<16xf32>
          %select_n3A_378 = arith.select %lt3A_376, %select_n3A_377, %get3A_343 : vector<16xi1>, vector<16xf32>
          %select_n3A_379 = arith.select %lt3A_375, %get3A_355, %add3A_372 : vector<16xi1>, vector<16xi32>
          %select_n3A_380 = arith.select %lt3A_376, %select_n3A_379, %get3A_359 : vector<16xi1>, vector<16xi32>
          %select_n3A_381 = arith.select %lt3A_374, %get3A_335, %get3A_363 : vector<16xi1>, vector<16xf32>
          %select_n3A_382 = arith.select %lt3A_375, %select_n3A_381, %get3A_339 : vector<16xi1>, vector<16xf32>
          %select_n3A_383 = arith.select %lt3A_374, %get3A_351, %add3A_372 : vector<16xi1>, vector<16xi32>
          %select_n3A_384 = arith.select %lt3A_375, %select_n3A_383, %get3A_355 : vector<16xi1>, vector<16xi32>
          %select_n3A_385 = arith.select %lt3A_373, %get3A_331, %get3A_363 : vector<16xi1>, vector<16xf32>
          %select_n3A_386 = arith.select %lt3A_374, %select_n3A_385, %get3A_335 : vector<16xi1>, vector<16xf32>
          %select_n3A_387 = arith.select %lt3A_373, %get3A_347, %add3A_372 : vector<16xi1>, vector<16xi32>
          %select_n3A_388 = arith.select %lt3A_374, %select_n3A_387, %get3A_351 : vector<16xi1>, vector<16xi32>
          %select_n3A_389 = arith.select %lt3A_373, %get3A_363, %get3A_331 : vector<16xi1>, vector<16xf32>
          %select_n3A_390 = arith.select %lt3A_373, %add3A_372, %get3A_347 : vector<16xi1>, vector<16xi32>
          %get3A_391 = arith.constant 1 : i32
          %get3A_392 = arith.index_cast %get3A_391 : i32 to index
          %get3A_393 = arith.index_cast %mul3A_124 : i32 to index
          %get3A_394 = tpu.vector_load %arg6[%get3A_392, %get3A_393] {strides = array<i32>} : memref<32x1024xf32, #tpu.memory_space<vmem>>, vector<16xf32>,
          %mul3A_395 = arith.constant 32 : i32
          %mul3A_396 = arith.muli %add3A_70, %mul3A_395 : i32
          %add3A_397 = arith.addi %mul3A_32, %mul3A_396 : i32
          %add3A_398 = arith.constant 0 : i32
          %add3A_399 = arith.addi %add3A_397, %add3A_398 : i32
          %add3A_400 = arith.constant 1 : i32
          %add3A_401 = arith.addi %add3A_399, %add3A_400 : i32
          %add3A_402 = vector.broadcast %add3A_401 : i32 to vector<16xi32>
          %add3A_403 = arith.addi %broadcast_in_dim3A_33, %add3A_402 : vector<16xi32>
          %lt3A_404 = arith.cmpf olt, %get3A_394, %select_n3A_389 : vector<16xf32>
          %lt3A_405 = arith.cmpf olt, %get3A_394, %select_n3A_386 : vector<16xf32>
          %lt3A_406 = arith.cmpf olt, %get3A_394, %select_n3A_382 : vector<16xf32>
          %lt3A_407 = arith.cmpf olt, %get3A_394, %select_n3A_378 : vector<16xf32>
          %select_n3A_408 = arith.select %lt3A_406, %select_n3A_382, %get3A_394 : vector<16xi1>, vector<16xf32>
          %select_n3A_409 = arith.select %lt3A_407, %select_n3A_408, %select_n3A_378 : vector<16xi1>, vector<16xf32>
          %select_n3A_410 = arith.select %lt3A_406, %select_n3A_384, %add3A_403 : vector<16xi1>, vector<16xi32>
          %select_n3A_411 = arith.select %lt3A_407, %select_n3A_410, %select_n3A_380 : vector<16xi1>, vector<16xi32>
          %select_n3A_412 = arith.select %lt3A_405, %select_n3A_386, %get3A_394 : vector<16xi1>, vector<16xf32>
          %select_n3A_413 = arith.select %lt3A_406, %select_n3A_412, %select_n3A_382 : vector<16xi1>, vector<16xf32>
          %select_n3A_414 = arith.select %lt3A_405, %select_n3A_388, %add3A_403 : vector<16xi1>, vector<16xi32>
          %select_n3A_415 = arith.select %lt3A_406, %select_n3A_414, %select_n3A_384 : vector<16xi1>, vector<16xi32>
          %select_n3A_416 = arith.select %lt3A_404, %select_n3A_389, %get3A_394 : vector<16xi1>, vector<16xf32>
          %select_n3A_417 = arith.select %lt3A_405, %select_n3A_416, %select_n3A_386 : vector<16xi1>, vector<16xf32>
          %select_n3A_418 = arith.select %lt3A_404, %select_n3A_390, %add3A_403 : vector<16xi1>, vector<16xi32>
          %select_n3A_419 = arith.select %lt3A_405, %select_n3A_418, %select_n3A_388 : vector<16xi1>, vector<16xi32>
          %select_n3A_420 = arith.select %lt3A_404, %get3A_394, %select_n3A_389 : vector<16xi1>, vector<16xf32>
          %select_n3A_421 = arith.select %lt3A_404, %add3A_403, %select_n3A_390 : vector<16xi1>, vector<16xi32>
          %get3A_422 = arith.constant 2 : i32
          %get3A_423 = arith.index_cast %get3A_422 : i32 to index
          %get3A_424 = arith.index_cast %mul3A_124 : i32 to index
          %get3A_425 = tpu.vector_load %arg6[%get3A_423, %get3A_424] {strides = array<i32>} : memref<32x1024xf32, #tpu.memory_space<vmem>>, vector<16xf32>,
          %mul3A_426 = arith.constant 32 : i32
          %mul3A_427 = arith.muli %add3A_70, %mul3A_426 : i32
          %add3A_428 = arith.addi %mul3A_32, %mul3A_427 : i32
          %add3A_429 = arith.constant 0 : i32
          %add3A_430 = arith.addi %add3A_428, %add3A_429 : i32
          %add3A_431 = arith.constant 2 : i32
          %add3A_432 = arith.addi %add3A_430, %add3A_431 : i32
          %add3A_433 = vector.broadcast %add3A_432 : i32 to vector<16xi32>
          %add3A_434 = arith.addi %broadcast_in_dim3A_33, %add3A_433 : vector<16xi32>
          %lt3A_435 = arith.cmpf olt, %get3A_425, %select_n3A_420 : vector<16xf32>
          %lt3A_436 = arith.cmpf olt, %get3A_425, %select_n3A_417 : vector<16xf32>
          %lt3A_437 = arith.cmpf olt, %get3A_425, %select_n3A_413 : vector<16xf32>
          %lt3A_438 = arith.cmpf olt, %get3A_425, %select_n3A_409 : vector<16xf32>
          %select_n3A_439 = arith.select %lt3A_437, %select_n3A_413, %get3A_425 : vector<16xi1>, vector<16xf32>
          %select_n3A_440 = arith.select %lt3A_438, %select_n3A_439, %select_n3A_409 : vector<16xi1>, vector<16xf32>
          %select_n3A_441 = arith.select %lt3A_437, %select_n3A_415, %add3A_434 : vector<16xi1>, vector<16xi32>
          %select_n3A_442 = arith.select %lt3A_438, %select_n3A_441, %select_n3A_411 : vector<16xi1>, vector<16xi32>
          %select_n3A_443 = arith.select %lt3A_436, %select_n3A_417, %get3A_425 : vector<16xi1>, vector<16xf32>
          %select_n3A_444 = arith.select %lt3A_437, %select_n3A_443, %select_n3A_413 : vector<16xi1>, vector<16xf32>
          %select_n3A_445 = arith.select %lt3A_436, %select_n3A_419, %add3A_434 : vector<16xi1>, vector<16xi32>
          %select_n3A_446 = arith.select %lt3A_437, %select_n3A_445, %select_n3A_415 : vector<16xi1>, vector<16xi32>
          %select_n3A_447 = arith.select %lt3A_435, %select_n3A_420, %get3A_425 : vector<16xi1>, vector<16xf32>
          %select_n3A_448 = arith.select %lt3A_436, %select_n3A_447, %select_n3A_417 : vector<16xi1>, vector<16xf32>
          %select_n3A_449 = arith.select %lt3A_435, %select_n3A_421, %add3A_434 : vector<16xi1>, vector<16xi32>
          %select_n3A_450 = arith.select %lt3A_436, %select_n3A_449, %select_n3A_419 : vector<16xi1>, vector<16xi32>
          %select_n3A_451 = arith.select %lt3A_435, %get3A_425, %select_n3A_420 : vector<16xi1>, vector<16xf32>
          %select_n3A_452 = arith.select %lt3A_435, %add3A_434, %select_n3A_421 : vector<16xi1>, vector<16xi32>
          %get3A_453 = arith.constant 3 : i32
          %get3A_454 = arith.index_cast %get3A_453 : i32 to index
          %get3A_455 = arith.index_cast %mul3A_124 : i32 to index
          %get3A_456 = tpu.vector_load %arg6[%get3A_454, %get3A_455] {strides = array<i32>} : memref<32x1024xf32, #tpu.memory_space<vmem>>, vector<16xf32>,
          %mul3A_457 = arith.constant 32 : i32
          %mul3A_458 = arith.muli %add3A_70, %mul3A_457 : i32
          %add3A_459 = arith.addi %mul3A_32, %mul3A_458 : i32
          %add3A_460 = arith.constant 0 : i32
          %add3A_461 = arith.addi %add3A_459, %add3A_460 : i32
          %add3A_462 = arith.constant 3 : i32
          %add3A_463 = arith.addi %add3A_461, %add3A_462 : i32
          %add3A_464 = vector.broadcast %add3A_463 : i32 to vector<16xi32>
          %add3A_465 = arith.addi %broadcast_in_dim3A_33, %add3A_464 : vector<16xi32>
          %lt3A_466 = arith.cmpf olt, %get3A_456, %select_n3A_451 : vector<16xf32>
          %lt3A_467 = arith.cmpf olt, %get3A_456, %select_n3A_448 : vector<16xf32>
          %lt3A_468 = arith.cmpf olt, %get3A_456, %select_n3A_444 : vector<16xf32>
          %lt3A_469 = arith.cmpf olt, %get3A_456, %select_n3A_440 : vector<16xf32>
          %select_n3A_470 = arith.select %lt3A_468, %select_n3A_444, %get3A_456 : vector<16xi1>, vector<16xf32>
          %select_n3A_471 = arith.select %lt3A_469, %select_n3A_470, %select_n3A_440 : vector<16xi1>, vector<16xf32>
          %select_n3A_472 = arith.select %lt3A_468, %select_n3A_446, %add3A_465 : vector<16xi1>, vector<16xi32>
          %select_n3A_473 = arith.select %lt3A_469, %select_n3A_472, %select_n3A_442 : vector<16xi1>, vector<16xi32>
          %select_n3A_474 = arith.select %lt3A_467, %select_n3A_448, %get3A_456 : vector<16xi1>, vector<16xf32>
          %select_n3A_475 = arith.select %lt3A_468, %select_n3A_474, %select_n3A_444 : vector<16xi1>, vector<16xf32>
          %select_n3A_476 = arith.select %lt3A_467, %select_n3A_450, %add3A_465 : vector<16xi1>, vector<16xi32>
          %select_n3A_477 = arith.select %lt3A_468, %select_n3A_476, %select_n3A_446 : vector<16xi1>, vector<16xi32>
          %select_n3A_478 = arith.select %lt3A_466, %select_n3A_451, %get3A_456 : vector<16xi1>, vector<16xf32>
          %select_n3A_479 = arith.select %lt3A_467, %select_n3A_478, %select_n3A_448 : vector<16xi1>, vector<16xf32>
          %select_n3A_480 = arith.select %lt3A_466, %select_n3A_452, %add3A_465 : vector<16xi1>, vector<16xi32>
          %select_n3A_481 = arith.select %lt3A_467, %select_n3A_480, %select_n3A_450 : vector<16xi1>, vector<16xi32>
          %select_n3A_482 = arith.select %lt3A_466, %get3A_456, %select_n3A_451 : vector<16xi1>, vector<16xf32>
          %select_n3A_483 = arith.select %lt3A_466, %add3A_465, %select_n3A_452 : vector<16xi1>, vector<16xi32>
          %get3A_484 = arith.constant 4 : i32
          %get3A_485 = arith.index_cast %get3A_484 : i32 to index
          %get3A_486 = arith.index_cast %mul3A_124 : i32 to index
          %get3A_487 = tpu.vector_load %arg6[%get3A_485, %get3A_486] {strides = array<i32>} : memref<32x1024xf32, #tpu.memory_space<vmem>>, vector<16xf32>,
          %mul3A_488 = arith.constant 32 : i32
          %mul3A_489 = arith.muli %add3A_70, %mul3A_488 : i32
          %add3A_490 = arith.addi %mul3A_32, %mul3A_489 : i32
          %add3A_491 = arith.constant 0 : i32
          %add3A_492 = arith.addi %add3A_490, %add3A_491 : i32
          %add3A_493 = arith.constant 4 : i32
          %add3A_494 = arith.addi %add3A_492, %add3A_493 : i32
          %add3A_495 = vector.broadcast %add3A_494 : i32 to vector<16xi32>
          %add3A_496 = arith.addi %broadcast_in_dim3A_33, %add3A_495 : vector<16xi32>
          %lt3A_497 = arith.cmpf olt, %get3A_487, %select_n3A_482 : vector<16xf32>
          %lt3A_498 = arith.cmpf olt, %get3A_487, %select_n3A_479 : vector<16xf32>
          %lt3A_499 = arith.cmpf olt, %get3A_487, %select_n3A_475 : vector<16xf32>
          %lt3A_500 = arith.cmpf olt, %get3A_487, %select_n3A_471 : vector<16xf32>
          %select_n3A_501 = arith.select %lt3A_499, %select_n3A_475, %get3A_487 : vector<16xi1>, vector<16xf32>
          %select_n3A_502 = arith.select %lt3A_500, %select_n3A_501, %select_n3A_471 : vector<16xi1>, vector<16xf32>
          %select_n3A_503 = arith.select %lt3A_499, %select_n3A_477, %add3A_496 : vector<16xi1>, vector<16xi32>
          %select_n3A_504 = arith.select %lt3A_500, %select_n3A_503, %select_n3A_473 : vector<16xi1>, vector<16xi32>
          %select_n3A_505 = arith.select %lt3A_498, %select_n3A_479, %get3A_487 : vector<16xi1>, vector<16xf32>
          %select_n3A_506 = arith.select %lt3A_499, %select_n3A_505, %select_n3A_475 : vector<16xi1>, vector<16xf32>
          %select_n3A_507 = arith.select %lt3A_498, %select_n3A_481, %add3A_496 : vector<16xi1>, vector<16xi32>
          %select_n3A_508 = arith.select %lt3A_499, %select_n3A_507, %select_n3A_477 : vector<16xi1>, vector<16xi32>
          %select_n3A_509 = arith.select %lt3A_497, %select_n3A_482, %get3A_487 : vector<16xi1>, vector<16xf32>
          %select_n3A_510 = arith.select %lt3A_498, %select_n3A_509, %select_n3A_479 : vector<16xi1>, vector<16xf32>
          %select_n3A_511 = arith.select %lt3A_497, %select_n3A_483, %add3A_496 : vector<16xi1>, vector<16xi32>
          %select_n3A_512 = arith.select %lt3A_498, %select_n3A_511, %select_n3A_481 : vector<16xi1>, vector<16xi32>
          %select_n3A_513 = arith.select %lt3A_497, %get3A_487, %select_n3A_482 : vector<16xi1>, vector<16xf32>
          %select_n3A_514 = arith.select %lt3A_497, %add3A_496, %select_n3A_483 : vector<16xi1>, vector<16xi32>
          %get3A_515 = arith.constant 5 : i32
          %get3A_516 = arith.index_cast %get3A_515 : i32 to index
          %get3A_517 = arith.index_cast %mul3A_124 : i32 to index
          %get3A_518 = tpu.vector_load %arg6[%get3A_516, %get3A_517] {strides = array<i32>} : memref<32x1024xf32, #tpu.memory_space<vmem>>, vector<16xf32>,
          %mul3A_519 = arith.constant 32 : i32
          %mul3A_520 = arith.muli %add3A_70, %mul3A_519 : i32
          %add3A_521 = arith.addi %mul3A_32, %mul3A_520 : i32
          %add3A_522 = arith.constant 0 : i32
          %add3A_523 = arith.addi %add3A_521, %add3A_522 : i32
          %add3A_524 = arith.constant 5 : i32
          %add3A_525 = arith.addi %add3A_523, %add3A_524 : i32
          %add3A_526 = vector.broadcast %add3A_525 : i32 to vector<16xi32>
          %add3A_527 = arith.addi %broadcast_in_dim3A_33, %add3A_526 : vector<16xi32>
          %lt3A_528 = arith.cmpf olt, %get3A_518, %select_n3A_513 : vector<16xf32>
          %lt3A_529 = arith.cmpf olt, %get3A_518, %select_n3A_510 : vector<16xf32>
          %lt3A_530 = arith.cmpf olt, %get3A_518, %select_n3A_506 : vector<16xf32>
          %lt3A_531 = arith.cmpf olt, %get3A_518, %select_n3A_502 : vector<16xf32>
          %select_n3A_532 = arith.select %lt3A_530, %select_n3A_506, %get3A_518 : vector<16xi1>, vector<16xf32>
          %select_n3A_533 = arith.select %lt3A_531, %select_n3A_532, %select_n3A_502 : vector<16xi1>, vector<16xf32>
          %select_n3A_534 = arith.select %lt3A_530, %select_n3A_508, %add3A_527 : vector<16xi1>, vector<16xi32>
          %select_n3A_535 = arith.select %lt3A_531, %select_n3A_534, %select_n3A_504 : vector<16xi1>, vector<16xi32>
          %select_n3A_536 = arith.select %lt3A_529, %select_n3A_510, %get3A_518 : vector<16xi1>, vector<16xf32>
          %select_n3A_537 = arith.select %lt3A_530, %select_n3A_536, %select_n3A_506 : vector<16xi1>, vector<16xf32>
          %select_n3A_538 = arith.select %lt3A_529, %select_n3A_512, %add3A_527 : vector<16xi1>, vector<16xi32>
          %select_n3A_539 = arith.select %lt3A_530, %select_n3A_538, %select_n3A_508 : vector<16xi1>, vector<16xi32>
          %select_n3A_540 = arith.select %lt3A_528, %select_n3A_513, %get3A_518 : vector<16xi1>, vector<16xf32>
          %select_n3A_541 = arith.select %lt3A_529, %select_n3A_540, %select_n3A_510 : vector<16xi1>, vector<16xf32>
          %select_n3A_542 = arith.select %lt3A_528, %select_n3A_514, %add3A_527 : vector<16xi1>, vector<16xi32>
          %select_n3A_543 = arith.select %lt3A_529, %select_n3A_542, %select_n3A_512 : vector<16xi1>, vector<16xi32>
          %select_n3A_544 = arith.select %lt3A_528, %get3A_518, %select_n3A_513 : vector<16xi1>, vector<16xf32>
          %select_n3A_545 = arith.select %lt3A_528, %add3A_527, %select_n3A_514 : vector<16xi1>, vector<16xi32>
          %get3A_546 = arith.constant 6 : i32
          %get3A_547 = arith.index_cast %get3A_546 : i32 to index
          %get3A_548 = arith.index_cast %mul3A_124 : i32 to index
          %get3A_549 = tpu.vector_load %arg6[%get3A_547, %get3A_548] {strides = array<i32>} : memref<32x1024xf32, #tpu.memory_space<vmem>>, vector<16xf32>,
          %mul3A_550 = arith.constant 32 : i32
          %mul3A_551 = arith.muli %add3A_70, %mul3A_550 : i32
          %add3A_552 = arith.addi %mul3A_32, %mul3A_551 : i32
          %add3A_553 = arith.constant 0 : i32
          %add3A_554 = arith.addi %add3A_552, %add3A_553 : i32
          %add3A_555 = arith.constant 6 : i32
          %add3A_556 = arith.addi %add3A_554, %add3A_555 : i32
          %add3A_557 = vector.broadcast %add3A_556 : i32 to vector<16xi32>
          %add3A_558 = arith.addi %broadcast_in_dim3A_33, %add3A_557 : vector<16xi32>
          %lt3A_559 = arith.cmpf olt, %get3A_549, %select_n3A_544 : vector<16xf32>
          %lt3A_560 = arith.cmpf olt, %get3A_549, %select_n3A_541 : vector<16xf32>
          %lt3A_561 = arith.cmpf olt, %get3A_549, %select_n3A_537 : vector<16xf32>
          %lt3A_562 = arith.cmpf olt, %get3A_549, %select_n3A_533 : vector<16xf32>
          %select_n3A_563 = arith.select %lt3A_561, %select_n3A_537, %get3A_549 : vector<16xi1>, vector<16xf32>
          %select_n3A_564 = arith.select %lt3A_562, %select_n3A_563, %select_n3A_533 : vector<16xi1>, vector<16xf32>
          %select_n3A_565 = arith.select %lt3A_561, %select_n3A_539, %add3A_558 : vector<16xi1>, vector<16xi32>
          %select_n3A_566 = arith.select %lt3A_562, %select_n3A_565, %select_n3A_535 : vector<16xi1>, vector<16xi32>
          %select_n3A_567 = arith.select %lt3A_560, %select_n3A_541, %get3A_549 : vector<16xi1>, vector<16xf32>
          %select_n3A_568 = arith.select %lt3A_561, %select_n3A_567, %select_n3A_537 : vector<16xi1>, vector<16xf32>
          %select_n3A_569 = arith.select %lt3A_560, %select_n3A_543, %add3A_558 : vector<16xi1>, vector<16xi32>
          %select_n3A_570 = arith.select %lt3A_561, %select_n3A_569, %select_n3A_539 : vector<16xi1>, vector<16xi32>
          %select_n3A_571 = arith.select %lt3A_559, %select_n3A_544, %get3A_549 : vector<16xi1>, vector<16xf32>
          %select_n3A_572 = arith.select %lt3A_560, %select_n3A_571, %select_n3A_541 : vector<16xi1>, vector<16xf32>
          %select_n3A_573 = arith.select %lt3A_559, %select_n3A_545, %add3A_558 : vector<16xi1>, vector<16xi32>
          %select_n3A_574 = arith.select %lt3A_560, %select_n3A_573, %select_n3A_543 : vector<16xi1>, vector<16xi32>
          %select_n3A_575 = arith.select %lt3A_559, %get3A_549, %select_n3A_544 : vector<16xi1>, vector<16xf32>
          %select_n3A_576 = arith.select %lt3A_559, %add3A_558, %select_n3A_545 : vector<16xi1>, vector<16xi32>
          %get3A_577 = arith.constant 7 : i32
          %get3A_578 = arith.index_cast %get3A_577 : i32 to index
          %get3A_579 = arith.index_cast %mul3A_124 : i32 to index
          %get3A_580 = tpu.vector_load %arg6[%get3A_578, %get3A_579] {strides = array<i32>} : memref<32x1024xf32, #tpu.memory_space<vmem>>, vector<16xf32>,
          %mul3A_581 = arith.constant 32 : i32
          %mul3A_582 = arith.muli %add3A_70, %mul3A_581 : i32
          %add3A_583 = arith.addi %mul3A_32, %mul3A_582 : i32
          %add3A_584 = arith.constant 0 : i32
          %add3A_585 = arith.addi %add3A_583, %add3A_584 : i32
          %add3A_586 = arith.constant 7 : i32
          %add3A_587 = arith.addi %add3A_585, %add3A_586 : i32
          %add3A_588 = vector.broadcast %add3A_587 : i32 to vector<16xi32>
          %add3A_589 = arith.addi %broadcast_in_dim3A_33, %add3A_588 : vector<16xi32>
          %lt3A_590 = arith.cmpf olt, %get3A_580, %select_n3A_575 : vector<16xf32>
          %lt3A_591 = arith.cmpf olt, %get3A_580, %select_n3A_572 : vector<16xf32>
          %lt3A_592 = arith.cmpf olt, %get3A_580, %select_n3A_568 : vector<16xf32>
          %lt3A_593 = arith.cmpf olt, %get3A_580, %select_n3A_564 : vector<16xf32>
          %select_n3A_594 = arith.select %lt3A_592, %select_n3A_568, %get3A_580 : vector<16xi1>, vector<16xf32>
          %select_n3A_595 = arith.select %lt3A_593, %select_n3A_594, %select_n3A_564 : vector<16xi1>, vector<16xf32>
          %select_n3A_596 = arith.select %lt3A_592, %select_n3A_570, %add3A_589 : vector<16xi1>, vector<16xi32>
          %select_n3A_597 = arith.select %lt3A_593, %select_n3A_596, %select_n3A_566 : vector<16xi1>, vector<16xi32>
          %select_n3A_598 = arith.select %lt3A_591, %select_n3A_572, %get3A_580 : vector<16xi1>, vector<16xf32>
          %select_n3A_599 = arith.select %lt3A_592, %select_n3A_598, %select_n3A_568 : vector<16xi1>, vector<16xf32>
          %select_n3A_600 = arith.select %lt3A_591, %select_n3A_574, %add3A_589 : vector<16xi1>, vector<16xi32>
          %select_n3A_601 = arith.select %lt3A_592, %select_n3A_600, %select_n3A_570 : vector<16xi1>, vector<16xi32>
          %select_n3A_602 = arith.select %lt3A_590, %select_n3A_575, %get3A_580 : vector<16xi1>, vector<16xf32>
          %select_n3A_603 = arith.select %lt3A_591, %select_n3A_602, %select_n3A_572 : vector<16xi1>, vector<16xf32>
          %select_n3A_604 = arith.select %lt3A_590, %select_n3A_576, %add3A_589 : vector<16xi1>, vector<16xi32>
          %select_n3A_605 = arith.select %lt3A_591, %select_n3A_604, %select_n3A_574 : vector<16xi1>, vector<16xi32>
          %select_n3A_606 = arith.select %lt3A_590, %get3A_580, %select_n3A_575 : vector<16xi1>, vector<16xf32>
          %select_n3A_607 = arith.select %lt3A_590, %add3A_589, %select_n3A_576 : vector<16xi1>, vector<16xi32>
          %swap3A = arith.constant 0 : i32
          %swap3A_608 = arith.index_cast %swap3A : i32 to index
          %swap3A_609 = arith.index_cast %mul3A_124 : i32 to index
          %swap3A_610 = tpu.vector_load %arg4[%swap3A_608, %swap3A_609] {strides = array<i32>} : memref<4x1024xf32, #tpu.memory_space<vmem>>, vector<16xf32>,
          tpu.vector_store %arg4[%swap3A_608, %swap3A_609], %select_n3A_606 {strides = array<i32>} : memref<4x1024xf32, #tpu.memory_space<vmem>>, vector<16xf32>,
          %swap3A_611 = arith.constant 0 : i32
          %swap3A_612 = arith.index_cast %swap3A_611 : i32 to index
          %swap3A_613 = arith.index_cast %mul3A_124 : i32 to index
          %swap3A_614 = tpu.vector_load %arg5[%swap3A_612, %swap3A_613] {strides = array<i32>} : memref<4x1024xi32, #tpu.memory_space<vmem>>, vector<16xi32>,
          tpu.vector_store %arg5[%swap3A_612, %swap3A_613], %select_n3A_607 {strides = array<i32>} : memref<4x1024xi32, #tpu.memory_space<vmem>>, vector<16xi32>,
          %swap3A_615 = arith.constant 1 : i32
          %swap3A_616 = arith.index_cast %swap3A_615 : i32 to index
          %swap3A_617 = arith.index_cast %mul3A_124 : i32 to index
          %swap3A_618 = tpu.vector_load %arg4[%swap3A_616, %swap3A_617] {strides = array<i32>} : memref<4x1024xf32, #tpu.memory_space<vmem>>, vector<16xf32>,
          tpu.vector_store %arg4[%swap3A_616, %swap3A_617], %select_n3A_603 {strides = array<i32>} : memref<4x1024xf32, #tpu.memory_space<vmem>>, vector<16xf32>,
          %swap3A_619 = arith.constant 1 : i32
          %swap3A_620 = arith.index_cast %swap3A_619 : i32 to index
          %swap3A_621 = arith.index_cast %mul3A_124 : i32 to index
          %swap3A_622 = tpu.vector_load %arg5[%swap3A_620, %swap3A_621] {strides = array<i32>} : memref<4x1024xi32, #tpu.memory_space<vmem>>, vector<16xi32>,
          tpu.vector_store %arg5[%swap3A_620, %swap3A_621], %select_n3A_605 {strides = array<i32>} : memref<4x1024xi32, #tpu.memory_space<vmem>>, vector<16xi32>,
          %swap3A_623 = arith.constant 2 : i32
          %swap3A_624 = arith.index_cast %swap3A_623 : i32 to index
          %swap3A_625 = arith.index_cast %mul3A_124 : i32 to index
          %swap3A_626 = tpu.vector_load %arg4[%swap3A_624, %swap3A_625] {strides = array<i32>} : memref<4x1024xf32, #tpu.memory_space<vmem>>, vector<16xf32>,
          tpu.vector_store %arg4[%swap3A_624, %swap3A_625], %select_n3A_599 {strides = array<i32>} : memref<4x1024xf32, #tpu.memory_space<vmem>>, vector<16xf32>,
          %swap3A_627 = arith.constant 2 : i32
          %swap3A_628 = arith.index_cast %swap3A_627 : i32 to index
          %swap3A_629 = arith.index_cast %mul3A_124 : i32 to index
          %swap3A_630 = tpu.vector_load %arg5[%swap3A_628, %swap3A_629] {strides = array<i32>} : memref<4x1024xi32, #tpu.memory_space<vmem>>, vector<16xi32>,
          tpu.vector_store %arg5[%swap3A_628, %swap3A_629], %select_n3A_601 {strides = array<i32>} : memref<4x1024xi32, #tpu.memory_space<vmem>>, vector<16xi32>,
          %swap3A_631 = arith.constant 3 : i32
          %swap3A_632 = arith.index_cast %swap3A_631 : i32 to index
          %swap3A_633 = arith.index_cast %mul3A_124 : i32 to index
          %swap3A_634 = tpu.vector_load %arg4[%swap3A_632, %swap3A_633] {strides = array<i32>} : memref<4x1024xf32, #tpu.memory_space<vmem>>, vector<16xf32>,
          tpu.vector_store %arg4[%swap3A_632, %swap3A_633], %select_n3A_595 {strides = array<i32>} : memref<4x1024xf32, #tpu.memory_space<vmem>>, vector<16xf32>,
          %swap3A_635 = arith.constant 3 : i32
          %swap3A_636 = arith.index_cast %swap3A_635 : i32 to index
          %swap3A_637 = arith.index_cast %mul3A_124 : i32 to index
          %swap3A_638 = tpu.vector_load %arg5[%swap3A_636, %swap3A_637] {strides = array<i32>} : memref<4x1024xi32, #tpu.memory_space<vmem>>, vector<16xi32>,
          tpu.vector_store %arg5[%swap3A_636, %swap3A_637], %select_n3A_597 {strides = array<i32>} : memref<4x1024xi32, #tpu.memory_space<vmem>>, vector<16xi32>,
        } else {
        }
        %get3A_171 = arith.constant 3 : i32
        %get3A_172 = arith.index_cast %get3A_171 : i32 to index
        %get3A_173 = arith.index_cast %mul3A_124 : i32 to index
        %get3A_174 = tpu.vector_load %arg4[%get3A_172, %get3A_173] {strides = array<i32>} : memref<4x1024xf32, #tpu.memory_space<vmem>>, vector<16xf32>,
        %get3A_175 = arith.constant 8 : i32
        %get3A_176 = arith.index_cast %get3A_175 : i32 to index
        %get3A_177 = arith.index_cast %mul3A_124 : i32 to index
        %get3A_178 = tpu.vector_load %arg6[%get3A_176, %get3A_177] {strides = array<i32>} : memref<32x1024xf32, #tpu.memory_space<vmem>>, vector<16xf32>,
        %get3A_179 = arith.constant 9 : i32
        %get3A_180 = arith.index_cast %get3A_179 : i32 to index
        %get3A_181 = arith.index_cast %mul3A_124 : i32 to index
        %get3A_182 = tpu.vector_load %arg6[%get3A_180, %get3A_181] {strides = array<i32>} : memref<32x1024xf32, #tpu.memory_space<vmem>>, vector<16xf32>,
        %min3A_183 = arith.minimumf %get3A_178, %get3A_182 : vector<16xf32>
        %get3A_184 = arith.constant 10 : i32
        %get3A_185 = arith.index_cast %get3A_184 : i32 to index
        %get3A_186 = arith.index_cast %mul3A_124 : i32 to index
        %get3A_187 = tpu.vector_load %arg6[%get3A_185, %get3A_186] {strides = array<i32>} : memref<32x1024xf32, #tpu.memory_space<vmem>>, vector<16xf32>,
        %min3A_188 = arith.minimumf %min3A_183, %get3A_187 : vector<16xf32>
        %get3A_189 = arith.constant 11 : i32
        %get3A_190 = arith.index_cast %get3A_189 : i32 to index
        %get3A_191 = arith.index_cast %mul3A_124 : i32 to index
        %get3A_192 = tpu.vector_load %arg6[%get3A_190, %get3A_191] {strides = array<i32>} : memref<32x1024xf32, #tpu.memory_space<vmem>>, vector<16xf32>,
        %min3A_193 = arith.minimumf %min3A_188, %get3A_192 : vector<16xf32>
        %get3A_194 = arith.constant 12 : i32
        %get3A_195 = arith.index_cast %get3A_194 : i32 to index
        %get3A_196 = arith.index_cast %mul3A_124 : i32 to index
        %get3A_197 = tpu.vector_load %arg6[%get3A_195, %get3A_196] {strides = array<i32>} : memref<32x1024xf32, #tpu.memory_space<vmem>>, vector<16xf32>,
        %min3A_198 = arith.minimumf %min3A_193, %get3A_197 : vector<16xf32>
        %get3A_199 = arith.constant 13 : i32
        %get3A_200 = arith.index_cast %get3A_199 : i32 to index
        %get3A_201 = arith.index_cast %mul3A_124 : i32 to index
        %get3A_202 = tpu.vector_load %arg6[%get3A_200, %get3A_201] {strides = array<i32>} : memref<32x1024xf32, #tpu.memory_space<vmem>>, vector<16xf32>,
        %min3A_203 = arith.minimumf %min3A_198, %get3A_202 : vector<16xf32>
        %get3A_204 = arith.constant 14 : i32
        %get3A_205 = arith.index_cast %get3A_204 : i32 to index
        %get3A_206 = arith.index_cast %mul3A_124 : i32 to index
        %get3A_207 = tpu.vector_load %arg6[%get3A_205, %get3A_206] {strides = array<i32>} : memref<32x1024xf32, #tpu.memory_space<vmem>>, vector<16xf32>,
        %min3A_208 = arith.minimumf %min3A_203, %get3A_207 : vector<16xf32>
        %get3A_209 = arith.constant 15 : i32
        %get3A_210 = arith.index_cast %get3A_209 : i32 to index
        %get3A_211 = arith.index_cast %mul3A_124 : i32 to index
        %get3A_212 = tpu.vector_load %arg6[%get3A_210, %get3A_211] {strides = array<i32>} : memref<32x1024xf32, #tpu.memory_space<vmem>>, vector<16xf32>,
        %min3A_213 = arith.minimumf %min3A_208, %get3A_212 : vector<16xf32>
        %lt3A_214 = arith.cmpf olt, %min3A_213, %get3A_174 : vector<16xf32>
        %all_reduce_population_count3A_215 = tpu.all_reduce %lt3A_214 {dim = 0 : i64, kind = #tpu.reduction_kind<sum>} : vector<16xi1> -> vector<16xi32>
        %slice3A_216 = vector.extract_strided_slice %all_reduce_population_count3A_215 {offsets = [0], sizes = [1], strides = [1]} : vector<16xi32> to vector<1xi32>
        %squeeze3A_217 = vector.extract %slice3A_216[0] : i32 from vector<1xi32>
        %gt3A_218 = arith.constant 0 : i32
        %gt3A_219 = arith.cmpi sgt, %squeeze3A_217, %gt3A_218 : i32
        %convert_element_type3A_220 = arith.extui %gt3A_219 : i1 to i32
        %cond3A_221 = arith.constant 0 : i32
        %cond3A_222 = arith.cmpi ne, %convert_element_type3A_220, %cond3A_221 : i32
        scf.if %cond3A_222 {
          %get3A_328 = arith.constant 0 : i32
          %get3A_329 = arith.index_cast %get3A_328 : i32 to index
          %get3A_330 = arith.index_cast %mul3A_124 : i32 to index
          %get3A_331 = tpu.vector_load %arg4[%get3A_329, %get3A_330] {strides = array<i32>} : memref<4x1024xf32, #tpu.memory_space<vmem>>, vector<16xf32>,
          %get3A_332 = arith.constant 1 : i32
          %get3A_333 = arith.index_cast %get3A_332 : i32 to index
          %get3A_334 = arith.index_cast %mul3A_124 : i32 to index
          %get3A_335 = tpu.vector_load %arg4[%get3A_333, %get3A_334] {strides = array<i32>} : memref<4x1024xf32, #tpu.memory_space<vmem>>, vector<16xf32>,
          %get3A_336 = arith.constant 2 : i32
          %get3A_337 = arith.index_cast %get3A_336 : i32 to index
          %get3A_338 = arith.index_cast %mul3A_124 : i32 to index
          %get3A_339 = tpu.vector_load %arg4[%get3A_337, %get3A_338] {strides = array<i32>} : memref<4x1024xf32, #tpu.memory_space<vmem>>, vector<16xf32>,
          %get3A_340 = arith.constant 3 : i32
          %get3A_341 = arith.index_cast %get3A_340 : i32 to index
          %get3A_342 = arith.index_cast %mul3A_124 : i32 to index
          %get3A_343 = tpu.vector_load %arg4[%get3A_341, %get3A_342] {strides = array<i32>} : memref<4x1024xf32, #tpu.memory_space<vmem>>, vector<16xf32>,
          %get3A_344 = arith.constant 0 : i32
          %get3A_345 = arith.index_cast %get3A_344 : i32 to index
          %get3A_346 = arith.index_cast %mul3A_124 : i32 to index
          %get3A_347 = tpu.vector_load %arg5[%get3A_345, %get3A_346] {strides = array<i32>} : memref<4x1024xi32, #tpu.memory_space<vmem>>, vector<16xi32>,
          %get3A_348 = arith.constant 1 : i32
          %get3A_349 = arith.index_cast %get3A_348 : i32 to index
          %get3A_350 = arith.index_cast %mul3A_124 : i32 to index
          %get3A_351 = tpu.vector_load %arg5[%get3A_349, %get3A_350] {strides = array<i32>} : memref<4x1024xi32, #tpu.memory_space<vmem>>, vector<16xi32>,
          %get3A_352 = arith.constant 2 : i32
          %get3A_353 = arith.index_cast %get3A_352 : i32 to index
          %get3A_354 = arith.index_cast %mul3A_124 : i32 to index
          %get3A_355 = tpu.vector_load %arg5[%get3A_353, %get3A_354] {strides = array<i32>} : memref<4x1024xi32, #tpu.memory_space<vmem>>, vector<16xi32>,
          %get3A_356 = arith.constant 3 : i32
          %get3A_357 = arith.index_cast %get3A_356 : i32 to index
          %get3A_358 = arith.index_cast %mul3A_124 : i32 to index
          %get3A_359 = tpu.vector_load %arg5[%get3A_357, %get3A_358] {strides = array<i32>} : memref<4x1024xi32, #tpu.memory_space<vmem>>, vector<16xi32>,
          %get3A_360 = arith.constant 8 : i32
          %get3A_361 = arith.index_cast %get3A_360 : i32 to index
          %get3A_362 = arith.index_cast %mul3A_124 : i32 to index
          %get3A_363 = tpu.vector_load %arg6[%get3A_361, %get3A_362] {strides = array<i32>} : memref<32x1024xf32, #tpu.memory_space<vmem>>, vector<16xf32>,
          %mul3A_364 = arith.constant 32 : i32
          %mul3A_365 = arith.muli %add3A_70, %mul3A_364 : i32
          %add3A_366 = arith.addi %mul3A_32, %mul3A_365 : i32
          %add3A_367 = arith.constant 8 : i32
          %add3A_368 = arith.addi %add3A_366, %add3A_367 : i32
          %add3A_369 = arith.constant 0 : i32
          %add3A_370 = arith.addi %add3A_368, %add3A_369 : i32
          %add3A_371 = vector.broadcast %add3A_370 : i32 to vector<16xi32>
          %add3A_372 = arith.addi %broadcast_in_dim3A_33, %add3A_371 : vector<16xi32>
          %lt3A_373 = arith.cmpf olt, %get3A_363, %get3A_331 : vector<16xf32>
          %lt3A_374 = arith.cmpf olt, %get3A_363, %get3A_335 : vector<16xf32>
          %lt3A_375 = arith.cmpf olt, %get3A_363, %get3A_339 : vector<16xf32>
          %lt3A_376 = arith.cmpf olt, %get3A_363, %get3A_343 : vector<16xf32>
          %select_n3A_377 = arith.select %lt3A_375, %get3A_339, %get3A_363 : vector<16xi1>, vector<16xf32>
          %select_n3A_378 = arith.select %lt3A_376, %select_n3A_377, %get3A_343 : vector<16xi1>, vector<16xf32>
          %select_n3A_379 = arith.select %lt3A_375, %get3A_355, %add3A_372 : vector<16xi1>, vector<16xi32>
          %select_n3A_380 = arith.select %lt3A_376, %select_n3A_379, %get3A_359 : vector<16xi1>, vector<16xi32>
          %select_n3A_381 = arith.select %lt3A_374, %get3A_335, %get3A_363 : vector<16xi1>, vector<16xf32>
          %select_n3A_382 = arith.select %lt3A_375, %select_n3A_381, %get3A_339 : vector<16xi1>, vector<16xf32>
          %select_n3A_383 = arith.select %lt3A_374, %get3A_351, %add3A_372 : vector<16xi1>, vector<16xi32>
          %select_n3A_384 = arith.select %lt3A_375, %select_n3A_383, %get3A_355 : vector<16xi1>, vector<16xi32>
          %select_n3A_385 = arith.select %lt3A_373, %get3A_331, %get3A_363 : vector<16xi1>, vector<16xf32>
          %select_n3A_386 = arith.select %lt3A_374, %select_n3A_385, %get3A_335 : vector<16xi1>, vector<16xf32>
          %select_n3A_387 = arith.select %lt3A_373, %get3A_347, %add3A_372 : vector<16xi1>, vector<16xi32>
          %select_n3A_388 = arith.select %lt3A_374, %select_n3A_387, %get3A_351 : vector<16xi1>, vector<16xi32>
          %select_n3A_389 = arith.select %lt3A_373, %get3A_363, %get3A_331 : vector<16xi1>, vector<16xf32>
          %select_n3A_390 = arith.select %lt3A_373, %add3A_372, %get3A_347 : vector<16xi1>, vector<16xi32>
          %get3A_391 = arith.constant 9 : i32
          %get3A_392 = arith.index_cast %get3A_391 : i32 to index
          %get3A_393 = arith.index_cast %mul3A_124 : i32 to index
          %get3A_394 = tpu.vector_load %arg6[%get3A_392, %get3A_393] {strides = array<i32>} : memref<32x1024xf32, #tpu.memory_space<vmem>>, vector<16xf32>,
          %mul3A_395 = arith.constant 32 : i32
          %mul3A_396 = arith.muli %add3A_70, %mul3A_395 : i32
          %add3A_397 = arith.addi %mul3A_32, %mul3A_396 : i32
          %add3A_398 = arith.constant 8 : i32
          %add3A_399 = arith.addi %add3A_397, %add3A_398 : i32
          %add3A_400 = arith.constant 1 : i32
          %add3A_401 = arith.addi %add3A_399, %add3A_400 : i32
          %add3A_402 = vector.broadcast %add3A_401 : i32 to vector<16xi32>
          %add3A_403 = arith.addi %broadcast_in_dim3A_33, %add3A_402 : vector<16xi32>
          %lt3A_404 = arith.cmpf olt, %get3A_394, %select_n3A_389 : vector<16xf32>
          %lt3A_405 = arith.cmpf olt, %get3A_394, %select_n3A_386 : vector<16xf32>
          %lt3A_406 = arith.cmpf olt, %get3A_394, %select_n3A_382 : vector<16xf32>
          %lt3A_407 = arith.cmpf olt, %get3A_394, %select_n3A_378 : vector<16xf32>
          %select_n3A_408 = arith.select %lt3A_406, %select_n3A_382, %get3A_394 : vector<16xi1>, vector<16xf32>
          %select_n3A_409 = arith.select %lt3A_407, %select_n3A_408, %select_n3A_378 : vector<16xi1>, vector<16xf32>
          %select_n3A_410 = arith.select %lt3A_406, %select_n3A_384, %add3A_403 : vector<16xi1>, vector<16xi32>
          %select_n3A_411 = arith.select %lt3A_407, %select_n3A_410, %select_n3A_380 : vector<16xi1>, vector<16xi32>
          %select_n3A_412 = arith.select %lt3A_405, %select_n3A_386, %get3A_394 : vector<16xi1>, vector<16xf32>
          %select_n3A_413 = arith.select %lt3A_406, %select_n3A_412, %select_n3A_382 : vector<16xi1>, vector<16xf32>
          %select_n3A_414 = arith.select %lt3A_405, %select_n3A_388, %add3A_403 : vector<16xi1>, vector<16xi32>
          %select_n3A_415 = arith.select %lt3A_406, %select_n3A_414, %select_n3A_384 : vector<16xi1>, vector<16xi32>
          %select_n3A_416 = arith.select %lt3A_404, %select_n3A_389, %get3A_394 : vector<16xi1>, vector<16xf32>
          %select_n3A_417 = arith.select %lt3A_405, %select_n3A_416, %select_n3A_386 : vector<16xi1>, vector<16xf32>
          %select_n3A_418 = arith.select %lt3A_404, %select_n3A_390, %add3A_403 : vector<16xi1>, vector<16xi32>
          %select_n3A_419 = arith.select %lt3A_405, %select_n3A_418, %select_n3A_388 : vector<16xi1>, vector<16xi32>
          %select_n3A_420 = arith.select %lt3A_404, %get3A_394, %select_n3A_389 : vector<16xi1>, vector<16xf32>
          %select_n3A_421 = arith.select %lt3A_404, %add3A_403, %select_n3A_390 : vector<16xi1>, vector<16xi32>
          %get3A_422 = arith.constant 10 : i32
          %get3A_423 = arith.index_cast %get3A_422 : i32 to index
          %get3A_424 = arith.index_cast %mul3A_124 : i32 to index
          %get3A_425 = tpu.vector_load %arg6[%get3A_423, %get3A_424] {strides = array<i32>} : memref<32x1024xf32, #tpu.memory_space<vmem>>, vector<16xf32>,
          %mul3A_426 = arith.constant 32 : i32
          %mul3A_427 = arith.muli %add3A_70, %mul3A_426 : i32
          %add3A_428 = arith.addi %mul3A_32, %mul3A_427 : i32
          %add3A_429 = arith.constant 8 : i32
          %add3A_430 = arith.addi %add3A_428, %add3A_429 : i32
          %add3A_431 = arith.constant 2 : i32
          %add3A_432 = arith.addi %add3A_430, %add3A_431 : i32
          %add3A_433 = vector.broadcast %add3A_432 : i32 to vector<16xi32>
          %add3A_434 = arith.addi %broadcast_in_dim3A_33, %add3A_433 : vector<16xi32>
          %lt3A_435 = arith.cmpf olt, %get3A_425, %select_n3A_420 : vector<16xf32>
          %lt3A_436 = arith.cmpf olt, %get3A_425, %select_n3A_417 : vector<16xf32>
          %lt3A_437 = arith.cmpf olt, %get3A_425, %select_n3A_413 : vector<16xf32>
          %lt3A_438 = arith.cmpf olt, %get3A_425, %select_n3A_409 : vector<16xf32>
          %select_n3A_439 = arith.select %lt3A_437, %select_n3A_413, %get3A_425 : vector<16xi1>, vector<16xf32>
          %select_n3A_440 = arith.select %lt3A_438, %select_n3A_439, %select_n3A_409 : vector<16xi1>, vector<16xf32>
          %select_n3A_441 = arith.select %lt3A_437, %select_n3A_415, %add3A_434 : vector<16xi1>, vector<16xi32>
          %select_n3A_442 = arith.select %lt3A_438, %select_n3A_441, %select_n3A_411 : vector<16xi1>, vector<16xi32>
          %select_n3A_443 = arith.select %lt3A_436, %select_n3A_417, %get3A_425 : vector<16xi1>, vector<16xf32>
          %select_n3A_444 = arith.select %lt3A_437, %select_n3A_443, %select_n3A_413 : vector<16xi1>, vector<16xf32>
          %select_n3A_445 = arith.select %lt3A_436, %select_n3A_419, %add3A_434 : vector<16xi1>, vector<16xi32>
          %select_n3A_446 = arith.select %lt3A_437, %select_n3A_445, %select_n3A_415 : vector<16xi1>, vector<16xi32>
          %select_n3A_447 = arith.select %lt3A_435, %select_n3A_420, %get3A_425 : vector<16xi1>, vector<16xf32>
          %select_n3A_448 = arith.select %lt3A_436, %select_n3A_447, %select_n3A_417 : vector<16xi1>, vector<16xf32>
          %select_n3A_449 = arith.select %lt3A_435, %select_n3A_421, %add3A_434 : vector<16xi1>, vector<16xi32>
          %select_n3A_450 = arith.select %lt3A_436, %select_n3A_449, %select_n3A_419 : vector<16xi1>, vector<16xi32>
          %select_n3A_451 = arith.select %lt3A_435, %get3A_425, %select_n3A_420 : vector<16xi1>, vector<16xf32>
          %select_n3A_452 = arith.select %lt3A_435, %add3A_434, %select_n3A_421 : vector<16xi1>, vector<16xi32>
          %get3A_453 = arith.constant 11 : i32
          %get3A_454 = arith.index_cast %get3A_453 : i32 to index
          %get3A_455 = arith.index_cast %mul3A_124 : i32 to index
          %get3A_456 = tpu.vector_load %arg6[%get3A_454, %get3A_455] {strides = array<i32>} : memref<32x1024xf32, #tpu.memory_space<vmem>>, vector<16xf32>,
          %mul3A_457 = arith.constant 32 : i32
          %mul3A_458 = arith.muli %add3A_70, %mul3A_457 : i32
          %add3A_459 = arith.addi %mul3A_32, %mul3A_458 : i32
          %add3A_460 = arith.constant 8 : i32
          %add3A_461 = arith.addi %add3A_459, %add3A_460 : i32
          %add3A_462 = arith.constant 3 : i32
          %add3A_463 = arith.addi %add3A_461, %add3A_462 : i32
          %add3A_464 = vector.broadcast %add3A_463 : i32 to vector<16xi32>
          %add3A_465 = arith.addi %broadcast_in_dim3A_33, %add3A_464 : vector<16xi32>
          %lt3A_466 = arith.cmpf olt, %get3A_456, %select_n3A_451 : vector<16xf32>
          %lt3A_467 = arith.cmpf olt, %get3A_456, %select_n3A_448 : vector<16xf32>
          %lt3A_468 = arith.cmpf olt, %get3A_456, %select_n3A_444 : vector<16xf32>
          %lt3A_469 = arith.cmpf olt, %get3A_456, %select_n3A_440 : vector<16xf32>
          %select_n3A_470 = arith.select %lt3A_468, %select_n3A_444, %get3A_456 : vector<16xi1>, vector<16xf32>
          %select_n3A_471 = arith.select %lt3A_469, %select_n3A_470, %select_n3A_440 : vector<16xi1>, vector<16xf32>
          %select_n3A_472 = arith.select %lt3A_468, %select_n3A_446, %add3A_465 : vector<16xi1>, vector<16xi32>
          %select_n3A_473 = arith.select %lt3A_469, %select_n3A_472, %select_n3A_442 : vector<16xi1>, vector<16xi32>
          %select_n3A_474 = arith.select %lt3A_467, %select_n3A_448, %get3A_456 : vector<16xi1>, vector<16xf32>
          %select_n3A_475 = arith.select %lt3A_468, %select_n3A_474, %select_n3A_444 : vector<16xi1>, vector<16xf32>
          %select_n3A_476 = arith.select %lt3A_467, %select_n3A_450, %add3A_465 : vector<16xi1>, vector<16xi32>
          %select_n3A_477 = arith.select %lt3A_468, %select_n3A_476, %select_n3A_446 : vector<16xi1>, vector<16xi32>
          %select_n3A_478 = arith.select %lt3A_466, %select_n3A_451, %get3A_456 : vector<16xi1>, vector<16xf32>
          %select_n3A_479 = arith.select %lt3A_467, %select_n3A_478, %select_n3A_448 : vector<16xi1>, vector<16xf32>
          %select_n3A_480 = arith.select %lt3A_466, %select_n3A_452, %add3A_465 : vector<16xi1>, vector<16xi32>
          %select_n3A_481 = arith.select %lt3A_467, %select_n3A_480, %select_n3A_450 : vector<16xi1>, vector<16xi32>
          %select_n3A_482 = arith.select %lt3A_466, %get3A_456, %select_n3A_451 : vector<16xi1>, vector<16xf32>
          %select_n3A_483 = arith.select %lt3A_466, %add3A_465, %select_n3A_452 : vector<16xi1>, vector<16xi32>
          %get3A_484 = arith.constant 12 : i32
          %get3A_485 = arith.index_cast %get3A_484 : i32 to index
          %get3A_486 = arith.index_cast %mul3A_124 : i32 to index
          %get3A_487 = tpu.vector_load %arg6[%get3A_485, %get3A_486] {strides = array<i32>} : memref<32x1024xf32, #tpu.memory_space<vmem>>, vector<16xf32>,
          %mul3A_488 = arith.constant 32 : i32
          %mul3A_489 = arith.muli %add3A_70, %mul3A_488 : i32
          %add3A_490 = arith.addi %mul3A_32, %mul3A_489 : i32
          %add3A_491 = arith.constant 8 : i32
          %add3A_492 = arith.addi %add3A_490, %add3A_491 : i32
          %add3A_493 = arith.constant 4 : i32
          %add3A_494 = arith.addi %add3A_492, %add3A_493 : i32
          %add3A_495 = vector.broadcast %add3A_494 : i32 to vector<16xi32>
          %add3A_496 = arith.addi %broadcast_in_dim3A_33, %add3A_495 : vector<16xi32>
          %lt3A_497 = arith.cmpf olt, %get3A_487, %select_n3A_482 : vector<16xf32>
          %lt3A_498 = arith.cmpf olt, %get3A_487, %select_n3A_479 : vector<16xf32>
          %lt3A_499 = arith.cmpf olt, %get3A_487, %select_n3A_475 : vector<16xf32>
          %lt3A_500 = arith.cmpf olt, %get3A_487, %select_n3A_471 : vector<16xf32>
          %select_n3A_501 = arith.select %lt3A_499, %select_n3A_475, %get3A_487 : vector<16xi1>, vector<16xf32>
          %select_n3A_502 = arith.select %lt3A_500, %select_n3A_501, %select_n3A_471 : vector<16xi1>, vector<16xf32>
          %select_n3A_503 = arith.select %lt3A_499, %select_n3A_477, %add3A_496 : vector<16xi1>, vector<16xi32>
          %select_n3A_504 = arith.select %lt3A_500, %select_n3A_503, %select_n3A_473 : vector<16xi1>, vector<16xi32>
          %select_n3A_505 = arith.select %lt3A_498, %select_n3A_479, %get3A_487 : vector<16xi1>, vector<16xf32>
          %select_n3A_506 = arith.select %lt3A_499, %select_n3A_505, %select_n3A_475 : vector<16xi1>, vector<16xf32>
          %select_n3A_507 = arith.select %lt3A_498, %select_n3A_481, %add3A_496 : vector<16xi1>, vector<16xi32>
          %select_n3A_508 = arith.select %lt3A_499, %select_n3A_507, %select_n3A_477 : vector<16xi1>, vector<16xi32>
          %select_n3A_509 = arith.select %lt3A_497, %select_n3A_482, %get3A_487 : vector<16xi1>, vector<16xf32>
          %select_n3A_510 = arith.select %lt3A_498, %select_n3A_509, %select_n3A_479 : vector<16xi1>, vector<16xf32>
          %select_n3A_511 = arith.select %lt3A_497, %select_n3A_483, %add3A_496 : vector<16xi1>, vector<16xi32>
          %select_n3A_512 = arith.select %lt3A_498, %select_n3A_511, %select_n3A_481 : vector<16xi1>, vector<16xi32>
          %select_n3A_513 = arith.select %lt3A_497, %get3A_487, %select_n3A_482 : vector<16xi1>, vector<16xf32>
          %select_n3A_514 = arith.select %lt3A_497, %add3A_496, %select_n3A_483 : vector<16xi1>, vector<16xi32>
          %get3A_515 = arith.constant 13 : i32
          %get3A_516 = arith.index_cast %get3A_515 : i32 to index
          %get3A_517 = arith.index_cast %mul3A_124 : i32 to index
          %get3A_518 = tpu.vector_load %arg6[%get3A_516, %get3A_517] {strides = array<i32>} : memref<32x1024xf32, #tpu.memory_space<vmem>>, vector<16xf32>,
          %mul3A_519 = arith.constant 32 : i32
          %mul3A_520 = arith.muli %add3A_70, %mul3A_519 : i32
          %add3A_521 = arith.addi %mul3A_32, %mul3A_520 : i32
          %add3A_522 = arith.constant 8 : i32
          %add3A_523 = arith.addi %add3A_521, %add3A_522 : i32
          %add3A_524 = arith.constant 5 : i32
          %add3A_525 = arith.addi %add3A_523, %add3A_524 : i32
          %add3A_526 = vector.broadcast %add3A_525 : i32 to vector<16xi32>
          %add3A_527 = arith.addi %broadcast_in_dim3A_33, %add3A_526 : vector<16xi32>
          %lt3A_528 = arith.cmpf olt, %get3A_518, %select_n3A_513 : vector<16xf32>
          %lt3A_529 = arith.cmpf olt, %get3A_518, %select_n3A_510 : vector<16xf32>
          %lt3A_530 = arith.cmpf olt, %get3A_518, %select_n3A_506 : vector<16xf32>
          %lt3A_531 = arith.cmpf olt, %get3A_518, %select_n3A_502 : vector<16xf32>
          %select_n3A_532 = arith.select %lt3A_530, %select_n3A_506, %get3A_518 : vector<16xi1>, vector<16xf32>
          %select_n3A_533 = arith.select %lt3A_531, %select_n3A_532, %select_n3A_502 : vector<16xi1>, vector<16xf32>
          %select_n3A_534 = arith.select %lt3A_530, %select_n3A_508, %add3A_527 : vector<16xi1>, vector<16xi32>
          %select_n3A_535 = arith.select %lt3A_531, %select_n3A_534, %select_n3A_504 : vector<16xi1>, vector<16xi32>
          %select_n3A_536 = arith.select %lt3A_529, %select_n3A_510, %get3A_518 : vector<16xi1>, vector<16xf32>
          %select_n3A_537 = arith.select %lt3A_530, %select_n3A_536, %select_n3A_506 : vector<16xi1>, vector<16xf32>
          %select_n3A_538 = arith.select %lt3A_529, %select_n3A_512, %add3A_527 : vector<16xi1>, vector<16xi32>
          %select_n3A_539 = arith.select %lt3A_530, %select_n3A_538, %select_n3A_508 : vector<16xi1>, vector<16xi32>
          %select_n3A_540 = arith.select %lt3A_528, %select_n3A_513, %get3A_518 : vector<16xi1>, vector<16xf32>
          %select_n3A_541 = arith.select %lt3A_529, %select_n3A_540, %select_n3A_510 : vector<16xi1>, vector<16xf32>
          %select_n3A_542 = arith.select %lt3A_528, %select_n3A_514, %add3A_527 : vector<16xi1>, vector<16xi32>
          %select_n3A_543 = arith.select %lt3A_529, %select_n3A_542, %select_n3A_512 : vector<16xi1>, vector<16xi32>
          %select_n3A_544 = arith.select %lt3A_528, %get3A_518, %select_n3A_513 : vector<16xi1>, vector<16xf32>
          %select_n3A_545 = arith.select %lt3A_528, %add3A_527, %select_n3A_514 : vector<16xi1>, vector<16xi32>
          %get3A_546 = arith.constant 14 : i32
          %get3A_547 = arith.index_cast %get3A_546 : i32 to index
          %get3A_548 = arith.index_cast %mul3A_124 : i32 to index
          %get3A_549 = tpu.vector_load %arg6[%get3A_547, %get3A_548] {strides = array<i32>} : memref<32x1024xf32, #tpu.memory_space<vmem>>, vector<16xf32>,
          %mul3A_550 = arith.constant 32 : i32
          %mul3A_551 = arith.muli %add3A_70, %mul3A_550 : i32
          %add3A_552 = arith.addi %mul3A_32, %mul3A_551 : i32
          %add3A_553 = arith.constant 8 : i32
          %add3A_554 = arith.addi %add3A_552, %add3A_553 : i32
          %add3A_555 = arith.constant 6 : i32
          %add3A_556 = arith.addi %add3A_554, %add3A_555 : i32
          %add3A_557 = vector.broadcast %add3A_556 : i32 to vector<16xi32>
          %add3A_558 = arith.addi %broadcast_in_dim3A_33, %add3A_557 : vector<16xi32>
          %lt3A_559 = arith.cmpf olt, %get3A_549, %select_n3A_544 : vector<16xf32>
          %lt3A_560 = arith.cmpf olt, %get3A_549, %select_n3A_541 : vector<16xf32>
          %lt3A_561 = arith.cmpf olt, %get3A_549, %select_n3A_537 : vector<16xf32>
          %lt3A_562 = arith.cmpf olt, %get3A_549, %select_n3A_533 : vector<16xf32>
          %select_n3A_563 = arith.select %lt3A_561, %select_n3A_537, %get3A_549 : vector<16xi1>, vector<16xf32>
          %select_n3A_564 = arith.select %lt3A_562, %select_n3A_563, %select_n3A_533 : vector<16xi1>, vector<16xf32>
          %select_n3A_565 = arith.select %lt3A_561, %select_n3A_539, %add3A_558 : vector<16xi1>, vector<16xi32>
          %select_n3A_566 = arith.select %lt3A_562, %select_n3A_565, %select_n3A_535 : vector<16xi1>, vector<16xi32>
          %select_n3A_567 = arith.select %lt3A_560, %select_n3A_541, %get3A_549 : vector<16xi1>, vector<16xf32>
          %select_n3A_568 = arith.select %lt3A_561, %select_n3A_567, %select_n3A_537 : vector<16xi1>, vector<16xf32>
          %select_n3A_569 = arith.select %lt3A_560, %select_n3A_543, %add3A_558 : vector<16xi1>, vector<16xi32>
          %select_n3A_570 = arith.select %lt3A_561, %select_n3A_569, %select_n3A_539 : vector<16xi1>, vector<16xi32>
          %select_n3A_571 = arith.select %lt3A_559, %select_n3A_544, %get3A_549 : vector<16xi1>, vector<16xf32>
          %select_n3A_572 = arith.select %lt3A_560, %select_n3A_571, %select_n3A_541 : vector<16xi1>, vector<16xf32>
          %select_n3A_573 = arith.select %lt3A_559, %select_n3A_545, %add3A_558 : vector<16xi1>, vector<16xi32>
          %select_n3A_574 = arith.select %lt3A_560, %select_n3A_573, %select_n3A_543 : vector<16xi1>, vector<16xi32>
          %select_n3A_575 = arith.select %lt3A_559, %get3A_549, %select_n3A_544 : vector<16xi1>, vector<16xf32>
          %select_n3A_576 = arith.select %lt3A_559, %add3A_558, %select_n3A_545 : vector<16xi1>, vector<16xi32>
          %get3A_577 = arith.constant 15 : i32
          %get3A_578 = arith.index_cast %get3A_577 : i32 to index
          %get3A_579 = arith.index_cast %mul3A_124 : i32 to index
          %get3A_580 = tpu.vector_load %arg6[%get3A_578, %get3A_579] {strides = array<i32>} : memref<32x1024xf32, #tpu.memory_space<vmem>>, vector<16xf32>,
          %mul3A_581 = arith.constant 32 : i32
          %mul3A_582 = arith.muli %add3A_70, %mul3A_581 : i32
          %add3A_583 = arith.addi %mul3A_32, %mul3A_582 : i32
          %add3A_584 = arith.constant 8 : i32
          %add3A_585 = arith.addi %add3A_583, %add3A_584 : i32
          %add3A_586 = arith.constant 7 : i32
          %add3A_587 = arith.addi %add3A_585, %add3A_586 : i32
          %add3A_588 = vector.broadcast %add3A_587 : i32 to vector<16xi32>
          %add3A_589 = arith.addi %broadcast_in_dim3A_33, %add3A_588 : vector<16xi32>
          %lt3A_590 = arith.cmpf olt, %get3A_580, %select_n3A_575 : vector<16xf32>
          %lt3A_591 = arith.cmpf olt, %get3A_580, %select_n3A_572 : vector<16xf32>
          %lt3A_592 = arith.cmpf olt, %get3A_580, %select_n3A_568 : vector<16xf32>
          %lt3A_593 = arith.cmpf olt, %get3A_580, %select_n3A_564 : vector<16xf32>
          %select_n3A_594 = arith.select %lt3A_592, %select_n3A_568, %get3A_580 : vector<16xi1>, vector<16xf32>
          %select_n3A_595 = arith.select %lt3A_593, %select_n3A_594, %select_n3A_564 : vector<16xi1>, vector<16xf32>
          %select_n3A_596 = arith.select %lt3A_592, %select_n3A_570, %add3A_589 : vector<16xi1>, vector<16xi32>
          %select_n3A_597 = arith.select %lt3A_593, %select_n3A_596, %select_n3A_566 : vector<16xi1>, vector<16xi32>
          %select_n3A_598 = arith.select %lt3A_591, %select_n3A_572, %get3A_580 : vector<16xi1>, vector<16xf32>
          %select_n3A_599 = arith.select %lt3A_592, %select_n3A_598, %select_n3A_568 : vector<16xi1>, vector<16xf32>
          %select_n3A_600 = arith.select %lt3A_591, %select_n3A_574, %add3A_589 : vector<16xi1>, vector<16xi32>
          %select_n3A_601 = arith.select %lt3A_592, %select_n3A_600, %select_n3A_570 : vector<16xi1>, vector<16xi32>
          %select_n3A_602 = arith.select %lt3A_590, %select_n3A_575, %get3A_580 : vector<16xi1>, vector<16xf32>
          %select_n3A_603 = arith.select %lt3A_591, %select_n3A_602, %select_n3A_572 : vector<16xi1>, vector<16xf32>
          %select_n3A_604 = arith.select %lt3A_590, %select_n3A_576, %add3A_589 : vector<16xi1>, vector<16xi32>
          %select_n3A_605 = arith.select %lt3A_591, %select_n3A_604, %select_n3A_574 : vector<16xi1>, vector<16xi32>
          %select_n3A_606 = arith.select %lt3A_590, %get3A_580, %select_n3A_575 : vector<16xi1>, vector<16xf32>
          %select_n3A_607 = arith.select %lt3A_590, %add3A_589, %select_n3A_576 : vector<16xi1>, vector<16xi32>
          %swap3A = arith.constant 0 : i32
          %swap3A_608 = arith.index_cast %swap3A : i32 to index
          %swap3A_609 = arith.index_cast %mul3A_124 : i32 to index
          %swap3A_610 = tpu.vector_load %arg4[%swap3A_608, %swap3A_609] {strides = array<i32>} : memref<4x1024xf32, #tpu.memory_space<vmem>>, vector<16xf32>,
          tpu.vector_store %arg4[%swap3A_608, %swap3A_609], %select_n3A_606 {strides = array<i32>} : memref<4x1024xf32, #tpu.memory_space<vmem>>, vector<16xf32>,
          %swap3A_611 = arith.constant 0 : i32
          %swap3A_612 = arith.index_cast %swap3A_611 : i32 to index
          %swap3A_613 = arith.index_cast %mul3A_124 : i32 to index
          %swap3A_614 = tpu.vector_load %arg5[%swap3A_612, %swap3A_613] {strides = array<i32>} : memref<4x1024xi32, #tpu.memory_space<vmem>>, vector<16xi32>,
          tpu.vector_store %arg5[%swap3A_612, %swap3A_613], %select_n3A_607 {strides = array<i32>} : memref<4x1024xi32, #tpu.memory_space<vmem>>, vector<16xi32>,
          %swap3A_615 = arith.constant 1 : i32
          %swap3A_616 = arith.index_cast %swap3A_615 : i32 to index
          %swap3A_617 = arith.index_cast %mul3A_124 : i32 to index
          %swap3A_618 = tpu.vector_load %arg4[%swap3A_616, %swap3A_617] {strides = array<i32>} : memref<4x1024xf32, #tpu.memory_space<vmem>>, vector<16xf32>,
          tpu.vector_store %arg4[%swap3A_616, %swap3A_617], %select_n3A_603 {strides = array<i32>} : memref<4x1024xf32, #tpu.memory_space<vmem>>, vector<16xf32>,
          %swap3A_619 = arith.constant 1 : i32
          %swap3A_620 = arith.index_cast %swap3A_619 : i32 to index
          %swap3A_621 = arith.index_cast %mul3A_124 : i32 to index
          %swap3A_622 = tpu.vector_load %arg5[%swap3A_620, %swap3A_621] {strides = array<i32>} : memref<4x1024xi32, #tpu.memory_space<vmem>>, vector<16xi32>,
          tpu.vector_store %arg5[%swap3A_620, %swap3A_621], %select_n3A_605 {strides = array<i32>} : memref<4x1024xi32, #tpu.memory_space<vmem>>, vector<16xi32>,
          %swap3A_623 = arith.constant 2 : i32
          %swap3A_624 = arith.index_cast %swap3A_623 : i32 to index
          %swap3A_625 = arith.index_cast %mul3A_124 : i32 to index
          %swap3A_626 = tpu.vector_load %arg4[%swap3A_624, %swap3A_625] {strides = array<i32>} : memref<4x1024xf32, #tpu.memory_space<vmem>>, vector<16xf32>,
          tpu.vector_store %arg4[%swap3A_624, %swap3A_625], %select_n3A_599 {strides = array<i32>} : memref<4x1024xf32, #tpu.memory_space<vmem>>, vector<16xf32>,
          %swap3A_627 = arith.constant 2 : i32
          %swap3A_628 = arith.index_cast %swap3A_627 : i32 to index
          %swap3A_629 = arith.index_cast %mul3A_124 : i32 to index
          %swap3A_630 = tpu.vector_load %arg5[%swap3A_628, %swap3A_629] {strides = array<i32>} : memref<4x1024xi32, #tpu.memory_space<vmem>>, vector<16xi32>,
          tpu.vector_store %arg5[%swap3A_628, %swap3A_629], %select_n3A_601 {strides = array<i32>} : memref<4x1024xi32, #tpu.memory_space<vmem>>, vector<16xi32>,
          %swap3A_631 = arith.constant 3 : i32
          %swap3A_632 = arith.index_cast %swap3A_631 : i32 to index
          %swap3A_633 = arith.index_cast %mul3A_124 : i32 to index
          %swap3A_634 = tpu.vector_load %arg4[%swap3A_632, %swap3A_633] {strides = array<i32>} : memref<4x1024xf32, #tpu.memory_space<vmem>>, vector<16xf32>,
          tpu.vector_store %arg4[%swap3A_632, %swap3A_633], %select_n3A_595 {strides = array<i32>} : memref<4x1024xf32, #tpu.memory_space<vmem>>, vector<16xf32>,
          %swap3A_635 = arith.constant 3 : i32
          %swap3A_636 = arith.index_cast %swap3A_635 : i32 to index
          %swap3A_637 = arith.index_cast %mul3A_124 : i32 to index
          %swap3A_638 = tpu.vector_load %arg5[%swap3A_636, %swap3A_637] {strides = array<i32>} : memref<4x1024xi32, #tpu.memory_space<vmem>>, vector<16xi32>,
          tpu.vector_store %arg5[%swap3A_636, %swap3A_637], %select_n3A_597 {strides = array<i32>} : memref<4x1024xi32, #tpu.memory_space<vmem>>, vector<16xi32>,
        } else {
        }
        %get3A_223 = arith.constant 3 : i32
        %get3A_224 = arith.index_cast %get3A_223 : i32 to index
        %get3A_225 = arith.index_cast %mul3A_124 : i32 to index
        %get3A_226 = tpu.vector_load %arg4[%get3A_224, %get3A_225] {strides = array<i32>} : memref<4x1024xf32, #tpu.memory_space<vmem>>, vector<16xf32>,
        %get3A_227 = arith.constant 16 : i32
        %get3A_228 = arith.index_cast %get3A_227 : i32 to index
        %get3A_229 = arith.index_cast %mul3A_124 : i32 to index
        %get3A_230 = tpu.vector_load %arg6[%get3A_228, %get3A_229] {strides = array<i32>} : memref<32x1024xf32, #tpu.memory_space<vmem>>, vector<16xf32>,
        %get3A_231 = arith.constant 17 : i32
        %get3A_232 = arith.index_cast %get3A_231 : i32 to index
        %get3A_233 = arith.index_cast %mul3A_124 : i32 to index
        %get3A_234 = tpu.vector_load %arg6[%get3A_232, %get3A_233] {strides = array<i32>} : memref<32x1024xf32, #tpu.memory_space<vmem>>, vector<16xf32>,
        %min3A_235 = arith.minimumf %get3A_230, %get3A_234 : vector<16xf32>
        %get3A_236 = arith.constant 18 : i32
        %get3A_237 = arith.index_cast %get3A_236 : i32 to index
        %get3A_238 = arith.index_cast %mul3A_124 : i32 to index
        %get3A_239 = tpu.vector_load %arg6[%get3A_237, %get3A_238] {strides = array<i32>} : memref<32x1024xf32, #tpu.memory_space<vmem>>, vector<16xf32>,
        %min3A_240 = arith.minimumf %min3A_235, %get3A_239 : vector<16xf32>
        %get3A_241 = arith.constant 19 : i32
        %get3A_242 = arith.index_cast %get3A_241 : i32 to index
        %get3A_243 = arith.index_cast %mul3A_124 : i32 to index
        %get3A_244 = tpu.vector_load %arg6[%get3A_242, %get3A_243] {strides = array<i32>} : memref<32x1024xf32, #tpu.memory_space<vmem>>, vector<16xf32>,
        %min3A_245 = arith.minimumf %min3A_240, %get3A_244 : vector<16xf32>
        %get3A_246 = arith.constant 20 : i32
        %get3A_247 = arith.index_cast %get3A_246 : i32 to index
        %get3A_248 = arith.index_cast %mul3A_124 : i32 to index
        %get3A_249 = tpu.vector_load %arg6[%get3A_247, %get3A_248] {strides = array<i32>} : memref<32x1024xf32, #tpu.memory_space<vmem>>, vector<16xf32>,
        %min3A_250 = arith.minimumf %min3A_245, %get3A_249 : vector<16xf32>
        %get3A_251 = arith.constant 21 : i32
        %get3A_252 = arith.index_cast %get3A_251 : i32 to index
        %get3A_253 = arith.index_cast %mul3A_124 : i32 to index
        %get3A_254 = tpu.vector_load %arg6[%get3A_252, %get3A_253] {strides = array<i32>} : memref<32x1024xf32, #tpu.memory_space<vmem>>, vector<16xf32>,
        %min3A_255 = arith.minimumf %min3A_250, %get3A_254 : vector<16xf32>
        %get3A_256 = arith.constant 22 : i32
        %get3A_257 = arith.index_cast %get3A_256 : i32 to index
        %get3A_258 = arith.index_cast %mul3A_124 : i32 to index
        %get3A_259 = tpu.vector_load %arg6[%get3A_257, %get3A_258] {strides = array<i32>} : memref<32x1024xf32, #tpu.memory_space<vmem>>, vector<16xf32>,
        %min3A_260 = arith.minimumf %min3A_255, %get3A_259 : vector<16xf32>
        %get3A_261 = arith.constant 23 : i32
        %get3A_262 = arith.index_cast %get3A_261 : i32 to index
        %get3A_263 = arith.index_cast %mul3A_124 : i32 to index
        %get3A_264 = tpu.vector_load %arg6[%get3A_262, %get3A_263] {strides = array<i32>} : memref<32x1024xf32, #tpu.memory_space<vmem>>, vector<16xf32>,
        %min3A_265 = arith.minimumf %min3A_260, %get3A_264 : vector<16xf32>
        %lt3A_266 = arith.cmpf olt, %min3A_265, %get3A_226 : vector<16xf32>
        %all_reduce_population_count3A_267 = tpu.all_reduce %lt3A_266 {dim = 0 : i64, kind = #tpu.reduction_kind<sum>} : vector<16xi1> -> vector<16xi32>
        %slice3A_268 = vector.extract_strided_slice %all_reduce_population_count3A_267 {offsets = [0], sizes = [1], strides = [1]} : vector<16xi32> to vector<1xi32>
        %squeeze3A_269 = vector.extract %slice3A_268[0] : i32 from vector<1xi32>
        %gt3A_270 = arith.constant 0 : i32
        %gt3A_271 = arith.cmpi sgt, %squeeze3A_269, %gt3A_270 : i32
        %convert_element_type3A_272 = arith.extui %gt3A_271 : i1 to i32
        %cond3A_273 = arith.constant 0 : i32
        %cond3A_274 = arith.cmpi ne, %convert_element_type3A_272, %cond3A_273 : i32
        scf.if %cond3A_274 {
          %get3A_328 = arith.constant 0 : i32
          %get3A_329 = arith.index_cast %get3A_328 : i32 to index
          %get3A_330 = arith.index_cast %mul3A_124 : i32 to index
          %get3A_331 = tpu.vector_load %arg4[%get3A_329, %get3A_330] {strides = array<i32>} : memref<4x1024xf32, #tpu.memory_space<vmem>>, vector<16xf32>,
          %get3A_332 = arith.constant 1 : i32
          %get3A_333 = arith.index_cast %get3A_332 : i32 to index
          %get3A_334 = arith.index_cast %mul3A_124 : i32 to index
          %get3A_335 = tpu.vector_load %arg4[%get3A_333, %get3A_334] {strides = array<i32>} : memref<4x1024xf32, #tpu.memory_space<vmem>>, vector<16xf32>,
          %get3A_336 = arith.constant 2 : i32
          %get3A_337 = arith.index_cast %get3A_336 : i32 to index
          %get3A_338 = arith.index_cast %mul3A_124 : i32 to index
          %get3A_339 = tpu.vector_load %arg4[%get3A_337, %get3A_338] {strides = array<i32>} : memref<4x1024xf32, #tpu.memory_space<vmem>>, vector<16xf32>,
          %get3A_340 = arith.constant 3 : i32
          %get3A_341 = arith.index_cast %get3A_340 : i32 to index
          %get3A_342 = arith.index_cast %mul3A_124 : i32 to index
          %get3A_343 = tpu.vector_load %arg4[%get3A_341, %get3A_342] {strides = array<i32>} : memref<4x1024xf32, #tpu.memory_space<vmem>>, vector<16xf32>,
          %get3A_344 = arith.constant 0 : i32
          %get3A_345 = arith.index_cast %get3A_344 : i32 to index
          %get3A_346 = arith.index_cast %mul3A_124 : i32 to index
          %get3A_347 = tpu.vector_load %arg5[%get3A_345, %get3A_346] {strides = array<i32>} : memref<4x1024xi32, #tpu.memory_space<vmem>>, vector<16xi32>,
          %get3A_348 = arith.constant 1 : i32
          %get3A_349 = arith.index_cast %get3A_348 : i32 to index
          %get3A_350 = arith.index_cast %mul3A_124 : i32 to index
          %get3A_351 = tpu.vector_load %arg5[%get3A_349, %get3A_350] {strides = array<i32>} : memref<4x1024xi32, #tpu.memory_space<vmem>>, vector<16xi32>,
          %get3A_352 = arith.constant 2 : i32
          %get3A_353 = arith.index_cast %get3A_352 : i32 to index
          %get3A_354 = arith.index_cast %mul3A_124 : i32 to index
          %get3A_355 = tpu.vector_load %arg5[%get3A_353, %get3A_354] {strides = array<i32>} : memref<4x1024xi32, #tpu.memory_space<vmem>>, vector<16xi32>,
          %get3A_356 = arith.constant 3 : i32
          %get3A_357 = arith.index_cast %get3A_356 : i32 to index
          %get3A_358 = arith.index_cast %mul3A_124 : i32 to index
          %get3A_359 = tpu.vector_load %arg5[%get3A_357, %get3A_358] {strides = array<i32>} : memref<4x1024xi32, #tpu.memory_space<vmem>>, vector<16xi32>,
          %get3A_360 = arith.constant 16 : i32
          %get3A_361 = arith.index_cast %get3A_360 : i32 to index
          %get3A_362 = arith.index_cast %mul3A_124 : i32 to index
          %get3A_363 = tpu.vector_load %arg6[%get3A_361, %get3A_362] {strides = array<i32>} : memref<32x1024xf32, #tpu.memory_space<vmem>>, vector<16xf32>,
          %mul3A_364 = arith.constant 32 : i32
          %mul3A_365 = arith.muli %add3A_70, %mul3A_364 : i32
          %add3A_366 = arith.addi %mul3A_32, %mul3A_365 : i32
          %add3A_367 = arith.constant 16 : i32
          %add3A_368 = arith.addi %add3A_366, %add3A_367 : i32
          %add3A_369 = arith.constant 0 : i32
          %add3A_370 = arith.addi %add3A_368, %add3A_369 : i32
          %add3A_371 = vector.broadcast %add3A_370 : i32 to vector<16xi32>
          %add3A_372 = arith.addi %broadcast_in_dim3A_33, %add3A_371 : vector<16xi32>
          %lt3A_373 = arith.cmpf olt, %get3A_363, %get3A_331 : vector<16xf32>
          %lt3A_374 = arith.cmpf olt, %get3A_363, %get3A_335 : vector<16xf32>
          %lt3A_375 = arith.cmpf olt, %get3A_363, %get3A_339 : vector<16xf32>
          %lt3A_376 = arith.cmpf olt, %get3A_363, %get3A_343 : vector<16xf32>
          %select_n3A_377 = arith.select %lt3A_375, %get3A_339, %get3A_363 : vector<16xi1>, vector<16xf32>
          %select_n3A_378 = arith.select %lt3A_376, %select_n3A_377, %get3A_343 : vector<16xi1>, vector<16xf32>
          %select_n3A_379 = arith.select %lt3A_375, %get3A_355, %add3A_372 : vector<16xi1>, vector<16xi32>
          %select_n3A_380 = arith.select %lt3A_376, %select_n3A_379, %get3A_359 : vector<16xi1>, vector<16xi32>
          %select_n3A_381 = arith.select %lt3A_374, %get3A_335, %get3A_363 : vector<16xi1>, vector<16xf32>
          %select_n3A_382 = arith.select %lt3A_375, %select_n3A_381, %get3A_339 : vector<16xi1>, vector<16xf32>
          %select_n3A_383 = arith.select %lt3A_374, %get3A_351, %add3A_372 : vector<16xi1>, vector<16xi32>
          %select_n3A_384 = arith.select %lt3A_375, %select_n3A_383, %get3A_355 : vector<16xi1>, vector<16xi32>
          %select_n3A_385 = arith.select %lt3A_373, %get3A_331, %get3A_363 : vector<16xi1>, vector<16xf32>
          %select_n3A_386 = arith.select %lt3A_374, %select_n3A_385, %get3A_335 : vector<16xi1>, vector<16xf32>
          %select_n3A_387 = arith.select %lt3A_373, %get3A_347, %add3A_372 : vector<16xi1>, vector<16xi32>
          %select_n3A_388 = arith.select %lt3A_374, %select_n3A_387, %get3A_351 : vector<16xi1>, vector<16xi32>
          %select_n3A_389 = arith.select %lt3A_373, %get3A_363, %get3A_331 : vector<16xi1>, vector<16xf32>
          %select_n3A_390 = arith.select %lt3A_373, %add3A_372, %get3A_347 : vector<16xi1>, vector<16xi32>
          %get3A_391 = arith.constant 17 : i32
          %get3A_392 = arith.index_cast %get3A_391 : i32 to index
          %get3A_393 = arith.index_cast %mul3A_124 : i32 to index
          %get3A_394 = tpu.vector_load %arg6[%get3A_392, %get3A_393] {strides = array<i32>} : memref<32x1024xf32, #tpu.memory_space<vmem>>, vector<16xf32>,
          %mul3A_395 = arith.constant 32 : i32
          %mul3A_396 = arith.muli %add3A_70, %mul3A_395 : i32
          %add3A_397 = arith.addi %mul3A_32, %mul3A_396 : i32
          %add3A_398 = arith.constant 16 : i32
          %add3A_399 = arith.addi %add3A_397, %add3A_398 : i32
          %add3A_400 = arith.constant 1 : i32
          %add3A_401 = arith.addi %add3A_399, %add3A_400 : i32
          %add3A_402 = vector.broadcast %add3A_401 : i32 to vector<16xi32>
          %add3A_403 = arith.addi %broadcast_in_dim3A_33, %add3A_402 : vector<16xi32>
          %lt3A_404 = arith.cmpf olt, %get3A_394, %select_n3A_389 : vector<16xf32>
          %lt3A_405 = arith.cmpf olt, %get3A_394, %select_n3A_386 : vector<16xf32>
          %lt3A_406 = arith.cmpf olt, %get3A_394, %select_n3A_382 : vector<16xf32>
          %lt3A_407 = arith.cmpf olt, %get3A_394, %select_n3A_378 : vector<16xf32>
          %select_n3A_408 = arith.select %lt3A_406, %select_n3A_382, %get3A_394 : vector<16xi1>, vector<16xf32>
          %select_n3A_409 = arith.select %lt3A_407, %select_n3A_408, %select_n3A_378 : vector<16xi1>, vector<16xf32>
          %select_n3A_410 = arith.select %lt3A_406, %select_n3A_384, %add3A_403 : vector<16xi1>, vector<16xi32>
          %select_n3A_411 = arith.select %lt3A_407, %select_n3A_410, %select_n3A_380 : vector<16xi1>, vector<16xi32>
          %select_n3A_412 = arith.select %lt3A_405, %select_n3A_386, %get3A_394 : vector<16xi1>, vector<16xf32>
          %select_n3A_413 = arith.select %lt3A_406, %select_n3A_412, %select_n3A_382 : vector<16xi1>, vector<16xf32>
          %select_n3A_414 = arith.select %lt3A_405, %select_n3A_388, %add3A_403 : vector<16xi1>, vector<16xi32>
          %select_n3A_415 = arith.select %lt3A_406, %select_n3A_414, %select_n3A_384 : vector<16xi1>, vector<16xi32>
          %select_n3A_416 = arith.select %lt3A_404, %select_n3A_389, %get3A_394 : vector<16xi1>, vector<16xf32>
          %select_n3A_417 = arith.select %lt3A_405, %select_n3A_416, %select_n3A_386 : vector<16xi1>, vector<16xf32>
          %select_n3A_418 = arith.select %lt3A_404, %select_n3A_390, %add3A_403 : vector<16xi1>, vector<16xi32>
          %select_n3A_419 = arith.select %lt3A_405, %select_n3A_418, %select_n3A_388 : vector<16xi1>, vector<16xi32>
          %select_n3A_420 = arith.select %lt3A_404, %get3A_394, %select_n3A_389 : vector<16xi1>, vector<16xf32>
          %select_n3A_421 = arith.select %lt3A_404, %add3A_403, %select_n3A_390 : vector<16xi1>, vector<16xi32>
          %get3A_422 = arith.constant 18 : i32
          %get3A_423 = arith.index_cast %get3A_422 : i32 to index
          %get3A_424 = arith.index_cast %mul3A_124 : i32 to index
          %get3A_425 = tpu.vector_load %arg6[%get3A_423, %get3A_424] {strides = array<i32>} : memref<32x1024xf32, #tpu.memory_space<vmem>>, vector<16xf32>,
          %mul3A_426 = arith.constant 32 : i32
          %mul3A_427 = arith.muli %add3A_70, %mul3A_426 : i32
          %add3A_428 = arith.addi %mul3A_32, %mul3A_427 : i32
          %add3A_429 = arith.constant 16 : i32
          %add3A_430 = arith.addi %add3A_428, %add3A_429 : i32
          %add3A_431 = arith.constant 2 : i32
          %add3A_432 = arith.addi %add3A_430, %add3A_431 : i32
          %add3A_433 = vector.broadcast %add3A_432 : i32 to vector<16xi32>
          %add3A_434 = arith.addi %broadcast_in_dim3A_33, %add3A_433 : vector<16xi32>
          %lt3A_435 = arith.cmpf olt, %get3A_425, %select_n3A_420 : vector<16xf32>
          %lt3A_436 = arith.cmpf olt, %get3A_425, %select_n3A_417 : vector<16xf32>
          %lt3A_437 = arith.cmpf olt, %get3A_425, %select_n3A_413 : vector<16xf32>
          %lt3A_438 = arith.cmpf olt, %get3A_425, %select_n3A_409 : vector<16xf32>
          %select_n3A_439 = arith.select %lt3A_437, %select_n3A_413, %get3A_425 : vector<16xi1>, vector<16xf32>
          %select_n3A_440 = arith.select %lt3A_438, %select_n3A_439, %select_n3A_409 : vector<16xi1>, vector<16xf32>
          %select_n3A_441 = arith.select %lt3A_437, %select_n3A_415, %add3A_434 : vector<16xi1>, vector<16xi32>
          %select_n3A_442 = arith.select %lt3A_438, %select_n3A_441, %select_n3A_411 : vector<16xi1>, vector<16xi32>
          %select_n3A_443 = arith.select %lt3A_436, %select_n3A_417, %get3A_425 : vector<16xi1>, vector<16xf32>
          %select_n3A_444 = arith.select %lt3A_437, %select_n3A_443, %select_n3A_413 : vector<16xi1>, vector<16xf32>
          %select_n3A_445 = arith.select %lt3A_436, %select_n3A_419, %add3A_434 : vector<16xi1>, vector<16xi32>
          %select_n3A_446 = arith.select %lt3A_437, %select_n3A_445, %select_n3A_415 : vector<16xi1>, vector<16xi32>
          %select_n3A_447 = arith.select %lt3A_435, %select_n3A_420, %get3A_425 : vector<16xi1>, vector<16xf32>
          %select_n3A_448 = arith.select %lt3A_436, %select_n3A_447, %select_n3A_417 : vector<16xi1>, vector<16xf32>
          %select_n3A_449 = arith.select %lt3A_435, %select_n3A_421, %add3A_434 : vector<16xi1>, vector<16xi32>
          %select_n3A_450 = arith.select %lt3A_436, %select_n3A_449, %select_n3A_419 : vector<16xi1>, vector<16xi32>
          %select_n3A_451 = arith.select %lt3A_435, %get3A_425, %select_n3A_420 : vector<16xi1>, vector<16xf32>
          %select_n3A_452 = arith.select %lt3A_435, %add3A_434, %select_n3A_421 : vector<16xi1>, vector<16xi32>
          %get3A_453 = arith.constant 19 : i32
          %get3A_454 = arith.index_cast %get3A_453 : i32 to index
          %get3A_455 = arith.index_cast %mul3A_124 : i32 to index
          %get3A_456 = tpu.vector_load %arg6[%get3A_454, %get3A_455] {strides = array<i32>} : memref<32x1024xf32, #tpu.memory_space<vmem>>, vector<16xf32>,
          %mul3A_457 = arith.constant 32 : i32
          %mul3A_458 = arith.muli %add3A_70, %mul3A_457 : i32
          %add3A_459 = arith.addi %mul3A_32, %mul3A_458 : i32
          %add3A_460 = arith.constant 16 : i32
          %add3A_461 = arith.addi %add3A_459, %add3A_460 : i32
          %add3A_462 = arith.constant 3 : i32
          %add3A_463 = arith.addi %add3A_461, %add3A_462 : i32
          %add3A_464 = vector.broadcast %add3A_463 : i32 to vector<16xi32>
          %add3A_465 = arith.addi %broadcast_in_dim3A_33, %add3A_464 : vector<16xi32>
          %lt3A_466 = arith.cmpf olt, %get3A_456, %select_n3A_451 : vector<16xf32>
          %lt3A_467 = arith.cmpf olt, %get3A_456, %select_n3A_448 : vector<16xf32>
          %lt3A_468 = arith.cmpf olt, %get3A_456, %select_n3A_444 : vector<16xf32>
          %lt3A_469 = arith.cmpf olt, %get3A_456, %select_n3A_440 : vector<16xf32>
          %select_n3A_470 = arith.select %lt3A_468, %select_n3A_444, %get3A_456 : vector<16xi1>, vector<16xf32>
          %select_n3A_471 = arith.select %lt3A_469, %select_n3A_470, %select_n3A_440 : vector<16xi1>, vector<16xf32>
          %select_n3A_472 = arith.select %lt3A_468, %select_n3A_446, %add3A_465 : vector<16xi1>, vector<16xi32>
          %select_n3A_473 = arith.select %lt3A_469, %select_n3A_472, %select_n3A_442 : vector<16xi1>, vector<16xi32>
          %select_n3A_474 = arith.select %lt3A_467, %select_n3A_448, %get3A_456 : vector<16xi1>, vector<16xf32>
          %select_n3A_475 = arith.select %lt3A_468, %select_n3A_474, %select_n3A_444 : vector<16xi1>, vector<16xf32>
          %select_n3A_476 = arith.select %lt3A_467, %select_n3A_450, %add3A_465 : vector<16xi1>, vector<16xi32>
          %select_n3A_477 = arith.select %lt3A_468, %select_n3A_476, %select_n3A_446 : vector<16xi1>, vector<16xi32>
          %select_n3A_478 = arith.select %lt3A_466, %select_n3A_451, %get3A_456 : vector<16xi1>, vector<16xf32>
          %select_n3A_479 = arith.select %lt3A_467, %select_n3A_478, %select_n3A_448 : vector<16xi1>, vector<16xf32>
          %select_n3A_480 = arith.select %lt3A_466, %select_n3A_452, %add3A_465 : vector<16xi1>, vector<16xi32>
          %select_n3A_481 = arith.select %lt3A_467, %select_n3A_480, %select_n3A_450 : vector<16xi1>, vector<16xi32>
          %select_n3A_482 = arith.select %lt3A_466, %get3A_456, %select_n3A_451 : vector<16xi1>, vector<16xf32>
          %select_n3A_483 = arith.select %lt3A_466, %add3A_465, %select_n3A_452 : vector<16xi1>, vector<16xi32>
          %get3A_484 = arith.constant 20 : i32
          %get3A_485 = arith.index_cast %get3A_484 : i32 to index
          %get3A_486 = arith.index_cast %mul3A_124 : i32 to index
          %get3A_487 = tpu.vector_load %arg6[%get3A_485, %get3A_486] {strides = array<i32>} : memref<32x1024xf32, #tpu.memory_space<vmem>>, vector<16xf32>,
          %mul3A_488 = arith.constant 32 : i32
          %mul3A_489 = arith.muli %add3A_70, %mul3A_488 : i32
          %add3A_490 = arith.addi %mul3A_32, %mul3A_489 : i32
          %add3A_491 = arith.constant 16 : i32
          %add3A_492 = arith.addi %add3A_490, %add3A_491 : i32
          %add3A_493 = arith.constant 4 : i32
          %add3A_494 = arith.addi %add3A_492, %add3A_493 : i32
          %add3A_495 = vector.broadcast %add3A_494 : i32 to vector<16xi32>
          %add3A_496 = arith.addi %broadcast_in_dim3A_33, %add3A_495 : vector<16xi32>
          %lt3A_497 = arith.cmpf olt, %get3A_487, %select_n3A_482 : vector<16xf32>
          %lt3A_498 = arith.cmpf olt, %get3A_487, %select_n3A_479 : vector<16xf32>
          %lt3A_499 = arith.cmpf olt, %get3A_487, %select_n3A_475 : vector<16xf32>
          %lt3A_500 = arith.cmpf olt, %get3A_487, %select_n3A_471 : vector<16xf32>
          %select_n3A_501 = arith.select %lt3A_499, %select_n3A_475, %get3A_487 : vector<16xi1>, vector<16xf32>
          %select_n3A_502 = arith.select %lt3A_500, %select_n3A_501, %select_n3A_471 : vector<16xi1>, vector<16xf32>
          %select_n3A_503 = arith.select %lt3A_499, %select_n3A_477, %add3A_496 : vector<16xi1>, vector<16xi32>
          %select_n3A_504 = arith.select %lt3A_500, %select_n3A_503, %select_n3A_473 : vector<16xi1>, vector<16xi32>
          %select_n3A_505 = arith.select %lt3A_498, %select_n3A_479, %get3A_487 : vector<16xi1>, vector<16xf32>
          %select_n3A_506 = arith.select %lt3A_499, %select_n3A_505, %select_n3A_475 : vector<16xi1>, vector<16xf32>
          %select_n3A_507 = arith.select %lt3A_498, %select_n3A_481, %add3A_496 : vector<16xi1>, vector<16xi32>
          %select_n3A_508 = arith.select %lt3A_499, %select_n3A_507, %select_n3A_477 : vector<16xi1>, vector<16xi32>
          %select_n3A_509 = arith.select %lt3A_497, %select_n3A_482, %get3A_487 : vector<16xi1>, vector<16xf32>
          %select_n3A_510 = arith.select %lt3A_498, %select_n3A_509, %select_n3A_479 : vector<16xi1>, vector<16xf32>
          %select_n3A_511 = arith.select %lt3A_497, %select_n3A_483, %add3A_496 : vector<16xi1>, vector<16xi32>
          %select_n3A_512 = arith.select %lt3A_498, %select_n3A_511, %select_n3A_481 : vector<16xi1>, vector<16xi32>
          %select_n3A_513 = arith.select %lt3A_497, %get3A_487, %select_n3A_482 : vector<16xi1>, vector<16xf32>
          %select_n3A_514 = arith.select %lt3A_497, %add3A_496, %select_n3A_483 : vector<16xi1>, vector<16xi32>
          %get3A_515 = arith.constant 21 : i32
          %get3A_516 = arith.index_cast %get3A_515 : i32 to index
          %get3A_517 = arith.index_cast %mul3A_124 : i32 to index
          %get3A_518 = tpu.vector_load %arg6[%get3A_516, %get3A_517] {strides = array<i32>} : memref<32x1024xf32, #tpu.memory_space<vmem>>, vector<16xf32>,
          %mul3A_519 = arith.constant 32 : i32
          %mul3A_520 = arith.muli %add3A_70, %mul3A_519 : i32
          %add3A_521 = arith.addi %mul3A_32, %mul3A_520 : i32
          %add3A_522 = arith.constant 16 : i32
          %add3A_523 = arith.addi %add3A_521, %add3A_522 : i32
          %add3A_524 = arith.constant 5 : i32
          %add3A_525 = arith.addi %add3A_523, %add3A_524 : i32
          %add3A_526 = vector.broadcast %add3A_525 : i32 to vector<16xi32>
          %add3A_527 = arith.addi %broadcast_in_dim3A_33, %add3A_526 : vector<16xi32>
          %lt3A_528 = arith.cmpf olt, %get3A_518, %select_n3A_513 : vector<16xf32>
          %lt3A_529 = arith.cmpf olt, %get3A_518, %select_n3A_510 : vector<16xf32>
          %lt3A_530 = arith.cmpf olt, %get3A_518, %select_n3A_506 : vector<16xf32>
          %lt3A_531 = arith.cmpf olt, %get3A_518, %select_n3A_502 : vector<16xf32>
          %select_n3A_532 = arith.select %lt3A_530, %select_n3A_506, %get3A_518 : vector<16xi1>, vector<16xf32>
          %select_n3A_533 = arith.select %lt3A_531, %select_n3A_532, %select_n3A_502 : vector<16xi1>, vector<16xf32>
          %select_n3A_534 = arith.select %lt3A_530, %select_n3A_508, %add3A_527 : vector<16xi1>, vector<16xi32>
          %select_n3A_535 = arith.select %lt3A_531, %select_n3A_534, %select_n3A_504 : vector<16xi1>, vector<16xi32>
          %select_n3A_536 = arith.select %lt3A_529, %select_n3A_510, %get3A_518 : vector<16xi1>, vector<16xf32>
          %select_n3A_537 = arith.select %lt3A_530, %select_n3A_536, %select_n3A_506 : vector<16xi1>, vector<16xf32>
          %select_n3A_538 = arith.select %lt3A_529, %select_n3A_512, %add3A_527 : vector<16xi1>, vector<16xi32>
          %select_n3A_539 = arith.select %lt3A_530, %select_n3A_538, %select_n3A_508 : vector<16xi1>, vector<16xi32>
          %select_n3A_540 = arith.select %lt3A_528, %select_n3A_513, %get3A_518 : vector<16xi1>, vector<16xf32>
          %select_n3A_541 = arith.select %lt3A_529, %select_n3A_540, %select_n3A_510 : vector<16xi1>, vector<16xf32>
          %select_n3A_542 = arith.select %lt3A_528, %select_n3A_514, %add3A_527 : vector<16xi1>, vector<16xi32>
          %select_n3A_543 = arith.select %lt3A_529, %select_n3A_542, %select_n3A_512 : vector<16xi1>, vector<16xi32>
          %select_n3A_544 = arith.select %lt3A_528, %get3A_518, %select_n3A_513 : vector<16xi1>, vector<16xf32>
          %select_n3A_545 = arith.select %lt3A_528, %add3A_527, %select_n3A_514 : vector<16xi1>, vector<16xi32>
          %get3A_546 = arith.constant 22 : i32
          %get3A_547 = arith.index_cast %get3A_546 : i32 to index
          %get3A_548 = arith.index_cast %mul3A_124 : i32 to index
          %get3A_549 = tpu.vector_load %arg6[%get3A_547, %get3A_548] {strides = array<i32>} : memref<32x1024xf32, #tpu.memory_space<vmem>>, vector<16xf32>,
          %mul3A_550 = arith.constant 32 : i32
          %mul3A_551 = arith.muli %add3A_70, %mul3A_550 : i32
          %add3A_552 = arith.addi %mul3A_32, %mul3A_551 : i32
          %add3A_553 = arith.constant 16 : i32
          %add3A_554 = arith.addi %add3A_552, %add3A_553 : i32
          %add3A_555 = arith.constant 6 : i32
          %add3A_556 = arith.addi %add3A_554, %add3A_555 : i32
          %add3A_557 = vector.broadcast %add3A_556 : i32 to vector<16xi32>
          %add3A_558 = arith.addi %broadcast_in_dim3A_33, %add3A_557 : vector<16xi32>
          %lt3A_559 = arith.cmpf olt, %get3A_549, %select_n3A_544 : vector<16xf32>
          %lt3A_560 = arith.cmpf olt, %get3A_549, %select_n3A_541 : vector<16xf32>
          %lt3A_561 = arith.cmpf olt, %get3A_549, %select_n3A_537 : vector<16xf32>
          %lt3A_562 = arith.cmpf olt, %get3A_549, %select_n3A_533 : vector<16xf32>
          %select_n3A_563 = arith.select %lt3A_561, %select_n3A_537, %get3A_549 : vector<16xi1>, vector<16xf32>
          %select_n3A_564 = arith.select %lt3A_562, %select_n3A_563, %select_n3A_533 : vector<16xi1>, vector<16xf32>
          %select_n3A_565 = arith.select %lt3A_561, %select_n3A_539, %add3A_558 : vector<16xi1>, vector<16xi32>
          %select_n3A_566 = arith.select %lt3A_562, %select_n3A_565, %select_n3A_535 : vector<16xi1>, vector<16xi32>
          %select_n3A_567 = arith.select %lt3A_560, %select_n3A_541, %get3A_549 : vector<16xi1>, vector<16xf32>
          %select_n3A_568 = arith.select %lt3A_561, %select_n3A_567, %select_n3A_537 : vector<16xi1>, vector<16xf32>
          %select_n3A_569 = arith.select %lt3A_560, %select_n3A_543, %add3A_558 : vector<16xi1>, vector<16xi32>
          %select_n3A_570 = arith.select %lt3A_561, %select_n3A_569, %select_n3A_539 : vector<16xi1>, vector<16xi32>
          %select_n3A_571 = arith.select %lt3A_559, %select_n3A_544, %get3A_549 : vector<16xi1>, vector<16xf32>
          %select_n3A_572 = arith.select %lt3A_560, %select_n3A_571, %select_n3A_541 : vector<16xi1>, vector<16xf32>
          %select_n3A_573 = arith.select %lt3A_559, %select_n3A_545, %add3A_558 : vector<16xi1>, vector<16xi32>
          %select_n3A_574 = arith.select %lt3A_560, %select_n3A_573, %select_n3A_543 : vector<16xi1>, vector<16xi32>
          %select_n3A_575 = arith.select %lt3A_559, %get3A_549, %select_n3A_544 : vector<16xi1>, vector<16xf32>
          %select_n3A_576 = arith.select %lt3A_559, %add3A_558, %select_n3A_545 : vector<16xi1>, vector<16xi32>
          %get3A_577 = arith.constant 23 : i32
          %get3A_578 = arith.index_cast %get3A_577 : i32 to index
          %get3A_579 = arith.index_cast %mul3A_124 : i32 to index
          %get3A_580 = tpu.vector_load %arg6[%get3A_578, %get3A_579] {strides = array<i32>} : memref<32x1024xf32, #tpu.memory_space<vmem>>, vector<16xf32>,
          %mul3A_581 = arith.constant 32 : i32
          %mul3A_582 = arith.muli %add3A_70, %mul3A_581 : i32
          %add3A_583 = arith.addi %mul3A_32, %mul3A_582 : i32
          %add3A_584 = arith.constant 16 : i32
          %add3A_585 = arith.addi %add3A_583, %add3A_584 : i32
          %add3A_586 = arith.constant 7 : i32
          %add3A_587 = arith.addi %add3A_585, %add3A_586 : i32
          %add3A_588 = vector.broadcast %add3A_587 : i32 to vector<16xi32>
          %add3A_589 = arith.addi %broadcast_in_dim3A_33, %add3A_588 : vector<16xi32>
          %lt3A_590 = arith.cmpf olt, %get3A_580, %select_n3A_575 : vector<16xf32>
          %lt3A_591 = arith.cmpf olt, %get3A_580, %select_n3A_572 : vector<16xf32>
          %lt3A_592 = arith.cmpf olt, %get3A_580, %select_n3A_568 : vector<16xf32>
          %lt3A_593 = arith.cmpf olt, %get3A_580, %select_n3A_564 : vector<16xf32>
          %select_n3A_594 = arith.select %lt3A_592, %select_n3A_568, %get3A_580 : vector<16xi1>, vector<16xf32>
          %select_n3A_595 = arith.select %lt3A_593, %select_n3A_594, %select_n3A_564 : vector<16xi1>, vector<16xf32>
          %select_n3A_596 = arith.select %lt3A_592, %select_n3A_570, %add3A_589 : vector<16xi1>, vector<16xi32>
          %select_n3A_597 = arith.select %lt3A_593, %select_n3A_596, %select_n3A_566 : vector<16xi1>, vector<16xi32>
          %select_n3A_598 = arith.select %lt3A_591, %select_n3A_572, %get3A_580 : vector<16xi1>, vector<16xf32>
          %select_n3A_599 = arith.select %lt3A_592, %select_n3A_598, %select_n3A_568 : vector<16xi1>, vector<16xf32>
          %select_n3A_600 = arith.select %lt3A_591, %select_n3A_574, %add3A_589 : vector<16xi1>, vector<16xi32>
          %select_n3A_601 = arith.select %lt3A_592, %select_n3A_600, %select_n3A_570 : vector<16xi1>, vector<16xi32>
          %select_n3A_602 = arith.select %lt3A_590, %select_n3A_575, %get3A_580 : vector<16xi1>, vector<16xf32>
          %select_n3A_603 = arith.select %lt3A_591, %select_n3A_602, %select_n3A_572 : vector<16xi1>, vector<16xf32>
          %select_n3A_604 = arith.select %lt3A_590, %select_n3A_576, %add3A_589 : vector<16xi1>, vector<16xi32>
          %select_n3A_605 = arith.select %lt3A_591, %select_n3A_604, %select_n3A_574 : vector<16xi1>, vector<16xi32>
          %select_n3A_606 = arith.select %lt3A_590, %get3A_580, %select_n3A_575 : vector<16xi1>, vector<16xf32>
          %select_n3A_607 = arith.select %lt3A_590, %add3A_589, %select_n3A_576 : vector<16xi1>, vector<16xi32>
          %swap3A = arith.constant 0 : i32
          %swap3A_608 = arith.index_cast %swap3A : i32 to index
          %swap3A_609 = arith.index_cast %mul3A_124 : i32 to index
          %swap3A_610 = tpu.vector_load %arg4[%swap3A_608, %swap3A_609] {strides = array<i32>} : memref<4x1024xf32, #tpu.memory_space<vmem>>, vector<16xf32>,
          tpu.vector_store %arg4[%swap3A_608, %swap3A_609], %select_n3A_606 {strides = array<i32>} : memref<4x1024xf32, #tpu.memory_space<vmem>>, vector<16xf32>,
          %swap3A_611 = arith.constant 0 : i32
          %swap3A_612 = arith.index_cast %swap3A_611 : i32 to index
          %swap3A_613 = arith.index_cast %mul3A_124 : i32 to index
          %swap3A_614 = tpu.vector_load %arg5[%swap3A_612, %swap3A_613] {strides = array<i32>} : memref<4x1024xi32, #tpu.memory_space<vmem>>, vector<16xi32>,
          tpu.vector_store %arg5[%swap3A_612, %swap3A_613], %select_n3A_607 {strides = array<i32>} : memref<4x1024xi32, #tpu.memory_space<vmem>>, vector<16xi32>,
          %swap3A_615 = arith.constant 1 : i32
          %swap3A_616 = arith.index_cast %swap3A_615 : i32 to index
          %swap3A_617 = arith.index_cast %mul3A_124 : i32 to index
          %swap3A_618 = tpu.vector_load %arg4[%swap3A_616, %swap3A_617] {strides = array<i32>} : memref<4x1024xf32, #tpu.memory_space<vmem>>, vector<16xf32>,
          tpu.vector_store %arg4[%swap3A_616, %swap3A_617], %select_n3A_603 {strides = array<i32>} : memref<4x1024xf32, #tpu.memory_space<vmem>>, vector<16xf32>,
          %swap3A_619 = arith.constant 1 : i32
          %swap3A_620 = arith.index_cast %swap3A_619 : i32 to index
          %swap3A_621 = arith.index_cast %mul3A_124 : i32 to index
          %swap3A_622 = tpu.vector_load %arg5[%swap3A_620, %swap3A_621] {strides = array<i32>} : memref<4x1024xi32, #tpu.memory_space<vmem>>, vector<16xi32>,
          tpu.vector_store %arg5[%swap3A_620, %swap3A_621], %select_n3A_605 {strides = array<i32>} : memref<4x1024xi32, #tpu.memory_space<vmem>>, vector<16xi32>,
          %swap3A_623 = arith.constant 2 : i32
          %swap3A_624 = arith.index_cast %swap3A_623 : i32 to index
          %swap3A_625 = arith.index_cast %mul3A_124 : i32 to index
          %swap3A_626 = tpu.vector_load %arg4[%swap3A_624, %swap3A_625] {strides = array<i32>} : memref<4x1024xf32, #tpu.memory_space<vmem>>, vector<16xf32>,
          tpu.vector_store %arg4[%swap3A_624, %swap3A_625], %select_n3A_599 {strides = array<i32>} : memref<4x1024xf32, #tpu.memory_space<vmem>>, vector<16xf32>,
          %swap3A_627 = arith.constant 2 : i32
          %swap3A_628 = arith.index_cast %swap3A_627 : i32 to index
          %swap3A_629 = arith.index_cast %mul3A_124 : i32 to index
          %swap3A_630 = tpu.vector_load %arg5[%swap3A_628, %swap3A_629] {strides = array<i32>} : memref<4x1024xi32, #tpu.memory_space<vmem>>, vector<16xi32>,
          tpu.vector_store %arg5[%swap3A_628, %swap3A_629], %select_n3A_601 {strides = array<i32>} : memref<4x1024xi32, #tpu.memory_space<vmem>>, vector<16xi32>,
          %swap3A_631 = arith.constant 3 : i32
          %swap3A_632 = arith.index_cast %swap3A_631 : i32 to index
          %swap3A_633 = arith.index_cast %mul3A_124 : i32 to index
          %swap3A_634 = tpu.vector_load %arg4[%swap3A_632, %swap3A_633] {strides = array<i32>} : memref<4x1024xf32, #tpu.memory_space<vmem>>, vector<16xf32>,
          tpu.vector_store %arg4[%swap3A_632, %swap3A_633], %select_n3A_595 {strides = array<i32>} : memref<4x1024xf32, #tpu.memory_space<vmem>>, vector<16xf32>,
          %swap3A_635 = arith.constant 3 : i32
          %swap3A_636 = arith.index_cast %swap3A_635 : i32 to index
          %swap3A_637 = arith.index_cast %mul3A_124 : i32 to index
          %swap3A_638 = tpu.vector_load %arg5[%swap3A_636, %swap3A_637] {strides = array<i32>} : memref<4x1024xi32, #tpu.memory_space<vmem>>, vector<16xi32>,
          tpu.vector_store %arg5[%swap3A_636, %swap3A_637], %select_n3A_597 {strides = array<i32>} : memref<4x1024xi32, #tpu.memory_space<vmem>>, vector<16xi32>,
        } else {
        }
        %get3A_275 = arith.constant 3 : i32
        %get3A_276 = arith.index_cast %get3A_275 : i32 to index
        %get3A_277 = arith.index_cast %mul3A_124 : i32 to index
        %get3A_278 = tpu.vector_load %arg4[%get3A_276, %get3A_277] {strides = array<i32>} : memref<4x1024xf32, #tpu.memory_space<vmem>>, vector<16xf32>,
        %get3A_279 = arith.constant 24 : i32
        %get3A_280 = arith.index_cast %get3A_279 : i32 to index
        %get3A_281 = arith.index_cast %mul3A_124 : i32 to index
        %get3A_282 = tpu.vector_load %arg6[%get3A_280, %get3A_281] {strides = array<i32>} : memref<32x1024xf32, #tpu.memory_space<vmem>>, vector<16xf32>,
        %get3A_283 = arith.constant 25 : i32
        %get3A_284 = arith.index_cast %get3A_283 : i32 to index
        %get3A_285 = arith.index_cast %mul3A_124 : i32 to index
        %get3A_286 = tpu.vector_load %arg6[%get3A_284, %get3A_285] {strides = array<i32>} : memref<32x1024xf32, #tpu.memory_space<vmem>>, vector<16xf32>,
        %min3A_287 = arith.minimumf %get3A_282, %get3A_286 : vector<16xf32>
        %get3A_288 = arith.constant 26 : i32
        %get3A_289 = arith.index_cast %get3A_288 : i32 to index
        %get3A_290 = arith.index_cast %mul3A_124 : i32 to index
        %get3A_291 = tpu.vector_load %arg6[%get3A_289, %get3A_290] {strides = array<i32>} : memref<32x1024xf32, #tpu.memory_space<vmem>>, vector<16xf32>,
        %min3A_292 = arith.minimumf %min3A_287, %get3A_291 : vector<16xf32>
        %get3A_293 = arith.constant 27 : i32
        %get3A_294 = arith.index_cast %get3A_293 : i32 to index
        %get3A_295 = arith.index_cast %mul3A_124 : i32 to index
        %get3A_296 = tpu.vector_load %arg6[%get3A_294, %get3A_295] {strides = array<i32>} : memref<32x1024xf32, #tpu.memory_space<vmem>>, vector<16xf32>,
        %min3A_297 = arith.minimumf %min3A_292, %get3A_296 : vector<16xf32>
        %get3A_298 = arith.constant 28 : i32
        %get3A_299 = arith.index_cast %get3A_298 : i32 to index
        %get3A_300 = arith.index_cast %mul3A_124 : i32 to index
        %get3A_301 = tpu.vector_load %arg6[%get3A_299, %get3A_300] {strides = array<i32>} : memref<32x1024xf32, #tpu.memory_space<vmem>>, vector<16xf32>,
        %min3A_302 = arith.minimumf %min3A_297, %get3A_301 : vector<16xf32>
        %get3A_303 = arith.constant 29 : i32
        %get3A_304 = arith.index_cast %get3A_303 : i32 to index
        %get3A_305 = arith.index_cast %mul3A_124 : i32 to index
        %get3A_306 = tpu.vector_load %arg6[%get3A_304, %get3A_305] {strides = array<i32>} : memref<32x1024xf32, #tpu.memory_space<vmem>>, vector<16xf32>,
        %min3A_307 = arith.minimumf %min3A_302, %get3A_306 : vector<16xf32>
        %get3A_308 = arith.constant 30 : i32
        %get3A_309 = arith.index_cast %get3A_308 : i32 to index
        %get3A_310 = arith.index_cast %mul3A_124 : i32 to index
        %get3A_311 = tpu.vector_load %arg6[%get3A_309, %get3A_310] {strides = array<i32>} : memref<32x1024xf32, #tpu.memory_space<vmem>>, vector<16xf32>,
        %min3A_312 = arith.minimumf %min3A_307, %get3A_311 : vector<16xf32>
        %get3A_313 = arith.constant 31 : i32
        %get3A_314 = arith.index_cast %get3A_313 : i32 to index
        %get3A_315 = arith.index_cast %mul3A_124 : i32 to index
        %get3A_316 = tpu.vector_load %arg6[%get3A_314, %get3A_315] {strides = array<i32>} : memref<32x1024xf32, #tpu.memory_space<vmem>>, vector<16xf32>,
        %min3A_317 = arith.minimumf %min3A_312, %get3A_316 : vector<16xf32>
        %lt3A_318 = arith.cmpf olt, %min3A_317, %get3A_278 : vector<16xf32>
        %all_reduce_population_count3A_319 = tpu.all_reduce %lt3A_318 {dim = 0 : i64, kind = #tpu.reduction_kind<sum>} : vector<16xi1> -> vector<16xi32>
        %slice3A_320 = vector.extract_strided_slice %all_reduce_population_count3A_319 {offsets = [0], sizes = [1], strides = [1]} : vector<16xi32> to vector<1xi32>
        %squeeze3A_321 = vector.extract %slice3A_320[0] : i32 from vector<1xi32>
        %gt3A_322 = arith.constant 0 : i32
        %gt3A_323 = arith.cmpi sgt, %squeeze3A_321, %gt3A_322 : i32
        %convert_element_type3A_324 = arith.extui %gt3A_323 : i1 to i32
        %cond3A_325 = arith.constant 0 : i32
        %cond3A_326 = arith.cmpi ne, %convert_element_type3A_324, %cond3A_325 : i32
        scf.if %cond3A_326 {
          %get3A_328 = arith.constant 0 : i32
          %get3A_329 = arith.index_cast %get3A_328 : i32 to index
          %get3A_330 = arith.index_cast %mul3A_124 : i32 to index
          %get3A_331 = tpu.vector_load %arg4[%get3A_329, %get3A_330] {strides = array<i32>} : memref<4x1024xf32, #tpu.memory_space<vmem>>, vector<16xf32>,
          %get3A_332 = arith.constant 1 : i32
          %get3A_333 = arith.index_cast %get3A_332 : i32 to index
          %get3A_334 = arith.index_cast %mul3A_124 : i32 to index
          %get3A_335 = tpu.vector_load %arg4[%get3A_333, %get3A_334] {strides = array<i32>} : memref<4x1024xf32, #tpu.memory_space<vmem>>, vector<16xf32>,
          %get3A_336 = arith.constant 2 : i32
          %get3A_337 = arith.index_cast %get3A_336 : i32 to index
          %get3A_338 = arith.index_cast %mul3A_124 : i32 to index
          %get3A_339 = tpu.vector_load %arg4[%get3A_337, %get3A_338] {strides = array<i32>} : memref<4x1024xf32, #tpu.memory_space<vmem>>, vector<16xf32>,
          %get3A_340 = arith.constant 3 : i32
          %get3A_341 = arith.index_cast %get3A_340 : i32 to index
          %get3A_342 = arith.index_cast %mul3A_124 : i32 to index
          %get3A_343 = tpu.vector_load %arg4[%get3A_341, %get3A_342] {strides = array<i32>} : memref<4x1024xf32, #tpu.memory_space<vmem>>, vector<16xf32>,
          %get3A_344 = arith.constant 0 : i32
          %get3A_345 = arith.index_cast %get3A_344 : i32 to index
          %get3A_346 = arith.index_cast %mul3A_124 : i32 to index
          %get3A_347 = tpu.vector_load %arg5[%get3A_345, %get3A_346] {strides = array<i32>} : memref<4x1024xi32, #tpu.memory_space<vmem>>, vector<16xi32>,
          %get3A_348 = arith.constant 1 : i32
          %get3A_349 = arith.index_cast %get3A_348 : i32 to index
          %get3A_350 = arith.index_cast %mul3A_124 : i32 to index
          %get3A_351 = tpu.vector_load %arg5[%get3A_349, %get3A_350] {strides = array<i32>} : memref<4x1024xi32, #tpu.memory_space<vmem>>, vector<16xi32>,
          %get3A_352 = arith.constant 2 : i32
          %get3A_353 = arith.index_cast %get3A_352 : i32 to index
          %get3A_354 = arith.index_cast %mul3A_124 : i32 to index
          %get3A_355 = tpu.vector_load %arg5[%get3A_353, %get3A_354] {strides = array<i32>} : memref<4x1024xi32, #tpu.memory_space<vmem>>, vector<16xi32>,
          %get3A_356 = arith.constant 3 : i32
          %get3A_357 = arith.index_cast %get3A_356 : i32 to index
          %get3A_358 = arith.index_cast %mul3A_124 : i32 to index
          %get3A_359 = tpu.vector_load %arg5[%get3A_357, %get3A_358] {strides = array<i32>} : memref<4x1024xi32, #tpu.memory_space<vmem>>, vector<16xi32>,
          %get3A_360 = arith.constant 24 : i32
          %get3A_361 = arith.index_cast %get3A_360 : i32 to index
          %get3A_362 = arith.index_cast %mul3A_124 : i32 to index
          %get3A_363 = tpu.vector_load %arg6[%get3A_361, %get3A_362] {strides = array<i32>} : memref<32x1024xf32, #tpu.memory_space<vmem>>, vector<16xf32>,
          %mul3A_364 = arith.constant 32 : i32
          %mul3A_365 = arith.muli %add3A_70, %mul3A_364 : i32
          %add3A_366 = arith.addi %mul3A_32, %mul3A_365 : i32
          %add3A_367 = arith.constant 24 : i32
          %add3A_368 = arith.addi %add3A_366, %add3A_367 : i32
          %add3A_369 = arith.constant 0 : i32
          %add3A_370 = arith.addi %add3A_368, %add3A_369 : i32
          %add3A_371 = vector.broadcast %add3A_370 : i32 to vector<16xi32>
          %add3A_372 = arith.addi %broadcast_in_dim3A_33, %add3A_371 : vector<16xi32>
          %lt3A_373 = arith.cmpf olt, %get3A_363, %get3A_331 : vector<16xf32>
          %lt3A_374 = arith.cmpf olt, %get3A_363, %get3A_335 : vector<16xf32>
          %lt3A_375 = arith.cmpf olt, %get3A_363, %get3A_339 : vector<16xf32>
          %lt3A_376 = arith.cmpf olt, %get3A_363, %get3A_343 : vector<16xf32>
          %select_n3A_377 = arith.select %lt3A_375, %get3A_339, %get3A_363 : vector<16xi1>, vector<16xf32>
          %select_n3A_378 = arith.select %lt3A_376, %select_n3A_377, %get3A_343 : vector<16xi1>, vector<16xf32>
          %select_n3A_379 = arith.select %lt3A_375, %get3A_355, %add3A_372 : vector<16xi1>, vector<16xi32>
          %select_n3A_380 = arith.select %lt3A_376, %select_n3A_379, %get3A_359 : vector<16xi1>, vector<16xi32>
          %select_n3A_381 = arith.select %lt3A_374, %get3A_335, %get3A_363 : vector<16xi1>, vector<16xf32>
          %select_n3A_382 = arith.select %lt3A_375, %select_n3A_381, %get3A_339 : vector<16xi1>, vector<16xf32>
          %select_n3A_383 = arith.select %lt3A_374, %get3A_351, %add3A_372 : vector<16xi1>, vector<16xi32>
          %select_n3A_384 = arith.select %lt3A_375, %select_n3A_383, %get3A_355 : vector<16xi1>, vector<16xi32>
          %select_n3A_385 = arith.select %lt3A_373, %get3A_331, %get3A_363 : vector<16xi1>, vector<16xf32>
          %select_n3A_386 = arith.select %lt3A_374, %select_n3A_385, %get3A_335 : vector<16xi1>, vector<16xf32>
          %select_n3A_387 = arith.select %lt3A_373, %get3A_347, %add3A_372 : vector<16xi1>, vector<16xi32>
          %select_n3A_388 = arith.select %lt3A_374, %select_n3A_387, %get3A_351 : vector<16xi1>, vector<16xi32>
          %select_n3A_389 = arith.select %lt3A_373, %get3A_363, %get3A_331 : vector<16xi1>, vector<16xf32>
          %select_n3A_390 = arith.select %lt3A_373, %add3A_372, %get3A_347 : vector<16xi1>, vector<16xi32>
          %get3A_391 = arith.constant 25 : i32
          %get3A_392 = arith.index_cast %get3A_391 : i32 to index
          %get3A_393 = arith.index_cast %mul3A_124 : i32 to index
          %get3A_394 = tpu.vector_load %arg6[%get3A_392, %get3A_393] {strides = array<i32>} : memref<32x1024xf32, #tpu.memory_space<vmem>>, vector<16xf32>,
          %mul3A_395 = arith.constant 32 : i32
          %mul3A_396 = arith.muli %add3A_70, %mul3A_395 : i32
          %add3A_397 = arith.addi %mul3A_32, %mul3A_396 : i32
          %add3A_398 = arith.constant 24 : i32
          %add3A_399 = arith.addi %add3A_397, %add3A_398 : i32
          %add3A_400 = arith.constant 1 : i32
          %add3A_401 = arith.addi %add3A_399, %add3A_400 : i32
          %add3A_402 = vector.broadcast %add3A_401 : i32 to vector<16xi32>
          %add3A_403 = arith.addi %broadcast_in_dim3A_33, %add3A_402 : vector<16xi32>
          %lt3A_404 = arith.cmpf olt, %get3A_394, %select_n3A_389 : vector<16xf32>
          %lt3A_405 = arith.cmpf olt, %get3A_394, %select_n3A_386 : vector<16xf32>
          %lt3A_406 = arith.cmpf olt, %get3A_394, %select_n3A_382 : vector<16xf32>
          %lt3A_407 = arith.cmpf olt, %get3A_394, %select_n3A_378 : vector<16xf32>
          %select_n3A_408 = arith.select %lt3A_406, %select_n3A_382, %get3A_394 : vector<16xi1>, vector<16xf32>
          %select_n3A_409 = arith.select %lt3A_407, %select_n3A_408, %select_n3A_378 : vector<16xi1>, vector<16xf32>
          %select_n3A_410 = arith.select %lt3A_406, %select_n3A_384, %add3A_403 : vector<16xi1>, vector<16xi32>
          %select_n3A_411 = arith.select %lt3A_407, %select_n3A_410, %select_n3A_380 : vector<16xi1>, vector<16xi32>
          %select_n3A_412 = arith.select %lt3A_405, %select_n3A_386, %get3A_394 : vector<16xi1>, vector<16xf32>
          %select_n3A_413 = arith.select %lt3A_406, %select_n3A_412, %select_n3A_382 : vector<16xi1>, vector<16xf32>
          %select_n3A_414 = arith.select %lt3A_405, %select_n3A_388, %add3A_403 : vector<16xi1>, vector<16xi32>
          %select_n3A_415 = arith.select %lt3A_406, %select_n3A_414, %select_n3A_384 : vector<16xi1>, vector<16xi32>
          %select_n3A_416 = arith.select %lt3A_404, %select_n3A_389, %get3A_394 : vector<16xi1>, vector<16xf32>
          %select_n3A_417 = arith.select %lt3A_405, %select_n3A_416, %select_n3A_386 : vector<16xi1>, vector<16xf32>
          %select_n3A_418 = arith.select %lt3A_404, %select_n3A_390, %add3A_403 : vector<16xi1>, vector<16xi32>
          %select_n3A_419 = arith.select %lt3A_405, %select_n3A_418, %select_n3A_388 : vector<16xi1>, vector<16xi32>
          %select_n3A_420 = arith.select %lt3A_404, %get3A_394, %select_n3A_389 : vector<16xi1>, vector<16xf32>
          %select_n3A_421 = arith.select %lt3A_404, %add3A_403, %select_n3A_390 : vector<16xi1>, vector<16xi32>
          %get3A_422 = arith.constant 26 : i32
          %get3A_423 = arith.index_cast %get3A_422 : i32 to index
          %get3A_424 = arith.index_cast %mul3A_124 : i32 to index
          %get3A_425 = tpu.vector_load %arg6[%get3A_423, %get3A_424] {strides = array<i32>} : memref<32x1024xf32, #tpu.memory_space<vmem>>, vector<16xf32>,
          %mul3A_426 = arith.constant 32 : i32
          %mul3A_427 = arith.muli %add3A_70, %mul3A_426 : i32
          %add3A_428 = arith.addi %mul3A_32, %mul3A_427 : i32
          %add3A_429 = arith.constant 24 : i32
          %add3A_430 = arith.addi %add3A_428, %add3A_429 : i32
          %add3A_431 = arith.constant 2 : i32
          %add3A_432 = arith.addi %add3A_430, %add3A_431 : i32
          %add3A_433 = vector.broadcast %add3A_432 : i32 to vector<16xi32>
          %add3A_434 = arith.addi %broadcast_in_dim3A_33, %add3A_433 : vector<16xi32>
          %lt3A_435 = arith.cmpf olt, %get3A_425, %select_n3A_420 : vector<16xf32>
          %lt3A_436 = arith.cmpf olt, %get3A_425, %select_n3A_417 : vector<16xf32>
          %lt3A_437 = arith.cmpf olt, %get3A_425, %select_n3A_413 : vector<16xf32>
          %lt3A_438 = arith.cmpf olt, %get3A_425, %select_n3A_409 : vector<16xf32>
          %select_n3A_439 = arith.select %lt3A_437, %select_n3A_413, %get3A_425 : vector<16xi1>, vector<16xf32>
          %select_n3A_440 = arith.select %lt3A_438, %select_n3A_439, %select_n3A_409 : vector<16xi1>, vector<16xf32>
          %select_n3A_441 = arith.select %lt3A_437, %select_n3A_415, %add3A_434 : vector<16xi1>, vector<16xi32>
          %select_n3A_442 = arith.select %lt3A_438, %select_n3A_441, %select_n3A_411 : vector<16xi1>, vector<16xi32>
          %select_n3A_443 = arith.select %lt3A_436, %select_n3A_417, %get3A_425 : vector<16xi1>, vector<16xf32>
          %select_n3A_444 = arith.select %lt3A_437, %select_n3A_443, %select_n3A_413 : vector<16xi1>, vector<16xf32>
          %select_n3A_445 = arith.select %lt3A_436, %select_n3A_419, %add3A_434 : vector<16xi1>, vector<16xi32>
          %select_n3A_446 = arith.select %lt3A_437, %select_n3A_445, %select_n3A_415 : vector<16xi1>, vector<16xi32>
          %select_n3A_447 = arith.select %lt3A_435, %select_n3A_420, %get3A_425 : vector<16xi1>, vector<16xf32>
          %select_n3A_448 = arith.select %lt3A_436, %select_n3A_447, %select_n3A_417 : vector<16xi1>, vector<16xf32>
          %select_n3A_449 = arith.select %lt3A_435, %select_n3A_421, %add3A_434 : vector<16xi1>, vector<16xi32>
          %select_n3A_450 = arith.select %lt3A_436, %select_n3A_449, %select_n3A_419 : vector<16xi1>, vector<16xi32>
          %select_n3A_451 = arith.select %lt3A_435, %get3A_425, %select_n3A_420 : vector<16xi1>, vector<16xf32>
          %select_n3A_452 = arith.select %lt3A_435, %add3A_434, %select_n3A_421 : vector<16xi1>, vector<16xi32>
          %get3A_453 = arith.constant 27 : i32
          %get3A_454 = arith.index_cast %get3A_453 : i32 to index
          %get3A_455 = arith.index_cast %mul3A_124 : i32 to index
          %get3A_456 = tpu.vector_load %arg6[%get3A_454, %get3A_455] {strides = array<i32>} : memref<32x1024xf32, #tpu.memory_space<vmem>>, vector<16xf32>,
          %mul3A_457 = arith.constant 32 : i32
          %mul3A_458 = arith.muli %add3A_70, %mul3A_457 : i32
          %add3A_459 = arith.addi %mul3A_32, %mul3A_458 : i32
          %add3A_460 = arith.constant 24 : i32
          %add3A_461 = arith.addi %add3A_459, %add3A_460 : i32
          %add3A_462 = arith.constant 3 : i32
          %add3A_463 = arith.addi %add3A_461, %add3A_462 : i32
          %add3A_464 = vector.broadcast %add3A_463 : i32 to vector<16xi32>
          %add3A_465 = arith.addi %broadcast_in_dim3A_33, %add3A_464 : vector<16xi32>
          %lt3A_466 = arith.cmpf olt, %get3A_456, %select_n3A_451 : vector<16xf32>
          %lt3A_467 = arith.cmpf olt, %get3A_456, %select_n3A_448 : vector<16xf32>
          %lt3A_468 = arith.cmpf olt, %get3A_456, %select_n3A_444 : vector<16xf32>
          %lt3A_469 = arith.cmpf olt, %get3A_456, %select_n3A_440 : vector<16xf32>
          %select_n3A_470 = arith.select %lt3A_468, %select_n3A_444, %get3A_456 : vector<16xi1>, vector<16xf32>
          %select_n3A_471 = arith.select %lt3A_469, %select_n3A_470, %select_n3A_440 : vector<16xi1>, vector<16xf32>
          %select_n3A_472 = arith.select %lt3A_468, %select_n3A_446, %add3A_465 : vector<16xi1>, vector<16xi32>
          %select_n3A_473 = arith.select %lt3A_469, %select_n3A_472, %select_n3A_442 : vector<16xi1>, vector<16xi32>
          %select_n3A_474 = arith.select %lt3A_467, %select_n3A_448, %get3A_456 : vector<16xi1>, vector<16xf32>
          %select_n3A_475 = arith.select %lt3A_468, %select_n3A_474, %select_n3A_444 : vector<16xi1>, vector<16xf32>
          %select_n3A_476 = arith.select %lt3A_467, %select_n3A_450, %add3A_465 : vector<16xi1>, vector<16xi32>
          %select_n3A_477 = arith.select %lt3A_468, %select_n3A_476, %select_n3A_446 : vector<16xi1>, vector<16xi32>
          %select_n3A_478 = arith.select %lt3A_466, %select_n3A_451, %get3A_456 : vector<16xi1>, vector<16xf32>
          %select_n3A_479 = arith.select %lt3A_467, %select_n3A_478, %select_n3A_448 : vector<16xi1>, vector<16xf32>
          %select_n3A_480 = arith.select %lt3A_466, %select_n3A_452, %add3A_465 : vector<16xi1>, vector<16xi32>
          %select_n3A_481 = arith.select %lt3A_467, %select_n3A_480, %select_n3A_450 : vector<16xi1>, vector<16xi32>
          %select_n3A_482 = arith.select %lt3A_466, %get3A_456, %select_n3A_451 : vector<16xi1>, vector<16xf32>
          %select_n3A_483 = arith.select %lt3A_466, %add3A_465, %select_n3A_452 : vector<16xi1>, vector<16xi32>
          %get3A_484 = arith.constant 28 : i32
          %get3A_485 = arith.index_cast %get3A_484 : i32 to index
          %get3A_486 = arith.index_cast %mul3A_124 : i32 to index
          %get3A_487 = tpu.vector_load %arg6[%get3A_485, %get3A_486] {strides = array<i32>} : memref<32x1024xf32, #tpu.memory_space<vmem>>, vector<16xf32>,
          %mul3A_488 = arith.constant 32 : i32
          %mul3A_489 = arith.muli %add3A_70, %mul3A_488 : i32
          %add3A_490 = arith.addi %mul3A_32, %mul3A_489 : i32
          %add3A_491 = arith.constant 24 : i32
          %add3A_492 = arith.addi %add3A_490, %add3A_491 : i32
          %add3A_493 = arith.constant 4 : i32
          %add3A_494 = arith.addi %add3A_492, %add3A_493 : i32
          %add3A_495 = vector.broadcast %add3A_494 : i32 to vector<16xi32>
          %add3A_496 = arith.addi %broadcast_in_dim3A_33, %add3A_495 : vector<16xi32>
          %lt3A_497 = arith.cmpf olt, %get3A_487, %select_n3A_482 : vector<16xf32>
          %lt3A_498 = arith.cmpf olt, %get3A_487, %select_n3A_479 : vector<16xf32>
          %lt3A_499 = arith.cmpf olt, %get3A_487, %select_n3A_475 : vector<16xf32>
          %lt3A_500 = arith.cmpf olt, %get3A_487, %select_n3A_471 : vector<16xf32>
          %select_n3A_501 = arith.select %lt3A_499, %select_n3A_475, %get3A_487 : vector<16xi1>, vector<16xf32>
          %select_n3A_502 = arith.select %lt3A_500, %select_n3A_501, %select_n3A_471 : vector<16xi1>, vector<16xf32>
          %select_n3A_503 = arith.select %lt3A_499, %select_n3A_477, %add3A_496 : vector<16xi1>, vector<16xi32>
          %select_n3A_504 = arith.select %lt3A_500, %select_n3A_503, %select_n3A_473 : vector<16xi1>, vector<16xi32>
          %select_n3A_505 = arith.select %lt3A_498, %select_n3A_479, %get3A_487 : vector<16xi1>, vector<16xf32>
          %select_n3A_506 = arith.select %lt3A_499, %select_n3A_505, %select_n3A_475 : vector<16xi1>, vector<16xf32>
          %select_n3A_507 = arith.select %lt3A_498, %select_n3A_481, %add3A_496 : vector<16xi1>, vector<16xi32>
          %select_n3A_508 = arith.select %lt3A_499, %select_n3A_507, %select_n3A_477 : vector<16xi1>, vector<16xi32>
          %select_n3A_509 = arith.select %lt3A_497, %select_n3A_482, %get3A_487 : vector<16xi1>, vector<16xf32>
          %select_n3A_510 = arith.select %lt3A_498, %select_n3A_509, %select_n3A_479 : vector<16xi1>, vector<16xf32>
          %select_n3A_511 = arith.select %lt3A_497, %select_n3A_483, %add3A_496 : vector<16xi1>, vector<16xi32>
          %select_n3A_512 = arith.select %lt3A_498, %select_n3A_511, %select_n3A_481 : vector<16xi1>, vector<16xi32>
          %select_n3A_513 = arith.select %lt3A_497, %get3A_487, %select_n3A_482 : vector<16xi1>, vector<16xf32>
          %select_n3A_514 = arith.select %lt3A_497, %add3A_496, %select_n3A_483 : vector<16xi1>, vector<16xi32>
          %get3A_515 = arith.constant 29 : i32
          %get3A_516 = arith.index_cast %get3A_515 : i32 to index
          %get3A_517 = arith.index_cast %mul3A_124 : i32 to index
          %get3A_518 = tpu.vector_load %arg6[%get3A_516, %get3A_517] {strides = array<i32>} : memref<32x1024xf32, #tpu.memory_space<vmem>>, vector<16xf32>,
          %mul3A_519 = arith.constant 32 : i32
          %mul3A_520 = arith.muli %add3A_70, %mul3A_519 : i32
          %add3A_521 = arith.addi %mul3A_32, %mul3A_520 : i32
          %add3A_522 = arith.constant 24 : i32
          %add3A_523 = arith.addi %add3A_521, %add3A_522 : i32
          %add3A_524 = arith.constant 5 : i32
          %add3A_525 = arith.addi %add3A_523, %add3A_524 : i32
          %add3A_526 = vector.broadcast %add3A_525 : i32 to vector<16xi32>
          %add3A_527 = arith.addi %broadcast_in_dim3A_33, %add3A_526 : vector<16xi32>
          %lt3A_528 = arith.cmpf olt, %get3A_518, %select_n3A_513 : vector<16xf32>
          %lt3A_529 = arith.cmpf olt, %get3A_518, %select_n3A_510 : vector<16xf32>
          %lt3A_530 = arith.cmpf olt, %get3A_518, %select_n3A_506 : vector<16xf32>
          %lt3A_531 = arith.cmpf olt, %get3A_518, %select_n3A_502 : vector<16xf32>
          %select_n3A_532 = arith.select %lt3A_530, %select_n3A_506, %get3A_518 : vector<16xi1>, vector<16xf32>
          %select_n3A_533 = arith.select %lt3A_531, %select_n3A_532, %select_n3A_502 : vector<16xi1>, vector<16xf32>
          %select_n3A_534 = arith.select %lt3A_530, %select_n3A_508, %add3A_527 : vector<16xi1>, vector<16xi32>
          %select_n3A_535 = arith.select %lt3A_531, %select_n3A_534, %select_n3A_504 : vector<16xi1>, vector<16xi32>
          %select_n3A_536 = arith.select %lt3A_529, %select_n3A_510, %get3A_518 : vector<16xi1>, vector<16xf32>
          %select_n3A_537 = arith.select %lt3A_530, %select_n3A_536, %select_n3A_506 : vector<16xi1>, vector<16xf32>
          %select_n3A_538 = arith.select %lt3A_529, %select_n3A_512, %add3A_527 : vector<16xi1>, vector<16xi32>
          %select_n3A_539 = arith.select %lt3A_530, %select_n3A_538, %select_n3A_508 : vector<16xi1>, vector<16xi32>
          %select_n3A_540 = arith.select %lt3A_528, %select_n3A_513, %get3A_518 : vector<16xi1>, vector<16xf32>
          %select_n3A_541 = arith.select %lt3A_529, %select_n3A_540, %select_n3A_510 : vector<16xi1>, vector<16xf32>
          %select_n3A_542 = arith.select %lt3A_528, %select_n3A_514, %add3A_527 : vector<16xi1>, vector<16xi32>
          %select_n3A_543 = arith.select %lt3A_529, %select_n3A_542, %select_n3A_512 : vector<16xi1>, vector<16xi32>
          %select_n3A_544 = arith.select %lt3A_528, %get3A_518, %select_n3A_513 : vector<16xi1>, vector<16xf32>
          %select_n3A_545 = arith.select %lt3A_528, %add3A_527, %select_n3A_514 : vector<16xi1>, vector<16xi32>
          %get3A_546 = arith.constant 30 : i32
          %get3A_547 = arith.index_cast %get3A_546 : i32 to index
          %get3A_548 = arith.index_cast %mul3A_124 : i32 to index
          %get3A_549 = tpu.vector_load %arg6[%get3A_547, %get3A_548] {strides = array<i32>} : memref<32x1024xf32, #tpu.memory_space<vmem>>, vector<16xf32>,
          %mul3A_550 = arith.constant 32 : i32
          %mul3A_551 = arith.muli %add3A_70, %mul3A_550 : i32
          %add3A_552 = arith.addi %mul3A_32, %mul3A_551 : i32
          %add3A_553 = arith.constant 24 : i32
          %add3A_554 = arith.addi %add3A_552, %add3A_553 : i32
          %add3A_555 = arith.constant 6 : i32
          %add3A_556 = arith.addi %add3A_554, %add3A_555 : i32
          %add3A_557 = vector.broadcast %add3A_556 : i32 to vector<16xi32>
          %add3A_558 = arith.addi %broadcast_in_dim3A_33, %add3A_557 : vector<16xi32>
          %lt3A_559 = arith.cmpf olt, %get3A_549, %select_n3A_544 : vector<16xf32>
          %lt3A_560 = arith.cmpf olt, %get3A_549, %select_n3A_541 : vector<16xf32>
          %lt3A_561 = arith.cmpf olt, %get3A_549, %select_n3A_537 : vector<16xf32>
          %lt3A_562 = arith.cmpf olt, %get3A_549, %select_n3A_533 : vector<16xf32>
          %select_n3A_563 = arith.select %lt3A_561, %select_n3A_537, %get3A_549 : vector<16xi1>, vector<16xf32>
          %select_n3A_564 = arith.select %lt3A_562, %select_n3A_563, %select_n3A_533 : vector<16xi1>, vector<16xf32>
          %select_n3A_565 = arith.select %lt3A_561, %select_n3A_539, %add3A_558 : vector<16xi1>, vector<16xi32>
          %select_n3A_566 = arith.select %lt3A_562, %select_n3A_565, %select_n3A_535 : vector<16xi1>, vector<16xi32>
          %select_n3A_567 = arith.select %lt3A_560, %select_n3A_541, %get3A_549 : vector<16xi1>, vector<16xf32>
          %select_n3A_568 = arith.select %lt3A_561, %select_n3A_567, %select_n3A_537 : vector<16xi1>, vector<16xf32>
          %select_n3A_569 = arith.select %lt3A_560, %select_n3A_543, %add3A_558 : vector<16xi1>, vector<16xi32>
          %select_n3A_570 = arith.select %lt3A_561, %select_n3A_569, %select_n3A_539 : vector<16xi1>, vector<16xi32>
          %select_n3A_571 = arith.select %lt3A_559, %select_n3A_544, %get3A_549 : vector<16xi1>, vector<16xf32>
          %select_n3A_572 = arith.select %lt3A_560, %select_n3A_571, %select_n3A_541 : vector<16xi1>, vector<16xf32>
          %select_n3A_573 = arith.select %lt3A_559, %select_n3A_545, %add3A_558 : vector<16xi1>, vector<16xi32>
          %select_n3A_574 = arith.select %lt3A_560, %select_n3A_573, %select_n3A_543 : vector<16xi1>, vector<16xi32>
          %select_n3A_575 = arith.select %lt3A_559, %get3A_549, %select_n3A_544 : vector<16xi1>, vector<16xf32>
          %select_n3A_576 = arith.select %lt3A_559, %add3A_558, %select_n3A_545 : vector<16xi1>, vector<16xi32>
          %get3A_577 = arith.constant 31 : i32
          %get3A_578 = arith.index_cast %get3A_577 : i32 to index
          %get3A_579 = arith.index_cast %mul3A_124 : i32 to index
          %get3A_580 = tpu.vector_load %arg6[%get3A_578, %get3A_579] {strides = array<i32>} : memref<32x1024xf32, #tpu.memory_space<vmem>>, vector<16xf32>,
          %mul3A_581 = arith.constant 32 : i32
          %mul3A_582 = arith.muli %add3A_70, %mul3A_581 : i32
          %add3A_583 = arith.addi %mul3A_32, %mul3A_582 : i32
          %add3A_584 = arith.constant 24 : i32
          %add3A_585 = arith.addi %add3A_583, %add3A_584 : i32
          %add3A_586 = arith.constant 7 : i32
          %add3A_587 = arith.addi %add3A_585, %add3A_586 : i32
          %add3A_588 = vector.broadcast %add3A_587 : i32 to vector<16xi32>
          %add3A_589 = arith.addi %broadcast_in_dim3A_33, %add3A_588 : vector<16xi32>
          %lt3A_590 = arith.cmpf olt, %get3A_580, %select_n3A_575 : vector<16xf32>
          %lt3A_591 = arith.cmpf olt, %get3A_580, %select_n3A_572 : vector<16xf32>
          %lt3A_592 = arith.cmpf olt, %get3A_580, %select_n3A_568 : vector<16xf32>
          %lt3A_593 = arith.cmpf olt, %get3A_580, %select_n3A_564 : vector<16xf32>
          %select_n3A_594 = arith.select %lt3A_592, %select_n3A_568, %get3A_580 : vector<16xi1>, vector<16xf32>
          %select_n3A_595 = arith.select %lt3A_593, %select_n3A_594, %select_n3A_564 : vector<16xi1>, vector<16xf32>
          %select_n3A_596 = arith.select %lt3A_592, %select_n3A_570, %add3A_589 : vector<16xi1>, vector<16xi32>
          %select_n3A_597 = arith.select %lt3A_593, %select_n3A_596, %select_n3A_566 : vector<16xi1>, vector<16xi32>
          %select_n3A_598 = arith.select %lt3A_591, %select_n3A_572, %get3A_580 : vector<16xi1>, vector<16xf32>
          %select_n3A_599 = arith.select %lt3A_592, %select_n3A_598, %select_n3A_568 : vector<16xi1>, vector<16xf32>
          %select_n3A_600 = arith.select %lt3A_591, %select_n3A_574, %add3A_589 : vector<16xi1>, vector<16xi32>
          %select_n3A_601 = arith.select %lt3A_592, %select_n3A_600, %select_n3A_570 : vector<16xi1>, vector<16xi32>
          %select_n3A_602 = arith.select %lt3A_590, %select_n3A_575, %get3A_580 : vector<16xi1>, vector<16xf32>
          %select_n3A_603 = arith.select %lt3A_591, %select_n3A_602, %select_n3A_572 : vector<16xi1>, vector<16xf32>
          %select_n3A_604 = arith.select %lt3A_590, %select_n3A_576, %add3A_589 : vector<16xi1>, vector<16xi32>
          %select_n3A_605 = arith.select %lt3A_591, %select_n3A_604, %select_n3A_574 : vector<16xi1>, vector<16xi32>
          %select_n3A_606 = arith.select %lt3A_590, %get3A_580, %select_n3A_575 : vector<16xi1>, vector<16xf32>
          %select_n3A_607 = arith.select %lt3A_590, %add3A_589, %select_n3A_576 : vector<16xi1>, vector<16xi32>
          %swap3A = arith.constant 0 : i32
          %swap3A_608 = arith.index_cast %swap3A : i32 to index
          %swap3A_609 = arith.index_cast %mul3A_124 : i32 to index
          %swap3A_610 = tpu.vector_load %arg4[%swap3A_608, %swap3A_609] {strides = array<i32>} : memref<4x1024xf32, #tpu.memory_space<vmem>>, vector<16xf32>,
          tpu.vector_store %arg4[%swap3A_608, %swap3A_609], %select_n3A_606 {strides = array<i32>} : memref<4x1024xf32, #tpu.memory_space<vmem>>, vector<16xf32>,
          %swap3A_611 = arith.constant 0 : i32
          %swap3A_612 = arith.index_cast %swap3A_611 : i32 to index
          %swap3A_613 = arith.index_cast %mul3A_124 : i32 to index
          %swap3A_614 = tpu.vector_load %arg5[%swap3A_612, %swap3A_613] {strides = array<i32>} : memref<4x1024xi32, #tpu.memory_space<vmem>>, vector<16xi32>,
          tpu.vector_store %arg5[%swap3A_612, %swap3A_613], %select_n3A_607 {strides = array<i32>} : memref<4x1024xi32, #tpu.memory_space<vmem>>, vector<16xi32>,
          %swap3A_615 = arith.constant 1 : i32
          %swap3A_616 = arith.index_cast %swap3A_615 : i32 to index
          %swap3A_617 = arith.index_cast %mul3A_124 : i32 to index
          %swap3A_618 = tpu.vector_load %arg4[%swap3A_616, %swap3A_617] {strides = array<i32>} : memref<4x1024xf32, #tpu.memory_space<vmem>>, vector<16xf32>,
          tpu.vector_store %arg4[%swap3A_616, %swap3A_617], %select_n3A_603 {strides = array<i32>} : memref<4x1024xf32, #tpu.memory_space<vmem>>, vector<16xf32>,
          %swap3A_619 = arith.constant 1 : i32
          %swap3A_620 = arith.index_cast %swap3A_619 : i32 to index
          %swap3A_621 = arith.index_cast %mul3A_124 : i32 to index
          %swap3A_622 = tpu.vector_load %arg5[%swap3A_620, %swap3A_621] {strides = array<i32>} : memref<4x1024xi32, #tpu.memory_space<vmem>>, vector<16xi32>,
          tpu.vector_store %arg5[%swap3A_620, %swap3A_621], %select_n3A_605 {strides = array<i32>} : memref<4x1024xi32, #tpu.memory_space<vmem>>, vector<16xi32>,
          %swap3A_623 = arith.constant 2 : i32
          %swap3A_624 = arith.index_cast %swap3A_623 : i32 to index
          %swap3A_625 = arith.index_cast %mul3A_124 : i32 to index
          %swap3A_626 = tpu.vector_load %arg4[%swap3A_624, %swap3A_625] {strides = array<i32>} : memref<4x1024xf32, #tpu.memory_space<vmem>>, vector<16xf32>,
          tpu.vector_store %arg4[%swap3A_624, %swap3A_625], %select_n3A_599 {strides = array<i32>} : memref<4x1024xf32, #tpu.memory_space<vmem>>, vector<16xf32>,
          %swap3A_627 = arith.constant 2 : i32
          %swap3A_628 = arith.index_cast %swap3A_627 : i32 to index
          %swap3A_629 = arith.index_cast %mul3A_124 : i32 to index
          %swap3A_630 = tpu.vector_load %arg5[%swap3A_628, %swap3A_629] {strides = array<i32>} : memref<4x1024xi32, #tpu.memory_space<vmem>>, vector<16xi32>,
          tpu.vector_store %arg5[%swap3A_628, %swap3A_629], %select_n3A_601 {strides = array<i32>} : memref<4x1024xi32, #tpu.memory_space<vmem>>, vector<16xi32>,
          %swap3A_631 = arith.constant 3 : i32
          %swap3A_632 = arith.index_cast %swap3A_631 : i32 to index
          %swap3A_633 = arith.index_cast %mul3A_124 : i32 to index
          %swap3A_634 = tpu.vector_load %arg4[%swap3A_632, %swap3A_633] {strides = array<i32>} : memref<4x1024xf32, #tpu.memory_space<vmem>>, vector<16xf32>,
          tpu.vector_store %arg4[%swap3A_632, %swap3A_633], %select_n3A_595 {strides = array<i32>} : memref<4x1024xf32, #tpu.memory_space<vmem>>, vector<16xf32>,
          %swap3A_635 = arith.constant 3 : i32
          %swap3A_636 = arith.index_cast %swap3A_635 : i32 to index
          %swap3A_637 = arith.index_cast %mul3A_124 : i32 to index
          %swap3A_638 = tpu.vector_load %arg5[%swap3A_636, %swap3A_637] {strides = array<i32>} : memref<4x1024xi32, #tpu.memory_space<vmem>>, vector<16xi32>,
          tpu.vector_store %arg5[%swap3A_636, %swap3A_637], %select_n3A_597 {strides = array<i32>} : memref<4x1024xi32, #tpu.memory_space<vmem>>, vector<16xi32>,
        } else {
        }
        %scan3A_327 = arith.constant 0 : i32
        scf.yield %scan3A_327 : i32
      }
      %scan3A_85 = arith.constant 64 : i32
      %add3A_86 = arith.constant 2 : i32
      %add3A_87 = arith.addi %add3A_70, %add3A_86 : i32
      %lt3A_88 = arith.constant 32 : i32
      %lt3A_89 = arith.cmpi slt, %add3A_87, %lt3A_88 : i32
      %convert_element_type3A_90 = arith.extui %lt3A_89 : i1 to i32
      %cond3A_91 = arith.constant 0 : i32
      %cond3A_92 = arith.cmpi ne, %convert_element_type3A_90, %cond3A_91 : i32
      scf.if %cond3A_92 {
        %add3A_121 = arith.constant 2 : i32
        %add3A_122 = arith.addi %add3A_70, %add3A_121 : i32
        %mul3A_123 = arith.constant 32 : i32
        %mul3A_124 = arith.muli %add3A_122, %mul3A_123 : i32
        %add3A_125 = arith.addi %mul3A_32, %mul3A_124 : i32
        %dma_start3A_126 = arith.constant 0 : i32
        %dma_start3A_127 = tpu.memref_slice %arg2[%add3A, %add3A_125, %dma_start3A_126] : memref<8x4096x1024xf32, #tpu.memory_space<hbm>> -> memref<1x32x1024xf32, #tpu.memory_space<hbm>>
        %dma_start3A_128 = tpu.memref_squeeze %dma_start3A_127 : memref<1x32x1024xf32, #tpu.memory_space<hbm>> -> memref<32x1024xf32, #tpu.memory_space<hbm>>
        %dma_start3A_129 = arith.constant 0 : i32
        %dma_start3A_130 = tpu.memref_slice %arg2[%add3A, %add3A_125, %dma_start3A_129] : memref<8x4096x1024xf32, #tpu.memory_space<hbm>> -> memref<1x32x1024xf32, #tpu.memory_space<hbm>>
        %dma_start3A_131 = tpu.memref_squeeze %dma_start3A_130 : memref<1x32x1024xf32, #tpu.memory_space<hbm>> -> memref<32x1024xf32, #tpu.memory_space<hbm>>
        tpu.enqueue_dma source(%dma_start3A_131 : memref<32x1024xf32, #tpu.memory_space<hbm>>) target(%arg6 : memref<32x1024xf32, #tpu.memory_space<vmem>>) target_semaphore(%arg12 : memref<!tpu.dma_semaphore, #tpu.memory_space<semaphore_mem>>)
      } else {
      }
      %mul3A_93 = arith.constant 2 : i32
      %mul3A_94 = arith.muli %scan3A_65, %mul3A_93 : i32
      %add3A_95 = arith.constant 1 : i32
      %add3A_96 = arith.addi %mul3A_94, %add3A_95 : i32
      %mul3A_97 = arith.constant 32 : i32
      %mul3A_98 = arith.muli %add3A_96, %mul3A_97 : i32
      %add3A_99 = arith.addi %mul3A_32, %mul3A_98 : i32
      %dma_wait3A_100 = arith.constant 0 : i32
      %dma_wait3A_101 = tpu.memref_slice %arg2[%add3A, %add3A_99, %dma_wait3A_100] : memref<8x4096x1024xf32, #tpu.memory_space<hbm>> -> memref<1x32x1024xf32, #tpu.memory_space<hbm>>
      %dma_wait3A_102 = tpu.memref_squeeze %dma_wait3A_101 : memref<1x32x1024xf32, #tpu.memory_space<hbm>> -> memref<32x1024xf32, #tpu.memory_space<hbm>>
      %dma_wait3A_103 = arith.constant 0 : i32
      %dma_wait3A_104 = tpu.memref_slice %arg2[%add3A, %add3A_99, %dma_wait3A_103] : memref<8x4096x1024xf32, #tpu.memory_space<hbm>> -> memref<1x32x1024xf32, #tpu.memory_space<hbm>>
      %dma_wait3A_105 = tpu.memref_squeeze %dma_wait3A_104 : memref<1x32x1024xf32, #tpu.memory_space<hbm>> -> memref<32x1024xf32, #tpu.memory_space<hbm>>
      tpu.wait_dma2 semaphore(%arg13 : memref<!tpu.dma_semaphore, #tpu.memory_space<semaphore_mem>>) src(%dma_wait3A_105 : memref<32x1024xf32, #tpu.memory_space<hbm>>) dst(%arg7 : memref<32x1024xf32, #tpu.memory_space<vmem>>)
      %scan3A_106 = arith.constant 0 : i32
      %scan3A_107 = arith.constant 0 : i32
      %scan3A_108 = arith.constant 64 : i32
      %scan3A_109 = arith.addi %scan3A_107, %scan3A_108 : i32
      %scan3A_110 = arith.constant 1 : i32
      %scan3A_111 = scf.for %scan3A_121 = %scan3A_107 to %scan3A_109 step %scan3A_110 iter_args(%scan3A_122 = %scan3A_106) -> (i32)  : i32 {
        %mul3A_123 = arith.constant 16 : i32
        %mul3A_124 = arith.muli %scan3A_121, %mul3A_123 : i32
        %get3A = arith.constant 3 : i32
        %get3A_125 = arith.index_cast %get3A : i32 to index
        %get3A_126 = arith.index_cast %mul3A_124 : i32 to index
        %get3A_127 = tpu.vector_load %arg4[%get3A_125, %get3A_126] {strides = array<i32>} : memref<4x1024xf32, #tpu.memory_space<vmem>>, vector<16xf32>,
        %get3A_128 = arith.constant 0 : i32
        %get3A_129 = arith.index_cast %get3A_128 : i32 to index
        %get3A_130 = arith.index_cast %mul3A_124 : i32 to index
        %get3A_131 = tpu.vector_load %arg7[%get3A_129, %get3A_130] {strides = array<i32>} : memref<32x1024xf32, #tpu.memory_space<vmem>>, vector<16xf32>,
        %get3A_132 = arith.constant 1 : i32
        %get3A_133 = arith.index_cast %get3A_132 : i32 to index
        %get3A_134 = arith.index_cast %mul3A_124 : i32 to index
        %get3A_135 = tpu.vector_load %arg7[%get3A_133, %get3A_134] {strides = array<i32>} : memref<32x1024xf32, #tpu.memory_space<vmem>>, vector<16xf32>,
        %min3A = arith.minimumf %get3A_131, %get3A_135 : vector<16xf32>
        %get3A_136 = arith.constant 2 : i32
        %get3A_137 = arith.index_cast %get3A_136 : i32 to index
        %get3A_138 = arith.index_cast %mul3A_124 : i32 to index
        %get3A_139 = tpu.vector_load %arg7[%get3A_137, %get3A_138] {strides = array<i32>} : memref<32x1024xf32, #tpu.memory_space<vmem>>, vector<16xf32>,
        %min3A_140 = arith.minimumf %min3A, %get3A_139 : vector<16xf32>
        %get3A_141 = arith.constant 3 : i32
        %get3A_142 = arith.index_cast %get3A_141 : i32 to index
        %get3A_143 = arith.index_cast %mul3A_124 : i32 to index
        %get3A_144 = tpu.vector_load %arg7[%get3A_142, %get3A_143] {strides = array<i32>} : memref<32x1024xf32, #tpu.memory_space<vmem>>, vector<16xf32>,
        %min3A_145 = arith.minimumf %min3A_140, %get3A_144 : vector<16xf32>
        %get3A_146 = arith.constant 4 : i32
        %get3A_147 = arith.index_cast %get3A_146 : i32 to index
        %get3A_148 = arith.index_cast %mul3A_124 : i32 to index
        %get3A_149 = tpu.vector_load %arg7[%get3A_147, %get3A_148] {strides = array<i32>} : memref<32x1024xf32, #tpu.memory_space<vmem>>, vector<16xf32>,
        %min3A_150 = arith.minimumf %min3A_145, %get3A_149 : vector<16xf32>
        %get3A_151 = arith.constant 5 : i32
        %get3A_152 = arith.index_cast %get3A_151 : i32 to index
        %get3A_153 = arith.index_cast %mul3A_124 : i32 to index
        %get3A_154 = tpu.vector_load %arg7[%get3A_152, %get3A_153] {strides = array<i32>} : memref<32x1024xf32, #tpu.memory_space<vmem>>, vector<16xf32>,
        %min3A_155 = arith.minimumf %min3A_150, %get3A_154 : vector<16xf32>
        %get3A_156 = arith.constant 6 : i32
        %get3A_157 = arith.index_cast %get3A_156 : i32 to index
        %get3A_158 = arith.index_cast %mul3A_124 : i32 to index
        %get3A_159 = tpu.vector_load %arg7[%get3A_157, %get3A_158] {strides = array<i32>} : memref<32x1024xf32, #tpu.memory_space<vmem>>, vector<16xf32>,
        %min3A_160 = arith.minimumf %min3A_155, %get3A_159 : vector<16xf32>
        %get3A_161 = arith.constant 7 : i32
        %get3A_162 = arith.index_cast %get3A_161 : i32 to index
        %get3A_163 = arith.index_cast %mul3A_124 : i32 to index
        %get3A_164 = tpu.vector_load %arg7[%get3A_162, %get3A_163] {strides = array<i32>} : memref<32x1024xf32, #tpu.memory_space<vmem>>, vector<16xf32>,
        %min3A_165 = arith.minimumf %min3A_160, %get3A_164 : vector<16xf32>
        %lt3A_166 = arith.cmpf olt, %min3A_165, %get3A_127 : vector<16xf32>
        %all_reduce_population_count3A = tpu.all_reduce %lt3A_166 {dim = 0 : i64, kind = #tpu.reduction_kind<sum>} : vector<16xi1> -> vector<16xi32>
        %slice3A = vector.extract_strided_slice %all_reduce_population_count3A {offsets = [0], sizes = [1], strides = [1]} : vector<16xi32> to vector<1xi32>
        %squeeze3A = vector.extract %slice3A[0] : i32 from vector<1xi32>
        %gt3A = arith.constant 0 : i32
        %gt3A_167 = arith.cmpi sgt, %squeeze3A, %gt3A : i32
        %convert_element_type3A_168 = arith.extui %gt3A_167 : i1 to i32
        %cond3A_169 = arith.constant 0 : i32
        %cond3A_170 = arith.cmpi ne, %convert_element_type3A_168, %cond3A_169 : i32
        scf.if %cond3A_170 {
          %get3A_328 = arith.constant 0 : i32
          %get3A_329 = arith.index_cast %get3A_328 : i32 to index
          %get3A_330 = arith.index_cast %mul3A_124 : i32 to index
          %get3A_331 = tpu.vector_load %arg4[%get3A_329, %get3A_330] {strides = array<i32>} : memref<4x1024xf32, #tpu.memory_space<vmem>>, vector<16xf32>,
          %get3A_332 = arith.constant 1 : i32
          %get3A_333 = arith.index_cast %get3A_332 : i32 to index
          %get3A_334 = arith.index_cast %mul3A_124 : i32 to index
          %get3A_335 = tpu.vector_load %arg4[%get3A_333, %get3A_334] {strides = array<i32>} : memref<4x1024xf32, #tpu.memory_space<vmem>>, vector<16xf32>,
          %get3A_336 = arith.constant 2 : i32
          %get3A_337 = arith.index_cast %get3A_336 : i32 to index
          %get3A_338 = arith.index_cast %mul3A_124 : i32 to index
          %get3A_339 = tpu.vector_load %arg4[%get3A_337, %get3A_338] {strides = array<i32>} : memref<4x1024xf32, #tpu.memory_space<vmem>>, vector<16xf32>,
          %get3A_340 = arith.constant 3 : i32
          %get3A_341 = arith.index_cast %get3A_340 : i32 to index
          %get3A_342 = arith.index_cast %mul3A_124 : i32 to index
          %get3A_343 = tpu.vector_load %arg4[%get3A_341, %get3A_342] {strides = array<i32>} : memref<4x1024xf32, #tpu.memory_space<vmem>>, vector<16xf32>,
          %get3A_344 = arith.constant 0 : i32
          %get3A_345 = arith.index_cast %get3A_344 : i32 to index
          %get3A_346 = arith.index_cast %mul3A_124 : i32 to index
          %get3A_347 = tpu.vector_load %arg5[%get3A_345, %get3A_346] {strides = array<i32>} : memref<4x1024xi32, #tpu.memory_space<vmem>>, vector<16xi32>,
          %get3A_348 = arith.constant 1 : i32
          %get3A_349 = arith.index_cast %get3A_348 : i32 to index
          %get3A_350 = arith.index_cast %mul3A_124 : i32 to index
          %get3A_351 = tpu.vector_load %arg5[%get3A_349, %get3A_350] {strides = array<i32>} : memref<4x1024xi32, #tpu.memory_space<vmem>>, vector<16xi32>,
          %get3A_352 = arith.constant 2 : i32
          %get3A_353 = arith.index_cast %get3A_352 : i32 to index
          %get3A_354 = arith.index_cast %mul3A_124 : i32 to index
          %get3A_355 = tpu.vector_load %arg5[%get3A_353, %get3A_354] {strides = array<i32>} : memref<4x1024xi32, #tpu.memory_space<vmem>>, vector<16xi32>,
          %get3A_356 = arith.constant 3 : i32
          %get3A_357 = arith.index_cast %get3A_356 : i32 to index
          %get3A_358 = arith.index_cast %mul3A_124 : i32 to index
          %get3A_359 = tpu.vector_load %arg5[%get3A_357, %get3A_358] {strides = array<i32>} : memref<4x1024xi32, #tpu.memory_space<vmem>>, vector<16xi32>,
          %get3A_360 = arith.constant 0 : i32
          %get3A_361 = arith.index_cast %get3A_360 : i32 to index
          %get3A_362 = arith.index_cast %mul3A_124 : i32 to index
          %get3A_363 = tpu.vector_load %arg7[%get3A_361, %get3A_362] {strides = array<i32>} : memref<32x1024xf32, #tpu.memory_space<vmem>>, vector<16xf32>,
          %mul3A_364 = arith.constant 32 : i32
          %mul3A_365 = arith.muli %add3A_96, %mul3A_364 : i32
          %add3A_366 = arith.addi %mul3A_32, %mul3A_365 : i32
          %add3A_367 = arith.constant 0 : i32
          %add3A_368 = arith.addi %add3A_366, %add3A_367 : i32
          %add3A_369 = arith.constant 0 : i32
          %add3A_370 = arith.addi %add3A_368, %add3A_369 : i32
          %add3A_371 = vector.broadcast %add3A_370 : i32 to vector<16xi32>
          %add3A_372 = arith.addi %broadcast_in_dim3A_33, %add3A_371 : vector<16xi32>
          %lt3A_373 = arith.cmpf olt, %get3A_363, %get3A_331 : vector<16xf32>
          %lt3A_374 = arith.cmpf olt, %get3A_363, %get3A_335 : vector<16xf32>
          %lt3A_375 = arith.cmpf olt, %get3A_363, %get3A_339 : vector<16xf32>
          %lt3A_376 = arith.cmpf olt, %get3A_363, %get3A_343 : vector<16xf32>
          %select_n3A_377 = arith.select %lt3A_375, %get3A_339, %get3A_363 : vector<16xi1>, vector<16xf32>
          %select_n3A_378 = arith.select %lt3A_376, %select_n3A_377, %get3A_343 : vector<16xi1>, vector<16xf32>
          %select_n3A_379 = arith.select %lt3A_375, %get3A_355, %add3A_372 : vector<16xi1>, vector<16xi32>
          %select_n3A_380 = arith.select %lt3A_376, %select_n3A_379, %get3A_359 : vector<16xi1>, vector<16xi32>
          %select_n3A_381 = arith.select %lt3A_374, %get3A_335, %get3A_363 : vector<16xi1>, vector<16xf32>
          %select_n3A_382 = arith.select %lt3A_375, %select_n3A_381, %get3A_339 : vector<16xi1>, vector<16xf32>
          %select_n3A_383 = arith.select %lt3A_374, %get3A_351, %add3A_372 : vector<16xi1>, vector<16xi32>
          %select_n3A_384 = arith.select %lt3A_375, %select_n3A_383, %get3A_355 : vector<16xi1>, vector<16xi32>
          %select_n3A_385 = arith.select %lt3A_373, %get3A_331, %get3A_363 : vector<16xi1>, vector<16xf32>
          %select_n3A_386 = arith.select %lt3A_374, %select_n3A_385, %get3A_335 : vector<16xi1>, vector<16xf32>
          %select_n3A_387 = arith.select %lt3A_373, %get3A_347, %add3A_372 : vector<16xi1>, vector<16xi32>
          %select_n3A_388 = arith.select %lt3A_374, %select_n3A_387, %get3A_351 : vector<16xi1>, vector<16xi32>
          %select_n3A_389 = arith.select %lt3A_373, %get3A_363, %get3A_331 : vector<16xi1>, vector<16xf32>
          %select_n3A_390 = arith.select %lt3A_373, %add3A_372, %get3A_347 : vector<16xi1>, vector<16xi32>
          %get3A_391 = arith.constant 1 : i32
          %get3A_392 = arith.index_cast %get3A_391 : i32 to index
          %get3A_393 = arith.index_cast %mul3A_124 : i32 to index
          %get3A_394 = tpu.vector_load %arg7[%get3A_392, %get3A_393] {strides = array<i32>} : memref<32x1024xf32, #tpu.memory_space<vmem>>, vector<16xf32>,
          %mul3A_395 = arith.constant 32 : i32
          %mul3A_396 = arith.muli %add3A_96, %mul3A_395 : i32
          %add3A_397 = arith.addi %mul3A_32, %mul3A_396 : i32
          %add3A_398 = arith.constant 0 : i32
          %add3A_399 = arith.addi %add3A_397, %add3A_398 : i32
          %add3A_400 = arith.constant 1 : i32
          %add3A_401 = arith.addi %add3A_399, %add3A_400 : i32
          %add3A_402 = vector.broadcast %add3A_401 : i32 to vector<16xi32>
          %add3A_403 = arith.addi %broadcast_in_dim3A_33, %add3A_402 : vector<16xi32>
          %lt3A_404 = arith.cmpf olt, %get3A_394, %select_n3A_389 : vector<16xf32>
          %lt3A_405 = arith.cmpf olt, %get3A_394, %select_n3A_386 : vector<16xf32>
          %lt3A_406 = arith.cmpf olt, %get3A_394, %select_n3A_382 : vector<16xf32>
          %lt3A_407 = arith.cmpf olt, %get3A_394, %select_n3A_378 : vector<16xf32>
          %select_n3A_408 = arith.select %lt3A_406, %select_n3A_382, %get3A_394 : vector<16xi1>, vector<16xf32>
          %select_n3A_409 = arith.select %lt3A_407, %select_n3A_408, %select_n3A_378 : vector<16xi1>, vector<16xf32>
          %select_n3A_410 = arith.select %lt3A_406, %select_n3A_384, %add3A_403 : vector<16xi1>, vector<16xi32>
          %select_n3A_411 = arith.select %lt3A_407, %select_n3A_410, %select_n3A_380 : vector<16xi1>, vector<16xi32>
          %select_n3A_412 = arith.select %lt3A_405, %select_n3A_386, %get3A_394 : vector<16xi1>, vector<16xf32>
          %select_n3A_413 = arith.select %lt3A_406, %select_n3A_412, %select_n3A_382 : vector<16xi1>, vector<16xf32>
          %select_n3A_414 = arith.select %lt3A_405, %select_n3A_388, %add3A_403 : vector<16xi1>, vector<16xi32>
          %select_n3A_415 = arith.select %lt3A_406, %select_n3A_414, %select_n3A_384 : vector<16xi1>, vector<16xi32>
          %select_n3A_416 = arith.select %lt3A_404, %select_n3A_389, %get3A_394 : vector<16xi1>, vector<16xf32>
          %select_n3A_417 = arith.select %lt3A_405, %select_n3A_416, %select_n3A_386 : vector<16xi1>, vector<16xf32>
          %select_n3A_418 = arith.select %lt3A_404, %select_n3A_390, %add3A_403 : vector<16xi1>, vector<16xi32>
          %select_n3A_419 = arith.select %lt3A_405, %select_n3A_418, %select_n3A_388 : vector<16xi1>, vector<16xi32>
          %select_n3A_420 = arith.select %lt3A_404, %get3A_394, %select_n3A_389 : vector<16xi1>, vector<16xf32>
          %select_n3A_421 = arith.select %lt3A_404, %add3A_403, %select_n3A_390 : vector<16xi1>, vector<16xi32>
          %get3A_422 = arith.constant 2 : i32
          %get3A_423 = arith.index_cast %get3A_422 : i32 to index
          %get3A_424 = arith.index_cast %mul3A_124 : i32 to index
          %get3A_425 = tpu.vector_load %arg7[%get3A_423, %get3A_424] {strides = array<i32>} : memref<32x1024xf32, #tpu.memory_space<vmem>>, vector<16xf32>,
          %mul3A_426 = arith.constant 32 : i32
          %mul3A_427 = arith.muli %add3A_96, %mul3A_426 : i32
          %add3A_428 = arith.addi %mul3A_32, %mul3A_427 : i32
          %add3A_429 = arith.constant 0 : i32
          %add3A_430 = arith.addi %add3A_428, %add3A_429 : i32
          %add3A_431 = arith.constant 2 : i32
          %add3A_432 = arith.addi %add3A_430, %add3A_431 : i32
          %add3A_433 = vector.broadcast %add3A_432 : i32 to vector<16xi32>
          %add3A_434 = arith.addi %broadcast_in_dim3A_33, %add3A_433 : vector<16xi32>
          %lt3A_435 = arith.cmpf olt, %get3A_425, %select_n3A_420 : vector<16xf32>
          %lt3A_436 = arith.cmpf olt, %get3A_425, %select_n3A_417 : vector<16xf32>
          %lt3A_437 = arith.cmpf olt, %get3A_425, %select_n3A_413 : vector<16xf32>
          %lt3A_438 = arith.cmpf olt, %get3A_425, %select_n3A_409 : vector<16xf32>
          %select_n3A_439 = arith.select %lt3A_437, %select_n3A_413, %get3A_425 : vector<16xi1>, vector<16xf32>
          %select_n3A_440 = arith.select %lt3A_438, %select_n3A_439, %select_n3A_409 : vector<16xi1>, vector<16xf32>
          %select_n3A_441 = arith.select %lt3A_437, %select_n3A_415, %add3A_434 : vector<16xi1>, vector<16xi32>
          %select_n3A_442 = arith.select %lt3A_438, %select_n3A_441, %select_n3A_411 : vector<16xi1>, vector<16xi32>
          %select_n3A_443 = arith.select %lt3A_436, %select_n3A_417, %get3A_425 : vector<16xi1>, vector<16xf32>
          %select_n3A_444 = arith.select %lt3A_437, %select_n3A_443, %select_n3A_413 : vector<16xi1>, vector<16xf32>
          %select_n3A_445 = arith.select %lt3A_436, %select_n3A_419, %add3A_434 : vector<16xi1>, vector<16xi32>
          %select_n3A_446 = arith.select %lt3A_437, %select_n3A_445, %select_n3A_415 : vector<16xi1>, vector<16xi32>
          %select_n3A_447 = arith.select %lt3A_435, %select_n3A_420, %get3A_425 : vector<16xi1>, vector<16xf32>
          %select_n3A_448 = arith.select %lt3A_436, %select_n3A_447, %select_n3A_417 : vector<16xi1>, vector<16xf32>
          %select_n3A_449 = arith.select %lt3A_435, %select_n3A_421, %add3A_434 : vector<16xi1>, vector<16xi32>
          %select_n3A_450 = arith.select %lt3A_436, %select_n3A_449, %select_n3A_419 : vector<16xi1>, vector<16xi32>
          %select_n3A_451 = arith.select %lt3A_435, %get3A_425, %select_n3A_420 : vector<16xi1>, vector<16xf32>
          %select_n3A_452 = arith.select %lt3A_435, %add3A_434, %select_n3A_421 : vector<16xi1>, vector<16xi32>
          %get3A_453 = arith.constant 3 : i32
          %get3A_454 = arith.index_cast %get3A_453 : i32 to index
          %get3A_455 = arith.index_cast %mul3A_124 : i32 to index
          %get3A_456 = tpu.vector_load %arg7[%get3A_454, %get3A_455] {strides = array<i32>} : memref<32x1024xf32, #tpu.memory_space<vmem>>, vector<16xf32>,
          %mul3A_457 = arith.constant 32 : i32
          %mul3A_458 = arith.muli %add3A_96, %mul3A_457 : i32
          %add3A_459 = arith.addi %mul3A_32, %mul3A_458 : i32
          %add3A_460 = arith.constant 0 : i32
          %add3A_461 = arith.addi %add3A_459, %add3A_460 : i32
          %add3A_462 = arith.constant 3 : i32
          %add3A_463 = arith.addi %add3A_461, %add3A_462 : i32
          %add3A_464 = vector.broadcast %add3A_463 : i32 to vector<16xi32>
          %add3A_465 = arith.addi %broadcast_in_dim3A_33, %add3A_464 : vector<16xi32>
          %lt3A_466 = arith.cmpf olt, %get3A_456, %select_n3A_451 : vector<16xf32>
          %lt3A_467 = arith.cmpf olt, %get3A_456, %select_n3A_448 : vector<16xf32>
          %lt3A_468 = arith.cmpf olt, %get3A_456, %select_n3A_444 : vector<16xf32>
          %lt3A_469 = arith.cmpf olt, %get3A_456, %select_n3A_440 : vector<16xf32>
          %select_n3A_470 = arith.select %lt3A_468, %select_n3A_444, %get3A_456 : vector<16xi1>, vector<16xf32>
          %select_n3A_471 = arith.select %lt3A_469, %select_n3A_470, %select_n3A_440 : vector<16xi1>, vector<16xf32>
          %select_n3A_472 = arith.select %lt3A_468, %select_n3A_446, %add3A_465 : vector<16xi1>, vector<16xi32>
          %select_n3A_473 = arith.select %lt3A_469, %select_n3A_472, %select_n3A_442 : vector<16xi1>, vector<16xi32>
          %select_n3A_474 = arith.select %lt3A_467, %select_n3A_448, %get3A_456 : vector<16xi1>, vector<16xf32>
          %select_n3A_475 = arith.select %lt3A_468, %select_n3A_474, %select_n3A_444 : vector<16xi1>, vector<16xf32>
          %select_n3A_476 = arith.select %lt3A_467, %select_n3A_450, %add3A_465 : vector<16xi1>, vector<16xi32>
          %select_n3A_477 = arith.select %lt3A_468, %select_n3A_476, %select_n3A_446 : vector<16xi1>, vector<16xi32>
          %select_n3A_478 = arith.select %lt3A_466, %select_n3A_451, %get3A_456 : vector<16xi1>, vector<16xf32>
          %select_n3A_479 = arith.select %lt3A_467, %select_n3A_478, %select_n3A_448 : vector<16xi1>, vector<16xf32>
          %select_n3A_480 = arith.select %lt3A_466, %select_n3A_452, %add3A_465 : vector<16xi1>, vector<16xi32>
          %select_n3A_481 = arith.select %lt3A_467, %select_n3A_480, %select_n3A_450 : vector<16xi1>, vector<16xi32>
          %select_n3A_482 = arith.select %lt3A_466, %get3A_456, %select_n3A_451 : vector<16xi1>, vector<16xf32>
          %select_n3A_483 = arith.select %lt3A_466, %add3A_465, %select_n3A_452 : vector<16xi1>, vector<16xi32>
          %get3A_484 = arith.constant 4 : i32
          %get3A_485 = arith.index_cast %get3A_484 : i32 to index
          %get3A_486 = arith.index_cast %mul3A_124 : i32 to index
          %get3A_487 = tpu.vector_load %arg7[%get3A_485, %get3A_486] {strides = array<i32>} : memref<32x1024xf32, #tpu.memory_space<vmem>>, vector<16xf32>,
          %mul3A_488 = arith.constant 32 : i32
          %mul3A_489 = arith.muli %add3A_96, %mul3A_488 : i32
          %add3A_490 = arith.addi %mul3A_32, %mul3A_489 : i32
          %add3A_491 = arith.constant 0 : i32
          %add3A_492 = arith.addi %add3A_490, %add3A_491 : i32
          %add3A_493 = arith.constant 4 : i32
          %add3A_494 = arith.addi %add3A_492, %add3A_493 : i32
          %add3A_495 = vector.broadcast %add3A_494 : i32 to vector<16xi32>
          %add3A_496 = arith.addi %broadcast_in_dim3A_33, %add3A_495 : vector<16xi32>
          %lt3A_497 = arith.cmpf olt, %get3A_487, %select_n3A_482 : vector<16xf32>
          %lt3A_498 = arith.cmpf olt, %get3A_487, %select_n3A_479 : vector<16xf32>
          %lt3A_499 = arith.cmpf olt, %get3A_487, %select_n3A_475 : vector<16xf32>
          %lt3A_500 = arith.cmpf olt, %get3A_487, %select_n3A_471 : vector<16xf32>
          %select_n3A_501 = arith.select %lt3A_499, %select_n3A_475, %get3A_487 : vector<16xi1>, vector<16xf32>
          %select_n3A_502 = arith.select %lt3A_500, %select_n3A_501, %select_n3A_471 : vector<16xi1>, vector<16xf32>
          %select_n3A_503 = arith.select %lt3A_499, %select_n3A_477, %add3A_496 : vector<16xi1>, vector<16xi32>
          %select_n3A_504 = arith.select %lt3A_500, %select_n3A_503, %select_n3A_473 : vector<16xi1>, vector<16xi32>
          %select_n3A_505 = arith.select %lt3A_498, %select_n3A_479, %get3A_487 : vector<16xi1>, vector<16xf32>
          %select_n3A_506 = arith.select %lt3A_499, %select_n3A_505, %select_n3A_475 : vector<16xi1>, vector<16xf32>
          %select_n3A_507 = arith.select %lt3A_498, %select_n3A_481, %add3A_496 : vector<16xi1>, vector<16xi32>
          %select_n3A_508 = arith.select %lt3A_499, %select_n3A_507, %select_n3A_477 : vector<16xi1>, vector<16xi32>
          %select_n3A_509 = arith.select %lt3A_497, %select_n3A_482, %get3A_487 : vector<16xi1>, vector<16xf32>
          %select_n3A_510 = arith.select %lt3A_498, %select_n3A_509, %select_n3A_479 : vector<16xi1>, vector<16xf32>
          %select_n3A_511 = arith.select %lt3A_497, %select_n3A_483, %add3A_496 : vector<16xi1>, vector<16xi32>
          %select_n3A_512 = arith.select %lt3A_498, %select_n3A_511, %select_n3A_481 : vector<16xi1>, vector<16xi32>
          %select_n3A_513 = arith.select %lt3A_497, %get3A_487, %select_n3A_482 : vector<16xi1>, vector<16xf32>
          %select_n3A_514 = arith.select %lt3A_497, %add3A_496, %select_n3A_483 : vector<16xi1>, vector<16xi32>
          %get3A_515 = arith.constant 5 : i32
          %get3A_516 = arith.index_cast %get3A_515 : i32 to index
          %get3A_517 = arith.index_cast %mul3A_124 : i32 to index
          %get3A_518 = tpu.vector_load %arg7[%get3A_516, %get3A_517] {strides = array<i32>} : memref<32x1024xf32, #tpu.memory_space<vmem>>, vector<16xf32>,
          %mul3A_519 = arith.constant 32 : i32
          %mul3A_520 = arith.muli %add3A_96, %mul3A_519 : i32
          %add3A_521 = arith.addi %mul3A_32, %mul3A_520 : i32
          %add3A_522 = arith.constant 0 : i32
          %add3A_523 = arith.addi %add3A_521, %add3A_522 : i32
          %add3A_524 = arith.constant 5 : i32
          %add3A_525 = arith.addi %add3A_523, %add3A_524 : i32
          %add3A_526 = vector.broadcast %add3A_525 : i32 to vector<16xi32>
          %add3A_527 = arith.addi %broadcast_in_dim3A_33, %add3A_526 : vector<16xi32>
          %lt3A_528 = arith.cmpf olt, %get3A_518, %select_n3A_513 : vector<16xf32>
          %lt3A_529 = arith.cmpf olt, %get3A_518, %select_n3A_510 : vector<16xf32>
          %lt3A_530 = arith.cmpf olt, %get3A_518, %select_n3A_506 : vector<16xf32>
          %lt3A_531 = arith.cmpf olt, %get3A_518, %select_n3A_502 : vector<16xf32>
          %select_n3A_532 = arith.select %lt3A_530, %select_n3A_506, %get3A_518 : vector<16xi1>, vector<16xf32>
          %select_n3A_533 = arith.select %lt3A_531, %select_n3A_532, %select_n3A_502 : vector<16xi1>, vector<16xf32>
          %select_n3A_534 = arith.select %lt3A_530, %select_n3A_508, %add3A_527 : vector<16xi1>, vector<16xi32>
          %select_n3A_535 = arith.select %lt3A_531, %select_n3A_534, %select_n3A_504 : vector<16xi1>, vector<16xi32>
          %select_n3A_536 = arith.select %lt3A_529, %select_n3A_510, %get3A_518 : vector<16xi1>, vector<16xf32>
          %select_n3A_537 = arith.select %lt3A_530, %select_n3A_536, %select_n3A_506 : vector<16xi1>, vector<16xf32>
          %select_n3A_538 = arith.select %lt3A_529, %select_n3A_512, %add3A_527 : vector<16xi1>, vector<16xi32>
          %select_n3A_539 = arith.select %lt3A_530, %select_n3A_538, %select_n3A_508 : vector<16xi1>, vector<16xi32>
          %select_n3A_540 = arith.select %lt3A_528, %select_n3A_513, %get3A_518 : vector<16xi1>, vector<16xf32>
          %select_n3A_541 = arith.select %lt3A_529, %select_n3A_540, %select_n3A_510 : vector<16xi1>, vector<16xf32>
          %select_n3A_542 = arith.select %lt3A_528, %select_n3A_514, %add3A_527 : vector<16xi1>, vector<16xi32>
          %select_n3A_543 = arith.select %lt3A_529, %select_n3A_542, %select_n3A_512 : vector<16xi1>, vector<16xi32>
          %select_n3A_544 = arith.select %lt3A_528, %get3A_518, %select_n3A_513 : vector<16xi1>, vector<16xf32>
          %select_n3A_545 = arith.select %lt3A_528, %add3A_527, %select_n3A_514 : vector<16xi1>, vector<16xi32>
          %get3A_546 = arith.constant 6 : i32
          %get3A_547 = arith.index_cast %get3A_546 : i32 to index
          %get3A_548 = arith.index_cast %mul3A_124 : i32 to index
          %get3A_549 = tpu.vector_load %arg7[%get3A_547, %get3A_548] {strides = array<i32>} : memref<32x1024xf32, #tpu.memory_space<vmem>>, vector<16xf32>,
          %mul3A_550 = arith.constant 32 : i32
          %mul3A_551 = arith.muli %add3A_96, %mul3A_550 : i32
          %add3A_552 = arith.addi %mul3A_32, %mul3A_551 : i32
          %add3A_553 = arith.constant 0 : i32
          %add3A_554 = arith.addi %add3A_552, %add3A_553 : i32
          %add3A_555 = arith.constant 6 : i32
          %add3A_556 = arith.addi %add3A_554, %add3A_555 : i32
          %add3A_557 = vector.broadcast %add3A_556 : i32 to vector<16xi32>
          %add3A_558 = arith.addi %broadcast_in_dim3A_33, %add3A_557 : vector<16xi32>
          %lt3A_559 = arith.cmpf olt, %get3A_549, %select_n3A_544 : vector<16xf32>
          %lt3A_560 = arith.cmpf olt, %get3A_549, %select_n3A_541 : vector<16xf32>
          %lt3A_561 = arith.cmpf olt, %get3A_549, %select_n3A_537 : vector<16xf32>
          %lt3A_562 = arith.cmpf olt, %get3A_549, %select_n3A_533 : vector<16xf32>
          %select_n3A_563 = arith.select %lt3A_561, %select_n3A_537, %get3A_549 : vector<16xi1>, vector<16xf32>
          %select_n3A_564 = arith.select %lt3A_562, %select_n3A_563, %select_n3A_533 : vector<16xi1>, vector<16xf32>
          %select_n3A_565 = arith.select %lt3A_561, %select_n3A_539, %add3A_558 : vector<16xi1>, vector<16xi32>
          %select_n3A_566 = arith.select %lt3A_562, %select_n3A_565, %select_n3A_535 : vector<16xi1>, vector<16xi32>
          %select_n3A_567 = arith.select %lt3A_560, %select_n3A_541, %get3A_549 : vector<16xi1>, vector<16xf32>
          %select_n3A_568 = arith.select %lt3A_561, %select_n3A_567, %select_n3A_537 : vector<16xi1>, vector<16xf32>
          %select_n3A_569 = arith.select %lt3A_560, %select_n3A_543, %add3A_558 : vector<16xi1>, vector<16xi32>
          %select_n3A_570 = arith.select %lt3A_561, %select_n3A_569, %select_n3A_539 : vector<16xi1>, vector<16xi32>
          %select_n3A_571 = arith.select %lt3A_559, %select_n3A_544, %get3A_549 : vector<16xi1>, vector<16xf32>
          %select_n3A_572 = arith.select %lt3A_560, %select_n3A_571, %select_n3A_541 : vector<16xi1>, vector<16xf32>
          %select_n3A_573 = arith.select %lt3A_559, %select_n3A_545, %add3A_558 : vector<16xi1>, vector<16xi32>
          %select_n3A_574 = arith.select %lt3A_560, %select_n3A_573, %select_n3A_543 : vector<16xi1>, vector<16xi32>
          %select_n3A_575 = arith.select %lt3A_559, %get3A_549, %select_n3A_544 : vector<16xi1>, vector<16xf32>
          %select_n3A_576 = arith.select %lt3A_559, %add3A_558, %select_n3A_545 : vector<16xi1>, vector<16xi32>
          %get3A_577 = arith.constant 7 : i32
          %get3A_578 = arith.index_cast %get3A_577 : i32 to index
          %get3A_579 = arith.index_cast %mul3A_124 : i32 to index
          %get3A_580 = tpu.vector_load %arg7[%get3A_578, %get3A_579] {strides = array<i32>} : memref<32x1024xf32, #tpu.memory_space<vmem>>, vector<16xf32>,
          %mul3A_581 = arith.constant 32 : i32
          %mul3A_582 = arith.muli %add3A_96, %mul3A_581 : i32
          %add3A_583 = arith.addi %mul3A_32, %mul3A_582 : i32
          %add3A_584 = arith.constant 0 : i32
          %add3A_585 = arith.addi %add3A_583, %add3A_584 : i32
          %add3A_586 = arith.constant 7 : i32
          %add3A_587 = arith.addi %add3A_585, %add3A_586 : i32
          %add3A_588 = vector.broadcast %add3A_587 : i32 to vector<16xi32>
          %add3A_589 = arith.addi %broadcast_in_dim3A_33, %add3A_588 : vector<16xi32>
          %lt3A_590 = arith.cmpf olt, %get3A_580, %select_n3A_575 : vector<16xf32>
          %lt3A_591 = arith.cmpf olt, %get3A_580, %select_n3A_572 : vector<16xf32>
          %lt3A_592 = arith.cmpf olt, %get3A_580, %select_n3A_568 : vector<16xf32>
          %lt3A_593 = arith.cmpf olt, %get3A_580, %select_n3A_564 : vector<16xf32>
          %select_n3A_594 = arith.select %lt3A_592, %select_n3A_568, %get3A_580 : vector<16xi1>, vector<16xf32>
          %select_n3A_595 = arith.select %lt3A_593, %select_n3A_594, %select_n3A_564 : vector<16xi1>, vector<16xf32>
          %select_n3A_596 = arith.select %lt3A_592, %select_n3A_570, %add3A_589 : vector<16xi1>, vector<16xi32>
          %select_n3A_597 = arith.select %lt3A_593, %select_n3A_596, %select_n3A_566 : vector<16xi1>, vector<16xi32>
          %select_n3A_598 = arith.select %lt3A_591, %select_n3A_572, %get3A_580 : vector<16xi1>, vector<16xf32>
          %select_n3A_599 = arith.select %lt3A_592, %select_n3A_598, %select_n3A_568 : vector<16xi1>, vector<16xf32>
          %select_n3A_600 = arith.select %lt3A_591, %select_n3A_574, %add3A_589 : vector<16xi1>, vector<16xi32>
          %select_n3A_601 = arith.select %lt3A_592, %select_n3A_600, %select_n3A_570 : vector<16xi1>, vector<16xi32>
          %select_n3A_602 = arith.select %lt3A_590, %select_n3A_575, %get3A_580 : vector<16xi1>, vector<16xf32>
          %select_n3A_603 = arith.select %lt3A_591, %select_n3A_602, %select_n3A_572 : vector<16xi1>, vector<16xf32>
          %select_n3A_604 = arith.select %lt3A_590, %select_n3A_576, %add3A_589 : vector<16xi1>, vector<16xi32>
          %select_n3A_605 = arith.select %lt3A_591, %select_n3A_604, %select_n3A_574 : vector<16xi1>, vector<16xi32>
          %select_n3A_606 = arith.select %lt3A_590, %get3A_580, %select_n3A_575 : vector<16xi1>, vector<16xf32>
          %select_n3A_607 = arith.select %lt3A_590, %add3A_589, %select_n3A_576 : vector<16xi1>, vector<16xi32>
          %swap3A = arith.constant 0 : i32
          %swap3A_608 = arith.index_cast %swap3A : i32 to index
          %swap3A_609 = arith.index_cast %mul3A_124 : i32 to index
          %swap3A_610 = tpu.vector_load %arg4[%swap3A_608, %swap3A_609] {strides = array<i32>} : memref<4x1024xf32, #tpu.memory_space<vmem>>, vector<16xf32>,
          tpu.vector_store %arg4[%swap3A_608, %swap3A_609], %select_n3A_606 {strides = array<i32>} : memref<4x1024xf32, #tpu.memory_space<vmem>>, vector<16xf32>,
          %swap3A_611 = arith.constant 0 : i32
          %swap3A_612 = arith.index_cast %swap3A_611 : i32 to index
          %swap3A_613 = arith.index_cast %mul3A_124 : i32 to index
          %swap3A_614 = tpu.vector_load %arg5[%swap3A_612, %swap3A_613] {strides = array<i32>} : memref<4x1024xi32, #tpu.memory_space<vmem>>, vector<16xi32>,
          tpu.vector_store %arg5[%swap3A_612, %swap3A_613], %select_n3A_607 {strides = array<i32>} : memref<4x1024xi32, #tpu.memory_space<vmem>>, vector<16xi32>,
          %swap3A_615 = arith.constant 1 : i32
          %swap3A_616 = arith.index_cast %swap3A_615 : i32 to index
          %swap3A_617 = arith.index_cast %mul3A_124 : i32 to index
          %swap3A_618 = tpu.vector_load %arg4[%swap3A_616, %swap3A_617] {strides = array<i32>} : memref<4x1024xf32, #tpu.memory_space<vmem>>, vector<16xf32>,
          tpu.vector_store %arg4[%swap3A_616, %swap3A_617], %select_n3A_603 {strides = array<i32>} : memref<4x1024xf32, #tpu.memory_space<vmem>>, vector<16xf32>,
          %swap3A_619 = arith.constant 1 : i32
          %swap3A_620 = arith.index_cast %swap3A_619 : i32 to index
          %swap3A_621 = arith.index_cast %mul3A_124 : i32 to index
          %swap3A_622 = tpu.vector_load %arg5[%swap3A_620, %swap3A_621] {strides = array<i32>} : memref<4x1024xi32, #tpu.memory_space<vmem>>, vector<16xi32>,
          tpu.vector_store %arg5[%swap3A_620, %swap3A_621], %select_n3A_605 {strides = array<i32>} : memref<4x1024xi32, #tpu.memory_space<vmem>>, vector<16xi32>,
          %swap3A_623 = arith.constant 2 : i32
          %swap3A_624 = arith.index_cast %swap3A_623 : i32 to index
          %swap3A_625 = arith.index_cast %mul3A_124 : i32 to index
          %swap3A_626 = tpu.vector_load %arg4[%swap3A_624, %swap3A_625] {strides = array<i32>} : memref<4x1024xf32, #tpu.memory_space<vmem>>, vector<16xf32>,
          tpu.vector_store %arg4[%swap3A_624, %swap3A_625], %select_n3A_599 {strides = array<i32>} : memref<4x1024xf32, #tpu.memory_space<vmem>>, vector<16xf32>,
          %swap3A_627 = arith.constant 2 : i32
          %swap3A_628 = arith.index_cast %swap3A_627 : i32 to index
          %swap3A_629 = arith.index_cast %mul3A_124 : i32 to index
          %swap3A_630 = tpu.vector_load %arg5[%swap3A_628, %swap3A_629] {strides = array<i32>} : memref<4x1024xi32, #tpu.memory_space<vmem>>, vector<16xi32>,
          tpu.vector_store %arg5[%swap3A_628, %swap3A_629], %select_n3A_601 {strides = array<i32>} : memref<4x1024xi32, #tpu.memory_space<vmem>>, vector<16xi32>,
          %swap3A_631 = arith.constant 3 : i32
          %swap3A_632 = arith.index_cast %swap3A_631 : i32 to index
          %swap3A_633 = arith.index_cast %mul3A_124 : i32 to index
          %swap3A_634 = tpu.vector_load %arg4[%swap3A_632, %swap3A_633] {strides = array<i32>} : memref<4x1024xf32, #tpu.memory_space<vmem>>, vector<16xf32>,
          tpu.vector_store %arg4[%swap3A_632, %swap3A_633], %select_n3A_595 {strides = array<i32>} : memref<4x1024xf32, #tpu.memory_space<vmem>>, vector<16xf32>,
          %swap3A_635 = arith.constant 3 : i32
          %swap3A_636 = arith.index_cast %swap3A_635 : i32 to index
          %swap3A_637 = arith.index_cast %mul3A_124 : i32 to index
          %swap3A_638 = tpu.vector_load %arg5[%swap3A_636, %swap3A_637] {strides = array<i32>} : memref<4x1024xi32, #tpu.memory_space<vmem>>, vector<16xi32>,
          tpu.vector_store %arg5[%swap3A_636, %swap3A_637], %select_n3A_597 {strides = array<i32>} : memref<4x1024xi32, #tpu.memory_space<vmem>>, vector<16xi32>,
        } else {
        }
        %get3A_171 = arith.constant 3 : i32
        %get3A_172 = arith.index_cast %get3A_171 : i32 to index
        %get3A_173 = arith.index_cast %mul3A_124 : i32 to index
        %get3A_174 = tpu.vector_load %arg4[%get3A_172, %get3A_173] {strides = array<i32>} : memref<4x1024xf32, #tpu.memory_space<vmem>>, vector<16xf32>,
        %get3A_175 = arith.constant 8 : i32
        %get3A_176 = arith.index_cast %get3A_175 : i32 to index
        %get3A_177 = arith.index_cast %mul3A_124 : i32 to index
        %get3A_178 = tpu.vector_load %arg7[%get3A_176, %get3A_177] {strides = array<i32>} : memref<32x1024xf32, #tpu.memory_space<vmem>>, vector<16xf32>,
        %get3A_179 = arith.constant 9 : i32
        %get3A_180 = arith.index_cast %get3A_179 : i32 to index
        %get3A_181 = arith.index_cast %mul3A_124 : i32 to index
        %get3A_182 = tpu.vector_load %arg7[%get3A_180, %get3A_181] {strides = array<i32>} : memref<32x1024xf32, #tpu.memory_space<vmem>>, vector<16xf32>,
        %min3A_183 = arith.minimumf %get3A_178, %get3A_182 : vector<16xf32>
        %get3A_184 = arith.constant 10 : i32
        %get3A_185 = arith.index_cast %get3A_184 : i32 to index
        %get3A_186 = arith.index_cast %mul3A_124 : i32 to index
        %get3A_187 = tpu.vector_load %arg7[%get3A_185, %get3A_186] {strides = array<i32>} : memref<32x1024xf32, #tpu.memory_space<vmem>>, vector<16xf32>,
        %min3A_188 = arith.minimumf %min3A_183, %get3A_187 : vector<16xf32>
        %get3A_189 = arith.constant 11 : i32
        %get3A_190 = arith.index_cast %get3A_189 : i32 to index
        %get3A_191 = arith.index_cast %mul3A_124 : i32 to index
        %get3A_192 = tpu.vector_load %arg7[%get3A_190, %get3A_191] {strides = array<i32>} : memref<32x1024xf32, #tpu.memory_space<vmem>>, vector<16xf32>,
        %min3A_193 = arith.minimumf %min3A_188, %get3A_192 : vector<16xf32>
        %get3A_194 = arith.constant 12 : i32
        %get3A_195 = arith.index_cast %get3A_194 : i32 to index
        %get3A_196 = arith.index_cast %mul3A_124 : i32 to index
        %get3A_197 = tpu.vector_load %arg7[%get3A_195, %get3A_196] {strides = array<i32>} : memref<32x1024xf32, #tpu.memory_space<vmem>>, vector<16xf32>,
        %min3A_198 = arith.minimumf %min3A_193, %get3A_197 : vector<16xf32>
        %get3A_199 = arith.constant 13 : i32
        %get3A_200 = arith.index_cast %get3A_199 : i32 to index
        %get3A_201 = arith.index_cast %mul3A_124 : i32 to index
        %get3A_202 = tpu.vector_load %arg7[%get3A_200, %get3A_201] {strides = array<i32>} : memref<32x1024xf32, #tpu.memory_space<vmem>>, vector<16xf32>,
        %min3A_203 = arith.minimumf %min3A_198, %get3A_202 : vector<16xf32>
        %get3A_204 = arith.constant 14 : i32
        %get3A_205 = arith.index_cast %get3A_204 : i32 to index
        %get3A_206 = arith.index_cast %mul3A_124 : i32 to index
        %get3A_207 = tpu.vector_load %arg7[%get3A_205, %get3A_206] {strides = array<i32>} : memref<32x1024xf32, #tpu.memory_space<vmem>>, vector<16xf32>,
        %min3A_208 = arith.minimumf %min3A_203, %get3A_207 : vector<16xf32>
        %get3A_209 = arith.constant 15 : i32
        %get3A_210 = arith.index_cast %get3A_209 : i32 to index
        %get3A_211 = arith.index_cast %mul3A_124 : i32 to index
        %get3A_212 = tpu.vector_load %arg7[%get3A_210, %get3A_211] {strides = array<i32>} : memref<32x1024xf32, #tpu.memory_space<vmem>>, vector<16xf32>,
        %min3A_213 = arith.minimumf %min3A_208, %get3A_212 : vector<16xf32>
        %lt3A_214 = arith.cmpf olt, %min3A_213, %get3A_174 : vector<16xf32>
        %all_reduce_population_count3A_215 = tpu.all_reduce %lt3A_214 {dim = 0 : i64, kind = #tpu.reduction_kind<sum>} : vector<16xi1> -> vector<16xi32>
        %slice3A_216 = vector.extract_strided_slice %all_reduce_population_count3A_215 {offsets = [0], sizes = [1], strides = [1]} : vector<16xi32> to vector<1xi32>
        %squeeze3A_217 = vector.extract %slice3A_216[0] : i32 from vector<1xi32>
        %gt3A_218 = arith.constant 0 : i32
        %gt3A_219 = arith.cmpi sgt, %squeeze3A_217, %gt3A_218 : i32
        %convert_element_type3A_220 = arith.extui %gt3A_219 : i1 to i32
        %cond3A_221 = arith.constant 0 : i32
        %cond3A_222 = arith.cmpi ne, %convert_element_type3A_220, %cond3A_221 : i32
        scf.if %cond3A_222 {
          %get3A_328 = arith.constant 0 : i32
          %get3A_329 = arith.index_cast %get3A_328 : i32 to index
          %get3A_330 = arith.index_cast %mul3A_124 : i32 to index
          %get3A_331 = tpu.vector_load %arg4[%get3A_329, %get3A_330] {strides = array<i32>} : memref<4x1024xf32, #tpu.memory_space<vmem>>, vector<16xf32>,
          %get3A_332 = arith.constant 1 : i32
          %get3A_333 = arith.index_cast %get3A_332 : i32 to index
          %get3A_334 = arith.index_cast %mul3A_124 : i32 to index
          %get3A_335 = tpu.vector_load %arg4[%get3A_333, %get3A_334] {strides = array<i32>} : memref<4x1024xf32, #tpu.memory_space<vmem>>, vector<16xf32>,
          %get3A_336 = arith.constant 2 : i32
          %get3A_337 = arith.index_cast %get3A_336 : i32 to index
          %get3A_338 = arith.index_cast %mul3A_124 : i32 to index
          %get3A_339 = tpu.vector_load %arg4[%get3A_337, %get3A_338] {strides = array<i32>} : memref<4x1024xf32, #tpu.memory_space<vmem>>, vector<16xf32>,
          %get3A_340 = arith.constant 3 : i32
          %get3A_341 = arith.index_cast %get3A_340 : i32 to index
          %get3A_342 = arith.index_cast %mul3A_124 : i32 to index
          %get3A_343 = tpu.vector_load %arg4[%get3A_341, %get3A_342] {strides = array<i32>} : memref<4x1024xf32, #tpu.memory_space<vmem>>, vector<16xf32>,
          %get3A_344 = arith.constant 0 : i32
          %get3A_345 = arith.index_cast %get3A_344 : i32 to index
          %get3A_346 = arith.index_cast %mul3A_124 : i32 to index
          %get3A_347 = tpu.vector_load %arg5[%get3A_345, %get3A_346] {strides = array<i32>} : memref<4x1024xi32, #tpu.memory_space<vmem>>, vector<16xi32>,
          %get3A_348 = arith.constant 1 : i32
          %get3A_349 = arith.index_cast %get3A_348 : i32 to index
          %get3A_350 = arith.index_cast %mul3A_124 : i32 to index
          %get3A_351 = tpu.vector_load %arg5[%get3A_349, %get3A_350] {strides = array<i32>} : memref<4x1024xi32, #tpu.memory_space<vmem>>, vector<16xi32>,
          %get3A_352 = arith.constant 2 : i32
          %get3A_353 = arith.index_cast %get3A_352 : i32 to index
          %get3A_354 = arith.index_cast %mul3A_124 : i32 to index
          %get3A_355 = tpu.vector_load %arg5[%get3A_353, %get3A_354] {strides = array<i32>} : memref<4x1024xi32, #tpu.memory_space<vmem>>, vector<16xi32>,
          %get3A_356 = arith.constant 3 : i32
          %get3A_357 = arith.index_cast %get3A_356 : i32 to index
          %get3A_358 = arith.index_cast %mul3A_124 : i32 to index
          %get3A_359 = tpu.vector_load %arg5[%get3A_357, %get3A_358] {strides = array<i32>} : memref<4x1024xi32, #tpu.memory_space<vmem>>, vector<16xi32>,
          %get3A_360 = arith.constant 8 : i32
          %get3A_361 = arith.index_cast %get3A_360 : i32 to index
          %get3A_362 = arith.index_cast %mul3A_124 : i32 to index
          %get3A_363 = tpu.vector_load %arg7[%get3A_361, %get3A_362] {strides = array<i32>} : memref<32x1024xf32, #tpu.memory_space<vmem>>, vector<16xf32>,
          %mul3A_364 = arith.constant 32 : i32
          %mul3A_365 = arith.muli %add3A_96, %mul3A_364 : i32
          %add3A_366 = arith.addi %mul3A_32, %mul3A_365 : i32
          %add3A_367 = arith.constant 8 : i32
          %add3A_368 = arith.addi %add3A_366, %add3A_367 : i32
          %add3A_369 = arith.constant 0 : i32
          %add3A_370 = arith.addi %add3A_368, %add3A_369 : i32
          %add3A_371 = vector.broadcast %add3A_370 : i32 to vector<16xi32>
          %add3A_372 = arith.addi %broadcast_in_dim3A_33, %add3A_371 : vector<16xi32>
          %lt3A_373 = arith.cmpf olt, %get3A_363, %get3A_331 : vector<16xf32>
          %lt3A_374 = arith.cmpf olt, %get3A_363, %get3A_335 : vector<16xf32>
          %lt3A_375 = arith.cmpf olt, %get3A_363, %get3A_339 : vector<16xf32>
          %lt3A_376 = arith.cmpf olt, %get3A_363, %get3A_343 : vector<16xf32>
          %select_n3A_377 = arith.select %lt3A_375, %get3A_339, %get3A_363 : vector<16xi1>, vector<16xf32>
          %select_n3A_378 = arith.select %lt3A_376, %select_n3A_377, %get3A_343 : vector<16xi1>, vector<16xf32>
          %select_n3A_379 = arith.select %lt3A_375, %get3A_355, %add3A_372 : vector<16xi1>, vector<16xi32>
          %select_n3A_380 = arith.select %lt3A_376, %select_n3A_379, %get3A_359 : vector<16xi1>, vector<16xi32>
          %select_n3A_381 = arith.select %lt3A_374, %get3A_335, %get3A_363 : vector<16xi1>, vector<16xf32>
          %select_n3A_382 = arith.select %lt3A_375, %select_n3A_381, %get3A_339 : vector<16xi1>, vector<16xf32>
          %select_n3A_383 = arith.select %lt3A_374, %get3A_351, %add3A_372 : vector<16xi1>, vector<16xi32>
          %select_n3A_384 = arith.select %lt3A_375, %select_n3A_383, %get3A_355 : vector<16xi1>, vector<16xi32>
          %select_n3A_385 = arith.select %lt3A_373, %get3A_331, %get3A_363 : vector<16xi1>, vector<16xf32>
          %select_n3A_386 = arith.select %lt3A_374, %select_n3A_385, %get3A_335 : vector<16xi1>, vector<16xf32>
          %select_n3A_387 = arith.select %lt3A_373, %get3A_347, %add3A_372 : vector<16xi1>, vector<16xi32>
          %select_n3A_388 = arith.select %lt3A_374, %select_n3A_387, %get3A_351 : vector<16xi1>, vector<16xi32>
          %select_n3A_389 = arith.select %lt3A_373, %get3A_363, %get3A_331 : vector<16xi1>, vector<16xf32>
          %select_n3A_390 = arith.select %lt3A_373, %add3A_372, %get3A_347 : vector<16xi1>, vector<16xi32>
          %get3A_391 = arith.constant 9 : i32
          %get3A_392 = arith.index_cast %get3A_391 : i32 to index
          %get3A_393 = arith.index_cast %mul3A_124 : i32 to index
          %get3A_394 = tpu.vector_load %arg7[%get3A_392, %get3A_393] {strides = array<i32>} : memref<32x1024xf32, #tpu.memory_space<vmem>>, vector<16xf32>,
          %mul3A_395 = arith.constant 32 : i32
          %mul3A_396 = arith.muli %add3A_96, %mul3A_395 : i32
          %add3A_397 = arith.addi %mul3A_32, %mul3A_396 : i32
          %add3A_398 = arith.constant 8 : i32
          %add3A_399 = arith.addi %add3A_397, %add3A_398 : i32
          %add3A_400 = arith.constant 1 : i32
          %add3A_401 = arith.addi %add3A_399, %add3A_400 : i32
          %add3A_402 = vector.broadcast %add3A_401 : i32 to vector<16xi32>
          %add3A_403 = arith.addi %broadcast_in_dim3A_33, %add3A_402 : vector<16xi32>
          %lt3A_404 = arith.cmpf olt, %get3A_394, %select_n3A_389 : vector<16xf32>
          %lt3A_405 = arith.cmpf olt, %get3A_394, %select_n3A_386 : vector<16xf32>
          %lt3A_406 = arith.cmpf olt, %get3A_394, %select_n3A_382 : vector<16xf32>
          %lt3A_407 = arith.cmpf olt, %get3A_394, %select_n3A_378 : vector<16xf32>
          %select_n3A_408 = arith.select %lt3A_406, %select_n3A_382, %get3A_394 : vector<16xi1>, vector<16xf32>
          %select_n3A_409 = arith.select %lt3A_407, %select_n3A_408, %select_n3A_378 : vector<16xi1>, vector<16xf32>
          %select_n3A_410 = arith.select %lt3A_406, %select_n3A_384, %add3A_403 : vector<16xi1>, vector<16xi32>
          %select_n3A_411 = arith.select %lt3A_407, %select_n3A_410, %select_n3A_380 : vector<16xi1>, vector<16xi32>
          %select_n3A_412 = arith.select %lt3A_405, %select_n3A_386, %get3A_394 : vector<16xi1>, vector<16xf32>
          %select_n3A_413 = arith.select %lt3A_406, %select_n3A_412, %select_n3A_382 : vector<16xi1>, vector<16xf32>
          %select_n3A_414 = arith.select %lt3A_405, %select_n3A_388, %add3A_403 : vector<16xi1>, vector<16xi32>
          %select_n3A_415 = arith.select %lt3A_406, %select_n3A_414, %select_n3A_384 : vector<16xi1>, vector<16xi32>
          %select_n3A_416 = arith.select %lt3A_404, %select_n3A_389, %get3A_394 : vector<16xi1>, vector<16xf32>
          %select_n3A_417 = arith.select %lt3A_405, %select_n3A_416, %select_n3A_386 : vector<16xi1>, vector<16xf32>
          %select_n3A_418 = arith.select %lt3A_404, %select_n3A_390, %add3A_403 : vector<16xi1>, vector<16xi32>
          %select_n3A_419 = arith.select %lt3A_405, %select_n3A_418, %select_n3A_388 : vector<16xi1>, vector<16xi32>
          %select_n3A_420 = arith.select %lt3A_404, %get3A_394, %select_n3A_389 : vector<16xi1>, vector<16xf32>
          %select_n3A_421 = arith.select %lt3A_404, %add3A_403, %select_n3A_390 : vector<16xi1>, vector<16xi32>
          %get3A_422 = arith.constant 10 : i32
          %get3A_423 = arith.index_cast %get3A_422 : i32 to index
          %get3A_424 = arith.index_cast %mul3A_124 : i32 to index
          %get3A_425 = tpu.vector_load %arg7[%get3A_423, %get3A_424] {strides = array<i32>} : memref<32x1024xf32, #tpu.memory_space<vmem>>, vector<16xf32>,
          %mul3A_426 = arith.constant 32 : i32
          %mul3A_427 = arith.muli %add3A_96, %mul3A_426 : i32
          %add3A_428 = arith.addi %mul3A_32, %mul3A_427 : i32
          %add3A_429 = arith.constant 8 : i32
          %add3A_430 = arith.addi %add3A_428, %add3A_429 : i32
          %add3A_431 = arith.constant 2 : i32
          %add3A_432 = arith.addi %add3A_430, %add3A_431 : i32
          %add3A_433 = vector.broadcast %add3A_432 : i32 to vector<16xi32>
          %add3A_434 = arith.addi %broadcast_in_dim3A_33, %add3A_433 : vector<16xi32>
          %lt3A_435 = arith.cmpf olt, %get3A_425, %select_n3A_420 : vector<16xf32>
          %lt3A_436 = arith.cmpf olt, %get3A_425, %select_n3A_417 : vector<16xf32>
          %lt3A_437 = arith.cmpf olt, %get3A_425, %select_n3A_413 : vector<16xf32>
          %lt3A_438 = arith.cmpf olt, %get3A_425, %select_n3A_409 : vector<16xf32>
          %select_n3A_439 = arith.select %lt3A_437, %select_n3A_413, %get3A_425 : vector<16xi1>, vector<16xf32>
          %select_n3A_440 = arith.select %lt3A_438, %select_n3A_439, %select_n3A_409 : vector<16xi1>, vector<16xf32>
          %select_n3A_441 = arith.select %lt3A_437, %select_n3A_415, %add3A_434 : vector<16xi1>, vector<16xi32>
          %select_n3A_442 = arith.select %lt3A_438, %select_n3A_441, %select_n3A_411 : vector<16xi1>, vector<16xi32>
          %select_n3A_443 = arith.select %lt3A_436, %select_n3A_417, %get3A_425 : vector<16xi1>, vector<16xf32>
          %select_n3A_444 = arith.select %lt3A_437, %select_n3A_443, %select_n3A_413 : vector<16xi1>, vector<16xf32>
          %select_n3A_445 = arith.select %lt3A_436, %select_n3A_419, %add3A_434 : vector<16xi1>, vector<16xi32>
          %select_n3A_446 = arith.select %lt3A_437, %select_n3A_445, %select_n3A_415 : vector<16xi1>, vector<16xi32>
          %select_n3A_447 = arith.select %lt3A_435, %select_n3A_420, %get3A_425 : vector<16xi1>, vector<16xf32>
          %select_n3A_448 = arith.select %lt3A_436, %select_n3A_447, %select_n3A_417 : vector<16xi1>, vector<16xf32>
          %select_n3A_449 = arith.select %lt3A_435, %select_n3A_421, %add3A_434 : vector<16xi1>, vector<16xi32>
          %select_n3A_450 = arith.select %lt3A_436, %select_n3A_449, %select_n3A_419 : vector<16xi1>, vector<16xi32>
          %select_n3A_451 = arith.select %lt3A_435, %get3A_425, %select_n3A_420 : vector<16xi1>, vector<16xf32>
          %select_n3A_452 = arith.select %lt3A_435, %add3A_434, %select_n3A_421 : vector<16xi1>, vector<16xi32>
          %get3A_453 = arith.constant 11 : i32
          %get3A_454 = arith.index_cast %get3A_453 : i32 to index
          %get3A_455 = arith.index_cast %mul3A_124 : i32 to index
          %get3A_456 = tpu.vector_load %arg7[%get3A_454, %get3A_455] {strides = array<i32>} : memref<32x1024xf32, #tpu.memory_space<vmem>>, vector<16xf32>,
          %mul3A_457 = arith.constant 32 : i32
          %mul3A_458 = arith.muli %add3A_96, %mul3A_457 : i32
          %add3A_459 = arith.addi %mul3A_32, %mul3A_458 : i32
          %add3A_460 = arith.constant 8 : i32
          %add3A_461 = arith.addi %add3A_459, %add3A_460 : i32
          %add3A_462 = arith.constant 3 : i32
          %add3A_463 = arith.addi %add3A_461, %add3A_462 : i32
          %add3A_464 = vector.broadcast %add3A_463 : i32 to vector<16xi32>
          %add3A_465 = arith.addi %broadcast_in_dim3A_33, %add3A_464 : vector<16xi32>
          %lt3A_466 = arith.cmpf olt, %get3A_456, %select_n3A_451 : vector<16xf32>
          %lt3A_467 = arith.cmpf olt, %get3A_456, %select_n3A_448 : vector<16xf32>
          %lt3A_468 = arith.cmpf olt, %get3A_456, %select_n3A_444 : vector<16xf32>
          %lt3A_469 = arith.cmpf olt, %get3A_456, %select_n3A_440 : vector<16xf32>
          %select_n3A_470 = arith.select %lt3A_468, %select_n3A_444, %get3A_456 : vector<16xi1>, vector<16xf32>
          %select_n3A_471 = arith.select %lt3A_469, %select_n3A_470, %select_n3A_440 : vector<16xi1>, vector<16xf32>
          %select_n3A_472 = arith.select %lt3A_468, %select_n3A_446, %add3A_465 : vector<16xi1>, vector<16xi32>
          %select_n3A_473 = arith.select %lt3A_469, %select_n3A_472, %select_n3A_442 : vector<16xi1>, vector<16xi32>
          %select_n3A_474 = arith.select %lt3A_467, %select_n3A_448, %get3A_456 : vector<16xi1>, vector<16xf32>
          %select_n3A_475 = arith.select %lt3A_468, %select_n3A_474, %select_n3A_444 : vector<16xi1>, vector<16xf32>
          %select_n3A_476 = arith.select %lt3A_467, %select_n3A_450, %add3A_465 : vector<16xi1>, vector<16xi32>
          %select_n3A_477 = arith.select %lt3A_468, %select_n3A_476, %select_n3A_446 : vector<16xi1>, vector<16xi32>
          %select_n3A_478 = arith.select %lt3A_466, %select_n3A_451, %get3A_456 : vector<16xi1>, vector<16xf32>
          %select_n3A_479 = arith.select %lt3A_467, %select_n3A_478, %select_n3A_448 : vector<16xi1>, vector<16xf32>
          %select_n3A_480 = arith.select %lt3A_466, %select_n3A_452, %add3A_465 : vector<16xi1>, vector<16xi32>
          %select_n3A_481 = arith.select %lt3A_467, %select_n3A_480, %select_n3A_450 : vector<16xi1>, vector<16xi32>
          %select_n3A_482 = arith.select %lt3A_466, %get3A_456, %select_n3A_451 : vector<16xi1>, vector<16xf32>
          %select_n3A_483 = arith.select %lt3A_466, %add3A_465, %select_n3A_452 : vector<16xi1>, vector<16xi32>
          %get3A_484 = arith.constant 12 : i32
          %get3A_485 = arith.index_cast %get3A_484 : i32 to index
          %get3A_486 = arith.index_cast %mul3A_124 : i32 to index
          %get3A_487 = tpu.vector_load %arg7[%get3A_485, %get3A_486] {strides = array<i32>} : memref<32x1024xf32, #tpu.memory_space<vmem>>, vector<16xf32>,
          %mul3A_488 = arith.constant 32 : i32
          %mul3A_489 = arith.muli %add3A_96, %mul3A_488 : i32
          %add3A_490 = arith.addi %mul3A_32, %mul3A_489 : i32
          %add3A_491 = arith.constant 8 : i32
          %add3A_492 = arith.addi %add3A_490, %add3A_491 : i32
          %add3A_493 = arith.constant 4 : i32
          %add3A_494 = arith.addi %add3A_492, %add3A_493 : i32
          %add3A_495 = vector.broadcast %add3A_494 : i32 to vector<16xi32>
          %add3A_496 = arith.addi %broadcast_in_dim3A_33, %add3A_495 : vector<16xi32>
          %lt3A_497 = arith.cmpf olt, %get3A_487, %select_n3A_482 : vector<16xf32>
          %lt3A_498 = arith.cmpf olt, %get3A_487, %select_n3A_479 : vector<16xf32>
          %lt3A_499 = arith.cmpf olt, %get3A_487, %select_n3A_475 : vector<16xf32>
          %lt3A_500 = arith.cmpf olt, %get3A_487, %select_n3A_471 : vector<16xf32>
          %select_n3A_501 = arith.select %lt3A_499, %select_n3A_475, %get3A_487 : vector<16xi1>, vector<16xf32>
          %select_n3A_502 = arith.select %lt3A_500, %select_n3A_501, %select_n3A_471 : vector<16xi1>, vector<16xf32>
          %select_n3A_503 = arith.select %lt3A_499, %select_n3A_477, %add3A_496 : vector<16xi1>, vector<16xi32>
          %select_n3A_504 = arith.select %lt3A_500, %select_n3A_503, %select_n3A_473 : vector<16xi1>, vector<16xi32>
          %select_n3A_505 = arith.select %lt3A_498, %select_n3A_479, %get3A_487 : vector<16xi1>, vector<16xf32>
          %select_n3A_506 = arith.select %lt3A_499, %select_n3A_505, %select_n3A_475 : vector<16xi1>, vector<16xf32>
          %select_n3A_507 = arith.select %lt3A_498, %select_n3A_481, %add3A_496 : vector<16xi1>, vector<16xi32>
          %select_n3A_508 = arith.select %lt3A_499, %select_n3A_507, %select_n3A_477 : vector<16xi1>, vector<16xi32>
          %select_n3A_509 = arith.select %lt3A_497, %select_n3A_482, %get3A_487 : vector<16xi1>, vector<16xf32>
          %select_n3A_510 = arith.select %lt3A_498, %select_n3A_509, %select_n3A_479 : vector<16xi1>, vector<16xf32>
          %select_n3A_511 = arith.select %lt3A_497, %select_n3A_483, %add3A_496 : vector<16xi1>, vector<16xi32>
          %select_n3A_512 = arith.select %lt3A_498, %select_n3A_511, %select_n3A_481 : vector<16xi1>, vector<16xi32>
          %select_n3A_513 = arith.select %lt3A_497, %get3A_487, %select_n3A_482 : vector<16xi1>, vector<16xf32>
          %select_n3A_514 = arith.select %lt3A_497, %add3A_496, %select_n3A_483 : vector<16xi1>, vector<16xi32>
          %get3A_515 = arith.constant 13 : i32
          %get3A_516 = arith.index_cast %get3A_515 : i32 to index
          %get3A_517 = arith.index_cast %mul3A_124 : i32 to index
          %get3A_518 = tpu.vector_load %arg7[%get3A_516, %get3A_517] {strides = array<i32>} : memref<32x1024xf32, #tpu.memory_space<vmem>>, vector<16xf32>,
          %mul3A_519 = arith.constant 32 : i32
          %mul3A_520 = arith.muli %add3A_96, %mul3A_519 : i32
          %add3A_521 = arith.addi %mul3A_32, %mul3A_520 : i32
          %add3A_522 = arith.constant 8 : i32
          %add3A_523 = arith.addi %add3A_521, %add3A_522 : i32
          %add3A_524 = arith.constant 5 : i32
          %add3A_525 = arith.addi %add3A_523, %add3A_524 : i32
          %add3A_526 = vector.broadcast %add3A_525 : i32 to vector<16xi32>
          %add3A_527 = arith.addi %broadcast_in_dim3A_33, %add3A_526 : vector<16xi32>
          %lt3A_528 = arith.cmpf olt, %get3A_518, %select_n3A_513 : vector<16xf32>
          %lt3A_529 = arith.cmpf olt, %get3A_518, %select_n3A_510 : vector<16xf32>
          %lt3A_530 = arith.cmpf olt, %get3A_518, %select_n3A_506 : vector<16xf32>
          %lt3A_531 = arith.cmpf olt, %get3A_518, %select_n3A_502 : vector<16xf32>
          %select_n3A_532 = arith.select %lt3A_530, %select_n3A_506, %get3A_518 : vector<16xi1>, vector<16xf32>
          %select_n3A_533 = arith.select %lt3A_531, %select_n3A_532, %select_n3A_502 : vector<16xi1>, vector<16xf32>
          %select_n3A_534 = arith.select %lt3A_530, %select_n3A_508, %add3A_527 : vector<16xi1>, vector<16xi32>
          %select_n3A_535 = arith.select %lt3A_531, %select_n3A_534, %select_n3A_504 : vector<16xi1>, vector<16xi32>
          %select_n3A_536 = arith.select %lt3A_529, %select_n3A_510, %get3A_518 : vector<16xi1>, vector<16xf32>
          %select_n3A_537 = arith.select %lt3A_530, %select_n3A_536, %select_n3A_506 : vector<16xi1>, vector<16xf32>
          %select_n3A_538 = arith.select %lt3A_529, %select_n3A_512, %add3A_527 : vector<16xi1>, vector<16xi32>
          %select_n3A_539 = arith.select %lt3A_530, %select_n3A_538, %select_n3A_508 : vector<16xi1>, vector<16xi32>
          %select_n3A_540 = arith.select %lt3A_528, %select_n3A_513, %get3A_518 : vector<16xi1>, vector<16xf32>
          %select_n3A_541 = arith.select %lt3A_529, %select_n3A_540, %select_n3A_510 : vector<16xi1>, vector<16xf32>
          %select_n3A_542 = arith.select %lt3A_528, %select_n3A_514, %add3A_527 : vector<16xi1>, vector<16xi32>
          %select_n3A_543 = arith.select %lt3A_529, %select_n3A_542, %select_n3A_512 : vector<16xi1>, vector<16xi32>
          %select_n3A_544 = arith.select %lt3A_528, %get3A_518, %select_n3A_513 : vector<16xi1>, vector<16xf32>
          %select_n3A_545 = arith.select %lt3A_528, %add3A_527, %select_n3A_514 : vector<16xi1>, vector<16xi32>
          %get3A_546 = arith.constant 14 : i32
          %get3A_547 = arith.index_cast %get3A_546 : i32 to index
          %get3A_548 = arith.index_cast %mul3A_124 : i32 to index
          %get3A_549 = tpu.vector_load %arg7[%get3A_547, %get3A_548] {strides = array<i32>} : memref<32x1024xf32, #tpu.memory_space<vmem>>, vector<16xf32>,
          %mul3A_550 = arith.constant 32 : i32
          %mul3A_551 = arith.muli %add3A_96, %mul3A_550 : i32
          %add3A_552 = arith.addi %mul3A_32, %mul3A_551 : i32
          %add3A_553 = arith.constant 8 : i32
          %add3A_554 = arith.addi %add3A_552, %add3A_553 : i32
          %add3A_555 = arith.constant 6 : i32
          %add3A_556 = arith.addi %add3A_554, %add3A_555 : i32
          %add3A_557 = vector.broadcast %add3A_556 : i32 to vector<16xi32>
          %add3A_558 = arith.addi %broadcast_in_dim3A_33, %add3A_557 : vector<16xi32>
          %lt3A_559 = arith.cmpf olt, %get3A_549, %select_n3A_544 : vector<16xf32>
          %lt3A_560 = arith.cmpf olt, %get3A_549, %select_n3A_541 : vector<16xf32>
          %lt3A_561 = arith.cmpf olt, %get3A_549, %select_n3A_537 : vector<16xf32>
          %lt3A_562 = arith.cmpf olt, %get3A_549, %select_n3A_533 : vector<16xf32>
          %select_n3A_563 = arith.select %lt3A_561, %select_n3A_537, %get3A_549 : vector<16xi1>, vector<16xf32>
          %select_n3A_564 = arith.select %lt3A_562, %select_n3A_563, %select_n3A_533 : vector<16xi1>, vector<16xf32>
          %select_n3A_565 = arith.select %lt3A_561, %select_n3A_539, %add3A_558 : vector<16xi1>, vector<16xi32>
          %select_n3A_566 = arith.select %lt3A_562, %select_n3A_565, %select_n3A_535 : vector<16xi1>, vector<16xi32>
          %select_n3A_567 = arith.select %lt3A_560, %select_n3A_541, %get3A_549 : vector<16xi1>, vector<16xf32>
          %select_n3A_568 = arith.select %lt3A_561, %select_n3A_567, %select_n3A_537 : vector<16xi1>, vector<16xf32>
          %select_n3A_569 = arith.select %lt3A_560, %select_n3A_543, %add3A_558 : vector<16xi1>, vector<16xi32>
          %select_n3A_570 = arith.select %lt3A_561, %select_n3A_569, %select_n3A_539 : vector<16xi1>, vector<16xi32>
          %select_n3A_571 = arith.select %lt3A_559, %select_n3A_544, %get3A_549 : vector<16xi1>, vector<16xf32>
          %select_n3A_572 = arith.select %lt3A_560, %select_n3A_571, %select_n3A_541 : vector<16xi1>, vector<16xf32>
          %select_n3A_573 = arith.select %lt3A_559, %select_n3A_545, %add3A_558 : vector<16xi1>, vector<16xi32>
          %select_n3A_574 = arith.select %lt3A_560, %select_n3A_573, %select_n3A_543 : vector<16xi1>, vector<16xi32>
          %select_n3A_575 = arith.select %lt3A_559, %get3A_549, %select_n3A_544 : vector<16xi1>, vector<16xf32>
          %select_n3A_576 = arith.select %lt3A_559, %add3A_558, %select_n3A_545 : vector<16xi1>, vector<16xi32>
          %get3A_577 = arith.constant 15 : i32
          %get3A_578 = arith.index_cast %get3A_577 : i32 to index
          %get3A_579 = arith.index_cast %mul3A_124 : i32 to index
          %get3A_580 = tpu.vector_load %arg7[%get3A_578, %get3A_579] {strides = array<i32>} : memref<32x1024xf32, #tpu.memory_space<vmem>>, vector<16xf32>,
          %mul3A_581 = arith.constant 32 : i32
          %mul3A_582 = arith.muli %add3A_96, %mul3A_581 : i32
          %add3A_583 = arith.addi %mul3A_32, %mul3A_582 : i32
          %add3A_584 = arith.constant 8 : i32
          %add3A_585 = arith.addi %add3A_583, %add3A_584 : i32
          %add3A_586 = arith.constant 7 : i32
          %add3A_587 = arith.addi %add3A_585, %add3A_586 : i32
          %add3A_588 = vector.broadcast %add3A_587 : i32 to vector<16xi32>
          %add3A_589 = arith.addi %broadcast_in_dim3A_33, %add3A_588 : vector<16xi32>
          %lt3A_590 = arith.cmpf olt, %get3A_580, %select_n3A_575 : vector<16xf32>
          %lt3A_591 = arith.cmpf olt, %get3A_580, %select_n3A_572 : vector<16xf32>
          %lt3A_592 = arith.cmpf olt, %get3A_580, %select_n3A_568 : vector<16xf32>
          %lt3A_593 = arith.cmpf olt, %get3A_580, %select_n3A_564 : vector<16xf32>
          %select_n3A_594 = arith.select %lt3A_592, %select_n3A_568, %get3A_580 : vector<16xi1>, vector<16xf32>
          %select_n3A_595 = arith.select %lt3A_593, %select_n3A_594, %select_n3A_564 : vector<16xi1>, vector<16xf32>
          %select_n3A_596 = arith.select %lt3A_592, %select_n3A_570, %add3A_589 : vector<16xi1>, vector<16xi32>
          %select_n3A_597 = arith.select %lt3A_593, %select_n3A_596, %select_n3A_566 : vector<16xi1>, vector<16xi32>
          %select_n3A_598 = arith.select %lt3A_591, %select_n3A_572, %get3A_580 : vector<16xi1>, vector<16xf32>
          %select_n3A_599 = arith.select %lt3A_592, %select_n3A_598, %select_n3A_568 : vector<16xi1>, vector<16xf32>
          %select_n3A_600 = arith.select %lt3A_591, %select_n3A_574, %add3A_589 : vector<16xi1>, vector<16xi32>
          %select_n3A_601 = arith.select %lt3A_592, %select_n3A_600, %select_n3A_570 : vector<16xi1>, vector<16xi32>
          %select_n3A_602 = arith.select %lt3A_590, %select_n3A_575, %get3A_580 : vector<16xi1>, vector<16xf32>
          %select_n3A_603 = arith.select %lt3A_591, %select_n3A_602, %select_n3A_572 : vector<16xi1>, vector<16xf32>
          %select_n3A_604 = arith.select %lt3A_590, %select_n3A_576, %add3A_589 : vector<16xi1>, vector<16xi32>
          %select_n3A_605 = arith.select %lt3A_591, %select_n3A_604, %select_n3A_574 : vector<16xi1>, vector<16xi32>
          %select_n3A_606 = arith.select %lt3A_590, %get3A_580, %select_n3A_575 : vector<16xi1>, vector<16xf32>
          %select_n3A_607 = arith.select %lt3A_590, %add3A_589, %select_n3A_576 : vector<16xi1>, vector<16xi32>
          %swap3A = arith.constant 0 : i32
          %swap3A_608 = arith.index_cast %swap3A : i32 to index
          %swap3A_609 = arith.index_cast %mul3A_124 : i32 to index
          %swap3A_610 = tpu.vector_load %arg4[%swap3A_608, %swap3A_609] {strides = array<i32>} : memref<4x1024xf32, #tpu.memory_space<vmem>>, vector<16xf32>,
          tpu.vector_store %arg4[%swap3A_608, %swap3A_609], %select_n3A_606 {strides = array<i32>} : memref<4x1024xf32, #tpu.memory_space<vmem>>, vector<16xf32>,
          %swap3A_611 = arith.constant 0 : i32
          %swap3A_612 = arith.index_cast %swap3A_611 : i32 to index
          %swap3A_613 = arith.index_cast %mul3A_124 : i32 to index
          %swap3A_614 = tpu.vector_load %arg5[%swap3A_612, %swap3A_613] {strides = array<i32>} : memref<4x1024xi32, #tpu.memory_space<vmem>>, vector<16xi32>,
          tpu.vector_store %arg5[%swap3A_612, %swap3A_613], %select_n3A_607 {strides = array<i32>} : memref<4x1024xi32, #tpu.memory_space<vmem>>, vector<16xi32>,
          %swap3A_615 = arith.constant 1 : i32
          %swap3A_616 = arith.index_cast %swap3A_615 : i32 to index
          %swap3A_617 = arith.index_cast %mul3A_124 : i32 to index
          %swap3A_618 = tpu.vector_load %arg4[%swap3A_616, %swap3A_617] {strides = array<i32>} : memref<4x1024xf32, #tpu.memory_space<vmem>>, vector<16xf32>,
          tpu.vector_store %arg4[%swap3A_616, %swap3A_617], %select_n3A_603 {strides = array<i32>} : memref<4x1024xf32, #tpu.memory_space<vmem>>, vector<16xf32>,
          %swap3A_619 = arith.constant 1 : i32
          %swap3A_620 = arith.index_cast %swap3A_619 : i32 to index
          %swap3A_621 = arith.index_cast %mul3A_124 : i32 to index
          %swap3A_622 = tpu.vector_load %arg5[%swap3A_620, %swap3A_621] {strides = array<i32>} : memref<4x1024xi32, #tpu.memory_space<vmem>>, vector<16xi32>,
          tpu.vector_store %arg5[%swap3A_620, %swap3A_621], %select_n3A_605 {strides = array<i32>} : memref<4x1024xi32, #tpu.memory_space<vmem>>, vector<16xi32>,
          %swap3A_623 = arith.constant 2 : i32
          %swap3A_624 = arith.index_cast %swap3A_623 : i32 to index
          %swap3A_625 = arith.index_cast %mul3A_124 : i32 to index
          %swap3A_626 = tpu.vector_load %arg4[%swap3A_624, %swap3A_625] {strides = array<i32>} : memref<4x1024xf32, #tpu.memory_space<vmem>>, vector<16xf32>,
          tpu.vector_store %arg4[%swap3A_624, %swap3A_625], %select_n3A_599 {strides = array<i32>} : memref<4x1024xf32, #tpu.memory_space<vmem>>, vector<16xf32>,
          %swap3A_627 = arith.constant 2 : i32
          %swap3A_628 = arith.index_cast %swap3A_627 : i32 to index
          %swap3A_629 = arith.index_cast %mul3A_124 : i32 to index
          %swap3A_630 = tpu.vector_load %arg5[%swap3A_628, %swap3A_629] {strides = array<i32>} : memref<4x1024xi32, #tpu.memory_space<vmem>>, vector<16xi32>,
          tpu.vector_store %arg5[%swap3A_628, %swap3A_629], %select_n3A_601 {strides = array<i32>} : memref<4x1024xi32, #tpu.memory_space<vmem>>, vector<16xi32>,
          %swap3A_631 = arith.constant 3 : i32
          %swap3A_632 = arith.index_cast %swap3A_631 : i32 to index
          %swap3A_633 = arith.index_cast %mul3A_124 : i32 to index
          %swap3A_634 = tpu.vector_load %arg4[%swap3A_632, %swap3A_633] {strides = array<i32>} : memref<4x1024xf32, #tpu.memory_space<vmem>>, vector<16xf32>,
          tpu.vector_store %arg4[%swap3A_632, %swap3A_633], %select_n3A_595 {strides = array<i32>} : memref<4x1024xf32, #tpu.memory_space<vmem>>, vector<16xf32>,
          %swap3A_635 = arith.constant 3 : i32
          %swap3A_636 = arith.index_cast %swap3A_635 : i32 to index
          %swap3A_637 = arith.index_cast %mul3A_124 : i32 to index
          %swap3A_638 = tpu.vector_load %arg5[%swap3A_636, %swap3A_637] {strides = array<i32>} : memref<4x1024xi32, #tpu.memory_space<vmem>>, vector<16xi32>,
          tpu.vector_store %arg5[%swap3A_636, %swap3A_637], %select_n3A_597 {strides = array<i32>} : memref<4x1024xi32, #tpu.memory_space<vmem>>, vector<16xi32>,
        } else {
        }
        %get3A_223 = arith.constant 3 : i32
        %get3A_224 = arith.index_cast %get3A_223 : i32 to index
        %get3A_225 = arith.index_cast %mul3A_124 : i32 to index
        %get3A_226 = tpu.vector_load %arg4[%get3A_224, %get3A_225] {strides = array<i32>} : memref<4x1024xf32, #tpu.memory_space<vmem>>, vector<16xf32>,
        %get3A_227 = arith.constant 16 : i32
        %get3A_228 = arith.index_cast %get3A_227 : i32 to index
        %get3A_229 = arith.index_cast %mul3A_124 : i32 to index
        %get3A_230 = tpu.vector_load %arg7[%get3A_228, %get3A_229] {strides = array<i32>} : memref<32x1024xf32, #tpu.memory_space<vmem>>, vector<16xf32>,
        %get3A_231 = arith.constant 17 : i32
        %get3A_232 = arith.index_cast %get3A_231 : i32 to index
        %get3A_233 = arith.index_cast %mul3A_124 : i32 to index
        %get3A_234 = tpu.vector_load %arg7[%get3A_232, %get3A_233] {strides = array<i32>} : memref<32x1024xf32, #tpu.memory_space<vmem>>, vector<16xf32>,
        %min3A_235 = arith.minimumf %get3A_230, %get3A_234 : vector<16xf32>
        %get3A_236 = arith.constant 18 : i32
        %get3A_237 = arith.index_cast %get3A_236 : i32 to index
        %get3A_238 = arith.index_cast %mul3A_124 : i32 to index
        %get3A_239 = tpu.vector_load %arg7[%get3A_237, %get3A_238] {strides = array<i32>} : memref<32x1024xf32, #tpu.memory_space<vmem>>, vector<16xf32>,
        %min3A_240 = arith.minimumf %min3A_235, %get3A_239 : vector<16xf32>
        %get3A_241 = arith.constant 19 : i32
        %get3A_242 = arith.index_cast %get3A_241 : i32 to index
        %get3A_243 = arith.index_cast %mul3A_124 : i32 to index
        %get3A_244 = tpu.vector_load %arg7[%get3A_242, %get3A_243] {strides = array<i32>} : memref<32x1024xf32, #tpu.memory_space<vmem>>, vector<16xf32>,
        %min3A_245 = arith.minimumf %min3A_240, %get3A_244 : vector<16xf32>
        %get3A_246 = arith.constant 20 : i32
        %get3A_247 = arith.index_cast %get3A_246 : i32 to index
        %get3A_248 = arith.index_cast %mul3A_124 : i32 to index
        %get3A_249 = tpu.vector_load %arg7[%get3A_247, %get3A_248] {strides = array<i32>} : memref<32x1024xf32, #tpu.memory_space<vmem>>, vector<16xf32>,
        %min3A_250 = arith.minimumf %min3A_245, %get3A_249 : vector<16xf32>
        %get3A_251 = arith.constant 21 : i32
        %get3A_252 = arith.index_cast %get3A_251 : i32 to index
        %get3A_253 = arith.index_cast %mul3A_124 : i32 to index
        %get3A_254 = tpu.vector_load %arg7[%get3A_252, %get3A_253] {strides = array<i32>} : memref<32x1024xf32, #tpu.memory_space<vmem>>, vector<16xf32>,
        %min3A_255 = arith.minimumf %min3A_250, %get3A_254 : vector<16xf32>
        %get3A_256 = arith.constant 22 : i32
        %get3A_257 = arith.index_cast %get3A_256 : i32 to index
        %get3A_258 = arith.index_cast %mul3A_124 : i32 to index
        %get3A_259 = tpu.vector_load %arg7[%get3A_257, %get3A_258] {strides = array<i32>} : memref<32x1024xf32, #tpu.memory_space<vmem>>, vector<16xf32>,
        %min3A_260 = arith.minimumf %min3A_255, %get3A_259 : vector<16xf32>
        %get3A_261 = arith.constant 23 : i32
        %get3A_262 = arith.index_cast %get3A_261 : i32 to index
        %get3A_263 = arith.index_cast %mul3A_124 : i32 to index
        %get3A_264 = tpu.vector_load %arg7[%get3A_262, %get3A_263] {strides = array<i32>} : memref<32x1024xf32, #tpu.memory_space<vmem>>, vector<16xf32>,
        %min3A_265 = arith.minimumf %min3A_260, %get3A_264 : vector<16xf32>
        %lt3A_266 = arith.cmpf olt, %min3A_265, %get3A_226 : vector<16xf32>
        %all_reduce_population_count3A_267 = tpu.all_reduce %lt3A_266 {dim = 0 : i64, kind = #tpu.reduction_kind<sum>} : vector<16xi1> -> vector<16xi32>
        %slice3A_268 = vector.extract_strided_slice %all_reduce_population_count3A_267 {offsets = [0], sizes = [1], strides = [1]} : vector<16xi32> to vector<1xi32>
        %squeeze3A_269 = vector.extract %slice3A_268[0] : i32 from vector<1xi32>
        %gt3A_270 = arith.constant 0 : i32
        %gt3A_271 = arith.cmpi sgt, %squeeze3A_269, %gt3A_270 : i32
        %convert_element_type3A_272 = arith.extui %gt3A_271 : i1 to i32
        %cond3A_273 = arith.constant 0 : i32
        %cond3A_274 = arith.cmpi ne, %convert_element_type3A_272, %cond3A_273 : i32
        scf.if %cond3A_274 {
          %get3A_328 = arith.constant 0 : i32
          %get3A_329 = arith.index_cast %get3A_328 : i32 to index
          %get3A_330 = arith.index_cast %mul3A_124 : i32 to index
          %get3A_331 = tpu.vector_load %arg4[%get3A_329, %get3A_330] {strides = array<i32>} : memref<4x1024xf32, #tpu.memory_space<vmem>>, vector<16xf32>,
          %get3A_332 = arith.constant 1 : i32
          %get3A_333 = arith.index_cast %get3A_332 : i32 to index
          %get3A_334 = arith.index_cast %mul3A_124 : i32 to index
          %get3A_335 = tpu.vector_load %arg4[%get3A_333, %get3A_334] {strides = array<i32>} : memref<4x1024xf32, #tpu.memory_space<vmem>>, vector<16xf32>,
          %get3A_336 = arith.constant 2 : i32
          %get3A_337 = arith.index_cast %get3A_336 : i32 to index
          %get3A_338 = arith.index_cast %mul3A_124 : i32 to index
          %get3A_339 = tpu.vector_load %arg4[%get3A_337, %get3A_338] {strides = array<i32>} : memref<4x1024xf32, #tpu.memory_space<vmem>>, vector<16xf32>,
          %get3A_340 = arith.constant 3 : i32
          %get3A_341 = arith.index_cast %get3A_340 : i32 to index
          %get3A_342 = arith.index_cast %mul3A_124 : i32 to index
          %get3A_343 = tpu.vector_load %arg4[%get3A_341, %get3A_342] {strides = array<i32>} : memref<4x1024xf32, #tpu.memory_space<vmem>>, vector<16xf32>,
          %get3A_344 = arith.constant 0 : i32
          %get3A_345 = arith.index_cast %get3A_344 : i32 to index
          %get3A_346 = arith.index_cast %mul3A_124 : i32 to index
          %get3A_347 = tpu.vector_load %arg5[%get3A_345, %get3A_346] {strides = array<i32>} : memref<4x1024xi32, #tpu.memory_space<vmem>>, vector<16xi32>,
          %get3A_348 = arith.constant 1 : i32
          %get3A_349 = arith.index_cast %get3A_348 : i32 to index
          %get3A_350 = arith.index_cast %mul3A_124 : i32 to index
          %get3A_351 = tpu.vector_load %arg5[%get3A_349, %get3A_350] {strides = array<i32>} : memref<4x1024xi32, #tpu.memory_space<vmem>>, vector<16xi32>,
          %get3A_352 = arith.constant 2 : i32
          %get3A_353 = arith.index_cast %get3A_352 : i32 to index
          %get3A_354 = arith.index_cast %mul3A_124 : i32 to index
          %get3A_355 = tpu.vector_load %arg5[%get3A_353, %get3A_354] {strides = array<i32>} : memref<4x1024xi32, #tpu.memory_space<vmem>>, vector<16xi32>,
          %get3A_356 = arith.constant 3 : i32
          %get3A_357 = arith.index_cast %get3A_356 : i32 to index
          %get3A_358 = arith.index_cast %mul3A_124 : i32 to index
          %get3A_359 = tpu.vector_load %arg5[%get3A_357, %get3A_358] {strides = array<i32>} : memref<4x1024xi32, #tpu.memory_space<vmem>>, vector<16xi32>,
          %get3A_360 = arith.constant 16 : i32
          %get3A_361 = arith.index_cast %get3A_360 : i32 to index
          %get3A_362 = arith.index_cast %mul3A_124 : i32 to index
          %get3A_363 = tpu.vector_load %arg7[%get3A_361, %get3A_362] {strides = array<i32>} : memref<32x1024xf32, #tpu.memory_space<vmem>>, vector<16xf32>,
          %mul3A_364 = arith.constant 32 : i32
          %mul3A_365 = arith.muli %add3A_96, %mul3A_364 : i32
          %add3A_366 = arith.addi %mul3A_32, %mul3A_365 : i32
          %add3A_367 = arith.constant 16 : i32
          %add3A_368 = arith.addi %add3A_366, %add3A_367 : i32
          %add3A_369 = arith.constant 0 : i32
          %add3A_370 = arith.addi %add3A_368, %add3A_369 : i32
          %add3A_371 = vector.broadcast %add3A_370 : i32 to vector<16xi32>
          %add3A_372 = arith.addi %broadcast_in_dim3A_33, %add3A_371 : vector<16xi32>
          %lt3A_373 = arith.cmpf olt, %get3A_363, %get3A_331 : vector<16xf32>
          %lt3A_374 = arith.cmpf olt, %get3A_363, %get3A_335 : vector<16xf32>
          %lt3A_375 = arith.cmpf olt, %get3A_363, %get3A_339 : vector<16xf32>
          %lt3A_376 = arith.cmpf olt, %get3A_363, %get3A_343 : vector<16xf32>
          %select_n3A_377 = arith.select %lt3A_375, %get3A_339, %get3A_363 : vector<16xi1>, vector<16xf32>
          %select_n3A_378 = arith.select %lt3A_376, %select_n3A_377, %get3A_343 : vector<16xi1>, vector<16xf32>
          %select_n3A_379 = arith.select %lt3A_375, %get3A_355, %add3A_372 : vector<16xi1>, vector<16xi32>
          %select_n3A_380 = arith.select %lt3A_376, %select_n3A_379, %get3A_359 : vector<16xi1>, vector<16xi32>
          %select_n3A_381 = arith.select %lt3A_374, %get3A_335, %get3A_363 : vector<16xi1>, vector<16xf32>
          %select_n3A_382 = arith.select %lt3A_375, %select_n3A_381, %get3A_339 : vector<16xi1>, vector<16xf32>
          %select_n3A_383 = arith.select %lt3A_374, %get3A_351, %add3A_372 : vector<16xi1>, vector<16xi32>
          %select_n3A_384 = arith.select %lt3A_375, %select_n3A_383, %get3A_355 : vector<16xi1>, vector<16xi32>
          %select_n3A_385 = arith.select %lt3A_373, %get3A_331, %get3A_363 : vector<16xi1>, vector<16xf32>
          %select_n3A_386 = arith.select %lt3A_374, %select_n3A_385, %get3A_335 : vector<16xi1>, vector<16xf32>
          %select_n3A_387 = arith.select %lt3A_373, %get3A_347, %add3A_372 : vector<16xi1>, vector<16xi32>
          %select_n3A_388 = arith.select %lt3A_374, %select_n3A_387, %get3A_351 : vector<16xi1>, vector<16xi32>
          %select_n3A_389 = arith.select %lt3A_373, %get3A_363, %get3A_331 : vector<16xi1>, vector<16xf32>
          %select_n3A_390 = arith.select %lt3A_373, %add3A_372, %get3A_347 : vector<16xi1>, vector<16xi32>
          %get3A_391 = arith.constant 17 : i32
          %get3A_392 = arith.index_cast %get3A_391 : i32 to index
          %get3A_393 = arith.index_cast %mul3A_124 : i32 to index
          %get3A_394 = tpu.vector_load %arg7[%get3A_392, %get3A_393] {strides = array<i32>} : memref<32x1024xf32, #tpu.memory_space<vmem>>, vector<16xf32>,
          %mul3A_395 = arith.constant 32 : i32
          %mul3A_396 = arith.muli %add3A_96, %mul3A_395 : i32
          %add3A_397 = arith.addi %mul3A_32, %mul3A_396 : i32
          %add3A_398 = arith.constant 16 : i32
          %add3A_399 = arith.addi %add3A_397, %add3A_398 : i32
          %add3A_400 = arith.constant 1 : i32
          %add3A_401 = arith.addi %add3A_399, %add3A_400 : i32
          %add3A_402 = vector.broadcast %add3A_401 : i32 to vector<16xi32>
          %add3A_403 = arith.addi %broadcast_in_dim3A_33, %add3A_402 : vector<16xi32>
          %lt3A_404 = arith.cmpf olt, %get3A_394, %select_n3A_389 : vector<16xf32>
          %lt3A_405 = arith.cmpf olt, %get3A_394, %select_n3A_386 : vector<16xf32>
          %lt3A_406 = arith.cmpf olt, %get3A_394, %select_n3A_382 : vector<16xf32>
          %lt3A_407 = arith.cmpf olt, %get3A_394, %select_n3A_378 : vector<16xf32>
          %select_n3A_408 = arith.select %lt3A_406, %select_n3A_382, %get3A_394 : vector<16xi1>, vector<16xf32>
          %select_n3A_409 = arith.select %lt3A_407, %select_n3A_408, %select_n3A_378 : vector<16xi1>, vector<16xf32>
          %select_n3A_410 = arith.select %lt3A_406, %select_n3A_384, %add3A_403 : vector<16xi1>, vector<16xi32>
          %select_n3A_411 = arith.select %lt3A_407, %select_n3A_410, %select_n3A_380 : vector<16xi1>, vector<16xi32>
          %select_n3A_412 = arith.select %lt3A_405, %select_n3A_386, %get3A_394 : vector<16xi1>, vector<16xf32>
          %select_n3A_413 = arith.select %lt3A_406, %select_n3A_412, %select_n3A_382 : vector<16xi1>, vector<16xf32>
          %select_n3A_414 = arith.select %lt3A_405, %select_n3A_388, %add3A_403 : vector<16xi1>, vector<16xi32>
          %select_n3A_415 = arith.select %lt3A_406, %select_n3A_414, %select_n3A_384 : vector<16xi1>, vector<16xi32>
          %select_n3A_416 = arith.select %lt3A_404, %select_n3A_389, %get3A_394 : vector<16xi1>, vector<16xf32>
          %select_n3A_417 = arith.select %lt3A_405, %select_n3A_416, %select_n3A_386 : vector<16xi1>, vector<16xf32>
          %select_n3A_418 = arith.select %lt3A_404, %select_n3A_390, %add3A_403 : vector<16xi1>, vector<16xi32>
          %select_n3A_419 = arith.select %lt3A_405, %select_n3A_418, %select_n3A_388 : vector<16xi1>, vector<16xi32>
          %select_n3A_420 = arith.select %lt3A_404, %get3A_394, %select_n3A_389 : vector<16xi1>, vector<16xf32>
          %select_n3A_421 = arith.select %lt3A_404, %add3A_403, %select_n3A_390 : vector<16xi1>, vector<16xi32>
          %get3A_422 = arith.constant 18 : i32
          %get3A_423 = arith.index_cast %get3A_422 : i32 to index
          %get3A_424 = arith.index_cast %mul3A_124 : i32 to index
          %get3A_425 = tpu.vector_load %arg7[%get3A_423, %get3A_424] {strides = array<i32>} : memref<32x1024xf32, #tpu.memory_space<vmem>>, vector<16xf32>,
          %mul3A_426 = arith.constant 32 : i32
          %mul3A_427 = arith.muli %add3A_96, %mul3A_426 : i32
          %add3A_428 = arith.addi %mul3A_32, %mul3A_427 : i32
          %add3A_429 = arith.constant 16 : i32
          %add3A_430 = arith.addi %add3A_428, %add3A_429 : i32
          %add3A_431 = arith.constant 2 : i32
          %add3A_432 = arith.addi %add3A_430, %add3A_431 : i32
          %add3A_433 = vector.broadcast %add3A_432 : i32 to vector<16xi32>
          %add3A_434 = arith.addi %broadcast_in_dim3A_33, %add3A_433 : vector<16xi32>
          %lt3A_435 = arith.cmpf olt, %get3A_425, %select_n3A_420 : vector<16xf32>
          %lt3A_436 = arith.cmpf olt, %get3A_425, %select_n3A_417 : vector<16xf32>
          %lt3A_437 = arith.cmpf olt, %get3A_425, %select_n3A_413 : vector<16xf32>
          %lt3A_438 = arith.cmpf olt, %get3A_425, %select_n3A_409 : vector<16xf32>
          %select_n3A_439 = arith.select %lt3A_437, %select_n3A_413, %get3A_425 : vector<16xi1>, vector<16xf32>
          %select_n3A_440 = arith.select %lt3A_438, %select_n3A_439, %select_n3A_409 : vector<16xi1>, vector<16xf32>
          %select_n3A_441 = arith.select %lt3A_437, %select_n3A_415, %add3A_434 : vector<16xi1>, vector<16xi32>
          %select_n3A_442 = arith.select %lt3A_438, %select_n3A_441, %select_n3A_411 : vector<16xi1>, vector<16xi32>
          %select_n3A_443 = arith.select %lt3A_436, %select_n3A_417, %get3A_425 : vector<16xi1>, vector<16xf32>
          %select_n3A_444 = arith.select %lt3A_437, %select_n3A_443, %select_n3A_413 : vector<16xi1>, vector<16xf32>
          %select_n3A_445 = arith.select %lt3A_436, %select_n3A_419, %add3A_434 : vector<16xi1>, vector<16xi32>
          %select_n3A_446 = arith.select %lt3A_437, %select_n3A_445, %select_n3A_415 : vector<16xi1>, vector<16xi32>
          %select_n3A_447 = arith.select %lt3A_435, %select_n3A_420, %get3A_425 : vector<16xi1>, vector<16xf32>
          %select_n3A_448 = arith.select %lt3A_436, %select_n3A_447, %select_n3A_417 : vector<16xi1>, vector<16xf32>
          %select_n3A_449 = arith.select %lt3A_435, %select_n3A_421, %add3A_434 : vector<16xi1>, vector<16xi32>
          %select_n3A_450 = arith.select %lt3A_436, %select_n3A_449, %select_n3A_419 : vector<16xi1>, vector<16xi32>
          %select_n3A_451 = arith.select %lt3A_435, %get3A_425, %select_n3A_420 : vector<16xi1>, vector<16xf32>
          %select_n3A_452 = arith.select %lt3A_435, %add3A_434, %select_n3A_421 : vector<16xi1>, vector<16xi32>
          %get3A_453 = arith.constant 19 : i32
          %get3A_454 = arith.index_cast %get3A_453 : i32 to index
          %get3A_455 = arith.index_cast %mul3A_124 : i32 to index
          %get3A_456 = tpu.vector_load %arg7[%get3A_454, %get3A_455] {strides = array<i32>} : memref<32x1024xf32, #tpu.memory_space<vmem>>, vector<16xf32>,
          %mul3A_457 = arith.constant 32 : i32
          %mul3A_458 = arith.muli %add3A_96, %mul3A_457 : i32
          %add3A_459 = arith.addi %mul3A_32, %mul3A_458 : i32
          %add3A_460 = arith.constant 16 : i32
          %add3A_461 = arith.addi %add3A_459, %add3A_460 : i32
          %add3A_462 = arith.constant 3 : i32
          %add3A_463 = arith.addi %add3A_461, %add3A_462 : i32
          %add3A_464 = vector.broadcast %add3A_463 : i32 to vector<16xi32>
          %add3A_465 = arith.addi %broadcast_in_dim3A_33, %add3A_464 : vector<16xi32>
          %lt3A_466 = arith.cmpf olt, %get3A_456, %select_n3A_451 : vector<16xf32>
          %lt3A_467 = arith.cmpf olt, %get3A_456, %select_n3A_448 : vector<16xf32>
          %lt3A_468 = arith.cmpf olt, %get3A_456, %select_n3A_444 : vector<16xf32>
          %lt3A_469 = arith.cmpf olt, %get3A_456, %select_n3A_440 : vector<16xf32>
          %select_n3A_470 = arith.select %lt3A_468, %select_n3A_444, %get3A_456 : vector<16xi1>, vector<16xf32>
          %select_n3A_471 = arith.select %lt3A_469, %select_n3A_470, %select_n3A_440 : vector<16xi1>, vector<16xf32>
          %select_n3A_472 = arith.select %lt3A_468, %select_n3A_446, %add3A_465 : vector<16xi1>, vector<16xi32>
          %select_n3A_473 = arith.select %lt3A_469, %select_n3A_472, %select_n3A_442 : vector<16xi1>, vector<16xi32>
          %select_n3A_474 = arith.select %lt3A_467, %select_n3A_448, %get3A_456 : vector<16xi1>, vector<16xf32>
          %select_n3A_475 = arith.select %lt3A_468, %select_n3A_474, %select_n3A_444 : vector<16xi1>, vector<16xf32>
          %select_n3A_476 = arith.select %lt3A_467, %select_n3A_450, %add3A_465 : vector<16xi1>, vector<16xi32>
          %select_n3A_477 = arith.select %lt3A_468, %select_n3A_476, %select_n3A_446 : vector<16xi1>, vector<16xi32>
          %select_n3A_478 = arith.select %lt3A_466, %select_n3A_451, %get3A_456 : vector<16xi1>, vector<16xf32>
          %select_n3A_479 = arith.select %lt3A_467, %select_n3A_478, %select_n3A_448 : vector<16xi1>, vector<16xf32>
          %select_n3A_480 = arith.select %lt3A_466, %select_n3A_452, %add3A_465 : vector<16xi1>, vector<16xi32>
          %select_n3A_481 = arith.select %lt3A_467, %select_n3A_480, %select_n3A_450 : vector<16xi1>, vector<16xi32>
          %select_n3A_482 = arith.select %lt3A_466, %get3A_456, %select_n3A_451 : vector<16xi1>, vector<16xf32>
          %select_n3A_483 = arith.select %lt3A_466, %add3A_465, %select_n3A_452 : vector<16xi1>, vector<16xi32>
          %get3A_484 = arith.constant 20 : i32
          %get3A_485 = arith.index_cast %get3A_484 : i32 to index
          %get3A_486 = arith.index_cast %mul3A_124 : i32 to index
          %get3A_487 = tpu.vector_load %arg7[%get3A_485, %get3A_486] {strides = array<i32>} : memref<32x1024xf32, #tpu.memory_space<vmem>>, vector<16xf32>,
          %mul3A_488 = arith.constant 32 : i32
          %mul3A_489 = arith.muli %add3A_96, %mul3A_488 : i32
          %add3A_490 = arith.addi %mul3A_32, %mul3A_489 : i32
          %add3A_491 = arith.constant 16 : i32
          %add3A_492 = arith.addi %add3A_490, %add3A_491 : i32
          %add3A_493 = arith.constant 4 : i32
          %add3A_494 = arith.addi %add3A_492, %add3A_493 : i32
          %add3A_495 = vector.broadcast %add3A_494 : i32 to vector<16xi32>
          %add3A_496 = arith.addi %broadcast_in_dim3A_33, %add3A_495 : vector<16xi32>
          %lt3A_497 = arith.cmpf olt, %get3A_487, %select_n3A_482 : vector<16xf32>
          %lt3A_498 = arith.cmpf olt, %get3A_487, %select_n3A_479 : vector<16xf32>
          %lt3A_499 = arith.cmpf olt, %get3A_487, %select_n3A_475 : vector<16xf32>
          %lt3A_500 = arith.cmpf olt, %get3A_487, %select_n3A_471 : vector<16xf32>
          %select_n3A_501 = arith.select %lt3A_499, %select_n3A_475, %get3A_487 : vector<16xi1>, vector<16xf32>
          %select_n3A_502 = arith.select %lt3A_500, %select_n3A_501, %select_n3A_471 : vector<16xi1>, vector<16xf32>
          %select_n3A_503 = arith.select %lt3A_499, %select_n3A_477, %add3A_496 : vector<16xi1>, vector<16xi32>
          %select_n3A_504 = arith.select %lt3A_500, %select_n3A_503, %select_n3A_473 : vector<16xi1>, vector<16xi32>
          %select_n3A_505 = arith.select %lt3A_498, %select_n3A_479, %get3A_487 : vector<16xi1>, vector<16xf32>
          %select_n3A_506 = arith.select %lt3A_499, %select_n3A_505, %select_n3A_475 : vector<16xi1>, vector<16xf32>
          %select_n3A_507 = arith.select %lt3A_498, %select_n3A_481, %add3A_496 : vector<16xi1>, vector<16xi32>
          %select_n3A_508 = arith.select %lt3A_499, %select_n3A_507, %select_n3A_477 : vector<16xi1>, vector<16xi32>
          %select_n3A_509 = arith.select %lt3A_497, %select_n3A_482, %get3A_487 : vector<16xi1>, vector<16xf32>
          %select_n3A_510 = arith.select %lt3A_498, %select_n3A_509, %select_n3A_479 : vector<16xi1>, vector<16xf32>
          %select_n3A_511 = arith.select %lt3A_497, %select_n3A_483, %add3A_496 : vector<16xi1>, vector<16xi32>
          %select_n3A_512 = arith.select %lt3A_498, %select_n3A_511, %select_n3A_481 : vector<16xi1>, vector<16xi32>
          %select_n3A_513 = arith.select %lt3A_497, %get3A_487, %select_n3A_482 : vector<16xi1>, vector<16xf32>
          %select_n3A_514 = arith.select %lt3A_497, %add3A_496, %select_n3A_483 : vector<16xi1>, vector<16xi32>
          %get3A_515 = arith.constant 21 : i32
          %get3A_516 = arith.index_cast %get3A_515 : i32 to index
          %get3A_517 = arith.index_cast %mul3A_124 : i32 to index
          %get3A_518 = tpu.vector_load %arg7[%get3A_516, %get3A_517] {strides = array<i32>} : memref<32x1024xf32, #tpu.memory_space<vmem>>, vector<16xf32>,
          %mul3A_519 = arith.constant 32 : i32
          %mul3A_520 = arith.muli %add3A_96, %mul3A_519 : i32
          %add3A_521 = arith.addi %mul3A_32, %mul3A_520 : i32
          %add3A_522 = arith.constant 16 : i32
          %add3A_523 = arith.addi %add3A_521, %add3A_522 : i32
          %add3A_524 = arith.constant 5 : i32
          %add3A_525 = arith.addi %add3A_523, %add3A_524 : i32
          %add3A_526 = vector.broadcast %add3A_525 : i32 to vector<16xi32>
          %add3A_527 = arith.addi %broadcast_in_dim3A_33, %add3A_526 : vector<16xi32>
          %lt3A_528 = arith.cmpf olt, %get3A_518, %select_n3A_513 : vector<16xf32>
          %lt3A_529 = arith.cmpf olt, %get3A_518, %select_n3A_510 : vector<16xf32>
          %lt3A_530 = arith.cmpf olt, %get3A_518, %select_n3A_506 : vector<16xf32>
          %lt3A_531 = arith.cmpf olt, %get3A_518, %select_n3A_502 : vector<16xf32>
          %select_n3A_532 = arith.select %lt3A_530, %select_n3A_506, %get3A_518 : vector<16xi1>, vector<16xf32>
          %select_n3A_533 = arith.select %lt3A_531, %select_n3A_532, %select_n3A_502 : vector<16xi1>, vector<16xf32>
          %select_n3A_534 = arith.select %lt3A_530, %select_n3A_508, %add3A_527 : vector<16xi1>, vector<16xi32>
          %select_n3A_535 = arith.select %lt3A_531, %select_n3A_534, %select_n3A_504 : vector<16xi1>, vector<16xi32>
          %select_n3A_536 = arith.select %lt3A_529, %select_n3A_510, %get3A_518 : vector<16xi1>, vector<16xf32>
          %select_n3A_537 = arith.select %lt3A_530, %select_n3A_536, %select_n3A_506 : vector<16xi1>, vector<16xf32>
          %select_n3A_538 = arith.select %lt3A_529, %select_n3A_512, %add3A_527 : vector<16xi1>, vector<16xi32>
          %select_n3A_539 = arith.select %lt3A_530, %select_n3A_538, %select_n3A_508 : vector<16xi1>, vector<16xi32>
          %select_n3A_540 = arith.select %lt3A_528, %select_n3A_513, %get3A_518 : vector<16xi1>, vector<16xf32>
          %select_n3A_541 = arith.select %lt3A_529, %select_n3A_540, %select_n3A_510 : vector<16xi1>, vector<16xf32>
          %select_n3A_542 = arith.select %lt3A_528, %select_n3A_514, %add3A_527 : vector<16xi1>, vector<16xi32>
          %select_n3A_543 = arith.select %lt3A_529, %select_n3A_542, %select_n3A_512 : vector<16xi1>, vector<16xi32>
          %select_n3A_544 = arith.select %lt3A_528, %get3A_518, %select_n3A_513 : vector<16xi1>, vector<16xf32>
          %select_n3A_545 = arith.select %lt3A_528, %add3A_527, %select_n3A_514 : vector<16xi1>, vector<16xi32>
          %get3A_546 = arith.constant 22 : i32
          %get3A_547 = arith.index_cast %get3A_546 : i32 to index
          %get3A_548 = arith.index_cast %mul3A_124 : i32 to index
          %get3A_549 = tpu.vector_load %arg7[%get3A_547, %get3A_548] {strides = array<i32>} : memref<32x1024xf32, #tpu.memory_space<vmem>>, vector<16xf32>,
          %mul3A_550 = arith.constant 32 : i32
          %mul3A_551 = arith.muli %add3A_96, %mul3A_550 : i32
          %add3A_552 = arith.addi %mul3A_32, %mul3A_551 : i32
          %add3A_553 = arith.constant 16 : i32
          %add3A_554 = arith.addi %add3A_552, %add3A_553 : i32
          %add3A_555 = arith.constant 6 : i32
          %add3A_556 = arith.addi %add3A_554, %add3A_555 : i32
          %add3A_557 = vector.broadcast %add3A_556 : i32 to vector<16xi32>
          %add3A_558 = arith.addi %broadcast_in_dim3A_33, %add3A_557 : vector<16xi32>
          %lt3A_559 = arith.cmpf olt, %get3A_549, %select_n3A_544 : vector<16xf32>
          %lt3A_560 = arith.cmpf olt, %get3A_549, %select_n3A_541 : vector<16xf32>
          %lt3A_561 = arith.cmpf olt, %get3A_549, %select_n3A_537 : vector<16xf32>
          %lt3A_562 = arith.cmpf olt, %get3A_549, %select_n3A_533 : vector<16xf32>
          %select_n3A_563 = arith.select %lt3A_561, %select_n3A_537, %get3A_549 : vector<16xi1>, vector<16xf32>
          %select_n3A_564 = arith.select %lt3A_562, %select_n3A_563, %select_n3A_533 : vector<16xi1>, vector<16xf32>
          %select_n3A_565 = arith.select %lt3A_561, %select_n3A_539, %add3A_558 : vector<16xi1>, vector<16xi32>
          %select_n3A_566 = arith.select %lt3A_562, %select_n3A_565, %select_n3A_535 : vector<16xi1>, vector<16xi32>
          %select_n3A_567 = arith.select %lt3A_560, %select_n3A_541, %get3A_549 : vector<16xi1>, vector<16xf32>
          %select_n3A_568 = arith.select %lt3A_561, %select_n3A_567, %select_n3A_537 : vector<16xi1>, vector<16xf32>
          %select_n3A_569 = arith.select %lt3A_560, %select_n3A_543, %add3A_558 : vector<16xi1>, vector<16xi32>
          %select_n3A_570 = arith.select %lt3A_561, %select_n3A_569, %select_n3A_539 : vector<16xi1>, vector<16xi32>
          %select_n3A_571 = arith.select %lt3A_559, %select_n3A_544, %get3A_549 : vector<16xi1>, vector<16xf32>
          %select_n3A_572 = arith.select %lt3A_560, %select_n3A_571, %select_n3A_541 : vector<16xi1>, vector<16xf32>
          %select_n3A_573 = arith.select %lt3A_559, %select_n3A_545, %add3A_558 : vector<16xi1>, vector<16xi32>
          %select_n3A_574 = arith.select %lt3A_560, %select_n3A_573, %select_n3A_543 : vector<16xi1>, vector<16xi32>
          %select_n3A_575 = arith.select %lt3A_559, %get3A_549, %select_n3A_544 : vector<16xi1>, vector<16xf32>
          %select_n3A_576 = arith.select %lt3A_559, %add3A_558, %select_n3A_545 : vector<16xi1>, vector<16xi32>
          %get3A_577 = arith.constant 23 : i32
          %get3A_578 = arith.index_cast %get3A_577 : i32 to index
          %get3A_579 = arith.index_cast %mul3A_124 : i32 to index
          %get3A_580 = tpu.vector_load %arg7[%get3A_578, %get3A_579] {strides = array<i32>} : memref<32x1024xf32, #tpu.memory_space<vmem>>, vector<16xf32>,
          %mul3A_581 = arith.constant 32 : i32
          %mul3A_582 = arith.muli %add3A_96, %mul3A_581 : i32
          %add3A_583 = arith.addi %mul3A_32, %mul3A_582 : i32
          %add3A_584 = arith.constant 16 : i32
          %add3A_585 = arith.addi %add3A_583, %add3A_584 : i32
          %add3A_586 = arith.constant 7 : i32
          %add3A_587 = arith.addi %add3A_585, %add3A_586 : i32
          %add3A_588 = vector.broadcast %add3A_587 : i32 to vector<16xi32>
          %add3A_589 = arith.addi %broadcast_in_dim3A_33, %add3A_588 : vector<16xi32>
          %lt3A_590 = arith.cmpf olt, %get3A_580, %select_n3A_575 : vector<16xf32>
          %lt3A_591 = arith.cmpf olt, %get3A_580, %select_n3A_572 : vector<16xf32>
          %lt3A_592 = arith.cmpf olt, %get3A_580, %select_n3A_568 : vector<16xf32>
          %lt3A_593 = arith.cmpf olt, %get3A_580, %select_n3A_564 : vector<16xf32>
          %select_n3A_594 = arith.select %lt3A_592, %select_n3A_568, %get3A_580 : vector<16xi1>, vector<16xf32>
          %select_n3A_595 = arith.select %lt3A_593, %select_n3A_594, %select_n3A_564 : vector<16xi1>, vector<16xf32>
          %select_n3A_596 = arith.select %lt3A_592, %select_n3A_570, %add3A_589 : vector<16xi1>, vector<16xi32>
          %select_n3A_597 = arith.select %lt3A_593, %select_n3A_596, %select_n3A_566 : vector<16xi1>, vector<16xi32>
          %select_n3A_598 = arith.select %lt3A_591, %select_n3A_572, %get3A_580 : vector<16xi1>, vector<16xf32>
          %select_n3A_599 = arith.select %lt3A_592, %select_n3A_598, %select_n3A_568 : vector<16xi1>, vector<16xf32>
          %select_n3A_600 = arith.select %lt3A_591, %select_n3A_574, %add3A_589 : vector<16xi1>, vector<16xi32>
          %select_n3A_601 = arith.select %lt3A_592, %select_n3A_600, %select_n3A_570 : vector<16xi1>, vector<16xi32>
          %select_n3A_602 = arith.select %lt3A_590, %select_n3A_575, %get3A_580 : vector<16xi1>, vector<16xf32>
          %select_n3A_603 = arith.select %lt3A_591, %select_n3A_602, %select_n3A_572 : vector<16xi1>, vector<16xf32>
          %select_n3A_604 = arith.select %lt3A_590, %select_n3A_576, %add3A_589 : vector<16xi1>, vector<16xi32>
          %select_n3A_605 = arith.select %lt3A_591, %select_n3A_604, %select_n3A_574 : vector<16xi1>, vector<16xi32>
          %select_n3A_606 = arith.select %lt3A_590, %get3A_580, %select_n3A_575 : vector<16xi1>, vector<16xf32>
          %select_n3A_607 = arith.select %lt3A_590, %add3A_589, %select_n3A_576 : vector<16xi1>, vector<16xi32>
          %swap3A = arith.constant 0 : i32
          %swap3A_608 = arith.index_cast %swap3A : i32 to index
          %swap3A_609 = arith.index_cast %mul3A_124 : i32 to index
          %swap3A_610 = tpu.vector_load %arg4[%swap3A_608, %swap3A_609] {strides = array<i32>} : memref<4x1024xf32, #tpu.memory_space<vmem>>, vector<16xf32>,
          tpu.vector_store %arg4[%swap3A_608, %swap3A_609], %select_n3A_606 {strides = array<i32>} : memref<4x1024xf32, #tpu.memory_space<vmem>>, vector<16xf32>,
          %swap3A_611 = arith.constant 0 : i32
          %swap3A_612 = arith.index_cast %swap3A_611 : i32 to index
          %swap3A_613 = arith.index_cast %mul3A_124 : i32 to index
          %swap3A_614 = tpu.vector_load %arg5[%swap3A_612, %swap3A_613] {strides = array<i32>} : memref<4x1024xi32, #tpu.memory_space<vmem>>, vector<16xi32>,
          tpu.vector_store %arg5[%swap3A_612, %swap3A_613], %select_n3A_607 {strides = array<i32>} : memref<4x1024xi32, #tpu.memory_space<vmem>>, vector<16xi32>,
          %swap3A_615 = arith.constant 1 : i32
          %swap3A_616 = arith.index_cast %swap3A_615 : i32 to index
          %swap3A_617 = arith.index_cast %mul3A_124 : i32 to index
          %swap3A_618 = tpu.vector_load %arg4[%swap3A_616, %swap3A_617] {strides = array<i32>} : memref<4x1024xf32, #tpu.memory_space<vmem>>, vector<16xf32>,
          tpu.vector_store %arg4[%swap3A_616, %swap3A_617], %select_n3A_603 {strides = array<i32>} : memref<4x1024xf32, #tpu.memory_space<vmem>>, vector<16xf32>,
          %swap3A_619 = arith.constant 1 : i32
          %swap3A_620 = arith.index_cast %swap3A_619 : i32 to index
          %swap3A_621 = arith.index_cast %mul3A_124 : i32 to index
          %swap3A_622 = tpu.vector_load %arg5[%swap3A_620, %swap3A_621] {strides = array<i32>} : memref<4x1024xi32, #tpu.memory_space<vmem>>, vector<16xi32>,
          tpu.vector_store %arg5[%swap3A_620, %swap3A_621], %select_n3A_605 {strides = array<i32>} : memref<4x1024xi32, #tpu.memory_space<vmem>>, vector<16xi32>,
          %swap3A_623 = arith.constant 2 : i32
          %swap3A_624 = arith.index_cast %swap3A_623 : i32 to index
          %swap3A_625 = arith.index_cast %mul3A_124 : i32 to index
          %swap3A_626 = tpu.vector_load %arg4[%swap3A_624, %swap3A_625] {strides = array<i32>} : memref<4x1024xf32, #tpu.memory_space<vmem>>, vector<16xf32>,
          tpu.vector_store %arg4[%swap3A_624, %swap3A_625], %select_n3A_599 {strides = array<i32>} : memref<4x1024xf32, #tpu.memory_space<vmem>>, vector<16xf32>,
          %swap3A_627 = arith.constant 2 : i32
          %swap3A_628 = arith.index_cast %swap3A_627 : i32 to index
          %swap3A_629 = arith.index_cast %mul3A_124 : i32 to index
          %swap3A_630 = tpu.vector_load %arg5[%swap3A_628, %swap3A_629] {strides = array<i32>} : memref<4x1024xi32, #tpu.memory_space<vmem>>, vector<16xi32>,
          tpu.vector_store %arg5[%swap3A_628, %swap3A_629], %select_n3A_601 {strides = array<i32>} : memref<4x1024xi32, #tpu.memory_space<vmem>>, vector<16xi32>,
          %swap3A_631 = arith.constant 3 : i32
          %swap3A_632 = arith.index_cast %swap3A_631 : i32 to index
          %swap3A_633 = arith.index_cast %mul3A_124 : i32 to index
          %swap3A_634 = tpu.vector_load %arg4[%swap3A_632, %swap3A_633] {strides = array<i32>} : memref<4x1024xf32, #tpu.memory_space<vmem>>, vector<16xf32>,
          tpu.vector_store %arg4[%swap3A_632, %swap3A_633], %select_n3A_595 {strides = array<i32>} : memref<4x1024xf32, #tpu.memory_space<vmem>>, vector<16xf32>,
          %swap3A_635 = arith.constant 3 : i32
          %swap3A_636 = arith.index_cast %swap3A_635 : i32 to index
          %swap3A_637 = arith.index_cast %mul3A_124 : i32 to index
          %swap3A_638 = tpu.vector_load %arg5[%swap3A_636, %swap3A_637] {strides = array<i32>} : memref<4x1024xi32, #tpu.memory_space<vmem>>, vector<16xi32>,
          tpu.vector_store %arg5[%swap3A_636, %swap3A_637], %select_n3A_597 {strides = array<i32>} : memref<4x1024xi32, #tpu.memory_space<vmem>>, vector<16xi32>,
        } else {
        }
        %get3A_275 = arith.constant 3 : i32
        %get3A_276 = arith.index_cast %get3A_275 : i32 to index
        %get3A_277 = arith.index_cast %mul3A_124 : i32 to index
        %get3A_278 = tpu.vector_load %arg4[%get3A_276, %get3A_277] {strides = array<i32>} : memref<4x1024xf32, #tpu.memory_space<vmem>>, vector<16xf32>,
        %get3A_279 = arith.constant 24 : i32
        %get3A_280 = arith.index_cast %get3A_279 : i32 to index
        %get3A_281 = arith.index_cast %mul3A_124 : i32 to index
        %get3A_282 = tpu.vector_load %arg7[%get3A_280, %get3A_281] {strides = array<i32>} : memref<32x1024xf32, #tpu.memory_space<vmem>>, vector<16xf32>,
        %get3A_283 = arith.constant 25 : i32
        %get3A_284 = arith.index_cast %get3A_283 : i32 to index
        %get3A_285 = arith.index_cast %mul3A_124 : i32 to index
        %get3A_286 = tpu.vector_load %arg7[%get3A_284, %get3A_285] {strides = array<i32>} : memref<32x1024xf32, #tpu.memory_space<vmem>>, vector<16xf32>,
        %min3A_287 = arith.minimumf %get3A_282, %get3A_286 : vector<16xf32>
        %get3A_288 = arith.constant 26 : i32
        %get3A_289 = arith.index_cast %get3A_288 : i32 to index
        %get3A_290 = arith.index_cast %mul3A_124 : i32 to index
        %get3A_291 = tpu.vector_load %arg7[%get3A_289, %get3A_290] {strides = array<i32>} : memref<32x1024xf32, #tpu.memory_space<vmem>>, vector<16xf32>,
        %min3A_292 = arith.minimumf %min3A_287, %get3A_291 : vector<16xf32>
        %get3A_293 = arith.constant 27 : i32
        %get3A_294 = arith.index_cast %get3A_293 : i32 to index
        %get3A_295 = arith.index_cast %mul3A_124 : i32 to index
        %get3A_296 = tpu.vector_load %arg7[%get3A_294, %get3A_295] {strides = array<i32>} : memref<32x1024xf32, #tpu.memory_space<vmem>>, vector<16xf32>,
        %min3A_297 = arith.minimumf %min3A_292, %get3A_296 : vector<16xf32>
        %get3A_298 = arith.constant 28 : i32
        %get3A_299 = arith.index_cast %get3A_298 : i32 to index
        %get3A_300 = arith.index_cast %mul3A_124 : i32 to index
        %get3A_301 = tpu.vector_load %arg7[%get3A_299, %get3A_300] {strides = array<i32>} : memref<32x1024xf32, #tpu.memory_space<vmem>>, vector<16xf32>,
        %min3A_302 = arith.minimumf %min3A_297, %get3A_301 : vector<16xf32>
        %get3A_303 = arith.constant 29 : i32
        %get3A_304 = arith.index_cast %get3A_303 : i32 to index
        %get3A_305 = arith.index_cast %mul3A_124 : i32 to index
        %get3A_306 = tpu.vector_load %arg7[%get3A_304, %get3A_305] {strides = array<i32>} : memref<32x1024xf32, #tpu.memory_space<vmem>>, vector<16xf32>,
        %min3A_307 = arith.minimumf %min3A_302, %get3A_306 : vector<16xf32>
        %get3A_308 = arith.constant 30 : i32
        %get3A_309 = arith.index_cast %get3A_308 : i32 to index
        %get3A_310 = arith.index_cast %mul3A_124 : i32 to index
        %get3A_311 = tpu.vector_load %arg7[%get3A_309, %get3A_310] {strides = array<i32>} : memref<32x1024xf32, #tpu.memory_space<vmem>>, vector<16xf32>,
        %min3A_312 = arith.minimumf %min3A_307, %get3A_311 : vector<16xf32>
        %get3A_313 = arith.constant 31 : i32
        %get3A_314 = arith.index_cast %get3A_313 : i32 to index
        %get3A_315 = arith.index_cast %mul3A_124 : i32 to index
        %get3A_316 = tpu.vector_load %arg7[%get3A_314, %get3A_315] {strides = array<i32>} : memref<32x1024xf32, #tpu.memory_space<vmem>>, vector<16xf32>,
        %min3A_317 = arith.minimumf %min3A_312, %get3A_316 : vector<16xf32>
        %lt3A_318 = arith.cmpf olt, %min3A_317, %get3A_278 : vector<16xf32>
        %all_reduce_population_count3A_319 = tpu.all_reduce %lt3A_318 {dim = 0 : i64, kind = #tpu.reduction_kind<sum>} : vector<16xi1> -> vector<16xi32>
        %slice3A_320 = vector.extract_strided_slice %all_reduce_population_count3A_319 {offsets = [0], sizes = [1], strides = [1]} : vector<16xi32> to vector<1xi32>
        %squeeze3A_321 = vector.extract %slice3A_320[0] : i32 from vector<1xi32>
        %gt3A_322 = arith.constant 0 : i32
        %gt3A_323 = arith.cmpi sgt, %squeeze3A_321, %gt3A_322 : i32
        %convert_element_type3A_324 = arith.extui %gt3A_323 : i1 to i32
        %cond3A_325 = arith.constant 0 : i32
        %cond3A_326 = arith.cmpi ne, %convert_element_type3A_324, %cond3A_325 : i32
        scf.if %cond3A_326 {
          %get3A_328 = arith.constant 0 : i32
          %get3A_329 = arith.index_cast %get3A_328 : i32 to index
          %get3A_330 = arith.index_cast %mul3A_124 : i32 to index
          %get3A_331 = tpu.vector_load %arg4[%get3A_329, %get3A_330] {strides = array<i32>} : memref<4x1024xf32, #tpu.memory_space<vmem>>, vector<16xf32>,
          %get3A_332 = arith.constant 1 : i32
          %get3A_333 = arith.index_cast %get3A_332 : i32 to index
          %get3A_334 = arith.index_cast %mul3A_124 : i32 to index
          %get3A_335 = tpu.vector_load %arg4[%get3A_333, %get3A_334] {strides = array<i32>} : memref<4x1024xf32, #tpu.memory_space<vmem>>, vector<16xf32>,
          %get3A_336 = arith.constant 2 : i32
          %get3A_337 = arith.index_cast %get3A_336 : i32 to index
          %get3A_338 = arith.index_cast %mul3A_124 : i32 to index
          %get3A_339 = tpu.vector_load %arg4[%get3A_337, %get3A_338] {strides = array<i32>} : memref<4x1024xf32, #tpu.memory_space<vmem>>, vector<16xf32>,
          %get3A_340 = arith.constant 3 : i32
          %get3A_341 = arith.index_cast %get3A_340 : i32 to index
          %get3A_342 = arith.index_cast %mul3A_124 : i32 to index
          %get3A_343 = tpu.vector_load %arg4[%get3A_341, %get3A_342] {strides = array<i32>} : memref<4x1024xf32, #tpu.memory_space<vmem>>, vector<16xf32>,
          %get3A_344 = arith.constant 0 : i32
          %get3A_345 = arith.index_cast %get3A_344 : i32 to index
          %get3A_346 = arith.index_cast %mul3A_124 : i32 to index
          %get3A_347 = tpu.vector_load %arg5[%get3A_345, %get3A_346] {strides = array<i32>} : memref<4x1024xi32, #tpu.memory_space<vmem>>, vector<16xi32>,
          %get3A_348 = arith.constant 1 : i32
          %get3A_349 = arith.index_cast %get3A_348 : i32 to index
          %get3A_350 = arith.index_cast %mul3A_124 : i32 to index
          %get3A_351 = tpu.vector_load %arg5[%get3A_349, %get3A_350] {strides = array<i32>} : memref<4x1024xi32, #tpu.memory_space<vmem>>, vector<16xi32>,
          %get3A_352 = arith.constant 2 : i32
          %get3A_353 = arith.index_cast %get3A_352 : i32 to index
          %get3A_354 = arith.index_cast %mul3A_124 : i32 to index
          %get3A_355 = tpu.vector_load %arg5[%get3A_353, %get3A_354] {strides = array<i32>} : memref<4x1024xi32, #tpu.memory_space<vmem>>, vector<16xi32>,
          %get3A_356 = arith.constant 3 : i32
          %get3A_357 = arith.index_cast %get3A_356 : i32 to index
          %get3A_358 = arith.index_cast %mul3A_124 : i32 to index
          %get3A_359 = tpu.vector_load %arg5[%get3A_357, %get3A_358] {strides = array<i32>} : memref<4x1024xi32, #tpu.memory_space<vmem>>, vector<16xi32>,
          %get3A_360 = arith.constant 24 : i32
          %get3A_361 = arith.index_cast %get3A_360 : i32 to index
          %get3A_362 = arith.index_cast %mul3A_124 : i32 to index
          %get3A_363 = tpu.vector_load %arg7[%get3A_361, %get3A_362] {strides = array<i32>} : memref<32x1024xf32, #tpu.memory_space<vmem>>, vector<16xf32>,
          %mul3A_364 = arith.constant 32 : i32
          %mul3A_365 = arith.muli %add3A_96, %mul3A_364 : i32
          %add3A_366 = arith.addi %mul3A_32, %mul3A_365 : i32
          %add3A_367 = arith.constant 24 : i32
          %add3A_368 = arith.addi %add3A_366, %add3A_367 : i32
          %add3A_369 = arith.constant 0 : i32
          %add3A_370 = arith.addi %add3A_368, %add3A_369 : i32
          %add3A_371 = vector.broadcast %add3A_370 : i32 to vector<16xi32>
          %add3A_372 = arith.addi %broadcast_in_dim3A_33, %add3A_371 : vector<16xi32>
          %lt3A_373 = arith.cmpf olt, %get3A_363, %get3A_331 : vector<16xf32>
          %lt3A_374 = arith.cmpf olt, %get3A_363, %get3A_335 : vector<16xf32>
          %lt3A_375 = arith.cmpf olt, %get3A_363, %get3A_339 : vector<16xf32>
          %lt3A_376 = arith.cmpf olt, %get3A_363, %get3A_343 : vector<16xf32>
          %select_n3A_377 = arith.select %lt3A_375, %get3A_339, %get3A_363 : vector<16xi1>, vector<16xf32>
          %select_n3A_378 = arith.select %lt3A_376, %select_n3A_377, %get3A_343 : vector<16xi1>, vector<16xf32>
          %select_n3A_379 = arith.select %lt3A_375, %get3A_355, %add3A_372 : vector<16xi1>, vector<16xi32>
          %select_n3A_380 = arith.select %lt3A_376, %select_n3A_379, %get3A_359 : vector<16xi1>, vector<16xi32>
          %select_n3A_381 = arith.select %lt3A_374, %get3A_335, %get3A_363 : vector<16xi1>, vector<16xf32>
          %select_n3A_382 = arith.select %lt3A_375, %select_n3A_381, %get3A_339 : vector<16xi1>, vector<16xf32>
          %select_n3A_383 = arith.select %lt3A_374, %get3A_351, %add3A_372 : vector<16xi1>, vector<16xi32>
          %select_n3A_384 = arith.select %lt3A_375, %select_n3A_383, %get3A_355 : vector<16xi1>, vector<16xi32>
          %select_n3A_385 = arith.select %lt3A_373, %get3A_331, %get3A_363 : vector<16xi1>, vector<16xf32>
          %select_n3A_386 = arith.select %lt3A_374, %select_n3A_385, %get3A_335 : vector<16xi1>, vector<16xf32>
          %select_n3A_387 = arith.select %lt3A_373, %get3A_347, %add3A_372 : vector<16xi1>, vector<16xi32>
          %select_n3A_388 = arith.select %lt3A_374, %select_n3A_387, %get3A_351 : vector<16xi1>, vector<16xi32>
          %select_n3A_389 = arith.select %lt3A_373, %get3A_363, %get3A_331 : vector<16xi1>, vector<16xf32>
          %select_n3A_390 = arith.select %lt3A_373, %add3A_372, %get3A_347 : vector<16xi1>, vector<16xi32>
          %get3A_391 = arith.constant 25 : i32
          %get3A_392 = arith.index_cast %get3A_391 : i32 to index
          %get3A_393 = arith.index_cast %mul3A_124 : i32 to index
          %get3A_394 = tpu.vector_load %arg7[%get3A_392, %get3A_393] {strides = array<i32>} : memref<32x1024xf32, #tpu.memory_space<vmem>>, vector<16xf32>,
          %mul3A_395 = arith.constant 32 : i32
          %mul3A_396 = arith.muli %add3A_96, %mul3A_395 : i32
          %add3A_397 = arith.addi %mul3A_32, %mul3A_396 : i32
          %add3A_398 = arith.constant 24 : i32
          %add3A_399 = arith.addi %add3A_397, %add3A_398 : i32
          %add3A_400 = arith.constant 1 : i32
          %add3A_401 = arith.addi %add3A_399, %add3A_400 : i32
          %add3A_402 = vector.broadcast %add3A_401 : i32 to vector<16xi32>
          %add3A_403 = arith.addi %broadcast_in_dim3A_33, %add3A_402 : vector<16xi32>
          %lt3A_404 = arith.cmpf olt, %get3A_394, %select_n3A_389 : vector<16xf32>
          %lt3A_405 = arith.cmpf olt, %get3A_394, %select_n3A_386 : vector<16xf32>
          %lt3A_406 = arith.cmpf olt, %get3A_394, %select_n3A_382 : vector<16xf32>
          %lt3A_407 = arith.cmpf olt, %get3A_394, %select_n3A_378 : vector<16xf32>
          %select_n3A_408 = arith.select %lt3A_406, %select_n3A_382, %get3A_394 : vector<16xi1>, vector<16xf32>
          %select_n3A_409 = arith.select %lt3A_407, %select_n3A_408, %select_n3A_378 : vector<16xi1>, vector<16xf32>
          %select_n3A_410 = arith.select %lt3A_406, %select_n3A_384, %add3A_403 : vector<16xi1>, vector<16xi32>
          %select_n3A_411 = arith.select %lt3A_407, %select_n3A_410, %select_n3A_380 : vector<16xi1>, vector<16xi32>
          %select_n3A_412 = arith.select %lt3A_405, %select_n3A_386, %get3A_394 : vector<16xi1>, vector<16xf32>
          %select_n3A_413 = arith.select %lt3A_406, %select_n3A_412, %select_n3A_382 : vector<16xi1>, vector<16xf32>
          %select_n3A_414 = arith.select %lt3A_405, %select_n3A_388, %add3A_403 : vector<16xi1>, vector<16xi32>
          %select_n3A_415 = arith.select %lt3A_406, %select_n3A_414, %select_n3A_384 : vector<16xi1>, vector<16xi32>
          %select_n3A_416 = arith.select %lt3A_404, %select_n3A_389, %get3A_394 : vector<16xi1>, vector<16xf32>
          %select_n3A_417 = arith.select %lt3A_405, %select_n3A_416, %select_n3A_386 : vector<16xi1>, vector<16xf32>
          %select_n3A_418 = arith.select %lt3A_404, %select_n3A_390, %add3A_403 : vector<16xi1>, vector<16xi32>
          %select_n3A_419 = arith.select %lt3A_405, %select_n3A_418, %select_n3A_388 : vector<16xi1>, vector<16xi32>
          %select_n3A_420 = arith.select %lt3A_404, %get3A_394, %select_n3A_389 : vector<16xi1>, vector<16xf32>
          %select_n3A_421 = arith.select %lt3A_404, %add3A_403, %select_n3A_390 : vector<16xi1>, vector<16xi32>
          %get3A_422 = arith.constant 26 : i32
          %get3A_423 = arith.index_cast %get3A_422 : i32 to index
          %get3A_424 = arith.index_cast %mul3A_124 : i32 to index
          %get3A_425 = tpu.vector_load %arg7[%get3A_423, %get3A_424] {strides = array<i32>} : memref<32x1024xf32, #tpu.memory_space<vmem>>, vector<16xf32>,
          %mul3A_426 = arith.constant 32 : i32
          %mul3A_427 = arith.muli %add3A_96, %mul3A_426 : i32
          %add3A_428 = arith.addi %mul3A_32, %mul3A_427 : i32
          %add3A_429 = arith.constant 24 : i32
          %add3A_430 = arith.addi %add3A_428, %add3A_429 : i32
          %add3A_431 = arith.constant 2 : i32
          %add3A_432 = arith.addi %add3A_430, %add3A_431 : i32
          %add3A_433 = vector.broadcast %add3A_432 : i32 to vector<16xi32>
          %add3A_434 = arith.addi %broadcast_in_dim3A_33, %add3A_433 : vector<16xi32>
          %lt3A_435 = arith.cmpf olt, %get3A_425, %select_n3A_420 : vector<16xf32>
          %lt3A_436 = arith.cmpf olt, %get3A_425, %select_n3A_417 : vector<16xf32>
          %lt3A_437 = arith.cmpf olt, %get3A_425, %select_n3A_413 : vector<16xf32>
          %lt3A_438 = arith.cmpf olt, %get3A_425, %select_n3A_409 : vector<16xf32>
          %select_n3A_439 = arith.select %lt3A_437, %select_n3A_413, %get3A_425 : vector<16xi1>, vector<16xf32>
          %select_n3A_440 = arith.select %lt3A_438, %select_n3A_439, %select_n3A_409 : vector<16xi1>, vector<16xf32>
          %select_n3A_441 = arith.select %lt3A_437, %select_n3A_415, %add3A_434 : vector<16xi1>, vector<16xi32>
          %select_n3A_442 = arith.select %lt3A_438, %select_n3A_441, %select_n3A_411 : vector<16xi1>, vector<16xi32>
          %select_n3A_443 = arith.select %lt3A_436, %select_n3A_417, %get3A_425 : vector<16xi1>, vector<16xf32>
          %select_n3A_444 = arith.select %lt3A_437, %select_n3A_443, %select_n3A_413 : vector<16xi1>, vector<16xf32>
          %select_n3A_445 = arith.select %lt3A_436, %select_n3A_419, %add3A_434 : vector<16xi1>, vector<16xi32>
          %select_n3A_446 = arith.select %lt3A_437, %select_n3A_445, %select_n3A_415 : vector<16xi1>, vector<16xi32>
          %select_n3A_447 = arith.select %lt3A_435, %select_n3A_420, %get3A_425 : vector<16xi1>, vector<16xf32>
          %select_n3A_448 = arith.select %lt3A_436, %select_n3A_447, %select_n3A_417 : vector<16xi1>, vector<16xf32>
          %select_n3A_449 = arith.select %lt3A_435, %select_n3A_421, %add3A_434 : vector<16xi1>, vector<16xi32>
          %select_n3A_450 = arith.select %lt3A_436, %select_n3A_449, %select_n3A_419 : vector<16xi1>, vector<16xi32>
          %select_n3A_451 = arith.select %lt3A_435, %get3A_425, %select_n3A_420 : vector<16xi1>, vector<16xf32>
          %select_n3A_452 = arith.select %lt3A_435, %add3A_434, %select_n3A_421 : vector<16xi1>, vector<16xi32>
          %get3A_453 = arith.constant 27 : i32
          %get3A_454 = arith.index_cast %get3A_453 : i32 to index
          %get3A_455 = arith.index_cast %mul3A_124 : i32 to index
          %get3A_456 = tpu.vector_load %arg7[%get3A_454, %get3A_455] {strides = array<i32>} : memref<32x1024xf32, #tpu.memory_space<vmem>>, vector<16xf32>,
          %mul3A_457 = arith.constant 32 : i32
          %mul3A_458 = arith.muli %add3A_96, %mul3A_457 : i32
          %add3A_459 = arith.addi %mul3A_32, %mul3A_458 : i32
          %add3A_460 = arith.constant 24 : i32
          %add3A_461 = arith.addi %add3A_459, %add3A_460 : i32
          %add3A_462 = arith.constant 3 : i32
          %add3A_463 = arith.addi %add3A_461, %add3A_462 : i32
          %add3A_464 = vector.broadcast %add3A_463 : i32 to vector<16xi32>
          %add3A_465 = arith.addi %broadcast_in_dim3A_33, %add3A_464 : vector<16xi32>
          %lt3A_466 = arith.cmpf olt, %get3A_456, %select_n3A_451 : vector<16xf32>
          %lt3A_467 = arith.cmpf olt, %get3A_456, %select_n3A_448 : vector<16xf32>
          %lt3A_468 = arith.cmpf olt, %get3A_456, %select_n3A_444 : vector<16xf32>
          %lt3A_469 = arith.cmpf olt, %get3A_456, %select_n3A_440 : vector<16xf32>
          %select_n3A_470 = arith.select %lt3A_468, %select_n3A_444, %get3A_456 : vector<16xi1>, vector<16xf32>
          %select_n3A_471 = arith.select %lt3A_469, %select_n3A_470, %select_n3A_440 : vector<16xi1>, vector<16xf32>
          %select_n3A_472 = arith.select %lt3A_468, %select_n3A_446, %add3A_465 : vector<16xi1>, vector<16xi32>
          %select_n3A_473 = arith.select %lt3A_469, %select_n3A_472, %select_n3A_442 : vector<16xi1>, vector<16xi32>
          %select_n3A_474 = arith.select %lt3A_467, %select_n3A_448, %get3A_456 : vector<16xi1>, vector<16xf32>
          %select_n3A_475 = arith.select %lt3A_468, %select_n3A_474, %select_n3A_444 : vector<16xi1>, vector<16xf32>
          %select_n3A_476 = arith.select %lt3A_467, %select_n3A_450, %add3A_465 : vector<16xi1>, vector<16xi32>
          %select_n3A_477 = arith.select %lt3A_468, %select_n3A_476, %select_n3A_446 : vector<16xi1>, vector<16xi32>
          %select_n3A_478 = arith.select %lt3A_466, %select_n3A_451, %get3A_456 : vector<16xi1>, vector<16xf32>
          %select_n3A_479 = arith.select %lt3A_467, %select_n3A_478, %select_n3A_448 : vector<16xi1>, vector<16xf32>
          %select_n3A_480 = arith.select %lt3A_466, %select_n3A_452, %add3A_465 : vector<16xi1>, vector<16xi32>
          %select_n3A_481 = arith.select %lt3A_467, %select_n3A_480, %select_n3A_450 : vector<16xi1>, vector<16xi32>
          %select_n3A_482 = arith.select %lt3A_466, %get3A_456, %select_n3A_451 : vector<16xi1>, vector<16xf32>
          %select_n3A_483 = arith.select %lt3A_466, %add3A_465, %select_n3A_452 : vector<16xi1>, vector<16xi32>
          %get3A_484 = arith.constant 28 : i32
          %get3A_485 = arith.index_cast %get3A_484 : i32 to index
          %get3A_486 = arith.index_cast %mul3A_124 : i32 to index
          %get3A_487 = tpu.vector_load %arg7[%get3A_485, %get3A_486] {strides = array<i32>} : memref<32x1024xf32, #tpu.memory_space<vmem>>, vector<16xf32>,
          %mul3A_488 = arith.constant 32 : i32
          %mul3A_489 = arith.muli %add3A_96, %mul3A_488 : i32
          %add3A_490 = arith.addi %mul3A_32, %mul3A_489 : i32
          %add3A_491 = arith.constant 24 : i32
          %add3A_492 = arith.addi %add3A_490, %add3A_491 : i32
          %add3A_493 = arith.constant 4 : i32
          %add3A_494 = arith.addi %add3A_492, %add3A_493 : i32
          %add3A_495 = vector.broadcast %add3A_494 : i32 to vector<16xi32>
          %add3A_496 = arith.addi %broadcast_in_dim3A_33, %add3A_495 : vector<16xi32>
          %lt3A_497 = arith.cmpf olt, %get3A_487, %select_n3A_482 : vector<16xf32>
          %lt3A_498 = arith.cmpf olt, %get3A_487, %select_n3A_479 : vector<16xf32>
          %lt3A_499 = arith.cmpf olt, %get3A_487, %select_n3A_475 : vector<16xf32>
          %lt3A_500 = arith.cmpf olt, %get3A_487, %select_n3A_471 : vector<16xf32>
          %select_n3A_501 = arith.select %lt3A_499, %select_n3A_475, %get3A_487 : vector<16xi1>, vector<16xf32>
          %select_n3A_502 = arith.select %lt3A_500, %select_n3A_501, %select_n3A_471 : vector<16xi1>, vector<16xf32>
          %select_n3A_503 = arith.select %lt3A_499, %select_n3A_477, %add3A_496 : vector<16xi1>, vector<16xi32>
          %select_n3A_504 = arith.select %lt3A_500, %select_n3A_503, %select_n3A_473 : vector<16xi1>, vector<16xi32>
          %select_n3A_505 = arith.select %lt3A_498, %select_n3A_479, %get3A_487 : vector<16xi1>, vector<16xf32>
          %select_n3A_506 = arith.select %lt3A_499, %select_n3A_505, %select_n3A_475 : vector<16xi1>, vector<16xf32>
          %select_n3A_507 = arith.select %lt3A_498, %select_n3A_481, %add3A_496 : vector<16xi1>, vector<16xi32>
          %select_n3A_508 = arith.select %lt3A_499, %select_n3A_507, %select_n3A_477 : vector<16xi1>, vector<16xi32>
          %select_n3A_509 = arith.select %lt3A_497, %select_n3A_482, %get3A_487 : vector<16xi1>, vector<16xf32>
          %select_n3A_510 = arith.select %lt3A_498, %select_n3A_509, %select_n3A_479 : vector<16xi1>, vector<16xf32>
          %select_n3A_511 = arith.select %lt3A_497, %select_n3A_483, %add3A_496 : vector<16xi1>, vector<16xi32>
          %select_n3A_512 = arith.select %lt3A_498, %select_n3A_511, %select_n3A_481 : vector<16xi1>, vector<16xi32>
          %select_n3A_513 = arith.select %lt3A_497, %get3A_487, %select_n3A_482 : vector<16xi1>, vector<16xf32>
          %select_n3A_514 = arith.select %lt3A_497, %add3A_496, %select_n3A_483 : vector<16xi1>, vector<16xi32>
          %get3A_515 = arith.constant 29 : i32
          %get3A_516 = arith.index_cast %get3A_515 : i32 to index
          %get3A_517 = arith.index_cast %mul3A_124 : i32 to index
          %get3A_518 = tpu.vector_load %arg7[%get3A_516, %get3A_517] {strides = array<i32>} : memref<32x1024xf32, #tpu.memory_space<vmem>>, vector<16xf32>,
          %mul3A_519 = arith.constant 32 : i32
          %mul3A_520 = arith.muli %add3A_96, %mul3A_519 : i32
          %add3A_521 = arith.addi %mul3A_32, %mul3A_520 : i32
          %add3A_522 = arith.constant 24 : i32
          %add3A_523 = arith.addi %add3A_521, %add3A_522 : i32
          %add3A_524 = arith.constant 5 : i32
          %add3A_525 = arith.addi %add3A_523, %add3A_524 : i32
          %add3A_526 = vector.broadcast %add3A_525 : i32 to vector<16xi32>
          %add3A_527 = arith.addi %broadcast_in_dim3A_33, %add3A_526 : vector<16xi32>
          %lt3A_528 = arith.cmpf olt, %get3A_518, %select_n3A_513 : vector<16xf32>
          %lt3A_529 = arith.cmpf olt, %get3A_518, %select_n3A_510 : vector<16xf32>
          %lt3A_530 = arith.cmpf olt, %get3A_518, %select_n3A_506 : vector<16xf32>
          %lt3A_531 = arith.cmpf olt, %get3A_518, %select_n3A_502 : vector<16xf32>
          %select_n3A_532 = arith.select %lt3A_530, %select_n3A_506, %get3A_518 : vector<16xi1>, vector<16xf32>
          %select_n3A_533 = arith.select %lt3A_531, %select_n3A_532, %select_n3A_502 : vector<16xi1>, vector<16xf32>
          %select_n3A_534 = arith.select %lt3A_530, %select_n3A_508, %add3A_527 : vector<16xi1>, vector<16xi32>
          %select_n3A_535 = arith.select %lt3A_531, %select_n3A_534, %select_n3A_504 : vector<16xi1>, vector<16xi32>
          %select_n3A_536 = arith.select %lt3A_529, %select_n3A_510, %get3A_518 : vector<16xi1>, vector<16xf32>
          %select_n3A_537 = arith.select %lt3A_530, %select_n3A_536, %select_n3A_506 : vector<16xi1>, vector<16xf32>
          %select_n3A_538 = arith.select %lt3A_529, %select_n3A_512, %add3A_527 : vector<16xi1>, vector<16xi32>
          %select_n3A_539 = arith.select %lt3A_530, %select_n3A_538, %select_n3A_508 : vector<16xi1>, vector<16xi32>
          %select_n3A_540 = arith.select %lt3A_528, %select_n3A_513, %get3A_518 : vector<16xi1>, vector<16xf32>
          %select_n3A_541 = arith.select %lt3A_529, %select_n3A_540, %select_n3A_510 : vector<16xi1>, vector<16xf32>
          %select_n3A_542 = arith.select %lt3A_528, %select_n3A_514, %add3A_527 : vector<16xi1>, vector<16xi32>
          %select_n3A_543 = arith.select %lt3A_529, %select_n3A_542, %select_n3A_512 : vector<16xi1>, vector<16xi32>
          %select_n3A_544 = arith.select %lt3A_528, %get3A_518, %select_n3A_513 : vector<16xi1>, vector<16xf32>
          %select_n3A_545 = arith.select %lt3A_528, %add3A_527, %select_n3A_514 : vector<16xi1>, vector<16xi32>
          %get3A_546 = arith.constant 30 : i32
          %get3A_547 = arith.index_cast %get3A_546 : i32 to index
          %get3A_548 = arith.index_cast %mul3A_124 : i32 to index
          %get3A_549 = tpu.vector_load %arg7[%get3A_547, %get3A_548] {strides = array<i32>} : memref<32x1024xf32, #tpu.memory_space<vmem>>, vector<16xf32>,
          %mul3A_550 = arith.constant 32 : i32
          %mul3A_551 = arith.muli %add3A_96, %mul3A_550 : i32
          %add3A_552 = arith.addi %mul3A_32, %mul3A_551 : i32
          %add3A_553 = arith.constant 24 : i32
          %add3A_554 = arith.addi %add3A_552, %add3A_553 : i32
          %add3A_555 = arith.constant 6 : i32
          %add3A_556 = arith.addi %add3A_554, %add3A_555 : i32
          %add3A_557 = vector.broadcast %add3A_556 : i32 to vector<16xi32>
          %add3A_558 = arith.addi %broadcast_in_dim3A_33, %add3A_557 : vector<16xi32>
          %lt3A_559 = arith.cmpf olt, %get3A_549, %select_n3A_544 : vector<16xf32>
          %lt3A_560 = arith.cmpf olt, %get3A_549, %select_n3A_541 : vector<16xf32>
          %lt3A_561 = arith.cmpf olt, %get3A_549, %select_n3A_537 : vector<16xf32>
          %lt3A_562 = arith.cmpf olt, %get3A_549, %select_n3A_533 : vector<16xf32>
          %select_n3A_563 = arith.select %lt3A_561, %select_n3A_537, %get3A_549 : vector<16xi1>, vector<16xf32>
          %select_n3A_564 = arith.select %lt3A_562, %select_n3A_563, %select_n3A_533 : vector<16xi1>, vector<16xf32>
          %select_n3A_565 = arith.select %lt3A_561, %select_n3A_539, %add3A_558 : vector<16xi1>, vector<16xi32>
          %select_n3A_566 = arith.select %lt3A_562, %select_n3A_565, %select_n3A_535 : vector<16xi1>, vector<16xi32>
          %select_n3A_567 = arith.select %lt3A_560, %select_n3A_541, %get3A_549 : vector<16xi1>, vector<16xf32>
          %select_n3A_568 = arith.select %lt3A_561, %select_n3A_567, %select_n3A_537 : vector<16xi1>, vector<16xf32>
          %select_n3A_569 = arith.select %lt3A_560, %select_n3A_543, %add3A_558 : vector<16xi1>, vector<16xi32>
          %select_n3A_570 = arith.select %lt3A_561, %select_n3A_569, %select_n3A_539 : vector<16xi1>, vector<16xi32>
          %select_n3A_571 = arith.select %lt3A_559, %select_n3A_544, %get3A_549 : vector<16xi1>, vector<16xf32>
          %select_n3A_572 = arith.select %lt3A_560, %select_n3A_571, %select_n3A_541 : vector<16xi1>, vector<16xf32>
          %select_n3A_573 = arith.select %lt3A_559, %select_n3A_545, %add3A_558 : vector<16xi1>, vector<16xi32>
          %select_n3A_574 = arith.select %lt3A_560, %select_n3A_573, %select_n3A_543 : vector<16xi1>, vector<16xi32>
          %select_n3A_575 = arith.select %lt3A_559, %get3A_549, %select_n3A_544 : vector<16xi1>, vector<16xf32>
          %select_n3A_576 = arith.select %lt3A_559, %add3A_558, %select_n3A_545 : vector<16xi1>, vector<16xi32>
          %get3A_577 = arith.constant 31 : i32
          %get3A_578 = arith.index_cast %get3A_577 : i32 to index
          %get3A_579 = arith.index_cast %mul3A_124 : i32 to index
          %get3A_580 = tpu.vector_load %arg7[%get3A_578, %get3A_579] {strides = array<i32>} : memref<32x1024xf32, #tpu.memory_space<vmem>>, vector<16xf32>,
          %mul3A_581 = arith.constant 32 : i32
          %mul3A_582 = arith.muli %add3A_96, %mul3A_581 : i32
          %add3A_583 = arith.addi %mul3A_32, %mul3A_582 : i32
          %add3A_584 = arith.constant 24 : i32
          %add3A_585 = arith.addi %add3A_583, %add3A_584 : i32
          %add3A_586 = arith.constant 7 : i32
          %add3A_587 = arith.addi %add3A_585, %add3A_586 : i32
          %add3A_588 = vector.broadcast %add3A_587 : i32 to vector<16xi32>
          %add3A_589 = arith.addi %broadcast_in_dim3A_33, %add3A_588 : vector<16xi32>
          %lt3A_590 = arith.cmpf olt, %get3A_580, %select_n3A_575 : vector<16xf32>
          %lt3A_591 = arith.cmpf olt, %get3A_580, %select_n3A_572 : vector<16xf32>
          %lt3A_592 = arith.cmpf olt, %get3A_580, %select_n3A_568 : vector<16xf32>
          %lt3A_593 = arith.cmpf olt, %get3A_580, %select_n3A_564 : vector<16xf32>
          %select_n3A_594 = arith.select %lt3A_592, %select_n3A_568, %get3A_580 : vector<16xi1>, vector<16xf32>
          %select_n3A_595 = arith.select %lt3A_593, %select_n3A_594, %select_n3A_564 : vector<16xi1>, vector<16xf32>
          %select_n3A_596 = arith.select %lt3A_592, %select_n3A_570, %add3A_589 : vector<16xi1>, vector<16xi32>
          %select_n3A_597 = arith.select %lt3A_593, %select_n3A_596, %select_n3A_566 : vector<16xi1>, vector<16xi32>
          %select_n3A_598 = arith.select %lt3A_591, %select_n3A_572, %get3A_580 : vector<16xi1>, vector<16xf32>
          %select_n3A_599 = arith.select %lt3A_592, %select_n3A_598, %select_n3A_568 : vector<16xi1>, vector<16xf32>
          %select_n3A_600 = arith.select %lt3A_591, %select_n3A_574, %add3A_589 : vector<16xi1>, vector<16xi32>
          %select_n3A_601 = arith.select %lt3A_592, %select_n3A_600, %select_n3A_570 : vector<16xi1>, vector<16xi32>
          %select_n3A_602 = arith.select %lt3A_590, %select_n3A_575, %get3A_580 : vector<16xi1>, vector<16xf32>
          %select_n3A_603 = arith.select %lt3A_591, %select_n3A_602, %select_n3A_572 : vector<16xi1>, vector<16xf32>
          %select_n3A_604 = arith.select %lt3A_590, %select_n3A_576, %add3A_589 : vector<16xi1>, vector<16xi32>
          %select_n3A_605 = arith.select %lt3A_591, %select_n3A_604, %select_n3A_574 : vector<16xi1>, vector<16xi32>
          %select_n3A_606 = arith.select %lt3A_590, %get3A_580, %select_n3A_575 : vector<16xi1>, vector<16xf32>
          %select_n3A_607 = arith.select %lt3A_590, %add3A_589, %select_n3A_576 : vector<16xi1>, vector<16xi32>
          %swap3A = arith.constant 0 : i32
          %swap3A_608 = arith.index_cast %swap3A : i32 to index
          %swap3A_609 = arith.index_cast %mul3A_124 : i32 to index
          %swap3A_610 = tpu.vector_load %arg4[%swap3A_608, %swap3A_609] {strides = array<i32>} : memref<4x1024xf32, #tpu.memory_space<vmem>>, vector<16xf32>,
          tpu.vector_store %arg4[%swap3A_608, %swap3A_609], %select_n3A_606 {strides = array<i32>} : memref<4x1024xf32, #tpu.memory_space<vmem>>, vector<16xf32>,
          %swap3A_611 = arith.constant 0 : i32
          %swap3A_612 = arith.index_cast %swap3A_611 : i32 to index
          %swap3A_613 = arith.index_cast %mul3A_124 : i32 to index
          %swap3A_614 = tpu.vector_load %arg5[%swap3A_612, %swap3A_613] {strides = array<i32>} : memref<4x1024xi32, #tpu.memory_space<vmem>>, vector<16xi32>,
          tpu.vector_store %arg5[%swap3A_612, %swap3A_613], %select_n3A_607 {strides = array<i32>} : memref<4x1024xi32, #tpu.memory_space<vmem>>, vector<16xi32>,
          %swap3A_615 = arith.constant 1 : i32
          %swap3A_616 = arith.index_cast %swap3A_615 : i32 to index
          %swap3A_617 = arith.index_cast %mul3A_124 : i32 to index
          %swap3A_618 = tpu.vector_load %arg4[%swap3A_616, %swap3A_617] {strides = array<i32>} : memref<4x1024xf32, #tpu.memory_space<vmem>>, vector<16xf32>,
          tpu.vector_store %arg4[%swap3A_616, %swap3A_617], %select_n3A_603 {strides = array<i32>} : memref<4x1024xf32, #tpu.memory_space<vmem>>, vector<16xf32>,
          %swap3A_619 = arith.constant 1 : i32
          %swap3A_620 = arith.index_cast %swap3A_619 : i32 to index
          %swap3A_621 = arith.index_cast %mul3A_124 : i32 to index
          %swap3A_622 = tpu.vector_load %arg5[%swap3A_620, %swap3A_621] {strides = array<i32>} : memref<4x1024xi32, #tpu.memory_space<vmem>>, vector<16xi32>,
          tpu.vector_store %arg5[%swap3A_620, %swap3A_621], %select_n3A_605 {strides = array<i32>} : memref<4x1024xi32, #tpu.memory_space<vmem>>, vector<16xi32>,
          %swap3A_623 = arith.constant 2 : i32
          %swap3A_624 = arith.index_cast %swap3A_623 : i32 to index
          %swap3A_625 = arith.index_cast %mul3A_124 : i32 to index
          %swap3A_626 = tpu.vector_load %arg4[%swap3A_624, %swap3A_625] {strides = array<i32>} : memref<4x1024xf32, #tpu.memory_space<vmem>>, vector<16xf32>,
          tpu.vector_store %arg4[%swap3A_624, %swap3A_625], %select_n3A_599 {strides = array<i32>} : memref<4x1024xf32, #tpu.memory_space<vmem>>, vector<16xf32>,
          %swap3A_627 = arith.constant 2 : i32
          %swap3A_628 = arith.index_cast %swap3A_627 : i32 to index
          %swap3A_629 = arith.index_cast %mul3A_124 : i32 to index
          %swap3A_630 = tpu.vector_load %arg5[%swap3A_628, %swap3A_629] {strides = array<i32>} : memref<4x1024xi32, #tpu.memory_space<vmem>>, vector<16xi32>,
          tpu.vector_store %arg5[%swap3A_628, %swap3A_629], %select_n3A_601 {strides = array<i32>} : memref<4x1024xi32, #tpu.memory_space<vmem>>, vector<16xi32>,
          %swap3A_631 = arith.constant 3 : i32
          %swap3A_632 = arith.index_cast %swap3A_631 : i32 to index
          %swap3A_633 = arith.index_cast %mul3A_124 : i32 to index
          %swap3A_634 = tpu.vector_load %arg4[%swap3A_632, %swap3A_633] {strides = array<i32>} : memref<4x1024xf32, #tpu.memory_space<vmem>>, vector<16xf32>,
          tpu.vector_store %arg4[%swap3A_632, %swap3A_633], %select_n3A_595 {strides = array<i32>} : memref<4x1024xf32, #tpu.memory_space<vmem>>, vector<16xf32>,
          %swap3A_635 = arith.constant 3 : i32
          %swap3A_636 = arith.index_cast %swap3A_635 : i32 to index
          %swap3A_637 = arith.index_cast %mul3A_124 : i32 to index
          %swap3A_638 = tpu.vector_load %arg5[%swap3A_636, %swap3A_637] {strides = array<i32>} : memref<4x1024xi32, #tpu.memory_space<vmem>>, vector<16xi32>,
          tpu.vector_store %arg5[%swap3A_636, %swap3A_637], %select_n3A_597 {strides = array<i32>} : memref<4x1024xi32, #tpu.memory_space<vmem>>, vector<16xi32>,
        } else {
        }
        %scan3A_327 = arith.constant 0 : i32
        scf.yield %scan3A_327 : i32
      }
      %scan3A_112 = arith.constant 64 : i32
      %add3A_113 = arith.constant 2 : i32
      %add3A_114 = arith.addi %add3A_96, %add3A_113 : i32
      %lt3A_115 = arith.constant 32 : i32
      %lt3A_116 = arith.cmpi slt, %add3A_114, %lt3A_115 : i32
      %convert_element_type3A_117 = arith.extui %lt3A_116 : i1 to i32
      %cond3A_118 = arith.constant 0 : i32
      %cond3A_119 = arith.cmpi ne, %convert_element_type3A_117, %cond3A_118 : i32
      scf.if %cond3A_119 {
        %add3A_121 = arith.constant 2 : i32
        %add3A_122 = arith.addi %add3A_96, %add3A_121 : i32
        %mul3A_123 = arith.constant 32 : i32
        %mul3A_124 = arith.muli %add3A_122, %mul3A_123 : i32
        %add3A_125 = arith.addi %mul3A_32, %mul3A_124 : i32
        %dma_start3A_126 = arith.constant 0 : i32
        %dma_start3A_127 = tpu.memref_slice %arg2[%add3A, %add3A_125, %dma_start3A_126] : memref<8x4096x1024xf32, #tpu.memory_space<hbm>> -> memref<1x32x1024xf32, #tpu.memory_space<hbm>>
        %dma_start3A_128 = tpu.memref_squeeze %dma_start3A_127 : memref<1x32x1024xf32, #tpu.memory_space<hbm>> -> memref<32x1024xf32, #tpu.memory_space<hbm>>
        %dma_start3A_129 = arith.constant 0 : i32
        %dma_start3A_130 = tpu.memref_slice %arg2[%add3A, %add3A_125, %dma_start3A_129] : memref<8x4096x1024xf32, #tpu.memory_space<hbm>> -> memref<1x32x1024xf32, #tpu.memory_space<hbm>>
        %dma_start3A_131 = tpu.memref_squeeze %dma_start3A_130 : memref<1x32x1024xf32, #tpu.memory_space<hbm>> -> memref<32x1024xf32, #tpu.memory_space<hbm>>
        tpu.enqueue_dma source(%dma_start3A_131 : memref<32x1024xf32, #tpu.memory_space<hbm>>) target(%arg7 : memref<32x1024xf32, #tpu.memory_space<vmem>>) target_semaphore(%arg13 : memref<!tpu.dma_semaphore, #tpu.memory_space<semaphore_mem>>)
      } else {
      }
      %scan3A_120 = arith.constant 0 : i32
      scf.yield %scan3A_120 : i32
    }
    %scan3A_61 = arith.constant 16 : i32
    "tpu.region"() ({
      %run_scoped3A = tpu.sem_alloc : memref<!tpu.dma_semaphore, #tpu.memory_space<semaphore_mem>>
      %dma_start3A_65 = arith.constant 0 : i32
      %dma_start3A_66 = arith.constant 0 : i32
      %dma_start3A_67 = tpu.memref_slice %arg8[%arg1, %dma_start3A_65, %dma_start3A_66] : memref<16x4x1024xf32, #tpu.memory_space<vmem_shared>> -> memref<1x4x1024xf32, #tpu.memory_space<vmem_shared>>
      %dma_start3A_68 = tpu.memref_squeeze %dma_start3A_67 : memref<1x4x1024xf32, #tpu.memory_space<vmem_shared>> -> memref<4x1024xf32, #tpu.memory_space<vmem_shared>>
      %dma_start3A_69 = arith.constant 0 : i32
      %dma_start3A_70 = arith.constant 0 : i32
      %dma_start3A_71 = tpu.memref_slice %arg8[%arg1, %dma_start3A_69, %dma_start3A_70] : memref<16x4x1024xf32, #tpu.memory_space<vmem_shared>> -> memref<1x4x1024xf32, #tpu.memory_space<vmem_shared>>
      %dma_start3A_72 = tpu.memref_squeeze %dma_start3A_71 : memref<1x4x1024xf32, #tpu.memory_space<vmem_shared>> -> memref<4x1024xf32, #tpu.memory_space<vmem_shared>>
      tpu.enqueue_dma source(%arg4 : memref<4x1024xf32, #tpu.memory_space<vmem>>) target(%dma_start3A_72 : memref<4x1024xf32, #tpu.memory_space<vmem_shared>>) target_semaphore(%run_scoped3A : memref<!tpu.dma_semaphore, #tpu.memory_space<semaphore_mem>>)
      %dma_wait3A = arith.constant 0 : i32
      %dma_wait3A_73 = arith.constant 0 : i32
      %dma_wait3A_74 = tpu.memref_slice %arg8[%arg1, %dma_wait3A, %dma_wait3A_73] : memref<16x4x1024xf32, #tpu.memory_space<vmem_shared>> -> memref<1x4x1024xf32, #tpu.memory_space<vmem_shared>>
      %dma_wait3A_75 = tpu.memref_squeeze %dma_wait3A_74 : memref<1x4x1024xf32, #tpu.memory_space<vmem_shared>> -> memref<4x1024xf32, #tpu.memory_space<vmem_shared>>
      %dma_wait3A_76 = arith.constant 0 : i32
      %dma_wait3A_77 = arith.constant 0 : i32
      %dma_wait3A_78 = tpu.memref_slice %arg8[%arg1, %dma_wait3A_76, %dma_wait3A_77] : memref<16x4x1024xf32, #tpu.memory_space<vmem_shared>> -> memref<1x4x1024xf32, #tpu.memory_space<vmem_shared>>
      %dma_wait3A_79 = tpu.memref_squeeze %dma_wait3A_78 : memref<1x4x1024xf32, #tpu.memory_space<vmem_shared>> -> memref<4x1024xf32, #tpu.memory_space<vmem_shared>>
      tpu.wait_dma2 semaphore(%run_scoped3A : memref<!tpu.dma_semaphore, #tpu.memory_space<semaphore_mem>>) src(%arg4 : memref<4x1024xf32, #tpu.memory_space<vmem>>) dst(%dma_wait3A_79 : memref<4x1024xf32, #tpu.memory_space<vmem_shared>>)
      tpu.yield
    }) : () -> ()
    "tpu.region"() ({
      %run_scoped3A = tpu.sem_alloc : memref<!tpu.dma_semaphore, #tpu.memory_space<semaphore_mem>>
      %dma_start3A_65 = arith.constant 0 : i32
      %dma_start3A_66 = arith.constant 0 : i32
      %dma_start3A_67 = tpu.memref_slice %arg9[%arg1, %dma_start3A_65, %dma_start3A_66] : memref<16x4x1024xi32, #tpu.memory_space<vmem_shared>> -> memref<1x4x1024xi32, #tpu.memory_space<vmem_shared>>
      %dma_start3A_68 = tpu.memref_squeeze %dma_start3A_67 : memref<1x4x1024xi32, #tpu.memory_space<vmem_shared>> -> memref<4x1024xi32, #tpu.memory_space<vmem_shared>>
      %dma_start3A_69 = arith.constant 0 : i32
      %dma_start3A_70 = arith.constant 0 : i32
      %dma_start3A_71 = tpu.memref_slice %arg9[%arg1, %dma_start3A_69, %dma_start3A_70] : memref<16x4x1024xi32, #tpu.memory_space<vmem_shared>> -> memref<1x4x1024xi32, #tpu.memory_space<vmem_shared>>
      %dma_start3A_72 = tpu.memref_squeeze %dma_start3A_71 : memref<1x4x1024xi32, #tpu.memory_space<vmem_shared>> -> memref<4x1024xi32, #tpu.memory_space<vmem_shared>>
      tpu.enqueue_dma source(%arg5 : memref<4x1024xi32, #tpu.memory_space<vmem>>) target(%dma_start3A_72 : memref<4x1024xi32, #tpu.memory_space<vmem_shared>>) target_semaphore(%run_scoped3A : memref<!tpu.dma_semaphore, #tpu.memory_space<semaphore_mem>>)
      %dma_wait3A = arith.constant 0 : i32
      %dma_wait3A_73 = arith.constant 0 : i32
      %dma_wait3A_74 = tpu.memref_slice %arg9[%arg1, %dma_wait3A, %dma_wait3A_73] : memref<16x4x1024xi32, #tpu.memory_space<vmem_shared>> -> memref<1x4x1024xi32, #tpu.memory_space<vmem_shared>>
      %dma_wait3A_75 = tpu.memref_squeeze %dma_wait3A_74 : memref<1x4x1024xi32, #tpu.memory_space<vmem_shared>> -> memref<4x1024xi32, #tpu.memory_space<vmem_shared>>
      %dma_wait3A_76 = arith.constant 0 : i32
      %dma_wait3A_77 = arith.constant 0 : i32
      %dma_wait3A_78 = tpu.memref_slice %arg9[%arg1, %dma_wait3A_76, %dma_wait3A_77] : memref<16x4x1024xi32, #tpu.memory_space<vmem_shared>> -> memref<1x4x1024xi32, #tpu.memory_space<vmem_shared>>
      %dma_wait3A_79 = tpu.memref_squeeze %dma_wait3A_78 : memref<1x4x1024xi32, #tpu.memory_space<vmem_shared>> -> memref<4x1024xi32, #tpu.memory_space<vmem_shared>>
      tpu.wait_dma2 semaphore(%run_scoped3A : memref<!tpu.dma_semaphore, #tpu.memory_space<semaphore_mem>>) src(%arg5 : memref<4x1024xi32, #tpu.memory_space<vmem>>) dst(%dma_wait3A_79 : memref<4x1024xi32, #tpu.memory_space<vmem_shared>>)
      tpu.yield
    }) : () -> ()
    %barrier3A = arith.constant 0 : index
    tpu.barrier barrier_id(%barrier3A)
    %eq3A_62 = arith.constant 0 : i32
    %eq3A_63 = arith.cmpi eq, %select_n3A_30, %eq3A_62 : i32
    %convert_element_type3A = arith.extui %eq3A_63 : i1 to i32
    %cond3A = arith.constant 0 : i32
    %cond3A_64 = arith.cmpi ne, %convert_element_type3A, %cond3A : i32
    scf.if %cond3A_64 {
      %add3A_65 = arith.constant 1 : i32
      %add3A_66 = arith.addi %arg1, %add3A_65 : i32
      "tpu.region"() ({
        %run_scoped3A = tpu.sem_alloc : memref<!tpu.dma_semaphore, #tpu.memory_space<semaphore_mem>>
        %dma_start3A_98 = arith.constant 0 : i32
        %dma_start3A_99 = arith.constant 0 : i32
        %dma_start3A_100 = tpu.memref_slice %arg8[%add3A_66, %dma_start3A_98, %dma_start3A_99] : memref<16x4x1024xf32, #tpu.memory_space<vmem_shared>> -> memref<1x4x1024xf32, #tpu.memory_space<vmem_shared>>
        %dma_start3A_101 = tpu.memref_squeeze %dma_start3A_100 : memref<1x4x1024xf32, #tpu.memory_space<vmem_shared>> -> memref<4x1024xf32, #tpu.memory_space<vmem_shared>>
        %dma_start3A_102 = arith.constant 0 : i32
        %dma_start3A_103 = arith.constant 0 : i32
        %dma_start3A_104 = tpu.memref_slice %arg8[%add3A_66, %dma_start3A_102, %dma_start3A_103] : memref<16x4x1024xf32, #tpu.memory_space<vmem_shared>> -> memref<1x4x1024xf32, #tpu.memory_space<vmem_shared>>
        %dma_start3A_105 = tpu.memref_squeeze %dma_start3A_104 : memref<1x4x1024xf32, #tpu.memory_space<vmem_shared>> -> memref<4x1024xf32, #tpu.memory_space<vmem_shared>>
        tpu.enqueue_dma source(%dma_start3A_105 : memref<4x1024xf32, #tpu.memory_space<vmem_shared>>) target(%arg10 : memref<4x1024xf32, #tpu.memory_space<vmem>>) target_semaphore(%run_scoped3A : memref<!tpu.dma_semaphore, #tpu.memory_space<semaphore_mem>>)
        %dma_wait3A = arith.constant 0 : i32
        %dma_wait3A_106 = arith.constant 0 : i32
        %dma_wait3A_107 = tpu.memref_slice %arg8[%add3A_66, %dma_wait3A, %dma_wait3A_106] : memref<16x4x1024xf32, #tpu.memory_space<vmem_shared>> -> memref<1x4x1024xf32, #tpu.memory_space<vmem_shared>>
        %dma_wait3A_108 = tpu.memref_squeeze %dma_wait3A_107 : memref<1x4x1024xf32, #tpu.memory_space<vmem_shared>> -> memref<4x1024xf32, #tpu.memory_space<vmem_shared>>
        %dma_wait3A_109 = arith.constant 0 : i32
        %dma_wait3A_110 = arith.constant 0 : i32
        %dma_wait3A_111 = tpu.memref_slice %arg8[%add3A_66, %dma_wait3A_109, %dma_wait3A_110] : memref<16x4x1024xf32, #tpu.memory_space<vmem_shared>> -> memref<1x4x1024xf32, #tpu.memory_space<vmem_shared>>
        %dma_wait3A_112 = tpu.memref_squeeze %dma_wait3A_111 : memref<1x4x1024xf32, #tpu.memory_space<vmem_shared>> -> memref<4x1024xf32, #tpu.memory_space<vmem_shared>>
        tpu.wait_dma2 semaphore(%run_scoped3A : memref<!tpu.dma_semaphore, #tpu.memory_space<semaphore_mem>>) src(%dma_wait3A_112 : memref<4x1024xf32, #tpu.memory_space<vmem_shared>>) dst(%arg10 : memref<4x1024xf32, #tpu.memory_space<vmem>>)
        tpu.yield
      }) : () -> ()
      %add3A_67 = arith.constant 1 : i32
      %add3A_68 = arith.addi %arg1, %add3A_67 : i32
      "tpu.region"() ({
        %run_scoped3A = tpu.sem_alloc : memref<!tpu.dma_semaphore, #tpu.memory_space<semaphore_mem>>
        %dma_start3A_98 = arith.constant 0 : i32
        %dma_start3A_99 = arith.constant 0 : i32
        %dma_start3A_100 = tpu.memref_slice %arg9[%add3A_68, %dma_start3A_98, %dma_start3A_99] : memref<16x4x1024xi32, #tpu.memory_space<vmem_shared>> -> memref<1x4x1024xi32, #tpu.memory_space<vmem_shared>>
        %dma_start3A_101 = tpu.memref_squeeze %dma_start3A_100 : memref<1x4x1024xi32, #tpu.memory_space<vmem_shared>> -> memref<4x1024xi32, #tpu.memory_space<vmem_shared>>
        %dma_start3A_102 = arith.constant 0 : i32
        %dma_start3A_103 = arith.constant 0 : i32
        %dma_start3A_104 = tpu.memref_slice %arg9[%add3A_68, %dma_start3A_102, %dma_start3A_103] : memref<16x4x1024xi32, #tpu.memory_space<vmem_shared>> -> memref<1x4x1024xi32, #tpu.memory_space<vmem_shared>>
        %dma_start3A_105 = tpu.memref_squeeze %dma_start3A_104 : memref<1x4x1024xi32, #tpu.memory_space<vmem_shared>> -> memref<4x1024xi32, #tpu.memory_space<vmem_shared>>
        tpu.enqueue_dma source(%dma_start3A_105 : memref<4x1024xi32, #tpu.memory_space<vmem_shared>>) target(%arg11 : memref<4x1024xi32, #tpu.memory_space<vmem>>) target_semaphore(%run_scoped3A : memref<!tpu.dma_semaphore, #tpu.memory_space<semaphore_mem>>)
        %dma_wait3A = arith.constant 0 : i32
        %dma_wait3A_106 = arith.constant 0 : i32
        %dma_wait3A_107 = tpu.memref_slice %arg9[%add3A_68, %dma_wait3A, %dma_wait3A_106] : memref<16x4x1024xi32, #tpu.memory_space<vmem_shared>> -> memref<1x4x1024xi32, #tpu.memory_space<vmem_shared>>
        %dma_wait3A_108 = tpu.memref_squeeze %dma_wait3A_107 : memref<1x4x1024xi32, #tpu.memory_space<vmem_shared>> -> memref<4x1024xi32, #tpu.memory_space<vmem_shared>>
        %dma_wait3A_109 = arith.constant 0 : i32
        %dma_wait3A_110 = arith.constant 0 : i32
        %dma_wait3A_111 = tpu.memref_slice %arg9[%add3A_68, %dma_wait3A_109, %dma_wait3A_110] : memref<16x4x1024xi32, #tpu.memory_space<vmem_shared>> -> memref<1x4x1024xi32, #tpu.memory_space<vmem_shared>>
        %dma_wait3A_112 = tpu.memref_squeeze %dma_wait3A_111 : memref<1x4x1024xi32, #tpu.memory_space<vmem_shared>> -> memref<4x1024xi32, #tpu.memory_space<vmem_shared>>
        tpu.wait_dma2 semaphore(%run_scoped3A : memref<!tpu.dma_semaphore, #tpu.memory_space<semaphore_mem>>) src(%dma_wait3A_112 : memref<4x1024xi32, #tpu.memory_space<vmem_shared>>) dst(%arg11 : memref<4x1024xi32, #tpu.memory_space<vmem>>)
        tpu.yield
      }) : () -> ()
      %scan3A_69 = arith.constant 0 : i32
      %scan3A_70 = arith.constant 0 : i32
      %scan3A_71 = arith.constant 64 : i32
      %scan3A_72 = arith.addi %scan3A_70, %scan3A_71 : i32
      %scan3A_73 = arith.constant 1 : i32
      %scan3A_74 = scf.for %scan3A_98 = %scan3A_70 to %scan3A_72 step %scan3A_73 iter_args(%scan3A_99 = %scan3A_69) -> (i32)  : i32 {
        %mul3A_100 = arith.constant 16 : i32
        %mul3A_101 = arith.muli %scan3A_98, %mul3A_100 : i32
        %get3A = arith.constant 0 : i32
        %get3A_102 = arith.index_cast %get3A : i32 to index
        %get3A_103 = arith.index_cast %mul3A_101 : i32 to index
        %get3A_104 = tpu.vector_load %arg4[%get3A_102, %get3A_103] {strides = array<i32>} : memref<4x1024xf32, #tpu.memory_space<vmem>>, vector<16xf32>,
        %get3A_105 = arith.constant 1 : i32
        %get3A_106 = arith.index_cast %get3A_105 : i32 to index
        %get3A_107 = arith.index_cast %mul3A_101 : i32 to index
        %get3A_108 = tpu.vector_load %arg4[%get3A_106, %get3A_107] {strides = array<i32>} : memref<4x1024xf32, #tpu.memory_space<vmem>>, vector<16xf32>,
        %get3A_109 = arith.constant 2 : i32
        %get3A_110 = arith.index_cast %get3A_109 : i32 to index
        %get3A_111 = arith.index_cast %mul3A_101 : i32 to index
        %get3A_112 = tpu.vector_load %arg4[%get3A_110, %get3A_111] {strides = array<i32>} : memref<4x1024xf32, #tpu.memory_space<vmem>>, vector<16xf32>,
        %get3A_113 = arith.constant 3 : i32
        %get3A_114 = arith.index_cast %get3A_113 : i32 to index
        %get3A_115 = arith.index_cast %mul3A_101 : i32 to index
        %get3A_116 = tpu.vector_load %arg4[%get3A_114, %get3A_115] {strides = array<i32>} : memref<4x1024xf32, #tpu.memory_space<vmem>>, vector<16xf32>,
        %get3A_117 = arith.constant 0 : i32
        %get3A_118 = arith.index_cast %get3A_117 : i32 to index
        %get3A_119 = arith.index_cast %mul3A_101 : i32 to index
        %get3A_120 = tpu.vector_load %arg5[%get3A_118, %get3A_119] {strides = array<i32>} : memref<4x1024xi32, #tpu.memory_space<vmem>>, vector<16xi32>,
        %get3A_121 = arith.constant 1 : i32
        %get3A_122 = arith.index_cast %get3A_121 : i32 to index
        %get3A_123 = arith.index_cast %mul3A_101 : i32 to index
        %get3A_124 = tpu.vector_load %arg5[%get3A_122, %get3A_123] {strides = array<i32>} : memref<4x1024xi32, #tpu.memory_space<vmem>>, vector<16xi32>,
        %get3A_125 = arith.constant 2 : i32
        %get3A_126 = arith.index_cast %get3A_125 : i32 to index
        %get3A_127 = arith.index_cast %mul3A_101 : i32 to index
        %get3A_128 = tpu.vector_load %arg5[%get3A_126, %get3A_127] {strides = array<i32>} : memref<4x1024xi32, #tpu.memory_space<vmem>>, vector<16xi32>,
        %get3A_129 = arith.constant 3 : i32
        %get3A_130 = arith.index_cast %get3A_129 : i32 to index
        %get3A_131 = arith.index_cast %mul3A_101 : i32 to index
        %get3A_132 = tpu.vector_load %arg5[%get3A_130, %get3A_131] {strides = array<i32>} : memref<4x1024xi32, #tpu.memory_space<vmem>>, vector<16xi32>,
        %get3A_133 = arith.constant 0 : i32
        %get3A_134 = arith.index_cast %get3A_133 : i32 to index
        %get3A_135 = arith.index_cast %mul3A_101 : i32 to index
        %get3A_136 = tpu.vector_load %arg10[%get3A_134, %get3A_135] {strides = array<i32>} : memref<4x1024xf32, #tpu.memory_space<vmem>>, vector<16xf32>,
        %get3A_137 = arith.constant 0 : i32
        %get3A_138 = arith.index_cast %get3A_137 : i32 to index
        %get3A_139 = arith.index_cast %mul3A_101 : i32 to index
        %get3A_140 = tpu.vector_load %arg11[%get3A_138, %get3A_139] {strides = array<i32>} : memref<4x1024xi32, #tpu.memory_space<vmem>>, vector<16xi32>,
        %lt3A_141 = arith.cmpf olt, %get3A_136, %get3A_104 : vector<16xf32>
        %lt3A_142 = arith.cmpf olt, %get3A_136, %get3A_108 : vector<16xf32>
        %lt3A_143 = arith.cmpf olt, %get3A_136, %get3A_112 : vector<16xf32>
        %lt3A_144 = arith.cmpf olt, %get3A_136, %get3A_116 : vector<16xf32>
        %select_n3A_145 = arith.select %lt3A_143, %get3A_112, %get3A_136 : vector<16xi1>, vector<16xf32>
        %select_n3A_146 = arith.select %lt3A_144, %select_n3A_145, %get3A_116 : vector<16xi1>, vector<16xf32>
        %select_n3A_147 = arith.select %lt3A_143, %get3A_128, %get3A_140 : vector<16xi1>, vector<16xi32>
        %select_n3A_148 = arith.select %lt3A_144, %select_n3A_147, %get3A_132 : vector<16xi1>, vector<16xi32>
        %select_n3A_149 = arith.select %lt3A_142, %get3A_108, %get3A_136 : vector<16xi1>, vector<16xf32>
        %select_n3A_150 = arith.select %lt3A_143, %select_n3A_149, %get3A_112 : vector<16xi1>, vector<16xf32>
        %select_n3A_151 = arith.select %lt3A_142, %get3A_124, %get3A_140 : vector<16xi1>, vector<16xi32>
        %select_n3A_152 = arith.select %lt3A_143, %select_n3A_151, %get3A_128 : vector<16xi1>, vector<16xi32>
        %select_n3A_153 = arith.select %lt3A_141, %get3A_104, %get3A_136 : vector<16xi1>, vector<16xf32>
        %select_n3A_154 = arith.select %lt3A_142, %select_n3A_153, %get3A_108 : vector<16xi1>, vector<16xf32>
        %select_n3A_155 = arith.select %lt3A_141, %get3A_120, %get3A_140 : vector<16xi1>, vector<16xi32>
        %select_n3A_156 = arith.select %lt3A_142, %select_n3A_155, %get3A_124 : vector<16xi1>, vector<16xi32>
        %select_n3A_157 = arith.select %lt3A_141, %get3A_136, %get3A_104 : vector<16xi1>, vector<16xf32>
        %select_n3A_158 = arith.select %lt3A_141, %get3A_140, %get3A_120 : vector<16xi1>, vector<16xi32>
        %get3A_159 = arith.constant 1 : i32
        %get3A_160 = arith.index_cast %get3A_159 : i32 to index
        %get3A_161 = arith.index_cast %mul3A_101 : i32 to index
        %get3A_162 = tpu.vector_load %arg10[%get3A_160, %get3A_161] {strides = array<i32>} : memref<4x1024xf32, #tpu.memory_space<vmem>>, vector<16xf32>,
        %get3A_163 = arith.constant 1 : i32
        %get3A_164 = arith.index_cast %get3A_163 : i32 to index
        %get3A_165 = arith.index_cast %mul3A_101 : i32 to index
        %get3A_166 = tpu.vector_load %arg11[%get3A_164, %get3A_165] {strides = array<i32>} : memref<4x1024xi32, #tpu.memory_space<vmem>>, vector<16xi32>,
        %lt3A_167 = arith.cmpf olt, %get3A_162, %select_n3A_157 : vector<16xf32>
        %lt3A_168 = arith.cmpf olt, %get3A_162, %select_n3A_154 : vector<16xf32>
        %lt3A_169 = arith.cmpf olt, %get3A_162, %select_n3A_150 : vector<16xf32>
        %lt3A_170 = arith.cmpf olt, %get3A_162, %select_n3A_146 : vector<16xf32>
        %select_n3A_171 = arith.select %lt3A_169, %select_n3A_150, %get3A_162 : vector<16xi1>, vector<16xf32>
        %select_n3A_172 = arith.select %lt3A_170, %select_n3A_171, %select_n3A_146 : vector<16xi1>, vector<16xf32>
        %select_n3A_173 = arith.select %lt3A_169, %select_n3A_152, %get3A_166 : vector<16xi1>, vector<16xi32>
        %select_n3A_174 = arith.select %lt3A_170, %select_n3A_173, %select_n3A_148 : vector<16xi1>, vector<16xi32>
        %select_n3A_175 = arith.select %lt3A_168, %select_n3A_154, %get3A_162 : vector<16xi1>, vector<16xf32>
        %select_n3A_176 = arith.select %lt3A_169, %select_n3A_175, %select_n3A_150 : vector<16xi1>, vector<16xf32>
        %select_n3A_177 = arith.select %lt3A_168, %select_n3A_156, %get3A_166 : vector<16xi1>, vector<16xi32>
        %select_n3A_178 = arith.select %lt3A_169, %select_n3A_177, %select_n3A_152 : vector<16xi1>, vector<16xi32>
        %select_n3A_179 = arith.select %lt3A_167, %select_n3A_157, %get3A_162 : vector<16xi1>, vector<16xf32>
        %select_n3A_180 = arith.select %lt3A_168, %select_n3A_179, %select_n3A_154 : vector<16xi1>, vector<16xf32>
        %select_n3A_181 = arith.select %lt3A_167, %select_n3A_158, %get3A_166 : vector<16xi1>, vector<16xi32>
        %select_n3A_182 = arith.select %lt3A_168, %select_n3A_181, %select_n3A_156 : vector<16xi1>, vector<16xi32>
        %select_n3A_183 = arith.select %lt3A_167, %get3A_162, %select_n3A_157 : vector<16xi1>, vector<16xf32>
        %select_n3A_184 = arith.select %lt3A_167, %get3A_166, %select_n3A_158 : vector<16xi1>, vector<16xi32>
        %get3A_185 = arith.constant 2 : i32
        %get3A_186 = arith.index_cast %get3A_185 : i32 to index
        %get3A_187 = arith.index_cast %mul3A_101 : i32 to index
        %get3A_188 = tpu.vector_load %arg10[%get3A_186, %get3A_187] {strides = array<i32>} : memref<4x1024xf32, #tpu.memory_space<vmem>>, vector<16xf32>,
        %get3A_189 = arith.constant 2 : i32
        %get3A_190 = arith.index_cast %get3A_189 : i32 to index
        %get3A_191 = arith.index_cast %mul3A_101 : i32 to index
        %get3A_192 = tpu.vector_load %arg11[%get3A_190, %get3A_191] {strides = array<i32>} : memref<4x1024xi32, #tpu.memory_space<vmem>>, vector<16xi32>,
        %lt3A_193 = arith.cmpf olt, %get3A_188, %select_n3A_183 : vector<16xf32>
        %lt3A_194 = arith.cmpf olt, %get3A_188, %select_n3A_180 : vector<16xf32>
        %lt3A_195 = arith.cmpf olt, %get3A_188, %select_n3A_176 : vector<16xf32>
        %lt3A_196 = arith.cmpf olt, %get3A_188, %select_n3A_172 : vector<16xf32>
        %select_n3A_197 = arith.select %lt3A_195, %select_n3A_176, %get3A_188 : vector<16xi1>, vector<16xf32>
        %select_n3A_198 = arith.select %lt3A_196, %select_n3A_197, %select_n3A_172 : vector<16xi1>, vector<16xf32>
        %select_n3A_199 = arith.select %lt3A_195, %select_n3A_178, %get3A_192 : vector<16xi1>, vector<16xi32>
        %select_n3A_200 = arith.select %lt3A_196, %select_n3A_199, %select_n3A_174 : vector<16xi1>, vector<16xi32>
        %select_n3A_201 = arith.select %lt3A_194, %select_n3A_180, %get3A_188 : vector<16xi1>, vector<16xf32>
        %select_n3A_202 = arith.select %lt3A_195, %select_n3A_201, %select_n3A_176 : vector<16xi1>, vector<16xf32>
        %select_n3A_203 = arith.select %lt3A_194, %select_n3A_182, %get3A_192 : vector<16xi1>, vector<16xi32>
        %select_n3A_204 = arith.select %lt3A_195, %select_n3A_203, %select_n3A_178 : vector<16xi1>, vector<16xi32>
        %select_n3A_205 = arith.select %lt3A_193, %select_n3A_183, %get3A_188 : vector<16xi1>, vector<16xf32>
        %select_n3A_206 = arith.select %lt3A_194, %select_n3A_205, %select_n3A_180 : vector<16xi1>, vector<16xf32>
        %select_n3A_207 = arith.select %lt3A_193, %select_n3A_184, %get3A_192 : vector<16xi1>, vector<16xi32>
        %select_n3A_208 = arith.select %lt3A_194, %select_n3A_207, %select_n3A_182 : vector<16xi1>, vector<16xi32>
        %select_n3A_209 = arith.select %lt3A_193, %get3A_188, %select_n3A_183 : vector<16xi1>, vector<16xf32>
        %select_n3A_210 = arith.select %lt3A_193, %get3A_192, %select_n3A_184 : vector<16xi1>, vector<16xi32>
        %get3A_211 = arith.constant 3 : i32
        %get3A_212 = arith.index_cast %get3A_211 : i32 to index
        %get3A_213 = arith.index_cast %mul3A_101 : i32 to index
        %get3A_214 = tpu.vector_load %arg10[%get3A_212, %get3A_213] {strides = array<i32>} : memref<4x1024xf32, #tpu.memory_space<vmem>>, vector<16xf32>,
        %get3A_215 = arith.constant 3 : i32
        %get3A_216 = arith.index_cast %get3A_215 : i32 to index
        %get3A_217 = arith.index_cast %mul3A_101 : i32 to index
        %get3A_218 = tpu.vector_load %arg11[%get3A_216, %get3A_217] {strides = array<i32>} : memref<4x1024xi32, #tpu.memory_space<vmem>>, vector<16xi32>,
        %lt3A_219 = arith.cmpf olt, %get3A_214, %select_n3A_209 : vector<16xf32>
        %lt3A_220 = arith.cmpf olt, %get3A_214, %select_n3A_206 : vector<16xf32>
        %lt3A_221 = arith.cmpf olt, %get3A_214, %select_n3A_202 : vector<16xf32>
        %lt3A_222 = arith.cmpf olt, %get3A_214, %select_n3A_198 : vector<16xf32>
        %select_n3A_223 = arith.select %lt3A_221, %select_n3A_202, %get3A_214 : vector<16xi1>, vector<16xf32>
        %select_n3A_224 = arith.select %lt3A_222, %select_n3A_223, %select_n3A_198 : vector<16xi1>, vector<16xf32>
        %select_n3A_225 = arith.select %lt3A_221, %select_n3A_204, %get3A_218 : vector<16xi1>, vector<16xi32>
        %select_n3A_226 = arith.select %lt3A_222, %select_n3A_225, %select_n3A_200 : vector<16xi1>, vector<16xi32>
        %select_n3A_227 = arith.select %lt3A_220, %select_n3A_206, %get3A_214 : vector<16xi1>, vector<16xf32>
        %select_n3A_228 = arith.select %lt3A_221, %select_n3A_227, %select_n3A_202 : vector<16xi1>, vector<16xf32>
        %select_n3A_229 = arith.select %lt3A_220, %select_n3A_208, %get3A_218 : vector<16xi1>, vector<16xi32>
        %select_n3A_230 = arith.select %lt3A_221, %select_n3A_229, %select_n3A_204 : vector<16xi1>, vector<16xi32>
        %select_n3A_231 = arith.select %lt3A_219, %select_n3A_209, %get3A_214 : vector<16xi1>, vector<16xf32>
        %select_n3A_232 = arith.select %lt3A_220, %select_n3A_231, %select_n3A_206 : vector<16xi1>, vector<16xf32>
        %select_n3A_233 = arith.select %lt3A_219, %select_n3A_210, %get3A_218 : vector<16xi1>, vector<16xi32>
        %select_n3A_234 = arith.select %lt3A_220, %select_n3A_233, %select_n3A_208 : vector<16xi1>, vector<16xi32>
        %select_n3A_235 = arith.select %lt3A_219, %get3A_214, %select_n3A_209 : vector<16xi1>, vector<16xf32>
        %select_n3A_236 = arith.select %lt3A_219, %get3A_218, %select_n3A_210 : vector<16xi1>, vector<16xi32>
        %swap3A = arith.constant 0 : i32
        %swap3A_237 = arith.index_cast %swap3A : i32 to index
        %swap3A_238 = arith.index_cast %mul3A_101 : i32 to index
        %swap3A_239 = tpu.vector_load %arg4[%swap3A_237, %swap3A_238] {strides = array<i32>} : memref<4x1024xf32, #tpu.memory_space<vmem>>, vector<16xf32>,
        tpu.vector_store %arg4[%swap3A_237, %swap3A_238], %select_n3A_235 {strides = array<i32>} : memref<4x1024xf32, #tpu.memory_space<vmem>>, vector<16xf32>,
        %swap3A_240 = arith.constant 0 : i32
        %swap3A_241 = arith.index_cast %swap3A_240 : i32 to index
        %swap3A_242 = arith.index_cast %mul3A_101 : i32 to index
        %swap3A_243 = tpu.vector_load %arg5[%swap3A_241, %swap3A_242] {strides = array<i32>} : memref<4x1024xi32, #tpu.memory_space<vmem>>, vector<16xi32>,
        tpu.vector_store %arg5[%swap3A_241, %swap3A_242], %select_n3A_236 {strides = array<i32>} : memref<4x1024xi32, #tpu.memory_space<vmem>>, vector<16xi32>,
        %swap3A_244 = arith.constant 1 : i32
        %swap3A_245 = arith.index_cast %swap3A_244 : i32 to index
        %swap3A_246 = arith.index_cast %mul3A_101 : i32 to index
        %swap3A_247 = tpu.vector_load %arg4[%swap3A_245, %swap3A_246] {strides = array<i32>} : memref<4x1024xf32, #tpu.memory_space<vmem>>, vector<16xf32>,
        tpu.vector_store %arg4[%swap3A_245, %swap3A_246], %select_n3A_232 {strides = array<i32>} : memref<4x1024xf32, #tpu.memory_space<vmem>>, vector<16xf32>,
        %swap3A_248 = arith.constant 1 : i32
        %swap3A_249 = arith.index_cast %swap3A_248 : i32 to index
        %swap3A_250 = arith.index_cast %mul3A_101 : i32 to index
        %swap3A_251 = tpu.vector_load %arg5[%swap3A_249, %swap3A_250] {strides = array<i32>} : memref<4x1024xi32, #tpu.memory_space<vmem>>, vector<16xi32>,
        tpu.vector_store %arg5[%swap3A_249, %swap3A_250], %select_n3A_234 {strides = array<i32>} : memref<4x1024xi32, #tpu.memory_space<vmem>>, vector<16xi32>,
        %swap3A_252 = arith.constant 2 : i32
        %swap3A_253 = arith.index_cast %swap3A_252 : i32 to index
        %swap3A_254 = arith.index_cast %mul3A_101 : i32 to index
        %swap3A_255 = tpu.vector_load %arg4[%swap3A_253, %swap3A_254] {strides = array<i32>} : memref<4x1024xf32, #tpu.memory_space<vmem>>, vector<16xf32>,
        tpu.vector_store %arg4[%swap3A_253, %swap3A_254], %select_n3A_228 {strides = array<i32>} : memref<4x1024xf32, #tpu.memory_space<vmem>>, vector<16xf32>,
        %swap3A_256 = arith.constant 2 : i32
        %swap3A_257 = arith.index_cast %swap3A_256 : i32 to index
        %swap3A_258 = arith.index_cast %mul3A_101 : i32 to index
        %swap3A_259 = tpu.vector_load %arg5[%swap3A_257, %swap3A_258] {strides = array<i32>} : memref<4x1024xi32, #tpu.memory_space<vmem>>, vector<16xi32>,
        tpu.vector_store %arg5[%swap3A_257, %swap3A_258], %select_n3A_230 {strides = array<i32>} : memref<4x1024xi32, #tpu.memory_space<vmem>>, vector<16xi32>,
        %swap3A_260 = arith.constant 3 : i32
        %swap3A_261 = arith.index_cast %swap3A_260 : i32 to index
        %swap3A_262 = arith.index_cast %mul3A_101 : i32 to index
        %swap3A_263 = tpu.vector_load %arg4[%swap3A_261, %swap3A_262] {strides = array<i32>} : memref<4x1024xf32, #tpu.memory_space<vmem>>, vector<16xf32>,
        tpu.vector_store %arg4[%swap3A_261, %swap3A_262], %select_n3A_224 {strides = array<i32>} : memref<4x1024xf32, #tpu.memory_space<vmem>>, vector<16xf32>,
        %swap3A_264 = arith.constant 3 : i32
        %swap3A_265 = arith.index_cast %swap3A_264 : i32 to index
        %swap3A_266 = arith.index_cast %mul3A_101 : i32 to index
        %swap3A_267 = tpu.vector_load %arg5[%swap3A_265, %swap3A_266] {strides = array<i32>} : memref<4x1024xi32, #tpu.memory_space<vmem>>, vector<16xi32>,
        tpu.vector_store %arg5[%swap3A_265, %swap3A_266], %select_n3A_226 {strides = array<i32>} : memref<4x1024xi32, #tpu.memory_space<vmem>>, vector<16xi32>,
        %scan3A_268 = arith.constant 0 : i32
        scf.yield %scan3A_268 : i32
      }
      %scan3A_75 = arith.constant 64 : i32
      %add3A_76 = arith.constant 2 : i32
      %add3A_77 = arith.addi %arg1, %add3A_76 : i32
      "tpu.region"() ({
        %run_scoped3A = tpu.sem_alloc : memref<!tpu.dma_semaphore, #tpu.memory_space<semaphore_mem>>
        %dma_start3A_98 = arith.constant 0 : i32
        %dma_start3A_99 = arith.constant 0 : i32
        %dma_start3A_100 = tpu.memref_slice %arg8[%add3A_77, %dma_start3A_98, %dma_start3A_99] : memref<16x4x1024xf32, #tpu.memory_space<vmem_shared>> -> memref<1x4x1024xf32, #tpu.memory_space<vmem_shared>>
        %dma_start3A_101 = tpu.memref_squeeze %dma_start3A_100 : memref<1x4x1024xf32, #tpu.memory_space<vmem_shared>> -> memref<4x1024xf32, #tpu.memory_space<vmem_shared>>
        %dma_start3A_102 = arith.constant 0 : i32
        %dma_start3A_103 = arith.constant 0 : i32
        %dma_start3A_104 = tpu.memref_slice %arg8[%add3A_77, %dma_start3A_102, %dma_start3A_103] : memref<16x4x1024xf32, #tpu.memory_space<vmem_shared>> -> memref<1x4x1024xf32, #tpu.memory_space<vmem_shared>>
        %dma_start3A_105 = tpu.memref_squeeze %dma_start3A_104 : memref<1x4x1024xf32, #tpu.memory_space<vmem_shared>> -> memref<4x1024xf32, #tpu.memory_space<vmem_shared>>
        tpu.enqueue_dma source(%dma_start3A_105 : memref<4x1024xf32, #tpu.memory_space<vmem_shared>>) target(%arg10 : memref<4x1024xf32, #tpu.memory_space<vmem>>) target_semaphore(%run_scoped3A : memref<!tpu.dma_semaphore, #tpu.memory_space<semaphore_mem>>)
        %dma_wait3A = arith.constant 0 : i32
        %dma_wait3A_106 = arith.constant 0 : i32
        %dma_wait3A_107 = tpu.memref_slice %arg8[%add3A_77, %dma_wait3A, %dma_wait3A_106] : memref<16x4x1024xf32, #tpu.memory_space<vmem_shared>> -> memref<1x4x1024xf32, #tpu.memory_space<vmem_shared>>
        %dma_wait3A_108 = tpu.memref_squeeze %dma_wait3A_107 : memref<1x4x1024xf32, #tpu.memory_space<vmem_shared>> -> memref<4x1024xf32, #tpu.memory_space<vmem_shared>>
        %dma_wait3A_109 = arith.constant 0 : i32
        %dma_wait3A_110 = arith.constant 0 : i32
        %dma_wait3A_111 = tpu.memref_slice %arg8[%add3A_77, %dma_wait3A_109, %dma_wait3A_110] : memref<16x4x1024xf32, #tpu.memory_space<vmem_shared>> -> memref<1x4x1024xf32, #tpu.memory_space<vmem_shared>>
        %dma_wait3A_112 = tpu.memref_squeeze %dma_wait3A_111 : memref<1x4x1024xf32, #tpu.memory_space<vmem_shared>> -> memref<4x1024xf32, #tpu.memory_space<vmem_shared>>
        tpu.wait_dma2 semaphore(%run_scoped3A : memref<!tpu.dma_semaphore, #tpu.memory_space<semaphore_mem>>) src(%dma_wait3A_112 : memref<4x1024xf32, #tpu.memory_space<vmem_shared>>) dst(%arg10 : memref<4x1024xf32, #tpu.memory_space<vmem>>)
        tpu.yield
      }) : () -> ()
      %add3A_78 = arith.constant 2 : i32
      %add3A_79 = arith.addi %arg1, %add3A_78 : i32
      "tpu.region"() ({
        %run_scoped3A = tpu.sem_alloc : memref<!tpu.dma_semaphore, #tpu.memory_space<semaphore_mem>>
        %dma_start3A_98 = arith.constant 0 : i32
        %dma_start3A_99 = arith.constant 0 : i32
        %dma_start3A_100 = tpu.memref_slice %arg9[%add3A_79, %dma_start3A_98, %dma_start3A_99] : memref<16x4x1024xi32, #tpu.memory_space<vmem_shared>> -> memref<1x4x1024xi32, #tpu.memory_space<vmem_shared>>
        %dma_start3A_101 = tpu.memref_squeeze %dma_start3A_100 : memref<1x4x1024xi32, #tpu.memory_space<vmem_shared>> -> memref<4x1024xi32, #tpu.memory_space<vmem_shared>>
        %dma_start3A_102 = arith.constant 0 : i32
        %dma_start3A_103 = arith.constant 0 : i32
        %dma_start3A_104 = tpu.memref_slice %arg9[%add3A_79, %dma_start3A_102, %dma_start3A_103] : memref<16x4x1024xi32, #tpu.memory_space<vmem_shared>> -> memref<1x4x1024xi32, #tpu.memory_space<vmem_shared>>
        %dma_start3A_105 = tpu.memref_squeeze %dma_start3A_104 : memref<1x4x1024xi32, #tpu.memory_space<vmem_shared>> -> memref<4x1024xi32, #tpu.memory_space<vmem_shared>>
        tpu.enqueue_dma source(%dma_start3A_105 : memref<4x1024xi32, #tpu.memory_space<vmem_shared>>) target(%arg11 : memref<4x1024xi32, #tpu.memory_space<vmem>>) target_semaphore(%run_scoped3A : memref<!tpu.dma_semaphore, #tpu.memory_space<semaphore_mem>>)
        %dma_wait3A = arith.constant 0 : i32
        %dma_wait3A_106 = arith.constant 0 : i32
        %dma_wait3A_107 = tpu.memref_slice %arg9[%add3A_79, %dma_wait3A, %dma_wait3A_106] : memref<16x4x1024xi32, #tpu.memory_space<vmem_shared>> -> memref<1x4x1024xi32, #tpu.memory_space<vmem_shared>>
        %dma_wait3A_108 = tpu.memref_squeeze %dma_wait3A_107 : memref<1x4x1024xi32, #tpu.memory_space<vmem_shared>> -> memref<4x1024xi32, #tpu.memory_space<vmem_shared>>
        %dma_wait3A_109 = arith.constant 0 : i32
        %dma_wait3A_110 = arith.constant 0 : i32
        %dma_wait3A_111 = tpu.memref_slice %arg9[%add3A_79, %dma_wait3A_109, %dma_wait3A_110] : memref<16x4x1024xi32, #tpu.memory_space<vmem_shared>> -> memref<1x4x1024xi32, #tpu.memory_space<vmem_shared>>
        %dma_wait3A_112 = tpu.memref_squeeze %dma_wait3A_111 : memref<1x4x1024xi32, #tpu.memory_space<vmem_shared>> -> memref<4x1024xi32, #tpu.memory_space<vmem_shared>>
        tpu.wait_dma2 semaphore(%run_scoped3A : memref<!tpu.dma_semaphore, #tpu.memory_space<semaphore_mem>>) src(%dma_wait3A_112 : memref<4x1024xi32, #tpu.memory_space<vmem_shared>>) dst(%arg11 : memref<4x1024xi32, #tpu.memory_space<vmem>>)
        tpu.yield
      }) : () -> ()
      %scan3A_80 = arith.constant 0 : i32
      %scan3A_81 = arith.constant 0 : i32
      %scan3A_82 = arith.constant 64 : i32
      %scan3A_83 = arith.addi %scan3A_81, %scan3A_82 : i32
      %scan3A_84 = arith.constant 1 : i32
      %scan3A_85 = scf.for %scan3A_98 = %scan3A_81 to %scan3A_83 step %scan3A_84 iter_args(%scan3A_99 = %scan3A_80) -> (i32)  : i32 {
        %mul3A_100 = arith.constant 16 : i32
        %mul3A_101 = arith.muli %scan3A_98, %mul3A_100 : i32
        %get3A = arith.constant 0 : i32
        %get3A_102 = arith.index_cast %get3A : i32 to index
        %get3A_103 = arith.index_cast %mul3A_101 : i32 to index
        %get3A_104 = tpu.vector_load %arg4[%get3A_102, %get3A_103] {strides = array<i32>} : memref<4x1024xf32, #tpu.memory_space<vmem>>, vector<16xf32>,
        %get3A_105 = arith.constant 1 : i32
        %get3A_106 = arith.index_cast %get3A_105 : i32 to index
        %get3A_107 = arith.index_cast %mul3A_101 : i32 to index
        %get3A_108 = tpu.vector_load %arg4[%get3A_106, %get3A_107] {strides = array<i32>} : memref<4x1024xf32, #tpu.memory_space<vmem>>, vector<16xf32>,
        %get3A_109 = arith.constant 2 : i32
        %get3A_110 = arith.index_cast %get3A_109 : i32 to index
        %get3A_111 = arith.index_cast %mul3A_101 : i32 to index
        %get3A_112 = tpu.vector_load %arg4[%get3A_110, %get3A_111] {strides = array<i32>} : memref<4x1024xf32, #tpu.memory_space<vmem>>, vector<16xf32>,
        %get3A_113 = arith.constant 3 : i32
        %get3A_114 = arith.index_cast %get3A_113 : i32 to index
        %get3A_115 = arith.index_cast %mul3A_101 : i32 to index
        %get3A_116 = tpu.vector_load %arg4[%get3A_114, %get3A_115] {strides = array<i32>} : memref<4x1024xf32, #tpu.memory_space<vmem>>, vector<16xf32>,
        %get3A_117 = arith.constant 0 : i32
        %get3A_118 = arith.index_cast %get3A_117 : i32 to index
        %get3A_119 = arith.index_cast %mul3A_101 : i32 to index
        %get3A_120 = tpu.vector_load %arg5[%get3A_118, %get3A_119] {strides = array<i32>} : memref<4x1024xi32, #tpu.memory_space<vmem>>, vector<16xi32>,
        %get3A_121 = arith.constant 1 : i32
        %get3A_122 = arith.index_cast %get3A_121 : i32 to index
        %get3A_123 = arith.index_cast %mul3A_101 : i32 to index
        %get3A_124 = tpu.vector_load %arg5[%get3A_122, %get3A_123] {strides = array<i32>} : memref<4x1024xi32, #tpu.memory_space<vmem>>, vector<16xi32>,
        %get3A_125 = arith.constant 2 : i32
        %get3A_126 = arith.index_cast %get3A_125 : i32 to index
        %get3A_127 = arith.index_cast %mul3A_101 : i32 to index
        %get3A_128 = tpu.vector_load %arg5[%get3A_126, %get3A_127] {strides = array<i32>} : memref<4x1024xi32, #tpu.memory_space<vmem>>, vector<16xi32>,
        %get3A_129 = arith.constant 3 : i32
        %get3A_130 = arith.index_cast %get3A_129 : i32 to index
        %get3A_131 = arith.index_cast %mul3A_101 : i32 to index
        %get3A_132 = tpu.vector_load %arg5[%get3A_130, %get3A_131] {strides = array<i32>} : memref<4x1024xi32, #tpu.memory_space<vmem>>, vector<16xi32>,
        %get3A_133 = arith.constant 0 : i32
        %get3A_134 = arith.index_cast %get3A_133 : i32 to index
        %get3A_135 = arith.index_cast %mul3A_101 : i32 to index
        %get3A_136 = tpu.vector_load %arg10[%get3A_134, %get3A_135] {strides = array<i32>} : memref<4x1024xf32, #tpu.memory_space<vmem>>, vector<16xf32>,
        %get3A_137 = arith.constant 0 : i32
        %get3A_138 = arith.index_cast %get3A_137 : i32 to index
        %get3A_139 = arith.index_cast %mul3A_101 : i32 to index
        %get3A_140 = tpu.vector_load %arg11[%get3A_138, %get3A_139] {strides = array<i32>} : memref<4x1024xi32, #tpu.memory_space<vmem>>, vector<16xi32>,
        %lt3A_141 = arith.cmpf olt, %get3A_136, %get3A_104 : vector<16xf32>
        %lt3A_142 = arith.cmpf olt, %get3A_136, %get3A_108 : vector<16xf32>
        %lt3A_143 = arith.cmpf olt, %get3A_136, %get3A_112 : vector<16xf32>
        %lt3A_144 = arith.cmpf olt, %get3A_136, %get3A_116 : vector<16xf32>
        %select_n3A_145 = arith.select %lt3A_143, %get3A_112, %get3A_136 : vector<16xi1>, vector<16xf32>
        %select_n3A_146 = arith.select %lt3A_144, %select_n3A_145, %get3A_116 : vector<16xi1>, vector<16xf32>
        %select_n3A_147 = arith.select %lt3A_143, %get3A_128, %get3A_140 : vector<16xi1>, vector<16xi32>
        %select_n3A_148 = arith.select %lt3A_144, %select_n3A_147, %get3A_132 : vector<16xi1>, vector<16xi32>
        %select_n3A_149 = arith.select %lt3A_142, %get3A_108, %get3A_136 : vector<16xi1>, vector<16xf32>
        %select_n3A_150 = arith.select %lt3A_143, %select_n3A_149, %get3A_112 : vector<16xi1>, vector<16xf32>
        %select_n3A_151 = arith.select %lt3A_142, %get3A_124, %get3A_140 : vector<16xi1>, vector<16xi32>
        %select_n3A_152 = arith.select %lt3A_143, %select_n3A_151, %get3A_128 : vector<16xi1>, vector<16xi32>
        %select_n3A_153 = arith.select %lt3A_141, %get3A_104, %get3A_136 : vector<16xi1>, vector<16xf32>
        %select_n3A_154 = arith.select %lt3A_142, %select_n3A_153, %get3A_108 : vector<16xi1>, vector<16xf32>
        %select_n3A_155 = arith.select %lt3A_141, %get3A_120, %get3A_140 : vector<16xi1>, vector<16xi32>
        %select_n3A_156 = arith.select %lt3A_142, %select_n3A_155, %get3A_124 : vector<16xi1>, vector<16xi32>
        %select_n3A_157 = arith.select %lt3A_141, %get3A_136, %get3A_104 : vector<16xi1>, vector<16xf32>
        %select_n3A_158 = arith.select %lt3A_141, %get3A_140, %get3A_120 : vector<16xi1>, vector<16xi32>
        %get3A_159 = arith.constant 1 : i32
        %get3A_160 = arith.index_cast %get3A_159 : i32 to index
        %get3A_161 = arith.index_cast %mul3A_101 : i32 to index
        %get3A_162 = tpu.vector_load %arg10[%get3A_160, %get3A_161] {strides = array<i32>} : memref<4x1024xf32, #tpu.memory_space<vmem>>, vector<16xf32>,
        %get3A_163 = arith.constant 1 : i32
        %get3A_164 = arith.index_cast %get3A_163 : i32 to index
        %get3A_165 = arith.index_cast %mul3A_101 : i32 to index
        %get3A_166 = tpu.vector_load %arg11[%get3A_164, %get3A_165] {strides = array<i32>} : memref<4x1024xi32, #tpu.memory_space<vmem>>, vector<16xi32>,
        %lt3A_167 = arith.cmpf olt, %get3A_162, %select_n3A_157 : vector<16xf32>
        %lt3A_168 = arith.cmpf olt, %get3A_162, %select_n3A_154 : vector<16xf32>
        %lt3A_169 = arith.cmpf olt, %get3A_162, %select_n3A_150 : vector<16xf32>
        %lt3A_170 = arith.cmpf olt, %get3A_162, %select_n3A_146 : vector<16xf32>
        %select_n3A_171 = arith.select %lt3A_169, %select_n3A_150, %get3A_162 : vector<16xi1>, vector<16xf32>
        %select_n3A_172 = arith.select %lt3A_170, %select_n3A_171, %select_n3A_146 : vector<16xi1>, vector<16xf32>
        %select_n3A_173 = arith.select %lt3A_169, %select_n3A_152, %get3A_166 : vector<16xi1>, vector<16xi32>
        %select_n3A_174 = arith.select %lt3A_170, %select_n3A_173, %select_n3A_148 : vector<16xi1>, vector<16xi32>
        %select_n3A_175 = arith.select %lt3A_168, %select_n3A_154, %get3A_162 : vector<16xi1>, vector<16xf32>
        %select_n3A_176 = arith.select %lt3A_169, %select_n3A_175, %select_n3A_150 : vector<16xi1>, vector<16xf32>
        %select_n3A_177 = arith.select %lt3A_168, %select_n3A_156, %get3A_166 : vector<16xi1>, vector<16xi32>
        %select_n3A_178 = arith.select %lt3A_169, %select_n3A_177, %select_n3A_152 : vector<16xi1>, vector<16xi32>
        %select_n3A_179 = arith.select %lt3A_167, %select_n3A_157, %get3A_162 : vector<16xi1>, vector<16xf32>
        %select_n3A_180 = arith.select %lt3A_168, %select_n3A_179, %select_n3A_154 : vector<16xi1>, vector<16xf32>
        %select_n3A_181 = arith.select %lt3A_167, %select_n3A_158, %get3A_166 : vector<16xi1>, vector<16xi32>
        %select_n3A_182 = arith.select %lt3A_168, %select_n3A_181, %select_n3A_156 : vector<16xi1>, vector<16xi32>
        %select_n3A_183 = arith.select %lt3A_167, %get3A_162, %select_n3A_157 : vector<16xi1>, vector<16xf32>
        %select_n3A_184 = arith.select %lt3A_167, %get3A_166, %select_n3A_158 : vector<16xi1>, vector<16xi32>
        %get3A_185 = arith.constant 2 : i32
        %get3A_186 = arith.index_cast %get3A_185 : i32 to index
        %get3A_187 = arith.index_cast %mul3A_101 : i32 to index
        %get3A_188 = tpu.vector_load %arg10[%get3A_186, %get3A_187] {strides = array<i32>} : memref<4x1024xf32, #tpu.memory_space<vmem>>, vector<16xf32>,
        %get3A_189 = arith.constant 2 : i32
        %get3A_190 = arith.index_cast %get3A_189 : i32 to index
        %get3A_191 = arith.index_cast %mul3A_101 : i32 to index
        %get3A_192 = tpu.vector_load %arg11[%get3A_190, %get3A_191] {strides = array<i32>} : memref<4x1024xi32, #tpu.memory_space<vmem>>, vector<16xi32>,
        %lt3A_193 = arith.cmpf olt, %get3A_188, %select_n3A_183 : vector<16xf32>
        %lt3A_194 = arith.cmpf olt, %get3A_188, %select_n3A_180 : vector<16xf32>
        %lt3A_195 = arith.cmpf olt, %get3A_188, %select_n3A_176 : vector<16xf32>
        %lt3A_196 = arith.cmpf olt, %get3A_188, %select_n3A_172 : vector<16xf32>
        %select_n3A_197 = arith.select %lt3A_195, %select_n3A_176, %get3A_188 : vector<16xi1>, vector<16xf32>
        %select_n3A_198 = arith.select %lt3A_196, %select_n3A_197, %select_n3A_172 : vector<16xi1>, vector<16xf32>
        %select_n3A_199 = arith.select %lt3A_195, %select_n3A_178, %get3A_192 : vector<16xi1>, vector<16xi32>
        %select_n3A_200 = arith.select %lt3A_196, %select_n3A_199, %select_n3A_174 : vector<16xi1>, vector<16xi32>
        %select_n3A_201 = arith.select %lt3A_194, %select_n3A_180, %get3A_188 : vector<16xi1>, vector<16xf32>
        %select_n3A_202 = arith.select %lt3A_195, %select_n3A_201, %select_n3A_176 : vector<16xi1>, vector<16xf32>
        %select_n3A_203 = arith.select %lt3A_194, %select_n3A_182, %get3A_192 : vector<16xi1>, vector<16xi32>
        %select_n3A_204 = arith.select %lt3A_195, %select_n3A_203, %select_n3A_178 : vector<16xi1>, vector<16xi32>
        %select_n3A_205 = arith.select %lt3A_193, %select_n3A_183, %get3A_188 : vector<16xi1>, vector<16xf32>
        %select_n3A_206 = arith.select %lt3A_194, %select_n3A_205, %select_n3A_180 : vector<16xi1>, vector<16xf32>
        %select_n3A_207 = arith.select %lt3A_193, %select_n3A_184, %get3A_192 : vector<16xi1>, vector<16xi32>
        %select_n3A_208 = arith.select %lt3A_194, %select_n3A_207, %select_n3A_182 : vector<16xi1>, vector<16xi32>
        %select_n3A_209 = arith.select %lt3A_193, %get3A_188, %select_n3A_183 : vector<16xi1>, vector<16xf32>
        %select_n3A_210 = arith.select %lt3A_193, %get3A_192, %select_n3A_184 : vector<16xi1>, vector<16xi32>
        %get3A_211 = arith.constant 3 : i32
        %get3A_212 = arith.index_cast %get3A_211 : i32 to index
        %get3A_213 = arith.index_cast %mul3A_101 : i32 to index
        %get3A_214 = tpu.vector_load %arg10[%get3A_212, %get3A_213] {strides = array<i32>} : memref<4x1024xf32, #tpu.memory_space<vmem>>, vector<16xf32>,
        %get3A_215 = arith.constant 3 : i32
        %get3A_216 = arith.index_cast %get3A_215 : i32 to index
        %get3A_217 = arith.index_cast %mul3A_101 : i32 to index
        %get3A_218 = tpu.vector_load %arg11[%get3A_216, %get3A_217] {strides = array<i32>} : memref<4x1024xi32, #tpu.memory_space<vmem>>, vector<16xi32>,
        %lt3A_219 = arith.cmpf olt, %get3A_214, %select_n3A_209 : vector<16xf32>
        %lt3A_220 = arith.cmpf olt, %get3A_214, %select_n3A_206 : vector<16xf32>
        %lt3A_221 = arith.cmpf olt, %get3A_214, %select_n3A_202 : vector<16xf32>
        %lt3A_222 = arith.cmpf olt, %get3A_214, %select_n3A_198 : vector<16xf32>
        %select_n3A_223 = arith.select %lt3A_221, %select_n3A_202, %get3A_214 : vector<16xi1>, vector<16xf32>
        %select_n3A_224 = arith.select %lt3A_222, %select_n3A_223, %select_n3A_198 : vector<16xi1>, vector<16xf32>
        %select_n3A_225 = arith.select %lt3A_221, %select_n3A_204, %get3A_218 : vector<16xi1>, vector<16xi32>
        %select_n3A_226 = arith.select %lt3A_222, %select_n3A_225, %select_n3A_200 : vector<16xi1>, vector<16xi32>
        %select_n3A_227 = arith.select %lt3A_220, %select_n3A_206, %get3A_214 : vector<16xi1>, vector<16xf32>
        %select_n3A_228 = arith.select %lt3A_221, %select_n3A_227, %select_n3A_202 : vector<16xi1>, vector<16xf32>
        %select_n3A_229 = arith.select %lt3A_220, %select_n3A_208, %get3A_218 : vector<16xi1>, vector<16xi32>
        %select_n3A_230 = arith.select %lt3A_221, %select_n3A_229, %select_n3A_204 : vector<16xi1>, vector<16xi32>
        %select_n3A_231 = arith.select %lt3A_219, %select_n3A_209, %get3A_214 : vector<16xi1>, vector<16xf32>
        %select_n3A_232 = arith.select %lt3A_220, %select_n3A_231, %select_n3A_206 : vector<16xi1>, vector<16xf32>
        %select_n3A_233 = arith.select %lt3A_219, %select_n3A_210, %get3A_218 : vector<16xi1>, vector<16xi32>
        %select_n3A_234 = arith.select %lt3A_220, %select_n3A_233, %select_n3A_208 : vector<16xi1>, vector<16xi32>
        %select_n3A_235 = arith.select %lt3A_219, %get3A_214, %select_n3A_209 : vector<16xi1>, vector<16xf32>
        %select_n3A_236 = arith.select %lt3A_219, %get3A_218, %select_n3A_210 : vector<16xi1>, vector<16xi32>
        %swap3A = arith.constant 0 : i32
        %swap3A_237 = arith.index_cast %swap3A : i32 to index
        %swap3A_238 = arith.index_cast %mul3A_101 : i32 to index
        %swap3A_239 = tpu.vector_load %arg4[%swap3A_237, %swap3A_238] {strides = array<i32>} : memref<4x1024xf32, #tpu.memory_space<vmem>>, vector<16xf32>,
        tpu.vector_store %arg4[%swap3A_237, %swap3A_238], %select_n3A_235 {strides = array<i32>} : memref<4x1024xf32, #tpu.memory_space<vmem>>, vector<16xf32>,
        %swap3A_240 = arith.constant 0 : i32
        %swap3A_241 = arith.index_cast %swap3A_240 : i32 to index
        %swap3A_242 = arith.index_cast %mul3A_101 : i32 to index
        %swap3A_243 = tpu.vector_load %arg5[%swap3A_241, %swap3A_242] {strides = array<i32>} : memref<4x1024xi32, #tpu.memory_space<vmem>>, vector<16xi32>,
        tpu.vector_store %arg5[%swap3A_241, %swap3A_242], %select_n3A_236 {strides = array<i32>} : memref<4x1024xi32, #tpu.memory_space<vmem>>, vector<16xi32>,
        %swap3A_244 = arith.constant 1 : i32
        %swap3A_245 = arith.index_cast %swap3A_244 : i32 to index
        %swap3A_246 = arith.index_cast %mul3A_101 : i32 to index
        %swap3A_247 = tpu.vector_load %arg4[%swap3A_245, %swap3A_246] {strides = array<i32>} : memref<4x1024xf32, #tpu.memory_space<vmem>>, vector<16xf32>,
        tpu.vector_store %arg4[%swap3A_245, %swap3A_246], %select_n3A_232 {strides = array<i32>} : memref<4x1024xf32, #tpu.memory_space<vmem>>, vector<16xf32>,
        %swap3A_248 = arith.constant 1 : i32
        %swap3A_249 = arith.index_cast %swap3A_248 : i32 to index
        %swap3A_250 = arith.index_cast %mul3A_101 : i32 to index
        %swap3A_251 = tpu.vector_load %arg5[%swap3A_249, %swap3A_250] {strides = array<i32>} : memref<4x1024xi32, #tpu.memory_space<vmem>>, vector<16xi32>,
        tpu.vector_store %arg5[%swap3A_249, %swap3A_250], %select_n3A_234 {strides = array<i32>} : memref<4x1024xi32, #tpu.memory_space<vmem>>, vector<16xi32>,
        %swap3A_252 = arith.constant 2 : i32
        %swap3A_253 = arith.index_cast %swap3A_252 : i32 to index
        %swap3A_254 = arith.index_cast %mul3A_101 : i32 to index
        %swap3A_255 = tpu.vector_load %arg4[%swap3A_253, %swap3A_254] {strides = array<i32>} : memref<4x1024xf32, #tpu.memory_space<vmem>>, vector<16xf32>,
        tpu.vector_store %arg4[%swap3A_253, %swap3A_254], %select_n3A_228 {strides = array<i32>} : memref<4x1024xf32, #tpu.memory_space<vmem>>, vector<16xf32>,
        %swap3A_256 = arith.constant 2 : i32
        %swap3A_257 = arith.index_cast %swap3A_256 : i32 to index
        %swap3A_258 = arith.index_cast %mul3A_101 : i32 to index
        %swap3A_259 = tpu.vector_load %arg5[%swap3A_257, %swap3A_258] {strides = array<i32>} : memref<4x1024xi32, #tpu.memory_space<vmem>>, vector<16xi32>,
        tpu.vector_store %arg5[%swap3A_257, %swap3A_258], %select_n3A_230 {strides = array<i32>} : memref<4x1024xi32, #tpu.memory_space<vmem>>, vector<16xi32>,
        %swap3A_260 = arith.constant 3 : i32
        %swap3A_261 = arith.index_cast %swap3A_260 : i32 to index
        %swap3A_262 = arith.index_cast %mul3A_101 : i32 to index
        %swap3A_263 = tpu.vector_load %arg4[%swap3A_261, %swap3A_262] {strides = array<i32>} : memref<4x1024xf32, #tpu.memory_space<vmem>>, vector<16xf32>,
        tpu.vector_store %arg4[%swap3A_261, %swap3A_262], %select_n3A_224 {strides = array<i32>} : memref<4x1024xf32, #tpu.memory_space<vmem>>, vector<16xf32>,
        %swap3A_264 = arith.constant 3 : i32
        %swap3A_265 = arith.index_cast %swap3A_264 : i32 to index
        %swap3A_266 = arith.index_cast %mul3A_101 : i32 to index
        %swap3A_267 = tpu.vector_load %arg5[%swap3A_265, %swap3A_266] {strides = array<i32>} : memref<4x1024xi32, #tpu.memory_space<vmem>>, vector<16xi32>,
        tpu.vector_store %arg5[%swap3A_265, %swap3A_266], %select_n3A_226 {strides = array<i32>} : memref<4x1024xi32, #tpu.memory_space<vmem>>, vector<16xi32>,
        %scan3A_268 = arith.constant 0 : i32
        scf.yield %scan3A_268 : i32
      }
      %scan3A_86 = arith.constant 64 : i32
      %add3A_87 = arith.constant 3 : i32
      %add3A_88 = arith.addi %arg1, %add3A_87 : i32
      "tpu.region"() ({
        %run_scoped3A = tpu.sem_alloc : memref<!tpu.dma_semaphore, #tpu.memory_space<semaphore_mem>>
        %dma_start3A_98 = arith.constant 0 : i32
        %dma_start3A_99 = arith.constant 0 : i32
        %dma_start3A_100 = tpu.memref_slice %arg8[%add3A_88, %dma_start3A_98, %dma_start3A_99] : memref<16x4x1024xf32, #tpu.memory_space<vmem_shared>> -> memref<1x4x1024xf32, #tpu.memory_space<vmem_shared>>
        %dma_start3A_101 = tpu.memref_squeeze %dma_start3A_100 : memref<1x4x1024xf32, #tpu.memory_space<vmem_shared>> -> memref<4x1024xf32, #tpu.memory_space<vmem_shared>>
        %dma_start3A_102 = arith.constant 0 : i32
        %dma_start3A_103 = arith.constant 0 : i32
        %dma_start3A_104 = tpu.memref_slice %arg8[%add3A_88, %dma_start3A_102, %dma_start3A_103] : memref<16x4x1024xf32, #tpu.memory_space<vmem_shared>> -> memref<1x4x1024xf32, #tpu.memory_space<vmem_shared>>
        %dma_start3A_105 = tpu.memref_squeeze %dma_start3A_104 : memref<1x4x1024xf32, #tpu.memory_space<vmem_shared>> -> memref<4x1024xf32, #tpu.memory_space<vmem_shared>>
        tpu.enqueue_dma source(%dma_start3A_105 : memref<4x1024xf32, #tpu.memory_space<vmem_shared>>) target(%arg10 : memref<4x1024xf32, #tpu.memory_space<vmem>>) target_semaphore(%run_scoped3A : memref<!tpu.dma_semaphore, #tpu.memory_space<semaphore_mem>>)
        %dma_wait3A = arith.constant 0 : i32
        %dma_wait3A_106 = arith.constant 0 : i32
        %dma_wait3A_107 = tpu.memref_slice %arg8[%add3A_88, %dma_wait3A, %dma_wait3A_106] : memref<16x4x1024xf32, #tpu.memory_space<vmem_shared>> -> memref<1x4x1024xf32, #tpu.memory_space<vmem_shared>>
        %dma_wait3A_108 = tpu.memref_squeeze %dma_wait3A_107 : memref<1x4x1024xf32, #tpu.memory_space<vmem_shared>> -> memref<4x1024xf32, #tpu.memory_space<vmem_shared>>
        %dma_wait3A_109 = arith.constant 0 : i32
        %dma_wait3A_110 = arith.constant 0 : i32
        %dma_wait3A_111 = tpu.memref_slice %arg8[%add3A_88, %dma_wait3A_109, %dma_wait3A_110] : memref<16x4x1024xf32, #tpu.memory_space<vmem_shared>> -> memref<1x4x1024xf32, #tpu.memory_space<vmem_shared>>
        %dma_wait3A_112 = tpu.memref_squeeze %dma_wait3A_111 : memref<1x4x1024xf32, #tpu.memory_space<vmem_shared>> -> memref<4x1024xf32, #tpu.memory_space<vmem_shared>>
        tpu.wait_dma2 semaphore(%run_scoped3A : memref<!tpu.dma_semaphore, #tpu.memory_space<semaphore_mem>>) src(%dma_wait3A_112 : memref<4x1024xf32, #tpu.memory_space<vmem_shared>>) dst(%arg10 : memref<4x1024xf32, #tpu.memory_space<vmem>>)
        tpu.yield
      }) : () -> ()
      %add3A_89 = arith.constant 3 : i32
      %add3A_90 = arith.addi %arg1, %add3A_89 : i32
      "tpu.region"() ({
        %run_scoped3A = tpu.sem_alloc : memref<!tpu.dma_semaphore, #tpu.memory_space<semaphore_mem>>
        %dma_start3A_98 = arith.constant 0 : i32
        %dma_start3A_99 = arith.constant 0 : i32
        %dma_start3A_100 = tpu.memref_slice %arg9[%add3A_90, %dma_start3A_98, %dma_start3A_99] : memref<16x4x1024xi32, #tpu.memory_space<vmem_shared>> -> memref<1x4x1024xi32, #tpu.memory_space<vmem_shared>>
        %dma_start3A_101 = tpu.memref_squeeze %dma_start3A_100 : memref<1x4x1024xi32, #tpu.memory_space<vmem_shared>> -> memref<4x1024xi32, #tpu.memory_space<vmem_shared>>
        %dma_start3A_102 = arith.constant 0 : i32
        %dma_start3A_103 = arith.constant 0 : i32
        %dma_start3A_104 = tpu.memref_slice %arg9[%add3A_90, %dma_start3A_102, %dma_start3A_103] : memref<16x4x1024xi32, #tpu.memory_space<vmem_shared>> -> memref<1x4x1024xi32, #tpu.memory_space<vmem_shared>>
        %dma_start3A_105 = tpu.memref_squeeze %dma_start3A_104 : memref<1x4x1024xi32, #tpu.memory_space<vmem_shared>> -> memref<4x1024xi32, #tpu.memory_space<vmem_shared>>
        tpu.enqueue_dma source(%dma_start3A_105 : memref<4x1024xi32, #tpu.memory_space<vmem_shared>>) target(%arg11 : memref<4x1024xi32, #tpu.memory_space<vmem>>) target_semaphore(%run_scoped3A : memref<!tpu.dma_semaphore, #tpu.memory_space<semaphore_mem>>)
        %dma_wait3A = arith.constant 0 : i32
        %dma_wait3A_106 = arith.constant 0 : i32
        %dma_wait3A_107 = tpu.memref_slice %arg9[%add3A_90, %dma_wait3A, %dma_wait3A_106] : memref<16x4x1024xi32, #tpu.memory_space<vmem_shared>> -> memref<1x4x1024xi32, #tpu.memory_space<vmem_shared>>
        %dma_wait3A_108 = tpu.memref_squeeze %dma_wait3A_107 : memref<1x4x1024xi32, #tpu.memory_space<vmem_shared>> -> memref<4x1024xi32, #tpu.memory_space<vmem_shared>>
        %dma_wait3A_109 = arith.constant 0 : i32
        %dma_wait3A_110 = arith.constant 0 : i32
        %dma_wait3A_111 = tpu.memref_slice %arg9[%add3A_90, %dma_wait3A_109, %dma_wait3A_110] : memref<16x4x1024xi32, #tpu.memory_space<vmem_shared>> -> memref<1x4x1024xi32, #tpu.memory_space<vmem_shared>>
        %dma_wait3A_112 = tpu.memref_squeeze %dma_wait3A_111 : memref<1x4x1024xi32, #tpu.memory_space<vmem_shared>> -> memref<4x1024xi32, #tpu.memory_space<vmem_shared>>
        tpu.wait_dma2 semaphore(%run_scoped3A : memref<!tpu.dma_semaphore, #tpu.memory_space<semaphore_mem>>) src(%dma_wait3A_112 : memref<4x1024xi32, #tpu.memory_space<vmem_shared>>) dst(%arg11 : memref<4x1024xi32, #tpu.memory_space<vmem>>)
        tpu.yield
      }) : () -> ()
      %scan3A_91 = arith.constant 0 : i32
      %scan3A_92 = arith.constant 0 : i32
      %scan3A_93 = arith.constant 64 : i32
      %scan3A_94 = arith.addi %scan3A_92, %scan3A_93 : i32
      %scan3A_95 = arith.constant 1 : i32
      %scan3A_96 = scf.for %scan3A_98 = %scan3A_92 to %scan3A_94 step %scan3A_95 iter_args(%scan3A_99 = %scan3A_91) -> (i32)  : i32 {
        %mul3A_100 = arith.constant 16 : i32
        %mul3A_101 = arith.muli %scan3A_98, %mul3A_100 : i32
        %get3A = arith.constant 0 : i32
        %get3A_102 = arith.index_cast %get3A : i32 to index
        %get3A_103 = arith.index_cast %mul3A_101 : i32 to index
        %get3A_104 = tpu.vector_load %arg4[%get3A_102, %get3A_103] {strides = array<i32>} : memref<4x1024xf32, #tpu.memory_space<vmem>>, vector<16xf32>,
        %get3A_105 = arith.constant 1 : i32
        %get3A_106 = arith.index_cast %get3A_105 : i32 to index
        %get3A_107 = arith.index_cast %mul3A_101 : i32 to index
        %get3A_108 = tpu.vector_load %arg4[%get3A_106, %get3A_107] {strides = array<i32>} : memref<4x1024xf32, #tpu.memory_space<vmem>>, vector<16xf32>,
        %get3A_109 = arith.constant 2 : i32
        %get3A_110 = arith.index_cast %get3A_109 : i32 to index
        %get3A_111 = arith.index_cast %mul3A_101 : i32 to index
        %get3A_112 = tpu.vector_load %arg4[%get3A_110, %get3A_111] {strides = array<i32>} : memref<4x1024xf32, #tpu.memory_space<vmem>>, vector<16xf32>,
        %get3A_113 = arith.constant 3 : i32
        %get3A_114 = arith.index_cast %get3A_113 : i32 to index
        %get3A_115 = arith.index_cast %mul3A_101 : i32 to index
        %get3A_116 = tpu.vector_load %arg4[%get3A_114, %get3A_115] {strides = array<i32>} : memref<4x1024xf32, #tpu.memory_space<vmem>>, vector<16xf32>,
        %get3A_117 = arith.constant 0 : i32
        %get3A_118 = arith.index_cast %get3A_117 : i32 to index
        %get3A_119 = arith.index_cast %mul3A_101 : i32 to index
        %get3A_120 = tpu.vector_load %arg5[%get3A_118, %get3A_119] {strides = array<i32>} : memref<4x1024xi32, #tpu.memory_space<vmem>>, vector<16xi32>,
        %get3A_121 = arith.constant 1 : i32
        %get3A_122 = arith.index_cast %get3A_121 : i32 to index
        %get3A_123 = arith.index_cast %mul3A_101 : i32 to index
        %get3A_124 = tpu.vector_load %arg5[%get3A_122, %get3A_123] {strides = array<i32>} : memref<4x1024xi32, #tpu.memory_space<vmem>>, vector<16xi32>,
        %get3A_125 = arith.constant 2 : i32
        %get3A_126 = arith.index_cast %get3A_125 : i32 to index
        %get3A_127 = arith.index_cast %mul3A_101 : i32 to index
        %get3A_128 = tpu.vector_load %arg5[%get3A_126, %get3A_127] {strides = array<i32>} : memref<4x1024xi32, #tpu.memory_space<vmem>>, vector<16xi32>,
        %get3A_129 = arith.constant 3 : i32
        %get3A_130 = arith.index_cast %get3A_129 : i32 to index
        %get3A_131 = arith.index_cast %mul3A_101 : i32 to index
        %get3A_132 = tpu.vector_load %arg5[%get3A_130, %get3A_131] {strides = array<i32>} : memref<4x1024xi32, #tpu.memory_space<vmem>>, vector<16xi32>,
        %get3A_133 = arith.constant 0 : i32
        %get3A_134 = arith.index_cast %get3A_133 : i32 to index
        %get3A_135 = arith.index_cast %mul3A_101 : i32 to index
        %get3A_136 = tpu.vector_load %arg10[%get3A_134, %get3A_135] {strides = array<i32>} : memref<4x1024xf32, #tpu.memory_space<vmem>>, vector<16xf32>,
        %get3A_137 = arith.constant 0 : i32
        %get3A_138 = arith.index_cast %get3A_137 : i32 to index
        %get3A_139 = arith.index_cast %mul3A_101 : i32 to index
        %get3A_140 = tpu.vector_load %arg11[%get3A_138, %get3A_139] {strides = array<i32>} : memref<4x1024xi32, #tpu.memory_space<vmem>>, vector<16xi32>,
        %lt3A_141 = arith.cmpf olt, %get3A_136, %get3A_104 : vector<16xf32>
        %lt3A_142 = arith.cmpf olt, %get3A_136, %get3A_108 : vector<16xf32>
        %lt3A_143 = arith.cmpf olt, %get3A_136, %get3A_112 : vector<16xf32>
        %lt3A_144 = arith.cmpf olt, %get3A_136, %get3A_116 : vector<16xf32>
        %select_n3A_145 = arith.select %lt3A_143, %get3A_112, %get3A_136 : vector<16xi1>, vector<16xf32>
        %select_n3A_146 = arith.select %lt3A_144, %select_n3A_145, %get3A_116 : vector<16xi1>, vector<16xf32>
        %select_n3A_147 = arith.select %lt3A_143, %get3A_128, %get3A_140 : vector<16xi1>, vector<16xi32>
        %select_n3A_148 = arith.select %lt3A_144, %select_n3A_147, %get3A_132 : vector<16xi1>, vector<16xi32>
        %select_n3A_149 = arith.select %lt3A_142, %get3A_108, %get3A_136 : vector<16xi1>, vector<16xf32>
        %select_n3A_150 = arith.select %lt3A_143, %select_n3A_149, %get3A_112 : vector<16xi1>, vector<16xf32>
        %select_n3A_151 = arith.select %lt3A_142, %get3A_124, %get3A_140 : vector<16xi1>, vector<16xi32>
        %select_n3A_152 = arith.select %lt3A_143, %select_n3A_151, %get3A_128 : vector<16xi1>, vector<16xi32>
        %select_n3A_153 = arith.select %lt3A_141, %get3A_104, %get3A_136 : vector<16xi1>, vector<16xf32>
        %select_n3A_154 = arith.select %lt3A_142, %select_n3A_153, %get3A_108 : vector<16xi1>, vector<16xf32>
        %select_n3A_155 = arith.select %lt3A_141, %get3A_120, %get3A_140 : vector<16xi1>, vector<16xi32>
        %select_n3A_156 = arith.select %lt3A_142, %select_n3A_155, %get3A_124 : vector<16xi1>, vector<16xi32>
        %select_n3A_157 = arith.select %lt3A_141, %get3A_136, %get3A_104 : vector<16xi1>, vector<16xf32>
        %select_n3A_158 = arith.select %lt3A_141, %get3A_140, %get3A_120 : vector<16xi1>, vector<16xi32>
        %get3A_159 = arith.constant 1 : i32
        %get3A_160 = arith.index_cast %get3A_159 : i32 to index
        %get3A_161 = arith.index_cast %mul3A_101 : i32 to index
        %get3A_162 = tpu.vector_load %arg10[%get3A_160, %get3A_161] {strides = array<i32>} : memref<4x1024xf32, #tpu.memory_space<vmem>>, vector<16xf32>,
        %get3A_163 = arith.constant 1 : i32
        %get3A_164 = arith.index_cast %get3A_163 : i32 to index
        %get3A_165 = arith.index_cast %mul3A_101 : i32 to index
        %get3A_166 = tpu.vector_load %arg11[%get3A_164, %get3A_165] {strides = array<i32>} : memref<4x1024xi32, #tpu.memory_space<vmem>>, vector<16xi32>,
        %lt3A_167 = arith.cmpf olt, %get3A_162, %select_n3A_157 : vector<16xf32>
        %lt3A_168 = arith.cmpf olt, %get3A_162, %select_n3A_154 : vector<16xf32>
        %lt3A_169 = arith.cmpf olt, %get3A_162, %select_n3A_150 : vector<16xf32>
        %lt3A_170 = arith.cmpf olt, %get3A_162, %select_n3A_146 : vector<16xf32>
        %select_n3A_171 = arith.select %lt3A_169, %select_n3A_150, %get3A_162 : vector<16xi1>, vector<16xf32>
        %select_n3A_172 = arith.select %lt3A_170, %select_n3A_171, %select_n3A_146 : vector<16xi1>, vector<16xf32>
        %select_n3A_173 = arith.select %lt3A_169, %select_n3A_152, %get3A_166 : vector<16xi1>, vector<16xi32>
        %select_n3A_174 = arith.select %lt3A_170, %select_n3A_173, %select_n3A_148 : vector<16xi1>, vector<16xi32>
        %select_n3A_175 = arith.select %lt3A_168, %select_n3A_154, %get3A_162 : vector<16xi1>, vector<16xf32>
        %select_n3A_176 = arith.select %lt3A_169, %select_n3A_175, %select_n3A_150 : vector<16xi1>, vector<16xf32>
        %select_n3A_177 = arith.select %lt3A_168, %select_n3A_156, %get3A_166 : vector<16xi1>, vector<16xi32>
        %select_n3A_178 = arith.select %lt3A_169, %select_n3A_177, %select_n3A_152 : vector<16xi1>, vector<16xi32>
        %select_n3A_179 = arith.select %lt3A_167, %select_n3A_157, %get3A_162 : vector<16xi1>, vector<16xf32>
        %select_n3A_180 = arith.select %lt3A_168, %select_n3A_179, %select_n3A_154 : vector<16xi1>, vector<16xf32>
        %select_n3A_181 = arith.select %lt3A_167, %select_n3A_158, %get3A_166 : vector<16xi1>, vector<16xi32>
        %select_n3A_182 = arith.select %lt3A_168, %select_n3A_181, %select_n3A_156 : vector<16xi1>, vector<16xi32>
        %select_n3A_183 = arith.select %lt3A_167, %get3A_162, %select_n3A_157 : vector<16xi1>, vector<16xf32>
        %select_n3A_184 = arith.select %lt3A_167, %get3A_166, %select_n3A_158 : vector<16xi1>, vector<16xi32>
        %get3A_185 = arith.constant 2 : i32
        %get3A_186 = arith.index_cast %get3A_185 : i32 to index
        %get3A_187 = arith.index_cast %mul3A_101 : i32 to index
        %get3A_188 = tpu.vector_load %arg10[%get3A_186, %get3A_187] {strides = array<i32>} : memref<4x1024xf32, #tpu.memory_space<vmem>>, vector<16xf32>,
        %get3A_189 = arith.constant 2 : i32
        %get3A_190 = arith.index_cast %get3A_189 : i32 to index
        %get3A_191 = arith.index_cast %mul3A_101 : i32 to index
        %get3A_192 = tpu.vector_load %arg11[%get3A_190, %get3A_191] {strides = array<i32>} : memref<4x1024xi32, #tpu.memory_space<vmem>>, vector<16xi32>,
        %lt3A_193 = arith.cmpf olt, %get3A_188, %select_n3A_183 : vector<16xf32>
        %lt3A_194 = arith.cmpf olt, %get3A_188, %select_n3A_180 : vector<16xf32>
        %lt3A_195 = arith.cmpf olt, %get3A_188, %select_n3A_176 : vector<16xf32>
        %lt3A_196 = arith.cmpf olt, %get3A_188, %select_n3A_172 : vector<16xf32>
        %select_n3A_197 = arith.select %lt3A_195, %select_n3A_176, %get3A_188 : vector<16xi1>, vector<16xf32>
        %select_n3A_198 = arith.select %lt3A_196, %select_n3A_197, %select_n3A_172 : vector<16xi1>, vector<16xf32>
        %select_n3A_199 = arith.select %lt3A_195, %select_n3A_178, %get3A_192 : vector<16xi1>, vector<16xi32>
        %select_n3A_200 = arith.select %lt3A_196, %select_n3A_199, %select_n3A_174 : vector<16xi1>, vector<16xi32>
        %select_n3A_201 = arith.select %lt3A_194, %select_n3A_180, %get3A_188 : vector<16xi1>, vector<16xf32>
        %select_n3A_202 = arith.select %lt3A_195, %select_n3A_201, %select_n3A_176 : vector<16xi1>, vector<16xf32>
        %select_n3A_203 = arith.select %lt3A_194, %select_n3A_182, %get3A_192 : vector<16xi1>, vector<16xi32>
        %select_n3A_204 = arith.select %lt3A_195, %select_n3A_203, %select_n3A_178 : vector<16xi1>, vector<16xi32>
        %select_n3A_205 = arith.select %lt3A_193, %select_n3A_183, %get3A_188 : vector<16xi1>, vector<16xf32>
        %select_n3A_206 = arith.select %lt3A_194, %select_n3A_205, %select_n3A_180 : vector<16xi1>, vector<16xf32>
        %select_n3A_207 = arith.select %lt3A_193, %select_n3A_184, %get3A_192 : vector<16xi1>, vector<16xi32>
        %select_n3A_208 = arith.select %lt3A_194, %select_n3A_207, %select_n3A_182 : vector<16xi1>, vector<16xi32>
        %select_n3A_209 = arith.select %lt3A_193, %get3A_188, %select_n3A_183 : vector<16xi1>, vector<16xf32>
        %select_n3A_210 = arith.select %lt3A_193, %get3A_192, %select_n3A_184 : vector<16xi1>, vector<16xi32>
        %get3A_211 = arith.constant 3 : i32
        %get3A_212 = arith.index_cast %get3A_211 : i32 to index
        %get3A_213 = arith.index_cast %mul3A_101 : i32 to index
        %get3A_214 = tpu.vector_load %arg10[%get3A_212, %get3A_213] {strides = array<i32>} : memref<4x1024xf32, #tpu.memory_space<vmem>>, vector<16xf32>,
        %get3A_215 = arith.constant 3 : i32
        %get3A_216 = arith.index_cast %get3A_215 : i32 to index
        %get3A_217 = arith.index_cast %mul3A_101 : i32 to index
        %get3A_218 = tpu.vector_load %arg11[%get3A_216, %get3A_217] {strides = array<i32>} : memref<4x1024xi32, #tpu.memory_space<vmem>>, vector<16xi32>,
        %lt3A_219 = arith.cmpf olt, %get3A_214, %select_n3A_209 : vector<16xf32>
        %lt3A_220 = arith.cmpf olt, %get3A_214, %select_n3A_206 : vector<16xf32>
        %lt3A_221 = arith.cmpf olt, %get3A_214, %select_n3A_202 : vector<16xf32>
        %lt3A_222 = arith.cmpf olt, %get3A_214, %select_n3A_198 : vector<16xf32>
        %select_n3A_223 = arith.select %lt3A_221, %select_n3A_202, %get3A_214 : vector<16xi1>, vector<16xf32>
        %select_n3A_224 = arith.select %lt3A_222, %select_n3A_223, %select_n3A_198 : vector<16xi1>, vector<16xf32>
        %select_n3A_225 = arith.select %lt3A_221, %select_n3A_204, %get3A_218 : vector<16xi1>, vector<16xi32>
        %select_n3A_226 = arith.select %lt3A_222, %select_n3A_225, %select_n3A_200 : vector<16xi1>, vector<16xi32>
        %select_n3A_227 = arith.select %lt3A_220, %select_n3A_206, %get3A_214 : vector<16xi1>, vector<16xf32>
        %select_n3A_228 = arith.select %lt3A_221, %select_n3A_227, %select_n3A_202 : vector<16xi1>, vector<16xf32>
        %select_n3A_229 = arith.select %lt3A_220, %select_n3A_208, %get3A_218 : vector<16xi1>, vector<16xi32>
        %select_n3A_230 = arith.select %lt3A_221, %select_n3A_229, %select_n3A_204 : vector<16xi1>, vector<16xi32>
        %select_n3A_231 = arith.select %lt3A_219, %select_n3A_209, %get3A_214 : vector<16xi1>, vector<16xf32>
        %select_n3A_232 = arith.select %lt3A_220, %select_n3A_231, %select_n3A_206 : vector<16xi1>, vector<16xf32>
        %select_n3A_233 = arith.select %lt3A_219, %select_n3A_210, %get3A_218 : vector<16xi1>, vector<16xi32>
        %select_n3A_234 = arith.select %lt3A_220, %select_n3A_233, %select_n3A_208 : vector<16xi1>, vector<16xi32>
        %select_n3A_235 = arith.select %lt3A_219, %get3A_214, %select_n3A_209 : vector<16xi1>, vector<16xf32>
        %select_n3A_236 = arith.select %lt3A_219, %get3A_218, %select_n3A_210 : vector<16xi1>, vector<16xi32>
        %swap3A = arith.constant 0 : i32
        %swap3A_237 = arith.index_cast %swap3A : i32 to index
        %swap3A_238 = arith.index_cast %mul3A_101 : i32 to index
        %swap3A_239 = tpu.vector_load %arg4[%swap3A_237, %swap3A_238] {strides = array<i32>} : memref<4x1024xf32, #tpu.memory_space<vmem>>, vector<16xf32>,
        tpu.vector_store %arg4[%swap3A_237, %swap3A_238], %select_n3A_235 {strides = array<i32>} : memref<4x1024xf32, #tpu.memory_space<vmem>>, vector<16xf32>,
        %swap3A_240 = arith.constant 0 : i32
        %swap3A_241 = arith.index_cast %swap3A_240 : i32 to index
        %swap3A_242 = arith.index_cast %mul3A_101 : i32 to index
        %swap3A_243 = tpu.vector_load %arg5[%swap3A_241, %swap3A_242] {strides = array<i32>} : memref<4x1024xi32, #tpu.memory_space<vmem>>, vector<16xi32>,
        tpu.vector_store %arg5[%swap3A_241, %swap3A_242], %select_n3A_236 {strides = array<i32>} : memref<4x1024xi32, #tpu.memory_space<vmem>>, vector<16xi32>,
        %swap3A_244 = arith.constant 1 : i32
        %swap3A_245 = arith.index_cast %swap3A_244 : i32 to index
        %swap3A_246 = arith.index_cast %mul3A_101 : i32 to index
        %swap3A_247 = tpu.vector_load %arg4[%swap3A_245, %swap3A_246] {strides = array<i32>} : memref<4x1024xf32, #tpu.memory_space<vmem>>, vector<16xf32>,
        tpu.vector_store %arg4[%swap3A_245, %swap3A_246], %select_n3A_232 {strides = array<i32>} : memref<4x1024xf32, #tpu.memory_space<vmem>>, vector<16xf32>,
        %swap3A_248 = arith.constant 1 : i32
        %swap3A_249 = arith.index_cast %swap3A_248 : i32 to index
        %swap3A_250 = arith.index_cast %mul3A_101 : i32 to index
        %swap3A_251 = tpu.vector_load %arg5[%swap3A_249, %swap3A_250] {strides = array<i32>} : memref<4x1024xi32, #tpu.memory_space<vmem>>, vector<16xi32>,
        tpu.vector_store %arg5[%swap3A_249, %swap3A_250], %select_n3A_234 {strides = array<i32>} : memref<4x1024xi32, #tpu.memory_space<vmem>>, vector<16xi32>,
        %swap3A_252 = arith.constant 2 : i32
        %swap3A_253 = arith.index_cast %swap3A_252 : i32 to index
        %swap3A_254 = arith.index_cast %mul3A_101 : i32 to index
        %swap3A_255 = tpu.vector_load %arg4[%swap3A_253, %swap3A_254] {strides = array<i32>} : memref<4x1024xf32, #tpu.memory_space<vmem>>, vector<16xf32>,
        tpu.vector_store %arg4[%swap3A_253, %swap3A_254], %select_n3A_228 {strides = array<i32>} : memref<4x1024xf32, #tpu.memory_space<vmem>>, vector<16xf32>,
        %swap3A_256 = arith.constant 2 : i32
        %swap3A_257 = arith.index_cast %swap3A_256 : i32 to index
        %swap3A_258 = arith.index_cast %mul3A_101 : i32 to index
        %swap3A_259 = tpu.vector_load %arg5[%swap3A_257, %swap3A_258] {strides = array<i32>} : memref<4x1024xi32, #tpu.memory_space<vmem>>, vector<16xi32>,
        tpu.vector_store %arg5[%swap3A_257, %swap3A_258], %select_n3A_230 {strides = array<i32>} : memref<4x1024xi32, #tpu.memory_space<vmem>>, vector<16xi32>,
        %swap3A_260 = arith.constant 3 : i32
        %swap3A_261 = arith.index_cast %swap3A_260 : i32 to index
        %swap3A_262 = arith.index_cast %mul3A_101 : i32 to index
        %swap3A_263 = tpu.vector_load %arg4[%swap3A_261, %swap3A_262] {strides = array<i32>} : memref<4x1024xf32, #tpu.memory_space<vmem>>, vector<16xf32>,
        tpu.vector_store %arg4[%swap3A_261, %swap3A_262], %select_n3A_224 {strides = array<i32>} : memref<4x1024xf32, #tpu.memory_space<vmem>>, vector<16xf32>,
        %swap3A_264 = arith.constant 3 : i32
        %swap3A_265 = arith.index_cast %swap3A_264 : i32 to index
        %swap3A_266 = arith.index_cast %mul3A_101 : i32 to index
        %swap3A_267 = tpu.vector_load %arg5[%swap3A_265, %swap3A_266] {strides = array<i32>} : memref<4x1024xi32, #tpu.memory_space<vmem>>, vector<16xi32>,
        tpu.vector_store %arg5[%swap3A_265, %swap3A_266], %select_n3A_226 {strides = array<i32>} : memref<4x1024xi32, #tpu.memory_space<vmem>>, vector<16xi32>,
        %scan3A_268 = arith.constant 0 : i32
        scf.yield %scan3A_268 : i32
      }
      %scan3A_97 = arith.constant 64 : i32
      "tpu.region"() ({
        %run_scoped3A = tpu.sem_alloc : memref<!tpu.dma_semaphore, #tpu.memory_space<semaphore_mem>>
        %dma_start3A_98 = arith.constant 0 : i32
        %dma_start3A_99 = arith.constant 0 : i32
        %dma_start3A_100 = tpu.memref_slice %arg3[%add3A, %dma_start3A_98, %dma_start3A_99] : memref<8x4x1024xi32, #tpu.memory_space<hbm>> -> memref<1x4x1024xi32, #tpu.memory_space<hbm>>
        %dma_start3A_101 = tpu.memref_squeeze %dma_start3A_100 : memref<1x4x1024xi32, #tpu.memory_space<hbm>> -> memref<4x1024xi32, #tpu.memory_space<hbm>>
        %dma_start3A_102 = arith.constant 0 : i32
        %dma_start3A_103 = arith.constant 0 : i32
        %dma_start3A_104 = tpu.memref_slice %arg3[%add3A, %dma_start3A_102, %dma_start3A_103] : memref<8x4x1024xi32, #tpu.memory_space<hbm>> -> memref<1x4x1024xi32, #tpu.memory_space<hbm>>
        %dma_start3A_105 = tpu.memref_squeeze %dma_start3A_104 : memref<1x4x1024xi32, #tpu.memory_space<hbm>> -> memref<4x1024xi32, #tpu.memory_space<hbm>>
        tpu.enqueue_dma source(%arg5 : memref<4x1024xi32, #tpu.memory_space<vmem>>) target(%dma_start3A_105 : memref<4x1024xi32, #tpu.memory_space<hbm>>) target_semaphore(%run_scoped3A : memref<!tpu.dma_semaphore, #tpu.memory_space<semaphore_mem>>)
        %dma_wait3A = arith.constant 0 : i32
        %dma_wait3A_106 = arith.constant 0 : i32
        %dma_wait3A_107 = tpu.memref_slice %arg3[%add3A, %dma_wait3A, %dma_wait3A_106] : memref<8x4x1024xi32, #tpu.memory_space<hbm>> -> memref<1x4x1024xi32, #tpu.memory_space<hbm>>
        %dma_wait3A_108 = tpu.memref_squeeze %dma_wait3A_107 : memref<1x4x1024xi32, #tpu.memory_space<hbm>> -> memref<4x1024xi32, #tpu.memory_space<hbm>>
        %dma_wait3A_109 = arith.constant 0 : i32
        %dma_wait3A_110 = arith.constant 0 : i32
        %dma_wait3A_111 = tpu.memref_slice %arg3[%add3A, %dma_wait3A_109, %dma_wait3A_110] : memref<8x4x1024xi32, #tpu.memory_space<hbm>> -> memref<1x4x1024xi32, #tpu.memory_space<hbm>>
        %dma_wait3A_112 = tpu.memref_squeeze %dma_wait3A_111 : memref<1x4x1024xi32, #tpu.memory_space<hbm>> -> memref<4x1024xi32, #tpu.memory_space<hbm>>
        tpu.wait_dma2 semaphore(%run_scoped3A : memref<!tpu.dma_semaphore, #tpu.memory_space<semaphore_mem>>) src(%arg5 : memref<4x1024xi32, #tpu.memory_space<vmem>>) dst(%dma_wait3A_112 : memref<4x1024xi32, #tpu.memory_space<hbm>>)
        tpu.yield
      }) : () -> ()
    } else {
    }
    return
  }
}

module attributes {stable_mosaic.version = 14 : i64} {
  func.func @_cost_body(%arg0: i32, %arg1: i32, %arg2: memref<1x512x2xf32, #tpu.memory_space<vmem>>, %arg3: memref<1x512x6xf32, #tpu.memory_space<vmem>>, %arg4: memref<1x2x1024xf32, #tpu.memory_space<vmem>>, %arg5: memref<1x1x1024xi32, #tpu.memory_space<vmem>>, %arg6: memref<1x1x1024xf32, #tpu.memory_space<vmem>>, %arg7: memref<1x512x1024xf32, #tpu.memory_space<vmem>>) attributes {dimension_semantics = [#tpu.dimension_semantics<parallel>, #tpu.dimension_semantics<arbitrary>], iteration_bounds = array<i64: 8, 8>, scalar_prefetch = 0 : i64, scratch_operands = 0 : i64, tpu.core_type = #tpu.core_type<tc>, window_params = [{transform_indices = @transform_0, window_bounds = array<i64: 1, 512, 2>}, {transform_indices = @transform_1, window_bounds = array<i64: 1, 512, 6>}, {transform_indices = @transform_2, window_bounds = array<i64: 1, 2, 1024>}, {transform_indices = @transform_3, window_bounds = array<i64: 1, 1, 1024>}, {transform_indices = @transform_4, window_bounds = array<i64: 1, 1, 1024>}, {transform_indices = @transform_5, window_bounds = array<i64: 1, 512, 1024>}]} {
    %get3A = arith.constant 0 : index
    %get3A_0 = arith.constant 0 : index
    %get3A_1 = arith.constant 0 : index
    %get3A_2 = vector.load %arg2[%get3A, %get3A_0, %get3A_1] : memref<1x512x2xf32, #tpu.memory_space<vmem>>, vector<1x512x1xf32>
    %get3A_3 = vector.shape_cast %get3A_2 : vector<1x512x1xf32> to vector<512x1xf32>
    %get3A_4 = arith.constant 0 : index
    %get3A_5 = arith.constant 0 : index
    %get3A_6 = arith.constant 1 : index
    %get3A_7 = vector.load %arg2[%get3A_4, %get3A_5, %get3A_6] : memref<1x512x2xf32, #tpu.memory_space<vmem>>, vector<1x512x1xf32>
    %get3A_8 = vector.shape_cast %get3A_7 : vector<1x512x1xf32> to vector<512x1xf32>
    %get3A_9 = arith.constant 0 : index
    %get3A_10 = arith.constant 0 : index
    %get3A_11 = arith.constant 0 : index
    %get3A_12 = vector.load %arg4[%get3A_9, %get3A_10, %get3A_11] : memref<1x2x1024xf32, #tpu.memory_space<vmem>>, vector<1x1x1024xf32>
    %get3A_13 = vector.shape_cast %get3A_12 : vector<1x1x1024xf32> to vector<1x1024xf32>
    %get3A_14 = arith.constant 0 : index
    %get3A_15 = arith.constant 1 : index
    %get3A_16 = arith.constant 0 : index
    %get3A_17 = vector.load %arg4[%get3A_14, %get3A_15, %get3A_16] : memref<1x2x1024xf32, #tpu.memory_space<vmem>>, vector<1x1x1024xf32>
    %get3A_18 = vector.shape_cast %get3A_17 : vector<1x1x1024xf32> to vector<1x1024xf32>
    %sub3A = vector.broadcast %get3A_3 : vector<512x1xf32> to vector<512x1024xf32>
    %sub3A_19 = vector.broadcast %get3A_13 : vector<1x1024xf32> to vector<512x1024xf32>
    %sub3A_20 = arith.subf %sub3A, %sub3A_19 : vector<512x1024xf32>
    %sub3A_21 = vector.broadcast %get3A_8 : vector<512x1xf32> to vector<512x1024xf32>
    %sub3A_22 = vector.broadcast %get3A_18 : vector<1x1024xf32> to vector<512x1024xf32>
    %sub3A_23 = arith.subf %sub3A_21, %sub3A_22 : vector<512x1024xf32>
    %mul3A = arith.mulf %sub3A_20, %sub3A_20 : vector<512x1024xf32>
    %mul3A_24 = arith.mulf %sub3A_23, %sub3A_23 : vector<512x1024xf32>
    %add3A = arith.addf %mul3A, %mul3A_24 : vector<512x1024xf32>
    %sqrt3A = math.sqrt %add3A : vector<512x1024xf32>
    %get3A_25 = arith.constant 0 : index
    %get3A_26 = arith.constant 0 : index
    %get3A_27 = arith.constant 0 : index
    %get3A_28 = vector.load %arg3[%get3A_25, %get3A_26, %get3A_27] : memref<1x512x6xf32, #tpu.memory_space<vmem>>, vector<1x512x6xf32>
    %get3A_29 = vector.shape_cast %get3A_28 : vector<1x512x6xf32> to vector<512x6xf32>
    %get3A_30 = arith.constant 0 : index
    %get3A_31 = arith.constant 0 : index
    %get3A_32 = arith.constant 0 : index
    %get3A_33 = vector.load %arg5[%get3A_30, %get3A_31, %get3A_32] : memref<1x1x1024xi32, #tpu.memory_space<vmem>>, vector<1x1x1024xi32>
    %get3A_34 = vector.shape_cast %get3A_33 : vector<1x1x1024xi32> to vector<1x1024xi32>
    %and3A = arith.constant 1 : i32
    %and3A_35 = vector.broadcast %and3A : i32 to vector<1x1024xi32>
    %and3A_36 = arith.andi %get3A_34, %and3A_35 : vector<1x1024xi32>
    %ne3A = arith.constant 0 : i32
    %ne3A_37 = vector.broadcast %ne3A : i32 to vector<1x1024xi32>
    %ne3A_38 = arith.cmpi ne, %and3A_36, %ne3A_37 : vector<1x1024xi32>
    %and3A_39 = arith.constant 2 : i32
    %and3A_40 = vector.broadcast %and3A_39 : i32 to vector<1x1024xi32>
    %and3A_41 = arith.andi %get3A_34, %and3A_40 : vector<1x1024xi32>
    %ne3A_42 = arith.constant 0 : i32
    %ne3A_43 = vector.broadcast %ne3A_42 : i32 to vector<1x1024xi32>
    %ne3A_44 = arith.cmpi ne, %and3A_41, %ne3A_43 : vector<1x1024xi32>
    %ge3A = arith.constant 4 : i32
    %ge3A_45 = vector.broadcast %ge3A : i32 to vector<1x1024xi32>
    %ge3A_46 = arith.cmpi sge, %get3A_34, %ge3A_45 : vector<1x1024xi32>
    %slice3A = vector.extract_strided_slice %get3A_29 {offsets = [0, 0], sizes = [512, 1], strides = [1, 1]} : vector<512x6xf32> to vector<512x1xf32>
    %slice3A_47 = vector.extract_strided_slice %get3A_29 {offsets = [0, 1], sizes = [512, 1], strides = [1, 1]} : vector<512x6xf32> to vector<512x1xf32>
    %slice3A_48 = vector.extract_strided_slice %get3A_29 {offsets = [0, 2], sizes = [512, 1], strides = [1, 1]} : vector<512x6xf32> to vector<512x1xf32>
    %slice3A_49 = vector.extract_strided_slice %get3A_29 {offsets = [0, 3], sizes = [512, 1], strides = [1, 1]} : vector<512x6xf32> to vector<512x1xf32>
    %slice3A_50 = vector.extract_strided_slice %get3A_29 {offsets = [0, 4], sizes = [512, 1], strides = [1, 1]} : vector<512x6xf32> to vector<512x1xf32>
    %slice3A_51 = vector.extract_strided_slice %get3A_29 {offsets = [0, 5], sizes = [512, 1], strides = [1, 1]} : vector<512x6xf32> to vector<512x1xf32>
    %broadcast_in_dim3A = vector.shape_cast %ne3A_38 : vector<1x1024xi1> to vector<1x1024xi1>
    %broadcast_in_dim3A_52 = vector.broadcast %broadcast_in_dim3A : vector<1x1024xi1> to vector<512x1024xi1>
    %broadcast_in_dim3A_53 = vector.shape_cast %slice3A_47 : vector<512x1xf32> to vector<512x1xf32>
    %broadcast_in_dim3A_54 = vector.broadcast %broadcast_in_dim3A_53 : vector<512x1xf32> to vector<512x1024xf32>
    %broadcast_in_dim3A_55 = vector.shape_cast %slice3A : vector<512x1xf32> to vector<512x1xf32>
    %broadcast_in_dim3A_56 = vector.broadcast %broadcast_in_dim3A_55 : vector<512x1xf32> to vector<512x1024xf32>
    %select_n3A = arith.select %broadcast_in_dim3A_52, %broadcast_in_dim3A_54, %broadcast_in_dim3A_56 : vector<512x1024xi1>, vector<512x1024xf32>
    %broadcast_in_dim3A_57 = vector.shape_cast %ne3A_38 : vector<1x1024xi1> to vector<1x1024xi1>
    %broadcast_in_dim3A_58 = vector.broadcast %broadcast_in_dim3A_57 : vector<1x1024xi1> to vector<512x1024xi1>
    %broadcast_in_dim3A_59 = vector.shape_cast %slice3A_49 : vector<512x1xf32> to vector<512x1xf32>
    %broadcast_in_dim3A_60 = vector.broadcast %broadcast_in_dim3A_59 : vector<512x1xf32> to vector<512x1024xf32>
    %broadcast_in_dim3A_61 = vector.shape_cast %slice3A_48 : vector<512x1xf32> to vector<512x1xf32>
    %broadcast_in_dim3A_62 = vector.broadcast %broadcast_in_dim3A_61 : vector<512x1xf32> to vector<512x1024xf32>
    %select_n3A_63 = arith.select %broadcast_in_dim3A_58, %broadcast_in_dim3A_60, %broadcast_in_dim3A_62 : vector<512x1024xi1>, vector<512x1024xf32>
    %broadcast_in_dim3A_64 = vector.shape_cast %ne3A_38 : vector<1x1024xi1> to vector<1x1024xi1>
    %broadcast_in_dim3A_65 = vector.broadcast %broadcast_in_dim3A_64 : vector<1x1024xi1> to vector<512x1024xi1>
    %broadcast_in_dim3A_66 = vector.shape_cast %slice3A_51 : vector<512x1xf32> to vector<512x1xf32>
    %broadcast_in_dim3A_67 = vector.broadcast %broadcast_in_dim3A_66 : vector<512x1xf32> to vector<512x1024xf32>
    %broadcast_in_dim3A_68 = vector.shape_cast %slice3A_50 : vector<512x1xf32> to vector<512x1xf32>
    %broadcast_in_dim3A_69 = vector.broadcast %broadcast_in_dim3A_68 : vector<512x1xf32> to vector<512x1024xf32>
    %select_n3A_70 = arith.select %broadcast_in_dim3A_65, %broadcast_in_dim3A_67, %broadcast_in_dim3A_69 : vector<512x1024xi1>, vector<512x1024xf32>
    %broadcast_in_dim3A_71 = vector.shape_cast %ne3A_44 : vector<1x1024xi1> to vector<1x1024xi1>
    %broadcast_in_dim3A_72 = vector.broadcast %broadcast_in_dim3A_71 : vector<1x1024xi1> to vector<512x1024xi1>
    %select_n3A_73 = arith.select %broadcast_in_dim3A_72, %select_n3A_63, %select_n3A : vector<512x1024xi1>, vector<512x1024xf32>
    %broadcast_in_dim3A_74 = vector.shape_cast %ge3A_46 : vector<1x1024xi1> to vector<1x1024xi1>
    %broadcast_in_dim3A_75 = vector.broadcast %broadcast_in_dim3A_74 : vector<1x1024xi1> to vector<512x1024xi1>
    %select_n3A_76 = arith.select %broadcast_in_dim3A_75, %select_n3A_70, %select_n3A_73 : vector<512x1024xi1>, vector<512x1024xf32>
    %mul3A_77 = arith.constant 1.000000e-01 : f32
    %mul3A_78 = vector.broadcast %mul3A_77 : f32 to vector<512x1024xf32>
    %mul3A_79 = arith.mulf %mul3A_78, %sqrt3A : vector<512x1024xf32>
    %neg3A = arith.constant 0.000000e+00 : f32
    %neg3A_80 = vector.broadcast %neg3A : f32 to vector<512x1024xf32>
    %neg3A_81 = arith.subf %neg3A_80, %select_n3A_76 : vector<512x1024xf32>
    %add3A_82 = arith.addf %mul3A_79, %neg3A_81 : vector<512x1024xf32>
    %get3A_83 = arith.constant 0 : index
    %get3A_84 = arith.constant 0 : index
    %get3A_85 = arith.constant 0 : index
    %get3A_86 = vector.load %arg6[%get3A_83, %get3A_84, %get3A_85] : memref<1x1x1024xf32, #tpu.memory_space<vmem>>, vector<1x1x1024xf32>
    %get3A_87 = vector.shape_cast %get3A_86 : vector<1x1x1024xf32> to vector<1x1024xf32>
    %gt3A = arith.constant 0.000000e+00 : f32
    %gt3A_88 = vector.broadcast %gt3A : f32 to vector<1x1024xf32>
    %gt3A_89 = arith.cmpf ogt, %get3A_87, %gt3A_88 : vector<1x1024xf32>
    %jit3A = arith.constant 0x7F800000 : f32
    %broadcast_in_dim3A_90 = vector.shape_cast %gt3A_89 : vector<1x1024xi1> to vector<1x1024xi1>
    %broadcast_in_dim3A_91 = vector.broadcast %broadcast_in_dim3A_90 : vector<1x1024xi1> to vector<512x1024xi1>
    %broadcast_in_dim3A_92 = vector.broadcast %jit3A : f32 to vector<512x1024xf32>
    %select_n3A_93 = arith.select %broadcast_in_dim3A_91, %add3A_82, %broadcast_in_dim3A_92 : vector<512x1024xi1>, vector<512x1024xf32>
    %swap3A = arith.constant 0 : index
    %swap3A_94 = arith.constant 0 : index
    %swap3A_95 = arith.constant 0 : index
    %swap3A_96 = vector.load %arg7[%swap3A, %swap3A_94, %swap3A_95] : memref<1x512x1024xf32, #tpu.memory_space<vmem>>, vector<1x512x1024xf32>
    %swap3A_97 = vector.shape_cast %swap3A_96 : vector<1x512x1024xf32> to vector<512x1024xf32>
    %swap3A_98 = vector.shape_cast %select_n3A_93 : vector<512x1024xf32> to vector<1x512x1024xf32>
    tpu.vector_store %arg7[%swap3A, %swap3A_94, %swap3A_95], %swap3A_98 {strides = array<i32>} : memref<1x512x1024xf32, #tpu.memory_space<vmem>>, vector<1x512x1024xf32>,
    return
  }
  func.func @transform_0(%arg0: i32, %arg1: i32) -> (i32, i32, i32) {
    %c0_i32 = arith.constant 0 : i32
    %c0_i32_0 = arith.constant 0 : i32
    return %arg0, %arg1, %c0_i32 : i32, i32, i32
  }
  func.func @transform_1(%arg0: i32, %arg1: i32) -> (i32, i32, i32) {
    %c0_i32 = arith.constant 0 : i32
    %c0_i32_0 = arith.constant 0 : i32
    return %arg0, %arg1, %c0_i32 : i32, i32, i32
  }
  func.func @transform_2(%arg0: i32, %arg1: i32) -> (i32, i32, i32) {
    %c0_i32 = arith.constant 0 : i32
    %c0_i32_0 = arith.constant 0 : i32
    %c0_i32_1 = arith.constant 0 : i32
    return %arg0, %c0_i32, %c0_i32_0 : i32, i32, i32
  }
  func.func @transform_3(%arg0: i32, %arg1: i32) -> (i32, i32, i32) {
    %c0_i32 = arith.constant 0 : i32
    %c0_i32_0 = arith.constant 0 : i32
    %c0_i32_1 = arith.constant 0 : i32
    return %arg0, %c0_i32, %c0_i32_0 : i32, i32, i32
  }
  func.func @transform_4(%arg0: i32, %arg1: i32) -> (i32, i32, i32) {
    %c0_i32 = arith.constant 0 : i32
    %c0_i32_0 = arith.constant 0 : i32
    %c0_i32_1 = arith.constant 0 : i32
    return %arg0, %c0_i32, %c0_i32_0 : i32, i32, i32
  }
  func.func @transform_5(%arg0: i32, %arg1: i32) -> (i32, i32, i32) {
    %c0_i32 = arith.constant 0 : i32
    %c0_i32_0 = arith.constant 0 : i32
    return %arg0, %arg1, %c0_i32 : i32, i32, i32
  }
}

</mosaic_0001>

<sc_bundles>
// kernel: kernel.4.cloned.1.call-start
scs
__scs_entry_jumppad:
0x0: {  	(pc) =	sbr.rel $0x88, $3  }
0x1: {  	(tag) =	ssettag $0x0;
	lr =	simm.s32 $0x1  }
0x2: {  	[smem:$0x3F9C] =	sst lr;
	_ =	strace $0xD0000000  }
0x3: {  	_ = 	snop  }
0x4: {  	_ = 	snop  }
0x5: {  	_ = 	snop  }
0x6: {  	_ = 	snop  }
0x7: {  	_ = 	snop  }
__scs_overlays_trampoline_lowered:
0x8: {  	[smem:$0x3FAB] =	sst s0  }
0x9: {  	[smem:$0x3FAC] =	sst s1  }
0xa: {  	[smem:$0x3FAD] =	sst s2  }
0xb: {  	[smem:$0x3FAE] =	sst s3  }
0xc: {  	[smem:$0x3FAF] =	sst s4  }
0xd: {  	[smem:$0x3FB0] =	sst s5  }
0xe: {  	[smem:$0x3FB1] =	sst s6  }
0xf: {  	[smem:$0x3FB2] =	sst s7  }
0x10: {  	[smem:$0x3FB3] =	sst s8  }
0x11: {  	[smem:$0x3FB4] =	sst s9;
	s0 =	simm.s32 @!p0 $0x0  }
0x12: {  	s1 =	sld [smem:$0x3F9A];
	s0 =	simm.s32 @p0 $0x1  }
0x13: {  	[smem:$0x3FB5] =	sst s0;
	s0 =	simm.s32 @!p1 $0x0  }
0x14: {  	s2 =	sld [smem:$0x3F99];
	s0 =	simm.s32 @p1 $0x1  }
0x15: {  	[smem:$0x3FB6] =	sst s0;
	s0 =	simm.s32 @!p2 $0x0  }
0x16: {  	s3 =	sld [smem:$0x3FDB];
	s0 =	simm.s32 @p2 $0x1  }
0x17: {  	s4 =	simm.s32 $0x1BF5;
	[smem:$0x3FB8] =	sst s0  }
0x18: {  	s0 =	sld [smem:$0x3F9B];
	_ =	swait.ge [sflag:s4], $0x0  }
0x19: {  	s7 =	sld [smem:$0x3F9C]  }
0x1a: {  	s8 =	sadd.s32 $0xFFFFE003, lr  }
0x1b: {  	s9 =	sadd.s32 $0xFFFFFEF7, lr;
	s5 =	simm.s32 $0xFFFFFFFF;
	p2 =	slt.u32 s8, $0xFFFFF086  }
0x1c: {  	p1 =	slt.u32 s9, $0xF7A;
	s5 =	simm.s32 @!p2 $0x0  }
0x1d: {  	s5 =	simm.s32 @p1 $0x1;
	p0 =	seq.s32 s7, s2  }
0x1e: {  	s7 =	smul.u32 @!p0 $0xF7A, s2;
	p2 =	seq.s32 @!p0 s5, $0x0  }
0x1f: {  	s9 =	smul.u32 $0xF7A, s1;
	s8 =	simm.s32 @!p0 $0x1BF5;
	p2 =	por !p2, p0  }
0x20: {  	[sflag:s8] =	ssyncset.s32 @!p0 $0xFFFFF086;
	s6 =	sadd.s32 @!p0 s3, s7;
	s7 =	simm.s32 @!p0 $0x108  }
0x21: {  	s3 =	sadd.s32 s3, s9;
	s6 =	sadd.s32 @!p0 $0x88, s6;
	s7 =	simm.s32 @p2 $0x1082  }
0x22: {  	[simem:s7], [sflag:s8] =	dma.local @!p0 [hbm:s6], $0xF7A  }
0x23: {  	s9 =	sor.u32 $0xD0000000, s2;
	s6 =	simm.s32 $0x108;
	_ =	swait.ge @!p0 [sflag:s8], $0x0  }
0x24: {  	s3 =	sadd.s32 $0x88, s3;
	s6 =	simm.s32 @!p1 $0x1082;
	[sflag:s4] =	ssyncset.s32 $0xFFFFF086  }
0x25: {  	[simem:s6], [sflag:s4] =	dma.local [hbm:s3], $0xF7A  }
0x26: {  	[smem:$0x3F9C] =	sst s1;
	(tag) =	ssettag s2;
	_ =	strace s9  }
0x27: {  	s1 =	sld [smem:$0x3FAC]  }
0x28: {  	s2 =	sld [smem:$0x3FAD]  }
0x29: {  	s4 =	sld [smem:$0x3FAF]  }
0x2a: {  	p0 =	seq.s32 s5, $0x0;
	s5 =	sld [smem:$0x3FB0]  }
0x2b: {  	s6 =	sld [smem:$0x3FB1]  }
0x2c: {  	s7 =	sld [smem:$0x3FB2]  }
0x2d: {  	s3 =	simm.s32 $0x108;
	s8 =	sld [smem:$0x3FB3]  }
0x2e: {  	s3 =	simm.s32 @!p0 $0x1082;
	s9 =	sld [smem:$0x3FB4]  }
0x2f: {  	lr =	sadd.s32 s0, s3;
	s0 =	sld [smem:$0x3FAB]  }
0x30: {  	s3 =	sld [smem:$0x3FAE]  }
0x31: {  	[smem:$0x3FB7] =	sst s10  }
0x32: {  	s10 =	sld [smem:$0x3FB5];
	_ =	sdelay $0x3  }
0x33: {  	p0 =	seq.s32 s10, $0x1;
	s10 =	sld [smem:$0x3FB7];
	_ =	sdelay $0x3  }
0x34: {  	[smem:$0x3FB7] =	sst s10  }
0x35: {  	s10 =	sld [smem:$0x3FB6];
	_ =	sdelay $0x3  }
0x36: {  	p1 =	seq.s32 s10, $0x1;
	s10 =	sld [smem:$0x3FB7];
	_ =	sdelay $0x3  }
0x37: {  	[smem:$0x3FB7] =	sst s10  }
0x38: {  	s10 =	sld [smem:$0x3FB8]  }
0x39: {  	_ = 	snop;
	(pc) =	sbr.ind lr, $3  }
0x3a: {  	_ = 	snop  }
0x3b: {  	_ = 	snop  }
0x3c: {  	p2 =	seq.s32 s10, $0x1;
	s10 =	sld [smem:$0x3FB7]  }
0x3d: {  	_ =	shalt  }
0x3e: {  	_ =	shalt  }
0x3f: {  	_ =	shalt  }
0x40: {  	_ =	shalt  }
0x41: {  	_ =	shalt  }
0x42: {  	_ =	shalt  }
0x43: {  	_ =	shalt  }
0x44: {  	_ =	shalt  }
0x45: {  	_ =	shalt  }
0x46: {  	_ =	shalt  }
0x47: {  	_ =	shalt  }
0x48: {  	_ =	shalt  }
0x49: {  	_ =	shalt  }
0x4a: {  	_ =	shalt  }
0x4b: {  	_ =	shalt  }
0x4c: {  	_ =	shalt  }
0x4d: {  	_ =	shalt  }
0x4e: {  	_ =	shalt  }
0x4f: {  	_ =	shalt  }
0x50: {  	_ =	shalt  }
0x51: {  	_ =	shalt  }
0x52: {  	_ =	shalt  }
0x53: {  	_ =	shalt  }
0x54: {  	_ =	shalt  }
0x55: {  	_ =	shalt  }
0x56: {  	_ =	shalt  }
0x57: {  	_ =	shalt  }
0x58: {  	_ =	shalt  }
0x59: {  	_ =	shalt  }
0x5a: {  	_ =	shalt  }
0x5b: {  	_ =	shalt  }
0x5c: {  	_ =	shalt  }
0x5d: {  	_ =	shalt  }
0x5e: {  	_ =	shalt  }
0x5f: {  	_ =	shalt  }
0x60: {  	_ =	shalt  }
0x61: {  	_ =	shalt  }
0x62: {  	_ =	shalt  }
0x63: {  	_ =	shalt  }
0x64: {  	_ =	shalt  }
0x65: {  	_ =	shalt  }
0x66: {  	_ =	shalt  }
0x67: {  	_ =	shalt  }
0x68: {  	_ =	shalt  }
0x69: {  	_ =	shalt  }
0x6a: {  	_ =	shalt  }
0x6b: {  	_ =	shalt  }
0x6c: {  	_ =	shalt  }
0x6d: {  	_ =	shalt  }
0x6e: {  	_ =	shalt  }
0x6f: {  	_ =	shalt  }
0x70: {  	_ =	shalt  }
0x71: {  	_ =	shalt  }
0x72: {  	_ =	shalt  }
0x73: {  	_ =	shalt  }
0x74: {  	_ =	shalt  }
0x75: {  	_ =	shalt  }
0x76: {  	_ =	shalt  }
0x77: {  	_ =	shalt  }
0x78: {  	_ =	shalt  }
0x79: {  	_ =	shalt  }
0x7a: {  	_ =	shalt  }
0x7b: {  	_ =	shalt  }
0x7c: {  	_ =	shalt  }
0x7d: {  	_ =	shalt  }
0x7e: {  	_ =	shalt  }
0x7f: {  	_ =	shalt  }
0x80: {  	_ =	shalt  }
0x81: {  	_ =	shalt  }
0x82: {  	_ =	shalt  }
0x83: {  	_ =	shalt  }
0x84: {  	_ =	shalt  }
0x85: {  	_ =	shalt  }
0x86: {  	_ =	shalt  }
0x87: {  	_ =	shalt  }
.Lfunc_end0:
.L_simem_size_0:
called_computation_lowered:
.L_overlay_start_0:
0x88: {  	s2 =	sld [smem:$0x3FD9]  }
0x89: {  	s3 =	sld [smem:$0x3FFE];
	_ =	sdelay $0x1  }
0x8a: {  	s1 =	srdreg.scid  }
0x8b: {  	s0 =	sand.u32 $0x1, s1  }
0x8c: {  	s17 =	sshll.u32 s0, $0xA;
	s2 =	sadd.s32 s3, s2  }
0x8d: {  	s2 =	sadd.s32 s2, s17  }
0x8e: {  	[smem:$0x3FC3] =	sst s2  }
0x8f: {  	_ = 	snop  }
0x90: {  	s2 =	sld [smem:$0x3FD0];
	(tm) =	ssettm $0x1  }
0x91: {  	s18 =	sld [smem:$0x3FFB];
	_ =	sdelay $0x3  }
0x92: {  	_ =	strace s18  }
0x93: {  	s3 =	sld [smem:$0x3FFC];
	_ =	sdelay $0x3  }
0x94: {  	_ =	strace s3  }
0x95: {  	s3 =	sld [smem:$0x3FFD];
	_ =	sdelay $0x3  }
0x96: {  	_ =	strace s3  }
0x97: {  	_ =	strace $0x8FFFFFFF  }
0x98: {  	s19 =	sld [smem:$0x3FDB];
	_ =	sdelay $0x1  }
0x99: {  	s4 =	simm.s32 $_scs_section_size  }
0x9a: {  	s5 =	simm.s32 $_size__tile_overlayer_lowered;
	s6 =	simm.s32 $_tile_overlayer_lowered  }
0x9b: {  	s22 =	simm.s32 $0x1BFF;
	s21 =	sshll.u32 s6, $0x1;
	s3 =	sadd.s32 s4, s19  }
0x9c: {  	s7 =	simm.s32 $0x0;
	s20 =	sshll.u32 s5, $0x1;
	s5 =	sadd.s32 s21, s3  }
0x9d: {  	[timem:s7], [sflag:s22] =	dma.local [hbm:s5], s20  }
0x9e: {  	_ =	swait.ge [sflag:s22], s20  }
0x9f: {  	s4 =	ssub.s32 $0x0, s20;
	[sflag:s22] =	ssyncset.done $0x0  }
0xa0: {  	[sflag:s22] =	ssyncadd.s32 s4;
	_ =	sdelay $0x1  }
0xa1: {  	s23 =	simm.s32 $0x1B8B  }
0xa2: {  	_ =	swait.ge [sflag:s23], $0x1  }
0xa3: {  	[sflag:s23] =	ssyncset.done $0x0  }
0xa4: {  	s25 =	simm.s32 $0x1B8E;
	s24 =	sld [smem:$0x3FFE];
	[sflag:s23] =	ssyncadd.s32 $0xFFFFFFFF  }
0xa5: {  	s26 =	simm.s32 $execute0_lowered;
	[smem:$0x3FD2] =	sst s25  }
0xa6: {  	s5 =	sshll.u32 s26, $0x1;
	_ =	strace $0x80000046;
	[dreg:$0x1] =	wrdreg $0xFFFFFFFF  }
0xa7: {  	s28 =	simm.s32 $_size_execute0_lowered;
	s3 =	sadd.s32 s3, s5;
	[dreg:$0x0] =	wrdreg $0x0  }
0xa8: {  	s5 =	sshll.u32 s28, $0x1;
	[dreg:$0x2] =	wrdreg s3  }
0xa9: {  	[dreg:$0x3] =	wrdreg s5  }
0xaa: {  	[dreg:$0x4] =	wrdreg $0xC0  }
0xab: {  	_ =	task [dreg:s7], $0x5FFFF  }
0xac: {  	[dreg:$0x1] =	wrdreg $0xFFFFFFFF  }
0xad: {  	[dreg:$0x0] =	wrdreg $0x60  }
0xae: {  	[dreg:$0x2] =	wrdreg s24  }
0xaf: {  	[dreg:$0x3] =	wrdreg s2  }
0xb0: {  	[dreg:$0x4] =	wrdreg $0x120000  }
0xb1: {  	[dreg:$0x5] =	wrdreg $0x130000  }
0xb2: {  	[dreg:$0x6] =	wrdreg $0x9  }
0xb3: {  	_ =	task.clear_ibuf [dreg:s7], $0x7FFFF;
	_ =	strace $0x90000046  }
0xb4: {  	s29 =	simm.s32 $0x9;
	_ =	strace $0x80000048  }
0xb5: {  	_ =	swait.ge [sflag:s29], $0x1  }
0xb6: {  	[sflag:s29] =	ssyncadd.s32 $0xFFFFFFFF  }
0xb7: {  	_ =	strace $0x90000048  }
0xb8: {  	_ =	sfence  }
0xb9: {  	s30 =	sld [smem:$0x0];
	_ =	sdelay $0x2  }
0xba: {  	s31 =	sshll.u32 s1, $0xD;
	s1 =	sshrl.u32 s1, $0x2  }
0xbb: {  	s3 =	sand.u32 $0x4000, s31;
	s1 =	sadd.s32 s1, s30  }
0xbc: {  	s0 =	sor.u32 s3, s0;
	s1 =	sshll.u32 s1, $0x11  }
0xbd: {  	s0 =	sor.u32 s1, s0  }
0xbe: {  	s0 =	sadd.s32 $0x8F2B, s0  }
0xbf: {  	[sflag:s0] =	ssyncadd.remote.s32 $0x1  }
0xc0: {  	_ =	sfence.sel $0xFFFF  }
0xc1: {  	[dreg:$0x0] =	wrdreg $0xFFFFFFFF;
	(pc) =	sbr.abs _section_cstart, $3  }
0xc2: {  	[dreg:$0x1] =	wrdreg $0xFFFFFFFF  }
0xc3: {  	_ =	task.clear_ibuf [dreg:s7], $0x2FFFF;
	_ =	strace $0x9FFFFFFF  }
0xc4: {  	(tm) =	ssettm $0x7FFFFFFF  }
0xc5: {  	_ =	shalt  }
tec
execute0_lowered:
.L_overlay_start_1:
0x0: {  	(tag) =	ssettag $0x1  }
0x1: {  	s0 =	rddreg [dreg:$0x0]  }
0x2: {  	s1 =	rddreg [dreg:$0x1]  }
0x3: {  	s11 =	rddreg [dreg:$0x2]  }
0x4: {  	s12 =	rddreg [dreg:$0x3]  }
0x5: {  	s2 =	srdreg.scid;
	s9 =	stileid.u32;
	s19 =	simm.s32 $0x2000  }
0x6: {  	s20 =	simm.s32 $0xA000;
	s21 =	simm.s32 $0x1;
	s22 =	simm.s32 $0x2  }
0x7: {  	s24 =	simm.s32 $0x1000;
	s28 =	simm.s32 $0x0;
	s4 =	sand.u32 $0x1, s2  }
0x8: {  	s2 =	simm.s32 $0x0;
	s5 =	sshrl.u32 s9, $0x2;
	s13 =	sand.u32 $0x3, s9  }
0x9: {  	s16 =	sshll.u32 s9, $0xC;
	s3 =	sshll.u32 s4, $0x2;
	[smem:$0x7FF] =	sst s2  }
0xa: {  	s6 =	sshll.u32 s13, $0x14;
	s25 =	ssub.s32 $0x2, s4;
	s4 =	sshll.u32 s13, $0xA  }
0xb: {  	s9 =	sadd.s32 s16, s11;
	s10 =	sadd.s32 s16, s12;
	s17 =	sor.u32 $0x1000, s16  }
0xc: {  	s29 =	sor.u32 $0x2000, s16;
	s16 =	sor.u32 $0x3000, s16;
	p0 =	sne.s32 s13, $0x0  }
0xd: {  	s14 =	sor.u32 s5, s3;
	_ =	strace $0x80000047;
	s3 =	sadd.s32 $0x80000, s0  }
0xe: {  	s26 =	sshrl.u32 s25, $0x1;
	s15 =	sor.u32 $0x1, s4;
	s23 =	sor.u32 $0x2, s4  }
0xf: {  	s18 =	sadd.s32 s17, s11;
	s17 =	sadd.s32 s17, s12;
	s30 =	sadd.s32 s29, s11  }
0x10: {  	s11 =	sadd.s32 s16, s11;
	s16 =	sadd.s32 s16, s12;
	[dreg:$0x5] =	wrdreg s18  }
0x11: {  	s5 =	sshll.u32 s14, $0x16;
	s0 =	ssub.s32 s25, s26;
	[dreg:$0x6] =	wrdreg s17  }
0x12: {  	s25 =	sor.u32 $0x3, s4;
	[dreg:$0x7] =	wrdreg s30;
	s17 =	sadd.s32 s29, s12  }
.Ltmp0:
0x13: {  	[dreg:$0x9] =	wrdreg s11;
	s31 =	sshll.u32 s14, $0x9;
	(pc) =	sbr.rel .LBB2_1-.Ltmp0, $4  }
0x14: {  	v1 =	vmov s23;
	s23 =	simm.s32 $0x3;
	s26 =	simm.s32 $0x15000;
	s8 =	sor.u32 s6, s5  }
0x15: {  	[dreg:$0x8] =	wrdreg s17;
	s17 =	sadd.s32 s1, s31;
	s6 =	sshrl.u32 s8, $0x3  }
0x16: {  	s18 =	smax.u32 s0, $0x1;
	v3 =	vmov s25;
	s25 =	simm.s32 $0x14000;
	s5 =	sadd.s32 s3, s6  }
0x17: {  	v4 =	vimm.f32 $+Inf;
	v2 =	vmov s4;
	v0 =	vmov s15;
	s7 =	sor.u32 $0x10000, s8;
	s8 =	sor.u32 $0x18000, s8;
	s6 =	sadd.s32 $0x1000, s5  }
.LBB2_26:
0x18: {  	[spmem:s9] =	stream.linear.scatter [tilespmem:s2], [sflag:$0x3], $0x1000, $0x38;
	[tilespmem:$0x16000] =	vst v63  }
0x19: {  	_ =	swait.ge [sflag:s23], $0x1000  }
0x1a: {  	[sflag:s23] =	ssyncset.done $0x0  }
0x1b: {  	[sflag:s23] =	ssyncadd.s32 $0xFFFFF000  }
0x1c: {  	[spmem:s10] =	stream.linear.scatter [tilespmem:s24], [sflag:$0x3], $0x1000, $0x38;
	[tilespmem:$0x16000] =	vst v63  }
.Ltmp1:
0x1d: {  	_ =	swait.ge [sflag:s23], $0x1000;
	(pc) =	sbr.rel @!p0 .LBB2_27-.Ltmp1, $3  }
0x1e: {  	[sflag:s23] =	ssyncset.done $0x0  }
0x1f: {  	[sflag:s23] =	ssyncadd.s32 $0xFFFFF000  }
0x20: {  	[bflag:$0x0] =	sbarrier.arrive $0xFFFF;
	_ =	sdelay $0x1  }
.LBB2_34:
0x21: {  	s28 =	sadd.s32 $0x1, s28  }
0x22: {  	p1 =	sne.s32 s28, s18  }
.Ltmp2:
0x23: {  	_ = 	snop;
	(pc) =	sbr.rel @!p1 .LBB2_35-.Ltmp2, $1  }
0x24: {  	_ =	sdelay $0x3  }
.LBB2_1:
0x25: {  	s0 =	sand.u32 $0x70, s2;
	s1 =	sand.u32 $0xE00, s2  }
0x26: {  	s0 =	sor.u32 s0, s1  }
0x27: {  	[tilespmem:s0+$0x1180] =	vst v3  }
0x28: {  	[tilespmem:s0+$0x0] =	vst v4  }
0x29: {  	[tilespmem:s0+$0x1000] =	vst v2  }
0x2a: {  	[tilespmem:s0+$0x80] =	vst v4  }
0x2b: {  	[tilespmem:s0+$0x1080] =	vst v0  }
0x2c: {  	s11 =	simm.s32 $0x10;
	s1 =	simm.s32 $0x40;
	[tilespmem:s0+$0x100] =	vst v4  }
0x2d: {  	s12 =	sand.u32 $0x70, s11;
	s11 =	simm.s32 $0x20;
	s13 =	sand.u32 $0xE00, s1;
	[tilespmem:s0+$0x1100] =	vst v1  }
.LBB2_2:
0x2e: {  	p1 =	sne.s32 s11, $0x3F0;
	[tilespmem:s0+$0x180] =	vst v4;
	s0 =	sor.u32 s12, s13  }
0x2f: {  	[tilespmem:s0+$0x1180] =	vst v3  }
0x30: {  	[tilespmem:s0+$0x0] =	vst v4  }
.Ltmp3:
0x31: {  	[tilespmem:s0+$0x1000] =	vst v2;
	(pc) =	sbr.rel @p1 .LBB2_2-.Ltmp3, $4  }
0x32: {  	[tilespmem:s0+$0x80] =	vst v4  }
0x33: {  	[tilespmem:s0+$0x1080] =	vst v0  }
0x34: {  	s1 =	sadd.s32 $0x40, s1;
	[tilespmem:s0+$0x100] =	vst v4  }
0x35: {  	s12 =	sand.u32 $0x70, s11;
	s11 =	sadd.s32 $0x10, s11;
	s13 =	sand.u32 $0xE00, s1;
	[tilespmem:s0+$0x1100] =	vst v1  }
0x36: {  	s1 =	sor.u32 s12, s13;
	[tilespmem:s0+$0x180] =	vst v4  }
0x37: {  	[tilespmem:s1+$0x1180] =	vst v3  }
0x38: {  	[tilespmem:s1+$0x0] =	vst v4  }
0x39: {  	[tilespmem:s1+$0x1000] =	vst v2  }
0x3a: {  	[tilespmem:s1+$0x80] =	vst v4  }
0x3b: {  	[tilespmem:s1+$0x1080] =	vst v0  }
0x3c: {  	[tilespmem:s1+$0x100] =	vst v4  }
0x3d: {  	[tilespmem:s1+$0x1100] =	vst v1  }
0x3e: {  	s29 =	simm.s32 $0x0;
	[tilespmem:s1+$0x180] =	vst v4  }
0x3f: {  	[tilespmem:s19], [sflag:$0x1] =	stream.linear.gather [hbm4b:s5+s29], $0x8000, $0x38;
	[tilespmem:$0x16000] =	vst v63  }
0x40: {  	_ = 	snop  }
0x41: {  	[tilespmem:s20], [sflag:$0x2] =	stream.linear.gather [hbm4b:s6+s29], $0x8000, $0x38;
	[tilespmem:$0x16000] =	vst v63  }
.LBB2_4:
0x42: {  	s0 =	sshll.u32 s29, $0x6  }
0x43: {  	_ =	swait.ge [sflag:s21], $0x8000;
	s30 =	sor.u32 s4, s0  }
0x44: {  	[sflag:s21] =	ssyncset.done $0x0;
	s0 =	sor.u32 $0x1, s30;
	s1 =	sor.u32 $0x2, s30  }
0x45: {  	s12 =	sor.u32 $0x4, s30;
	s11 =	sor.u32 $0x5, s30;
	s13 =	sor.u32 $0x6, s30;
	v34 =	vmov s30;
	v5 =	vmov s0  }
0x46: {  	s14 =	sor.u32 $0x7, s30;
	s15 =	sor.u32 $0x8, s30;
	v6 =	vmov s1;
	s1 =	sor.u32 $0x3, s30;
	v8 =	vmov s12;
	v9 =	vmov s11  }
0x47: {  	v10 =	vmov s13;
	v11 =	vmov s14;
	v12 =	vmov s15;
	s11 =	sor.u32 $0xA, s30;
	s12 =	sor.u32 $0xB, s30;
	s13 =	sor.u32 $0xC, s30  }
0x48: {  	s14 =	sor.u32 $0xD, s30;
	s15 =	sor.u32 $0xE, s30;
	v7 =	vmov s1;
	s1 =	sor.u32 $0x9, s30;
	v14 =	vmov s11;
	v15 =	vmov s12  }
0x49: {  	v16 =	vmov s13;
	v17 =	vmov s14;
	v18 =	vmov s15;
	s11 =	sor.u32 $0x10, s30;
	s12 =	sor.u32 $0x11, s30;
	s13 =	sor.u32 $0x12, s30  }
0x4a: {  	s14 =	sor.u32 $0x13, s30;
	s15 =	sor.u32 $0x14, s30;
	v13 =	vmov s1;
	s1 =	sor.u32 $0xF, s30;
	v20 =	vmov s11;
	v21 =	vmov s12  }
.Ltmp4:
0x4b: {  	v22 =	vmov s13;
	v23 =	vmov s14;
	v24 =	vmov s15;
	s11 =	sor.u32 $0x16, s30;
	s12 =	sor.u32 $0x17, s30;
	(pc) =	sbr.rel .LBB2_5-.Ltmp4, $4  }
0x4c: {  	s13 =	sor.u32 $0x18, s30;
	s14 =	sor.u32 $0x19, s30;
	s15 =	sor.u32 $0x1A, s30;
	v19 =	vmov s1;
	v26 =	vmov s11;
	v27 =	vmov s12  }
0x4d: {  	s1 =	sor.u32 $0x15, s30;
	v28 =	vmov s13;
	v29 =	vmov s14;
	v30 =	vmov s15;
	s11 =	sor.u32 $0x1B, s30;
	s12 =	sor.u32 $0x1C, s30  }
0x4e: {  	s13 =	sor.u32 $0x1D, s30;
	s14 =	sor.u32 $0x1E, s30;
	s15 =	sor.u32 $0x1F, s30;
	v25 =	vmov s1;
	v31 =	vmov s11;
	v32 =	vmov s12  }
0x4f: {  	s31 =	simm.s32 $0x0;
	[sflag:s21] =	ssyncadd.s32 $0xFFFF8000;
	s0 =	simm.s32 $0x0;
	v33 =	vmov s13;
	v35 =	vmov s14;
	v36 =	vmov s15  }
.LBB2_13:
0x50: {  	s0 =	sadd.s32 $0x1, s0  }
0x51: {  	p1 =	sne.s32 s0, $0x40  }
.Ltmp5:
0x52: {  	_ = 	snop;
	(pc) =	sbr.rel @!p1 .LBB2_14-.Ltmp5, $2  }
0x53: {  	_ =	sdelay $0x2  }
0x54: {  	s31 =	sadd.s32 $0x10, s31  }
.LBB2_5:
0x55: {  	s1 =	sshll.u32 s0, $0x7  }
0x56: {  	s14 =	sand.u32 $0x70, s31;
	s15 =	sand.u32 $0x3FFFFC00, s1  }
0x57: {  	s11 =	sor.u32 s14, s15  }
0x58: {  	v44 =	vld [tilespmem:s11+$0x2000]  }
0x59: {  	v43 =	vld [tilespmem:s11+$0x2080]  }
0x5a: {  	v42 =	vld [tilespmem:s11+$0x2100]  }
0x5b: {  	v41 =	vld [tilespmem:s11+$0x2180]  }
0x5c: {  	v40 =	vld [tilespmem:s11+$0x2200]  }
0x5d: {  	s12 =	sshll.u32 s0, $0x6;
	v39 =	vld [tilespmem:s11+$0x2280]  }
0x5e: {  	s1 =	sand.u32 $0xFFFFFE00, s12;
	v38 =	vld [tilespmem:s11+$0x2300];
	v37 =	vmin.f32 v44, v43  }
0x5f: {  	s1 =	sor.u32 s14, s1;
	v46 =	vmin.f32 v37, v42;
	v37 =	vld [tilespmem:s11+$0x2380]  }
0x60: {  	v45 =	vld [tilespmem:s1+$0x180];
	v46 =	vmin.f32 v46, v41  }
0x61: {  	v46 =	vmin.f32 v46, v40  }
0x62: {  	v46 =	vmin.f32 v46, v39  }
0x63: {  	v46 =	vmin.f32 v46, v38  }
0x64: {  	v46 =	vmin.f32 v46, v37  }
0x65: {  	vm0 =	vlt.f32 v46, v45  }
0x66: {  	v46 =	vmpcnt.ones.xlane vm0;
	_ =	sdelay $0x1  }
0x67: {  	(v2sf) =	vpush v46, $0x0;
	_ =	sdelay $0xe  }
0x68: {  	s13 =	spop (v2sf)  }
0x69: {  	p1 =	slt.s32 s13, $0x1  }
.Ltmp6:
0x6a: {  	_ = 	snop;
	(pc) =	sbr.rel @p1 .LBB2_7-.Ltmp6, $2  }
0x6b: {  	_ =	sdelay $0x2  }
0x6c: {  	s12 =	sor.u32 $0x100, s1;
	s11 =	sor.u32 $0x180, s1;
	s13 =	sor.u32 $0x80, s1  }
0x6d: {  	v46 =	vld [tilespmem:s1+$0x0]  }
0x6e: {  	v47 =	vld [tilespmem:s13+$0x0]  }
0x6f: {  	v48 =	vld [tilespmem:s12+$0x0]  }
0x70: {  	v49 =	vld [tilespmem:s1+$0x1100]  }
0x71: {  	v51 =	vld [tilespmem:s1+$0x1080]  }
0x72: {  	v52 =	vld [tilespmem:s1+$0x1000]  }
0x73: {  	v50 =	vld [tilespmem:s11+$0x1000]  }
0x74: {  	vm2 =	vlt.f32 v44, v45;
	vm0 =	vlt.f32 v44, v47;
	vm1 =	vlt.f32 v44, v48  }
0x75: {  	vm8 =	vlt.f32 v44, v46;
	v53 =	vsel vm1, v48, v44;
	v54 =	vsel vm1, v49, v34  }
0x76: {  	v60 =	vsel vm0, v47, v44;
	v61 =	vsel vm0, v51, v34;
	v62 =	vsel vm8, v46, v44  }
0x77: {  	v63 =	vsel vm8, v52, v34;
	v57 =	vsel vm8, v44, v46;
	v58 =	vsel vm8, v34, v52  }
0x78: {  	v45 =	vsel vm2, v53, v45;
	v50 =	vsel vm2, v54, v50;
	v48 =	vsel vm1, v60, v48  }
0x79: {  	v49 =	vsel vm1, v61, v49;
	v47 =	vsel vm0, v62, v47;
	v51 =	vsel vm0, v63, v51  }
0x7a: {  	vm9 =	vlt.f32 v43, v57;
	vm10 =	vlt.f32 v43, v48;
	vm11 =	vlt.f32 v43, v47  }
0x7b: {  	vm3 =	vlt.f32 v43, v45;
	v62 =	vsel vm9, v57, v43;
	v63 =	vsel vm9, v58, v5  }
0x7c: {  	v56 =	vsel vm9, v43, v57;
	v57 =	vsel vm9, v5, v58;
	v59 =	vsel vm10, v48, v43  }
0x7d: {  	v60 =	vsel vm10, v49, v5;
	v53 =	vsel vm11, v47, v43;
	v61 =	vsel vm11, v51, v5  }
0x7e: {  	v47 =	vsel vm11, v62, v47;
	v51 =	vsel vm11, v63, v51;
	vm12 =	vlt.f32 v42, v56  }
0x7f: {  	v45 =	vsel vm3, v59, v45;
	v50 =	vsel vm3, v60, v50;
	v48 =	vsel vm10, v53, v48  }
0x80: {  	v49 =	vsel vm10, v61, v49;
	vm14 =	vlt.f32 v42, v47;
	v61 =	vsel vm12, v56, v42  }
0x81: {  	v62 =	vsel vm12, v57, v6;
	v54 =	vsel vm12, v42, v56;
	v55 =	vsel vm12, v6, v57  }
0x82: {  	vm13 =	vlt.f32 v42, v48;
	vm15 =	vlt.f32 v42, v45;
	v52 =	vsel vm14, v47, v42  }
0x83: {  	v60 =	vsel vm14, v51, v6;
	v47 =	vsel vm14, v61, v47;
	v63 =	vsel vm14, v62, v51  }
0x84: {  	vm6 =	vlt.f32 v41, v54;
	v58 =	vsel vm13, v48, v42;
	v59 =	vsel vm13, v49, v6  }
0x85: {  	v48 =	vsel vm13, v52, v48;
	v49 =	vsel vm13, v60, v49;
	vm8 =	vlt.f32 v41, v47  }
0x86: {  	v61 =	vsel vm6, v54, v41;
	v62 =	vsel vm6, v55, v7;
	v52 =	vsel vm6, v41, v54  }
0x87: {  	v53 =	vsel vm6, v7, v55;
	v45 =	vsel vm15, v58, v45;
	v46 =	vsel vm15, v59, v50  }
0x88: {  	vm7 =	vlt.f32 v41, v48;
	v58 =	vsel vm8, v47, v41;
	v60 =	vsel vm8, v63, v7  }
0x89: {  	v47 =	vsel vm8, v61, v47;
	v63 =	vsel vm8, v62, v63;
	vm10 =	vlt.f32 v40, v52  }
0x8a: {  	vm9 =	vlt.f32 v41, v45;
	v56 =	vsel vm7, v48, v41;
	v57 =	vsel vm7, v49, v7  }
0x8b: {  	v59 =	vsel vm7, v58, v48;
	v48 =	vsel vm7, v60, v49;
	vm12 =	vlt.f32 v40, v47  }
0x8c: {  	v60 =	vsel vm10, v53, v8;
	v62 =	vsel vm10, v40, v52;
	v44 =	vsel vm9, v56, v45  }
0x8d: {  	v45 =	vsel vm9, v57, v46;
	vm11 =	vlt.f32 v40, v59;
	v56 =	vsel vm12, v47, v40  }
0x8e: {  	v58 =	vsel vm12, v63, v8;
	v61 =	vsel vm12, v60, v63;
	v63 =	vsel vm10, v8, v53  }
0x8f: {  	vm14 =	vlt.f32 v39, v62;
	vm13 =	vlt.f32 v40, v44;
	v54 =	vsel vm11, v59, v40  }
0x90: {  	v55 =	vsel vm11, v48, v8;
	v57 =	vsel vm11, v56, v59;
	v46 =	vsel vm11, v58, v48  }
0x91: {  	v59 =	vsel vm10, v52, v40;
	v56 =	vsel vm14, v62, v39;
	v60 =	vsel vm14, v9, v63  }
0x92: {  	v43 =	vsel vm13, v54, v44;
	v44 =	vsel vm13, v55, v45;
	v47 =	vsel vm12, v59, v47  }
0x93: {  	vm15 =	vlt.f32 v39, v57;
	v59 =	vsel vm14, v39, v62;
	vm6 =	vlt.f32 v39, v47  }
0x94: {  	vm7 =	vlt.f32 v39, v43;
	v52 =	vsel vm15, v57, v39;
	v53 =	vsel vm15, v46, v9  }
0x95: {  	vm8 =	vlt.f32 v38, v59;
	v42 =	vsel vm7, v52, v43;
	v54 =	vsel vm6, v47, v39  }
0x96: {  	v43 =	vsel vm7, v53, v44;
	v55 =	vsel vm6, v61, v9;
	v52 =	vsel vm8, v60, v10  }
0x97: {  	v53 =	vsel vm8, v38, v59;
	v40 =	vsel vm8, v10, v60;
	v44 =	vsel vm15, v54, v57  }
0x98: {  	v45 =	vsel vm15, v55, v46;
	v57 =	vsel vm14, v63, v9;
	v46 =	vsel vm6, v56, v47  }
0x99: {  	vm11 =	vlt.f32 v38, v42;
	v63 =	vsel vm8, v59, v38;
	vm12 =	vlt.f32 v37, v53  }
0x9a: {  	v58 =	vsel vm6, v57, v61;
	vm9 =	vlt.f32 v38, v44;
	vm10 =	vlt.f32 v38, v46  }
0x9b: {  	v57 =	vsel vm12, v37, v53;
	v61 =	vsel vm9, v44, v38;
	v62 =	vsel vm10, v46, v38  }
0x9c: {  	v48 =	vsel vm10, v58, v10;
	v54 =	vsel vm10, v63, v46;
	v55 =	vsel vm10, v52, v58  }
0x9d: {  	v56 =	vsel vm9, v45, v10;
	v38 =	vsel vm12, v53, v37;
	v58 =	vsel vm12, v11, v40  }
0x9e: {  	[tilespmem:s1+$0x0] =	vst v57;
	v40 =	vsel vm12, v40, v11;
	v41 =	vsel vm11, v61, v42;
	vm13 =	vlt.f32 v37, v54  }
0x9f: {  	v42 =	vsel vm9, v62, v44;
	[tilespmem:s1+$0x1000] =	vst v58;
	v59 =	vsel vm9, v48, v45;
	v38 =	vsel vm13, v38, v54  }
0xa0: {  	vm14 =	vlt.f32 v37, v42;
	v39 =	vsel vm13, v54, v37;
	v40 =	vsel vm13, v40, v55;
	[tilespmem:s13+$0x0] =	vst v38  }
0xa1: {  	v63 =	vsel vm11, v56, v43;
	v60 =	vsel vm13, v55, v11;
	v39 =	vsel vm14, v39, v42;
	[tilespmem:s1+$0x1080] =	vst v40  }
0xa2: {  	vm15 =	vlt.f32 v37, v41;
	v62 =	vsel vm14, v60, v59;
	v38 =	vsel vm14, v59, v11;
	[tilespmem:s12+$0x0] =	vst v39  }
0xa3: {  	v61 =	vsel vm14, v42, v37;
	v38 =	vsel vm15, v38, v63;
	[tilespmem:s1+$0x1100] =	vst v62  }
0xa4: {  	v37 =	vsel vm15, v61, v41;
	[tilespmem:s11+$0x1000] =	vst v38  }
0xa5: {  	[tilespmem:s11+$0x0] =	vst v37  }
.LBB2_7:
0xa6: {  	s14 =	sadd.s32 s14, s15  }
0xa7: {  	v44 =	vld [tilespmem:s14+$0x4000]  }
0xa8: {  	v43 =	vld [tilespmem:s14+$0x4080]  }
0xa9: {  	v42 =	vld [tilespmem:s14+$0x4100]  }
0xaa: {  	v41 =	vld [tilespmem:s14+$0x4180]  }
0xab: {  	v40 =	vld [tilespmem:s14+$0x4200]  }
0xac: {  	v39 =	vld [tilespmem:s14+$0x4280]  }
0xad: {  	v38 =	vld [tilespmem:s14+$0x4300];
	v37 =	vmin.f32 v44, v43  }
0xae: {  	v46 =	vmin.f32 v37, v42;
	v37 =	vld [tilespmem:s14+$0x4380]  }
0xaf: {  	v45 =	vld [tilespmem:s11+$0x0];
	v46 =	vmin.f32 v46, v41  }
0xb0: {  	v46 =	vmin.f32 v46, v40  }
0xb1: {  	v46 =	vmin.f32 v46, v39  }
0xb2: {  	v46 =	vmin.f32 v46, v38  }
0xb3: {  	v46 =	vmin.f32 v46, v37  }
0xb4: {  	vm0 =	vlt.f32 v46, v45  }
0xb5: {  	v46 =	vmpcnt.ones.xlane vm0;
	_ =	sdelay $0x1  }
0xb6: {  	(v2sf) =	vpush v46, $0x0;
	_ =	sdelay $0xe  }
0xb7: {  	s15 =	spop (v2sf)  }
0xb8: {  	p1 =	slt.s32 s15, $0x1  }
.Ltmp7:
0xb9: {  	_ = 	snop;
	(pc) =	sbr.rel @p1 .LBB2_9-.Ltmp7, $1  }
0xba: {  	_ =	sdelay $0x3  }
0xbb: {  	v46 =	vld [tilespmem:s1+$0x0]  }
0xbc: {  	v47 =	vld [tilespmem:s13+$0x0]  }
0xbd: {  	v48 =	vld [tilespmem:s12+$0x0]  }
0xbe: {  	v49 =	vld [tilespmem:s1+$0x1100]  }
0xbf: {  	v51 =	vld [tilespmem:s1+$0x1080]  }
0xc0: {  	v52 =	vld [tilespmem:s1+$0x1000]  }
0xc1: {  	v50 =	vld [tilespmem:s11+$0x1000]  }
0xc2: {  	vm2 =	vlt.f32 v44, v45;
	vm0 =	vlt.f32 v44, v47;
	vm1 =	vlt.f32 v44, v48  }
0xc3: {  	vm8 =	vlt.f32 v44, v46;
	v53 =	vsel vm1, v48, v44;
	v54 =	vsel vm1, v49, v12  }
0xc4: {  	v60 =	vsel vm0, v47, v44;
	v61 =	vsel vm0, v51, v12;
	v62 =	vsel vm8, v46, v44  }
0xc5: {  	v63 =	vsel vm8, v52, v12;
	v57 =	vsel vm8, v44, v46;
	v58 =	vsel vm8, v12, v52  }
0xc6: {  	v45 =	vsel vm2, v53, v45;
	v50 =	vsel vm2, v54, v50;
	v48 =	vsel vm1, v60, v48  }
0xc7: {  	v49 =	vsel vm1, v61, v49;
	v47 =	vsel vm0, v62, v47;
	v51 =	vsel vm0, v63, v51  }
0xc8: {  	vm9 =	vlt.f32 v43, v57;
	vm10 =	vlt.f32 v43, v48;
	vm11 =	vlt.f32 v43, v47  }
0xc9: {  	vm3 =	vlt.f32 v43, v45;
	v62 =	vsel vm9, v57, v43;
	v63 =	vsel vm9, v58, v13  }
0xca: {  	v56 =	vsel vm9, v43, v57;
	v57 =	vsel vm9, v13, v58;
	v59 =	vsel vm10, v48, v43  }
0xcb: {  	v60 =	vsel vm10, v49, v13;
	v53 =	vsel vm11, v47, v43;
	v61 =	vsel vm11, v51, v13  }
0xcc: {  	v47 =	vsel vm11, v62, v47;
	v51 =	vsel vm11, v63, v51;
	vm12 =	vlt.f32 v42, v56  }
0xcd: {  	v45 =	vsel vm3, v59, v45;
	v50 =	vsel vm3, v60, v50;
	v48 =	vsel vm10, v53, v48  }
0xce: {  	v49 =	vsel vm10, v61, v49;
	vm14 =	vlt.f32 v42, v47;
	v61 =	vsel vm12, v56, v42  }
0xcf: {  	v62 =	vsel vm12, v57, v14;
	v54 =	vsel vm12, v42, v56;
	v55 =	vsel vm12, v14, v57  }
0xd0: {  	vm13 =	vlt.f32 v42, v48;
	vm15 =	vlt.f32 v42, v45;
	v52 =	vsel vm14, v47, v42  }
0xd1: {  	v60 =	vsel vm14, v51, v14;
	v47 =	vsel vm14, v61, v47;
	v63 =	vsel vm14, v62, v51  }
0xd2: {  	vm6 =	vlt.f32 v41, v54;
	v58 =	vsel vm13, v48, v42;
	v59 =	vsel vm13, v49, v14  }
0xd3: {  	v48 =	vsel vm13, v52, v48;
	v49 =	vsel vm13, v60, v49;
	vm8 =	vlt.f32 v41, v47  }
0xd4: {  	v61 =	vsel vm6, v54, v41;
	v62 =	vsel vm6, v55, v15;
	v52 =	vsel vm6, v41, v54  }
0xd5: {  	v53 =	vsel vm6, v15, v55;
	v45 =	vsel vm15, v58, v45;
	v46 =	vsel vm15, v59, v50  }
0xd6: {  	vm7 =	vlt.f32 v41, v48;
	v58 =	vsel vm8, v47, v41;
	v60 =	vsel vm8, v63, v15  }
0xd7: {  	v47 =	vsel vm8, v61, v47;
	v63 =	vsel vm8, v62, v63;
	vm10 =	vlt.f32 v40, v52  }
0xd8: {  	vm9 =	vlt.f32 v41, v45;
	v56 =	vsel vm7, v48, v41;
	v57 =	vsel vm7, v49, v15  }
0xd9: {  	v59 =	vsel vm7, v58, v48;
	v48 =	vsel vm7, v60, v49;
	vm12 =	vlt.f32 v40, v47  }
0xda: {  	v60 =	vsel vm10, v53, v16;
	v62 =	vsel vm10, v40, v52;
	v44 =	vsel vm9, v56, v45  }
0xdb: {  	v45 =	vsel vm9, v57, v46;
	vm11 =	vlt.f32 v40, v59;
	v56 =	vsel vm12, v47, v40  }
0xdc: {  	v58 =	vsel vm12, v63, v16;
	v61 =	vsel vm12, v60, v63;
	v63 =	vsel vm10, v16, v53  }
0xdd: {  	vm14 =	vlt.f32 v39, v62;
	vm13 =	vlt.f32 v40, v44;
	v54 =	vsel vm11, v59, v40  }
0xde: {  	v55 =	vsel vm11, v48, v16;
	v57 =	vsel vm11, v56, v59;
	v46 =	vsel vm11, v58, v48  }
0xdf: {  	v59 =	vsel vm10, v52, v40;
	v56 =	vsel vm14, v62, v39;
	v60 =	vsel vm14, v17, v63  }
0xe0: {  	v43 =	vsel vm13, v54, v44;
	v44 =	vsel vm13, v55, v45;
	v47 =	vsel vm12, v59, v47  }
0xe1: {  	vm15 =	vlt.f32 v39, v57;
	v59 =	vsel vm14, v39, v62;
	vm6 =	vlt.f32 v39, v47  }
0xe2: {  	vm7 =	vlt.f32 v39, v43;
	v52 =	vsel vm15, v57, v39;
	v53 =	vsel vm15, v46, v17  }
0xe3: {  	vm8 =	vlt.f32 v38, v59;
	v42 =	vsel vm7, v52, v43;
	v54 =	vsel vm6, v47, v39  }
0xe4: {  	v43 =	vsel vm7, v53, v44;
	v55 =	vsel vm6, v61, v17;
	v52 =	vsel vm8, v60, v18  }
0xe5: {  	v53 =	vsel vm8, v38, v59;
	v40 =	vsel vm8, v18, v60;
	v44 =	vsel vm15, v54, v57  }
0xe6: {  	v45 =	vsel vm15, v55, v46;
	v57 =	vsel vm14, v63, v17;
	v46 =	vsel vm6, v56, v47  }
0xe7: {  	vm11 =	vlt.f32 v38, v42;
	v63 =	vsel vm8, v59, v38;
	vm12 =	vlt.f32 v37, v53  }
0xe8: {  	v58 =	vsel vm6, v57, v61;
	vm9 =	vlt.f32 v38, v44;
	vm10 =	vlt.f32 v38, v46  }
0xe9: {  	v57 =	vsel vm12, v37, v53;
	v61 =	vsel vm9, v44, v38;
	v62 =	vsel vm10, v46, v38  }
0xea: {  	v48 =	vsel vm10, v58, v18;
	v54 =	vsel vm10, v63, v46;
	v55 =	vsel vm10, v52, v58  }
0xeb: {  	v56 =	vsel vm9, v45, v18;
	v38 =	vsel vm12, v53, v37;
	v58 =	vsel vm12, v19, v40  }
0xec: {  	[tilespmem:s1+$0x0] =	vst v57;
	v40 =	vsel vm12, v40, v19;
	v41 =	vsel vm11, v61, v42;
	vm13 =	vlt.f32 v37, v54  }
0xed: {  	v42 =	vsel vm9, v62, v44;
	[tilespmem:s1+$0x1000] =	vst v58;
	v59 =	vsel vm9, v48, v45;
	v38 =	vsel vm13, v38, v54  }
0xee: {  	vm14 =	vlt.f32 v37, v42;
	v39 =	vsel vm13, v54, v37;
	v40 =	vsel vm13, v40, v55;
	[tilespmem:s13+$0x0] =	vst v38  }
0xef: {  	v63 =	vsel vm11, v56, v43;
	v60 =	vsel vm13, v55, v19;
	v39 =	vsel vm14, v39, v42;
	[tilespmem:s1+$0x1080] =	vst v40  }
0xf0: {  	vm15 =	vlt.f32 v37, v41;
	v62 =	vsel vm14, v60, v59;
	v38 =	vsel vm14, v59, v19;
	[tilespmem:s12+$0x0] =	vst v39  }
0xf1: {  	v61 =	vsel vm14, v42, v37;
	v38 =	vsel vm15, v38, v63;
	[tilespmem:s1+$0x1100] =	vst v62  }
0xf2: {  	v37 =	vsel vm15, v61, v41;
	[tilespmem:s11+$0x1000] =	vst v38  }
0xf3: {  	[tilespmem:s11+$0x0] =	vst v37  }
.LBB2_9:
0xf4: {  	v44 =	vld [tilespmem:s14+$0x6000]  }
0xf5: {  	v43 =	vld [tilespmem:s14+$0x6080]  }
0xf6: {  	v42 =	vld [tilespmem:s14+$0x6100]  }
0xf7: {  	v41 =	vld [tilespmem:s14+$0x6180]  }
0xf8: {  	v40 =	vld [tilespmem:s14+$0x6200]  }
0xf9: {  	v39 =	vld [tilespmem:s14+$0x6280]  }
0xfa: {  	v38 =	vld [tilespmem:s14+$0x6300];
	v37 =	vmin.f32 v44, v43  }
0xfb: {  	v46 =	vmin.f32 v37, v42;
	v37 =	vld [tilespmem:s14+$0x6380]  }
0xfc: {  	v45 =	vld [tilespmem:s11+$0x0];
	v46 =	vmin.f32 v46, v41  }
0xfd: {  	v46 =	vmin.f32 v46, v40  }
0xfe: {  	v46 =	vmin.f32 v46, v39  }
0xff: {  	v46 =	vmin.f32 v46, v38  }
0x100: {  	v46 =	vmin.f32 v46, v37  }
0x101: {  	vm0 =	vlt.f32 v46, v45  }
0x102: {  	v46 =	vmpcnt.ones.xlane vm0;
	_ =	sdelay $0x1  }
0x103: {  	(v2sf) =	vpush v46, $0x0;
	_ =	sdelay $0xe  }
0x104: {  	s15 =	spop (v2sf)  }
0x105: {  	p1 =	slt.s32 s15, $0x1  }
.Ltmp8:
0x106: {  	_ = 	snop;
	(pc) =	sbr.rel @p1 .LBB2_11-.Ltmp8, $1  }
0x107: {  	_ =	sdelay $0x3  }
0x108: {  	v46 =	vld [tilespmem:s1+$0x0]  }
0x109: {  	v47 =	vld [tilespmem:s13+$0x0]  }
0x10a: {  	v48 =	vld [tilespmem:s12+$0x0]  }
0x10b: {  	v49 =	vld [tilespmem:s1+$0x1100]  }
0x10c: {  	v51 =	vld [tilespmem:s1+$0x1080]  }
0x10d: {  	v52 =	vld [tilespmem:s1+$0x1000]  }
0x10e: {  	v50 =	vld [tilespmem:s11+$0x1000]  }
0x10f: {  	vm2 =	vlt.f32 v44, v45;
	vm0 =	vlt.f32 v44, v47;
	vm1 =	vlt.f32 v44, v48  }
0x110: {  	vm8 =	vlt.f32 v44, v46;
	v53 =	vsel vm1, v48, v44;
	v54 =	vsel vm1, v49, v20  }
0x111: {  	v60 =	vsel vm0, v47, v44;
	v61 =	vsel vm0, v51, v20;
	v62 =	vsel vm8, v46, v44  }
0x112: {  	v63 =	vsel vm8, v52, v20;
	v57 =	vsel vm8, v44, v46;
	v58 =	vsel vm8, v20, v52  }
0x113: {  	v45 =	vsel vm2, v53, v45;
	v50 =	vsel vm2, v54, v50;
	v48 =	vsel vm1, v60, v48  }
0x114: {  	v49 =	vsel vm1, v61, v49;
	v47 =	vsel vm0, v62, v47;
	v51 =	vsel vm0, v63, v51  }
0x115: {  	vm9 =	vlt.f32 v43, v57;
	vm10 =	vlt.f32 v43, v48;
	vm11 =	vlt.f32 v43, v47  }
0x116: {  	vm3 =	vlt.f32 v43, v45;
	v62 =	vsel vm9, v57, v43;
	v63 =	vsel vm9, v58, v21  }
0x117: {  	v56 =	vsel vm9, v43, v57;
	v57 =	vsel vm9, v21, v58;
	v59 =	vsel vm10, v48, v43  }
0x118: {  	v60 =	vsel vm10, v49, v21;
	v53 =	vsel vm11, v47, v43;
	v61 =	vsel vm11, v51, v21  }
0x119: {  	v47 =	vsel vm11, v62, v47;
	v51 =	vsel vm11, v63, v51;
	vm12 =	vlt.f32 v42, v56  }
0x11a: {  	v45 =	vsel vm3, v59, v45;
	v50 =	vsel vm3, v60, v50;
	v48 =	vsel vm10, v53, v48  }
0x11b: {  	v49 =	vsel vm10, v61, v49;
	vm14 =	vlt.f32 v42, v47;
	v61 =	vsel vm12, v56, v42  }
0x11c: {  	v62 =	vsel vm12, v57, v22;
	v54 =	vsel vm12, v42, v56;
	v55 =	vsel vm12, v22, v57  }
0x11d: {  	vm13 =	vlt.f32 v42, v48;
	vm15 =	vlt.f32 v42, v45;
	v52 =	vsel vm14, v47, v42  }
0x11e: {  	v60 =	vsel vm14, v51, v22;
	v47 =	vsel vm14, v61, v47;
	v63 =	vsel vm14, v62, v51  }
0x11f: {  	vm6 =	vlt.f32 v41, v54;
	v58 =	vsel vm13, v48, v42;
	v59 =	vsel vm13, v49, v22  }
0x120: {  	v48 =	vsel vm13, v52, v48;
	v49 =	vsel vm13, v60, v49;
	vm8 =	vlt.f32 v41, v47  }
0x121: {  	v61 =	vsel vm6, v54, v41;
	v62 =	vsel vm6, v55, v23;
	v52 =	vsel vm6, v41, v54  }
0x122: {  	v53 =	vsel vm6, v23, v55;
	v45 =	vsel vm15, v58, v45;
	v46 =	vsel vm15, v59, v50  }
0x123: {  	vm7 =	vlt.f32 v41, v48;
	v58 =	vsel vm8, v47, v41;
	v60 =	vsel vm8, v63, v23  }
0x124: {  	v47 =	vsel vm8, v61, v47;
	v63 =	vsel vm8, v62, v63;
	vm10 =	vlt.f32 v40, v52  }
0x125: {  	vm9 =	vlt.f32 v41, v45;
	v56 =	vsel vm7, v48, v41;
	v57 =	vsel vm7, v49, v23  }
0x126: {  	v59 =	vsel vm7, v58, v48;
	v48 =	vsel vm7, v60, v49;
	vm12 =	vlt.f32 v40, v47  }
0x127: {  	v60 =	vsel vm10, v53, v24;
	v62 =	vsel vm10, v40, v52;
	v44 =	vsel vm9, v56, v45  }
0x128: {  	v45 =	vsel vm9, v57, v46;
	vm11 =	vlt.f32 v40, v59;
	v56 =	vsel vm12, v47, v40  }
0x129: {  	v58 =	vsel vm12, v63, v24;
	v61 =	vsel vm12, v60, v63;
	v63 =	vsel vm10, v24, v53  }
0x12a: {  	vm14 =	vlt.f32 v39, v62;
	vm13 =	vlt.f32 v40, v44;
	v54 =	vsel vm11, v59, v40  }
0x12b: {  	v55 =	vsel vm11, v48, v24;
	v57 =	vsel vm11, v56, v59;
	v46 =	vsel vm11, v58, v48  }
0x12c: {  	v59 =	vsel vm10, v52, v40;
	v56 =	vsel vm14, v62, v39;
	v60 =	vsel vm14, v25, v63  }
0x12d: {  	v43 =	vsel vm13, v54, v44;
	v44 =	vsel vm13, v55, v45;
	v47 =	vsel vm12, v59, v47  }
0x12e: {  	vm15 =	vlt.f32 v39, v57;
	v59 =	vsel vm14, v39, v62;
	vm6 =	vlt.f32 v39, v47  }
0x12f: {  	vm7 =	vlt.f32 v39, v43;
	v52 =	vsel vm15, v57, v39;
	v53 =	vsel vm15, v46, v25  }
0x130: {  	vm8 =	vlt.f32 v38, v59;
	v42 =	vsel vm7, v52, v43;
	v54 =	vsel vm6, v47, v39  }
0x131: {  	v43 =	vsel vm7, v53, v44;
	v55 =	vsel vm6, v61, v25;
	v52 =	vsel vm8, v60, v26  }
0x132: {  	v53 =	vsel vm8, v38, v59;
	v40 =	vsel vm8, v26, v60;
	v44 =	vsel vm15, v54, v57  }
0x133: {  	v45 =	vsel vm15, v55, v46;
	v57 =	vsel vm14, v63, v25;
	v46 =	vsel vm6, v56, v47  }
0x134: {  	vm11 =	vlt.f32 v38, v42;
	v63 =	vsel vm8, v59, v38;
	vm12 =	vlt.f32 v37, v53  }
0x135: {  	v58 =	vsel vm6, v57, v61;
	vm9 =	vlt.f32 v38, v44;
	vm10 =	vlt.f32 v38, v46  }
0x136: {  	v57 =	vsel vm12, v37, v53;
	v61 =	vsel vm9, v44, v38;
	v62 =	vsel vm10, v46, v38  }
0x137: {  	v48 =	vsel vm10, v58, v26;
	v54 =	vsel vm10, v63, v46;
	v55 =	vsel vm10, v52, v58  }
0x138: {  	v56 =	vsel vm9, v45, v26;
	v38 =	vsel vm12, v53, v37;
	v58 =	vsel vm12, v27, v40  }
0x139: {  	[tilespmem:s1+$0x0] =	vst v57;
	v40 =	vsel vm12, v40, v27;
	v41 =	vsel vm11, v61, v42;
	vm13 =	vlt.f32 v37, v54  }
0x13a: {  	v42 =	vsel vm9, v62, v44;
	[tilespmem:s1+$0x1000] =	vst v58;
	v59 =	vsel vm9, v48, v45;
	v38 =	vsel vm13, v38, v54  }
0x13b: {  	vm14 =	vlt.f32 v37, v42;
	v39 =	vsel vm13, v54, v37;
	v40 =	vsel vm13, v40, v55;
	[tilespmem:s13+$0x0] =	vst v38  }
0x13c: {  	v63 =	vsel vm11, v56, v43;
	v60 =	vsel vm13, v55, v27;
	v39 =	vsel vm14, v39, v42;
	[tilespmem:s1+$0x1080] =	vst v40  }
0x13d: {  	vm15 =	vlt.f32 v37, v41;
	v62 =	vsel vm14, v60, v59;
	v38 =	vsel vm14, v59, v27;
	[tilespmem:s12+$0x0] =	vst v39  }
0x13e: {  	v61 =	vsel vm14, v42, v37;
	v38 =	vsel vm15, v38, v63;
	[tilespmem:s1+$0x1100] =	vst v62  }
0x13f: {  	v37 =	vsel vm15, v61, v41;
	[tilespmem:s11+$0x1000] =	vst v38  }
0x140: {  	[tilespmem:s11+$0x0] =	vst v37  }
.LBB2_11:
0x141: {  	v44 =	vld [tilespmem:s14+$0x8000]  }
0x142: {  	v43 =	vld [tilespmem:s14+$0x8080]  }
0x143: {  	v42 =	vld [tilespmem:s14+$0x8100]  }
0x144: {  	v41 =	vld [tilespmem:s14+$0x8180]  }
0x145: {  	v40 =	vld [tilespmem:s14+$0x8200]  }
0x146: {  	v39 =	vld [tilespmem:s14+$0x8280]  }
0x147: {  	v38 =	vld [tilespmem:s14+$0x8300];
	v37 =	vmin.f32 v44, v43  }
0x148: {  	v46 =	vmin.f32 v37, v42;
	v37 =	vld [tilespmem:s14+$0x8380]  }
0x149: {  	v45 =	vld [tilespmem:s11+$0x0];
	v46 =	vmin.f32 v46, v41  }
0x14a: {  	v46 =	vmin.f32 v46, v40  }
0x14b: {  	v46 =	vmin.f32 v46, v39  }
0x14c: {  	v46 =	vmin.f32 v46, v38  }
0x14d: {  	v46 =	vmin.f32 v46, v37  }
0x14e: {  	vm0 =	vlt.f32 v46, v45  }
0x14f: {  	v46 =	vmpcnt.ones.xlane vm0;
	_ =	sdelay $0x1  }
0x150: {  	(v2sf) =	vpush v46, $0x0;
	_ =	sdelay $0xe  }
0x151: {  	s15 =	spop (v2sf)  }
0x152: {  	p1 =	slt.s32 s15, $0x1  }
.Ltmp9:
0x153: {  	_ = 	snop;
	(pc) =	sbr.rel @p1 .LBB2_13-.Ltmp9, $1  }
0x154: {  	_ =	sdelay $0x3  }
0x155: {  	v46 =	vld [tilespmem:s1+$0x0]  }
0x156: {  	v47 =	vld [tilespmem:s13+$0x0]  }
0x157: {  	v48 =	vld [tilespmem:s12+$0x0]  }
0x158: {  	v49 =	vld [tilespmem:s1+$0x1100]  }
0x159: {  	v51 =	vld [tilespmem:s1+$0x1080]  }
0x15a: {  	v52 =	vld [tilespmem:s1+$0x1000]  }
0x15b: {  	v50 =	vld [tilespmem:s11+$0x1000]  }
0x15c: {  	vm2 =	vlt.f32 v44, v45;
	vm0 =	vlt.f32 v44, v47;
	vm1 =	vlt.f32 v44, v48  }
0x15d: {  	vm8 =	vlt.f32 v44, v46;
	v53 =	vsel vm1, v48, v44;
	v54 =	vsel vm1, v49, v28  }
0x15e: {  	v60 =	vsel vm0, v47, v44;
	v61 =	vsel vm0, v51, v28;
	v62 =	vsel vm8, v46, v44  }
0x15f: {  	v63 =	vsel vm8, v52, v28;
	v57 =	vsel vm8, v44, v46;
	v58 =	vsel vm8, v28, v52  }
0x160: {  	v45 =	vsel vm2, v53, v45;
	v50 =	vsel vm2, v54, v50;
	v48 =	vsel vm1, v60, v48  }
0x161: {  	v49 =	vsel vm1, v61, v49;
	v47 =	vsel vm0, v62, v47;
	v51 =	vsel vm0, v63, v51  }
0x162: {  	vm9 =	vlt.f32 v43, v57;
	vm10 =	vlt.f32 v43, v48;
	vm11 =	vlt.f32 v43, v47  }
0x163: {  	vm3 =	vlt.f32 v43, v45;
	v62 =	vsel vm9, v57, v43;
	v63 =	vsel vm9, v58, v29  }
0x164: {  	v56 =	vsel vm9, v43, v57;
	v57 =	vsel vm9, v29, v58;
	v59 =	vsel vm10, v48, v43  }
0x165: {  	v60 =	vsel vm10, v49, v29;
	v53 =	vsel vm11, v47, v43;
	v61 =	vsel vm11, v51, v29  }
0x166: {  	v47 =	vsel vm11, v62, v47;
	v51 =	vsel vm11, v63, v51;
	vm12 =	vlt.f32 v42, v56  }
0x167: {  	v45 =	vsel vm3, v59, v45;
	v50 =	vsel vm3, v60, v50;
	v48 =	vsel vm10, v53, v48  }
0x168: {  	v49 =	vsel vm10, v61, v49;
	vm14 =	vlt.f32 v42, v47;
	v61 =	vsel vm12, v56, v42  }
0x169: {  	v62 =	vsel vm12, v57, v30;
	v54 =	vsel vm12, v42, v56;
	v55 =	vsel vm12, v30, v57  }
0x16a: {  	vm13 =	vlt.f32 v42, v48;
	vm15 =	vlt.f32 v42, v45;
	v52 =	vsel vm14, v47, v42  }
0x16b: {  	v60 =	vsel vm14, v51, v30;
	v47 =	vsel vm14, v61, v47;
	v63 =	vsel vm14, v62, v51  }
0x16c: {  	vm6 =	vlt.f32 v41, v54;
	v58 =	vsel vm13, v48, v42;
	v59 =	vsel vm13, v49, v30  }
0x16d: {  	v48 =	vsel vm13, v52, v48;
	v49 =	vsel vm13, v60, v49;
	vm8 =	vlt.f32 v41, v47  }
0x16e: {  	v61 =	vsel vm6, v54, v41;
	v62 =	vsel vm6, v55, v31;
	v52 =	vsel vm6, v41, v54  }
0x16f: {  	v53 =	vsel vm6, v31, v55;
	v45 =	vsel vm15, v58, v45;
	v46 =	vsel vm15, v59, v50  }
0x170: {  	vm7 =	vlt.f32 v41, v48;
	v58 =	vsel vm8, v47, v41;
	v60 =	vsel vm8, v63, v31  }
0x171: {  	v47 =	vsel vm8, v61, v47;
	v63 =	vsel vm8, v62, v63;
	vm10 =	vlt.f32 v40, v52  }
0x172: {  	vm9 =	vlt.f32 v41, v45;
	v56 =	vsel vm7, v48, v41;
	v57 =	vsel vm7, v49, v31  }
0x173: {  	v59 =	vsel vm7, v58, v48;
	v48 =	vsel vm7, v60, v49;
	vm12 =	vlt.f32 v40, v47  }
0x174: {  	v60 =	vsel vm10, v53, v32;
	v62 =	vsel vm10, v40, v52;
	v44 =	vsel vm9, v56, v45  }
0x175: {  	v45 =	vsel vm9, v57, v46;
	vm11 =	vlt.f32 v40, v59;
	v56 =	vsel vm12, v47, v40  }
0x176: {  	v58 =	vsel vm12, v63, v32;
	v61 =	vsel vm12, v60, v63;
	v63 =	vsel vm10, v32, v53  }
0x177: {  	vm14 =	vlt.f32 v39, v62;
	vm13 =	vlt.f32 v40, v44;
	v54 =	vsel vm11, v59, v40  }
0x178: {  	v55 =	vsel vm11, v48, v32;
	v57 =	vsel vm11, v56, v59;
	v46 =	vsel vm11, v58, v48  }
0x179: {  	v59 =	vsel vm10, v52, v40;
	v56 =	vsel vm14, v62, v39;
	v60 =	vsel vm14, v33, v63  }
0x17a: {  	v43 =	vsel vm13, v54, v44;
	v44 =	vsel vm13, v55, v45;
	v47 =	vsel vm12, v59, v47  }
0x17b: {  	vm15 =	vlt.f32 v39, v57;
	v59 =	vsel vm14, v39, v62;
	vm6 =	vlt.f32 v39, v47  }
0x17c: {  	vm7 =	vlt.f32 v39, v43;
	v52 =	vsel vm15, v57, v39;
	v53 =	vsel vm15, v46, v33  }
0x17d: {  	vm8 =	vlt.f32 v38, v59;
	v42 =	vsel vm7, v52, v43;
	v54 =	vsel vm6, v47, v39  }
0x17e: {  	v43 =	vsel vm7, v53, v44;
	v55 =	vsel vm6, v61, v33;
	v52 =	vsel vm8, v60, v35  }
0x17f: {  	v53 =	vsel vm8, v38, v59;
	v40 =	vsel vm8, v35, v60;
	v44 =	vsel vm15, v54, v57  }
0x180: {  	v45 =	vsel vm15, v55, v46;
	v57 =	vsel vm14, v63, v33;
	v46 =	vsel vm6, v56, v47  }
0x181: {  	vm11 =	vlt.f32 v38, v42;
	v63 =	vsel vm8, v59, v38;
	vm12 =	vlt.f32 v37, v53  }
0x182: {  	v58 =	vsel vm6, v57, v61;
	vm9 =	vlt.f32 v38, v44;
	vm10 =	vlt.f32 v38, v46  }
0x183: {  	v57 =	vsel vm12, v37, v53;
	v61 =	vsel vm9, v44, v38;
	v62 =	vsel vm10, v46, v38  }
0x184: {  	v48 =	vsel vm10, v58, v35;
	v54 =	vsel vm10, v63, v46;
	v55 =	vsel vm10, v52, v58  }
0x185: {  	v56 =	vsel vm9, v45, v35;
	v38 =	vsel vm12, v53, v37;
	v58 =	vsel vm12, v36, v40  }
0x186: {  	[tilespmem:s1+$0x0] =	vst v57;
	v40 =	vsel vm12, v40, v36;
	v41 =	vsel vm11, v61, v42;
	vm13 =	vlt.f32 v37, v54  }
0x187: {  	v42 =	vsel vm9, v62, v44;
	[tilespmem:s1+$0x1000] =	vst v58;
	v59 =	vsel vm9, v48, v45;
	v38 =	vsel vm13, v38, v54  }
0x188: {  	vm14 =	vlt.f32 v37, v42;
	v39 =	vsel vm13, v54, v37;
	v40 =	vsel vm13, v40, v55;
	[tilespmem:s13+$0x0] =	vst v38  }
.Ltmp10:
0x189: {  	v63 =	vsel vm11, v56, v43;
	v60 =	vsel vm13, v55, v36;
	v39 =	vsel vm14, v39, v42;
	[tilespmem:s1+$0x1080] =	vst v40;
	(pc) =	sbr.rel .LBB2_13-.Ltmp10, $4  }
0x18a: {  	vm15 =	vlt.f32 v37, v41;
	v62 =	vsel vm14, v60, v59;
	v38 =	vsel vm14, v59, v36;
	[tilespmem:s12+$0x0] =	vst v39  }
0x18b: {  	v61 =	vsel vm14, v42, v37;
	v38 =	vsel vm15, v38, v63;
	[tilespmem:s1+$0x1100] =	vst v62  }
0x18c: {  	v37 =	vsel vm15, v61, v41;
	[tilespmem:s11+$0x1000] =	vst v38  }
0x18d: {  	[tilespmem:s11+$0x0] =	vst v37  }
.LBB2_14:
0x18e: {  	s31 =	sshll.u32 s29, $0x10;
	p1 =	seq.s32 s29, $0xF;
	s14 =	sor.u32 $0x20, s30  }
0x18f: {  	s15 =	sor.u32 $0x21, s30;
	s12 =	sor.u32 $0x24, s30;
	s13 =	sor.u32 $0x25, s30  }
0x190: {  	s0 =	sadd.s32 @!p1 s31, s7;
	s1 =	simm.s32 @!p1 $0x0;
	s11 =	simm.s32 @!p1 $0x2000  }
0x191: {  	v5 =	vmov s14;
	v6 =	vmov s15;
	v9 =	vmov s12;
	s14 =	sor.u32 $0x26, s30;
	s15 =	sor.u32 $0x27, s30;
	s12 =	sor.u32 $0x2A, s30  }
0x192: {  	v10 =	vmov s13;
	s13 =	sor.u32 $0x2B, s30;
	s0 =	sshrl.u32 @!p1 s0, $0x3;
	v11 =	vmov s14;
	s14 =	sor.u32 $0x2C, s30  }
0x193: {  	v12 =	vmov s15;
	v15 =	vmov s12;
	s15 =	sor.u32 $0x2D, s30;
	v16 =	vmov s13;
	s12 =	sor.u32 $0x30, s30;
	s13 =	sor.u32 $0x31, s30  }
0x194: {  	s0 =	sadd.s32 @!p1 s3, s0;
	v17 =	vmov s14;
	v18 =	vmov s15;
	s14 =	sor.u32 $0x32, s30;
	s15 =	sor.u32 $0x33, s30  }
0x195: {  	[tilespmem:s11], [sflag:$0x1] =	stream.linear.gather @!p1 [hbm4b:s0+s1], $0x8000, $0x38;
	[tilespmem:$0x16000] =	vst v63  }
0x196: {  	v21 =	vmov s12;
	v22 =	vmov s13;
	s12 =	sor.u32 $0x36, s30;
	s13 =	sor.u32 $0x37, s30;
	s1 =	sor.u32 $0x22, s30  }
0x197: {  	s11 =	sor.u32 $0x23, s30;
	v23 =	vmov s14;
	v24 =	vmov s15;
	s14 =	sor.u32 $0x38, s30;
	s15 =	sor.u32 $0x39, s30  }
0x198: {  	v27 =	vmov s12;
	v28 =	vmov s13;
	s12 =	sor.u32 $0x3C, s30;
	s13 =	sor.u32 $0x3D, s30;
	_ =	swait.ge [sflag:s22], $0x8000;
	v7 =	vmov s1  }
.Ltmp11:
0x199: {  	v8 =	vmov s11;
	s1 =	sor.u32 $0x28, s30;
	s11 =	sor.u32 $0x29, s30;
	v29 =	vmov s14;
	v30 =	vmov s15;
	(pc) =	sbr.rel .LBB2_15-.Ltmp11, $4  }
0x19a: {  	v33 =	vmov s12;
	s14 =	sor.u32 $0x3E, s30;
	v13 =	vmov s1;
	v14 =	vmov s11;
	s1 =	sor.u32 $0x2E, s30;
	s11 =	sor.u32 $0x2F, s30  }
0x19b: {  	s15 =	sor.u32 $0x3F, s30;
	v34 =	vmov s13;
	v19 =	vmov s1;
	v20 =	vmov s11;
	s1 =	sor.u32 $0x34, s30;
	s11 =	sor.u32 $0x35, s30  }
0x19c: {  	[sflag:s22] =	ssyncset.done $0x0;
	v35 =	vmov s14;
	v25 =	vmov s1;
	v26 =	vmov s11;
	s1 =	sor.u32 $0x3A, s30;
	s11 =	sor.u32 $0x3B, s30  }
0x19d: {  	s0 =	simm.s32 $0x0;
	v36 =	vmov s15;
	[sflag:s22] =	ssyncadd.s32 $0xFFFF8000;
	s30 =	simm.s32 $0x0;
	v31 =	vmov s1;
	v32 =	vmov s11  }
.LBB2_23:
0x19e: {  	s0 =	sadd.s32 $0x1, s0  }
0x19f: {  	p2 =	sne.s32 s0, $0x40  }
.Ltmp12:
0x1a0: {  	_ = 	snop;
	(pc) =	sbr.rel @!p2 .LBB2_24-.Ltmp12, $2  }
0x1a1: {  	_ =	sdelay $0x2  }
0x1a2: {  	s30 =	sadd.s32 $0x10, s30  }
.LBB2_15:
0x1a3: {  	s1 =	sshll.u32 s0, $0x7  }
0x1a4: {  	s14 =	sand.u32 $0x70, s30;
	s15 =	sand.u32 $0x3FFFFC00, s1  }
0x1a5: {  	s11 =	sor.u32 s14, s15  }
0x1a6: {  	v44 =	vld [tilespmem:s11+$0xA000]  }
0x1a7: {  	v43 =	vld [tilespmem:s11+$0xA080]  }
0x1a8: {  	v42 =	vld [tilespmem:s11+$0xA100]  }
0x1a9: {  	v41 =	vld [tilespmem:s11+$0xA180]  }
0x1aa: {  	v40 =	vld [tilespmem:s11+$0xA200]  }
0x1ab: {  	s12 =	sshll.u32 s0, $0x6;
	v39 =	vld [tilespmem:s11+$0xA280]  }
0x1ac: {  	s1 =	sand.u32 $0xFFFFFE00, s12;
	v38 =	vld [tilespmem:s11+$0xA300];
	v37 =	vmin.f32 v44, v43  }
0x1ad: {  	s1 =	sor.u32 s14, s1;
	v46 =	vmin.f32 v37, v42;
	v37 =	vld [tilespmem:s11+$0xA380]  }
0x1ae: {  	v45 =	vld [tilespmem:s1+$0x180];
	v46 =	vmin.f32 v46, v41  }
0x1af: {  	v46 =	vmin.f32 v46, v40  }
0x1b0: {  	v46 =	vmin.f32 v46, v39  }
0x1b1: {  	v46 =	vmin.f32 v46, v38  }
0x1b2: {  	v46 =	vmin.f32 v46, v37  }
0x1b3: {  	vm0 =	vlt.f32 v46, v45  }
0x1b4: {  	v46 =	vmpcnt.ones.xlane vm0;
	_ =	sdelay $0x1  }
0x1b5: {  	(v2sf) =	vpush v46, $0x0;
	_ =	sdelay $0xe  }
0x1b6: {  	s13 =	spop (v2sf)  }
0x1b7: {  	p2 =	slt.s32 s13, $0x1  }
.Ltmp13:
0x1b8: {  	_ = 	snop;
	(pc) =	sbr.rel @p2 .LBB2_17-.Ltmp13, $2  }
0x1b9: {  	_ =	sdelay $0x2  }
0x1ba: {  	s12 =	sor.u32 $0x100, s1;
	s11 =	sor.u32 $0x180, s1;
	s13 =	sor.u32 $0x80, s1  }
0x1bb: {  	v46 =	vld [tilespmem:s1+$0x0]  }
0x1bc: {  	v47 =	vld [tilespmem:s13+$0x0]  }
0x1bd: {  	v48 =	vld [tilespmem:s12+$0x0]  }
0x1be: {  	v49 =	vld [tilespmem:s1+$0x1100]  }
0x1bf: {  	v51 =	vld [tilespmem:s1+$0x1080]  }
0x1c0: {  	v52 =	vld [tilespmem:s1+$0x1000]  }
0x1c1: {  	v50 =	vld [tilespmem:s11+$0x1000]  }
0x1c2: {  	vm2 =	vlt.f32 v44, v45;
	vm0 =	vlt.f32 v44, v47;
	vm1 =	vlt.f32 v44, v48  }
0x1c3: {  	vm8 =	vlt.f32 v44, v46;
	v53 =	vsel vm1, v48, v44;
	v54 =	vsel vm1, v49, v5  }
0x1c4: {  	v60 =	vsel vm0, v47, v44;
	v61 =	vsel vm0, v51, v5;
	v62 =	vsel vm8, v46, v44  }
0x1c5: {  	v63 =	vsel vm8, v52, v5;
	v57 =	vsel vm8, v44, v46;
	v58 =	vsel vm8, v5, v52  }
0x1c6: {  	v45 =	vsel vm2, v53, v45;
	v50 =	vsel vm2, v54, v50;
	v48 =	vsel vm1, v60, v48  }
0x1c7: {  	v49 =	vsel vm1, v61, v49;
	v47 =	vsel vm0, v62, v47;
	v51 =	vsel vm0, v63, v51  }
0x1c8: {  	vm9 =	vlt.f32 v43, v57;
	vm10 =	vlt.f32 v43, v48;
	vm11 =	vlt.f32 v43, v47  }
0x1c9: {  	vm3 =	vlt.f32 v43, v45;
	v62 =	vsel vm9, v57, v43;
	v63 =	vsel vm9, v58, v6  }
0x1ca: {  	v56 =	vsel vm9, v43, v57;
	v57 =	vsel vm9, v6, v58;
	v59 =	vsel vm10, v48, v43  }
0x1cb: {  	v60 =	vsel vm10, v49, v6;
	v53 =	vsel vm11, v47, v43;
	v61 =	vsel vm11, v51, v6  }
0x1cc: {  	v47 =	vsel vm11, v62, v47;
	v51 =	vsel vm11, v63, v51;
	vm12 =	vlt.f32 v42, v56  }
0x1cd: {  	v45 =	vsel vm3, v59, v45;
	v50 =	vsel vm3, v60, v50;
	v48 =	vsel vm10, v53, v48  }
0x1ce: {  	v49 =	vsel vm10, v61, v49;
	vm14 =	vlt.f32 v42, v47;
	v61 =	vsel vm12, v56, v42  }
0x1cf: {  	v62 =	vsel vm12, v57, v7;
	v54 =	vsel vm12, v42, v56;
	v55 =	vsel vm12, v7, v57  }
0x1d0: {  	vm13 =	vlt.f32 v42, v48;
	vm15 =	vlt.f32 v42, v45;
	v52 =	vsel vm14, v47, v42  }
0x1d1: {  	v60 =	vsel vm14, v51, v7;
	v47 =	vsel vm14, v61, v47;
	v63 =	vsel vm14, v62, v51  }
0x1d2: {  	vm6 =	vlt.f32 v41, v54;
	v58 =	vsel vm13, v48, v42;
	v59 =	vsel vm13, v49, v7  }
0x1d3: {  	v48 =	vsel vm13, v52, v48;
	v49 =	vsel vm13, v60, v49;
	vm8 =	vlt.f32 v41, v47  }
0x1d4: {  	v61 =	vsel vm6, v54, v41;
	v62 =	vsel vm6, v55, v8;
	v52 =	vsel vm6, v41, v54  }
0x1d5: {  	v53 =	vsel vm6, v8, v55;
	v45 =	vsel vm15, v58, v45;
	v46 =	vsel vm15, v59, v50  }
0x1d6: {  	vm7 =	vlt.f32 v41, v48;
	v58 =	vsel vm8, v47, v41;
	v60 =	vsel vm8, v63, v8  }
0x1d7: {  	v47 =	vsel vm8, v61, v47;
	v63 =	vsel vm8, v62, v63;
	vm10 =	vlt.f32 v40, v52  }
0x1d8: {  	vm9 =	vlt.f32 v41, v45;
	v56 =	vsel vm7, v48, v41;
	v57 =	vsel vm7, v49, v8  }
0x1d9: {  	v59 =	vsel vm7, v58, v48;
	v48 =	vsel vm7, v60, v49;
	vm12 =	vlt.f32 v40, v47  }
0x1da: {  	v60 =	vsel vm10, v53, v9;
	v62 =	vsel vm10, v40, v52;
	v44 =	vsel vm9, v56, v45  }
0x1db: {  	v45 =	vsel vm9, v57, v46;
	vm11 =	vlt.f32 v40, v59;
	v56 =	vsel vm12, v47, v40  }
0x1dc: {  	v58 =	vsel vm12, v63, v9;
	v61 =	vsel vm12, v60, v63;
	v63 =	vsel vm10, v9, v53  }
0x1dd: {  	vm14 =	vlt.f32 v39, v62;
	vm13 =	vlt.f32 v40, v44;
	v54 =	vsel vm11, v59, v40  }
0x1de: {  	v55 =	vsel vm11, v48, v9;
	v57 =	vsel vm11, v56, v59;
	v46 =	vsel vm11, v58, v48  }
0x1df: {  	v59 =	vsel vm10, v52, v40;
	v56 =	vsel vm14, v62, v39;
	v60 =	vsel vm14, v10, v63  }
0x1e0: {  	v43 =	vsel vm13, v54, v44;
	v44 =	vsel vm13, v55, v45;
	v47 =	vsel vm12, v59, v47  }
0x1e1: {  	vm15 =	vlt.f32 v39, v57;
	v59 =	vsel vm14, v39, v62;
	vm6 =	vlt.f32 v39, v47  }
0x1e2: {  	vm7 =	vlt.f32 v39, v43;
	v52 =	vsel vm15, v57, v39;
	v53 =	vsel vm15, v46, v10  }
0x1e3: {  	vm8 =	vlt.f32 v38, v59;
	v42 =	vsel vm7, v52, v43;
	v54 =	vsel vm6, v47, v39  }
0x1e4: {  	v43 =	vsel vm7, v53, v44;
	v55 =	vsel vm6, v61, v10;
	v52 =	vsel vm8, v60, v11  }
0x1e5: {  	v53 =	vsel vm8, v38, v59;
	v40 =	vsel vm8, v11, v60;
	v44 =	vsel vm15, v54, v57  }
0x1e6: {  	v45 =	vsel vm15, v55, v46;
	v57 =	vsel vm14, v63, v10;
	v46 =	vsel vm6, v56, v47  }
0x1e7: {  	vm11 =	vlt.f32 v38, v42;
	v63 =	vsel vm8, v59, v38;
	vm12 =	vlt.f32 v37, v53  }
0x1e8: {  	v58 =	vsel vm6, v57, v61;
	vm9 =	vlt.f32 v38, v44;
	vm10 =	vlt.f32 v38, v46  }
0x1e9: {  	v57 =	vsel vm12, v37, v53;
	v61 =	vsel vm9, v44, v38;
	v62 =	vsel vm10, v46, v38  }
0x1ea: {  	v48 =	vsel vm10, v58, v11;
	v54 =	vsel vm10, v63, v46;
	v55 =	vsel vm10, v52, v58  }
0x1eb: {  	v56 =	vsel vm9, v45, v11;
	v38 =	vsel vm12, v53, v37;
	v58 =	vsel vm12, v12, v40  }
0x1ec: {  	[tilespmem:s1+$0x0] =	vst v57;
	v40 =	vsel vm12, v40, v12;
	v41 =	vsel vm11, v61, v42;
	vm13 =	vlt.f32 v37, v54  }
0x1ed: {  	v42 =	vsel vm9, v62, v44;
	[tilespmem:s1+$0x1000] =	vst v58;
	v59 =	vsel vm9, v48, v45;
	v38 =	vsel vm13, v38, v54  }
0x1ee: {  	vm14 =	vlt.f32 v37, v42;
	v39 =	vsel vm13, v54, v37;
	v40 =	vsel vm13, v40, v55;
	[tilespmem:s13+$0x0] =	vst v38  }
0x1ef: {  	v63 =	vsel vm11, v56, v43;
	v60 =	vsel vm13, v55, v12;
	v39 =	vsel vm14, v39, v42;
	[tilespmem:s1+$0x1080] =	vst v40  }
0x1f0: {  	vm15 =	vlt.f32 v37, v41;
	v62 =	vsel vm14, v60, v59;
	v38 =	vsel vm14, v59, v12;
	[tilespmem:s12+$0x0] =	vst v39  }
0x1f1: {  	v61 =	vsel vm14, v42, v37;
	v38 =	vsel vm15, v38, v63;
	[tilespmem:s1+$0x1100] =	vst v62  }
0x1f2: {  	v37 =	vsel vm15, v61, v41;
	[tilespmem:s11+$0x1000] =	vst v38  }
0x1f3: {  	[tilespmem:s11+$0x0] =	vst v37  }
.LBB2_17:
0x1f4: {  	s14 =	sadd.s32 s14, s15  }
0x1f5: {  	v44 =	vld [tilespmem:s14+$0xC000]  }
0x1f6: {  	v43 =	vld [tilespmem:s14+$0xC080]  }
0x1f7: {  	v42 =	vld [tilespmem:s14+$0xC100]  }
0x1f8: {  	v41 =	vld [tilespmem:s14+$0xC180]  }
0x1f9: {  	v40 =	vld [tilespmem:s14+$0xC200]  }
0x1fa: {  	v39 =	vld [tilespmem:s14+$0xC280]  }
0x1fb: {  	v38 =	vld [tilespmem:s14+$0xC300];
	v37 =	vmin.f32 v44, v43  }
0x1fc: {  	v46 =	vmin.f32 v37, v42;
	v37 =	vld [tilespmem:s14+$0xC380]  }
0x1fd: {  	v45 =	vld [tilespmem:s11+$0x0];
	v46 =	vmin.f32 v46, v41  }
0x1fe: {  	v46 =	vmin.f32 v46, v40  }
0x1ff: {  	v46 =	vmin.f32 v46, v39  }
0x200: {  	v46 =	vmin.f32 v46, v38  }
0x201: {  	v46 =	vmin.f32 v46, v37  }
0x202: {  	vm0 =	vlt.f32 v46, v45  }
0x203: {  	v46 =	vmpcnt.ones.xlane vm0;
	_ =	sdelay $0x1  }
0x204: {  	(v2sf) =	vpush v46, $0x0;
	_ =	sdelay $0xe  }
0x205: {  	s15 =	spop (v2sf)  }
0x206: {  	p2 =	slt.s32 s15, $0x1  }
.Ltmp14:
0x207: {  	_ = 	snop;
	(pc) =	sbr.rel @p2 .LBB2_19-.Ltmp14, $1  }
0x208: {  	_ =	sdelay $0x3  }
0x209: {  	v46 =	vld [tilespmem:s1+$0x0]  }
0x20a: {  	v47 =	vld [tilespmem:s13+$0x0]  }
0x20b: {  	v48 =	vld [tilespmem:s12+$0x0]  }
0x20c: {  	v49 =	vld [tilespmem:s1+$0x1100]  }
0x20d: {  	v51 =	vld [tilespmem:s1+$0x1080]  }
0x20e: {  	v52 =	vld [tilespmem:s1+$0x1000]  }
0x20f: {  	v50 =	vld [tilespmem:s11+$0x1000]  }
0x210: {  	vm2 =	vlt.f32 v44, v45;
	vm0 =	vlt.f32 v44, v47;
	vm1 =	vlt.f32 v44, v48  }
0x211: {  	vm8 =	vlt.f32 v44, v46;
	v53 =	vsel vm1, v48, v44;
	v54 =	vsel vm1, v49, v13  }
0x212: {  	v60 =	vsel vm0, v47, v44;
	v61 =	vsel vm0, v51, v13;
	v62 =	vsel vm8, v46, v44  }
0x213: {  	v63 =	vsel vm8, v52, v13;
	v57 =	vsel vm8, v44, v46;
	v58 =	vsel vm8, v13, v52  }
0x214: {  	v45 =	vsel vm2, v53, v45;
	v50 =	vsel vm2, v54, v50;
	v48 =	vsel vm1, v60, v48  }
0x215: {  	v49 =	vsel vm1, v61, v49;
	v47 =	vsel vm0, v62, v47;
	v51 =	vsel vm0, v63, v51  }
0x216: {  	vm9 =	vlt.f32 v43, v57;
	vm10 =	vlt.f32 v43, v48;
	vm11 =	vlt.f32 v43, v47  }
0x217: {  	vm3 =	vlt.f32 v43, v45;
	v62 =	vsel vm9, v57, v43;
	v63 =	vsel vm9, v58, v14  }
0x218: {  	v56 =	vsel vm9, v43, v57;
	v57 =	vsel vm9, v14, v58;
	v59 =	vsel vm10, v48, v43  }
0x219: {  	v60 =	vsel vm10, v49, v14;
	v53 =	vsel vm11, v47, v43;
	v61 =	vsel vm11, v51, v14  }
0x21a: {  	v47 =	vsel vm11, v62, v47;
	v51 =	vsel vm11, v63, v51;
	vm12 =	vlt.f32 v42, v56  }
0x21b: {  	v45 =	vsel vm3, v59, v45;
	v50 =	vsel vm3, v60, v50;
	v48 =	vsel vm10, v53, v48  }
0x21c: {  	v49 =	vsel vm10, v61, v49;
	vm14 =	vlt.f32 v42, v47;
	v61 =	vsel vm12, v56, v42  }
0x21d: {  	v62 =	vsel vm12, v57, v15;
	v54 =	vsel vm12, v42, v56;
	v55 =	vsel vm12, v15, v57  }
0x21e: {  	vm13 =	vlt.f32 v42, v48;
	vm15 =	vlt.f32 v42, v45;
	v52 =	vsel vm14, v47, v42  }
0x21f: {  	v60 =	vsel vm14, v51, v15;
	v47 =	vsel vm14, v61, v47;
	v63 =	vsel vm14, v62, v51  }
0x220: {  	vm6 =	vlt.f32 v41, v54;
	v58 =	vsel vm13, v48, v42;
	v59 =	vsel vm13, v49, v15  }
0x221: {  	v48 =	vsel vm13, v52, v48;
	v49 =	vsel vm13, v60, v49;
	vm8 =	vlt.f32 v41, v47  }
0x222: {  	v61 =	vsel vm6, v54, v41;
	v62 =	vsel vm6, v55, v16;
	v52 =	vsel vm6, v41, v54  }
0x223: {  	v53 =	vsel vm6, v16, v55;
	v45 =	vsel vm15, v58, v45;
	v46 =	vsel vm15, v59, v50  }
0x224: {  	vm7 =	vlt.f32 v41, v48;
	v58 =	vsel vm8, v47, v41;
	v60 =	vsel vm8, v63, v16  }
0x225: {  	v47 =	vsel vm8, v61, v47;
	v63 =	vsel vm8, v62, v63;
	vm10 =	vlt.f32 v40, v52  }
0x226: {  	vm9 =	vlt.f32 v41, v45;
	v56 =	vsel vm7, v48, v41;
	v57 =	vsel vm7, v49, v16  }
0x227: {  	v59 =	vsel vm7, v58, v48;
	v48 =	vsel vm7, v60, v49;
	vm12 =	vlt.f32 v40, v47  }
0x228: {  	v60 =	vsel vm10, v53, v17;
	v62 =	vsel vm10, v40, v52;
	v44 =	vsel vm9, v56, v45  }
0x229: {  	v45 =	vsel vm9, v57, v46;
	vm11 =	vlt.f32 v40, v59;
	v56 =	vsel vm12, v47, v40  }
0x22a: {  	v58 =	vsel vm12, v63, v17;
	v61 =	vsel vm12, v60, v63;
	v63 =	vsel vm10, v17, v53  }
0x22b: {  	vm14 =	vlt.f32 v39, v62;
	vm13 =	vlt.f32 v40, v44;
	v54 =	vsel vm11, v59, v40  }
0x22c: {  	v55 =	vsel vm11, v48, v17;
	v57 =	vsel vm11, v56, v59;
	v46 =	vsel vm11, v58, v48  }
0x22d: {  	v59 =	vsel vm10, v52, v40;
	v56 =	vsel vm14, v62, v39;
	v60 =	vsel vm14, v18, v63  }
0x22e: {  	v43 =	vsel vm13, v54, v44;
	v44 =	vsel vm13, v55, v45;
	v47 =	vsel vm12, v59, v47  }
0x22f: {  	vm15 =	vlt.f32 v39, v57;
	v59 =	vsel vm14, v39, v62;
	vm6 =	vlt.f32 v39, v47  }
0x230: {  	vm7 =	vlt.f32 v39, v43;
	v52 =	vsel vm15, v57, v39;
	v53 =	vsel vm15, v46, v18  }
0x231: {  	vm8 =	vlt.f32 v38, v59;
	v42 =	vsel vm7, v52, v43;
	v54 =	vsel vm6, v47, v39  }
0x232: {  	v43 =	vsel vm7, v53, v44;
	v55 =	vsel vm6, v61, v18;
	v52 =	vsel vm8, v60, v19  }
0x233: {  	v53 =	vsel vm8, v38, v59;
	v40 =	vsel vm8, v19, v60;
	v44 =	vsel vm15, v54, v57  }
0x234: {  	v45 =	vsel vm15, v55, v46;
	v57 =	vsel vm14, v63, v18;
	v46 =	vsel vm6, v56, v47  }
0x235: {  	vm11 =	vlt.f32 v38, v42;
	v63 =	vsel vm8, v59, v38;
	vm12 =	vlt.f32 v37, v53  }
0x236: {  	v58 =	vsel vm6, v57, v61;
	vm9 =	vlt.f32 v38, v44;
	vm10 =	vlt.f32 v38, v46  }
0x237: {  	v57 =	vsel vm12, v37, v53;
	v61 =	vsel vm9, v44, v38;
	v62 =	vsel vm10, v46, v38  }
0x238: {  	v48 =	vsel vm10, v58, v19;
	v54 =	vsel vm10, v63, v46;
	v55 =	vsel vm10, v52, v58  }
0x239: {  	v56 =	vsel vm9, v45, v19;
	v38 =	vsel vm12, v53, v37;
	v58 =	vsel vm12, v20, v40  }
0x23a: {  	[tilespmem:s1+$0x0] =	vst v57;
	v40 =	vsel vm12, v40, v20;
	v41 =	vsel vm11, v61, v42;
	vm13 =	vlt.f32 v37, v54  }
0x23b: {  	v42 =	vsel vm9, v62, v44;
	[tilespmem:s1+$0x1000] =	vst v58;
	v59 =	vsel vm9, v48, v45;
	v38 =	vsel vm13, v38, v54  }
0x23c: {  	vm14 =	vlt.f32 v37, v42;
	v39 =	vsel vm13, v54, v37;
	v40 =	vsel vm13, v40, v55;
	[tilespmem:s13+$0x0] =	vst v38  }
0x23d: {  	v63 =	vsel vm11, v56, v43;
	v60 =	vsel vm13, v55, v20;
	v39 =	vsel vm14, v39, v42;
	[tilespmem:s1+$0x1080] =	vst v40  }
0x23e: {  	vm15 =	vlt.f32 v37, v41;
	v62 =	vsel vm14, v60, v59;
	v38 =	vsel vm14, v59, v20;
	[tilespmem:s12+$0x0] =	vst v39  }
0x23f: {  	v61 =	vsel vm14, v42, v37;
	v38 =	vsel vm15, v38, v63;
	[tilespmem:s1+$0x1100] =	vst v62  }
0x240: {  	v37 =	vsel vm15, v61, v41;
	[tilespmem:s11+$0x1000] =	vst v38  }
0x241: {  	[tilespmem:s11+$0x0] =	vst v37  }
.LBB2_19:
0x242: {  	v44 =	vld [tilespmem:s14+$0xE000]  }
0x243: {  	v43 =	vld [tilespmem:s14+$0xE080]  }
0x244: {  	v42 =	vld [tilespmem:s14+$0xE100]  }
0x245: {  	v41 =	vld [tilespmem:s14+$0xE180]  }
0x246: {  	v40 =	vld [tilespmem:s14+$0xE200]  }
0x247: {  	v39 =	vld [tilespmem:s14+$0xE280]  }
0x248: {  	v38 =	vld [tilespmem:s14+$0xE300];
	v37 =	vmin.f32 v44, v43  }
0x249: {  	v46 =	vmin.f32 v37, v42;
	v37 =	vld [tilespmem:s14+$0xE380]  }
0x24a: {  	v45 =	vld [tilespmem:s11+$0x0];
	v46 =	vmin.f32 v46, v41  }
0x24b: {  	v46 =	vmin.f32 v46, v40  }
0x24c: {  	v46 =	vmin.f32 v46, v39  }
0x24d: {  	v46 =	vmin.f32 v46, v38  }
0x24e: {  	v46 =	vmin.f32 v46, v37  }
0x24f: {  	vm0 =	vlt.f32 v46, v45  }
0x250: {  	v46 =	vmpcnt.ones.xlane vm0;
	_ =	sdelay $0x1  }
0x251: {  	(v2sf) =	vpush v46, $0x0;
	_ =	sdelay $0xe  }
0x252: {  	s15 =	spop (v2sf)  }
0x253: {  	p2 =	slt.s32 s15, $0x1  }
.Ltmp15:
0x254: {  	_ = 	snop;
	(pc) =	sbr.rel @p2 .LBB2_21-.Ltmp15, $1  }
0x255: {  	_ =	sdelay $0x3  }
0x256: {  	v46 =	vld [tilespmem:s1+$0x0]  }
0x257: {  	v47 =	vld [tilespmem:s13+$0x0]  }
0x258: {  	v48 =	vld [tilespmem:s12+$0x0]  }
0x259: {  	v49 =	vld [tilespmem:s1+$0x1100]  }
0x25a: {  	v51 =	vld [tilespmem:s1+$0x1080]  }
0x25b: {  	v52 =	vld [tilespmem:s1+$0x1000]  }
0x25c: {  	v50 =	vld [tilespmem:s11+$0x1000]  }
0x25d: {  	vm2 =	vlt.f32 v44, v45;
	vm0 =	vlt.f32 v44, v47;
	vm1 =	vlt.f32 v44, v48  }
0x25e: {  	vm8 =	vlt.f32 v44, v46;
	v53 =	vsel vm1, v48, v44;
	v54 =	vsel vm1, v49, v21  }
0x25f: {  	v60 =	vsel vm0, v47, v44;
	v61 =	vsel vm0, v51, v21;
	v62 =	vsel vm8, v46, v44  }
0x260: {  	v63 =	vsel vm8, v52, v21;
	v57 =	vsel vm8, v44, v46;
	v58 =	vsel vm8, v21, v52  }
0x261: {  	v45 =	vsel vm2, v53, v45;
	v50 =	vsel vm2, v54, v50;
	v48 =	vsel vm1, v60, v48  }
0x262: {  	v49 =	vsel vm1, v61, v49;
	v47 =	vsel vm0, v62, v47;
	v51 =	vsel vm0, v63, v51  }
0x263: {  	vm9 =	vlt.f32 v43, v57;
	vm10 =	vlt.f32 v43, v48;
	vm11 =	vlt.f32 v43, v47  }
0x264: {  	vm3 =	vlt.f32 v43, v45;
	v62 =	vsel vm9, v57, v43;
	v63 =	vsel vm9, v58, v22  }
0x265: {  	v56 =	vsel vm9, v43, v57;
	v57 =	vsel vm9, v22, v58;
	v59 =	vsel vm10, v48, v43  }
0x266: {  	v60 =	vsel vm10, v49, v22;
	v53 =	vsel vm11, v47, v43;
	v61 =	vsel vm11, v51, v22  }
0x267: {  	v47 =	vsel vm11, v62, v47;
	v51 =	vsel vm11, v63, v51;
	vm12 =	vlt.f32 v42, v56  }
0x268: {  	v45 =	vsel vm3, v59, v45;
	v50 =	vsel vm3, v60, v50;
	v48 =	vsel vm10, v53, v48  }
0x269: {  	v49 =	vsel vm10, v61, v49;
	vm14 =	vlt.f32 v42, v47;
	v61 =	vsel vm12, v56, v42  }
0x26a: {  	v62 =	vsel vm12, v57, v23;
	v54 =	vsel vm12, v42, v56;
	v55 =	vsel vm12, v23, v57  }
0x26b: {  	vm13 =	vlt.f32 v42, v48;
	vm15 =	vlt.f32 v42, v45;
	v52 =	vsel vm14, v47, v42  }
0x26c: {  	v60 =	vsel vm14, v51, v23;
	v47 =	vsel vm14, v61, v47;
	v63 =	vsel vm14, v62, v51  }
0x26d: {  	vm6 =	vlt.f32 v41, v54;
	v58 =	vsel vm13, v48, v42;
	v59 =	vsel vm13, v49, v23  }
0x26e: {  	v48 =	vsel vm13, v52, v48;
	v49 =	vsel vm13, v60, v49;
	vm8 =	vlt.f32 v41, v47  }
0x26f: {  	v61 =	vsel vm6, v54, v41;
	v62 =	vsel vm6, v55, v24;
	v52 =	vsel vm6, v41, v54  }
0x270: {  	v53 =	vsel vm6, v24, v55;
	v45 =	vsel vm15, v58, v45;
	v46 =	vsel vm15, v59, v50  }
0x271: {  	vm7 =	vlt.f32 v41, v48;
	v58 =	vsel vm8, v47, v41;
	v60 =	vsel vm8, v63, v24  }
0x272: {  	v47 =	vsel vm8, v61, v47;
	v63 =	vsel vm8, v62, v63;
	vm10 =	vlt.f32 v40, v52  }
0x273: {  	vm9 =	vlt.f32 v41, v45;
	v56 =	vsel vm7, v48, v41;
	v57 =	vsel vm7, v49, v24  }
0x274: {  	v59 =	vsel vm7, v58, v48;
	v48 =	vsel vm7, v60, v49;
	vm12 =	vlt.f32 v40, v47  }
0x275: {  	v60 =	vsel vm10, v53, v25;
	v62 =	vsel vm10, v40, v52;
	v44 =	vsel vm9, v56, v45  }
0x276: {  	v45 =	vsel vm9, v57, v46;
	vm11 =	vlt.f32 v40, v59;
	v56 =	vsel vm12, v47, v40  }
0x277: {  	v58 =	vsel vm12, v63, v25;
	v61 =	vsel vm12, v60, v63;
	v63 =	vsel vm10, v25, v53  }
0x278: {  	vm14 =	vlt.f32 v39, v62;
	vm13 =	vlt.f32 v40, v44;
	v54 =	vsel vm11, v59, v40  }
0x279: {  	v55 =	vsel vm11, v48, v25;
	v57 =	vsel vm11, v56, v59;
	v46 =	vsel vm11, v58, v48  }
0x27a: {  	v59 =	vsel vm10, v52, v40;
	v56 =	vsel vm14, v62, v39;
	v60 =	vsel vm14, v26, v63  }
0x27b: {  	v43 =	vsel vm13, v54, v44;
	v44 =	vsel vm13, v55, v45;
	v47 =	vsel vm12, v59, v47  }
0x27c: {  	vm15 =	vlt.f32 v39, v57;
	v59 =	vsel vm14, v39, v62;
	vm6 =	vlt.f32 v39, v47  }
0x27d: {  	vm7 =	vlt.f32 v39, v43;
	v52 =	vsel vm15, v57, v39;
	v53 =	vsel vm15, v46, v26  }
0x27e: {  	vm8 =	vlt.f32 v38, v59;
	v42 =	vsel vm7, v52, v43;
	v54 =	vsel vm6, v47, v39  }
0x27f: {  	v43 =	vsel vm7, v53, v44;
	v55 =	vsel vm6, v61, v26;
	v52 =	vsel vm8, v60, v27  }
0x280: {  	v53 =	vsel vm8, v38, v59;
	v40 =	vsel vm8, v27, v60;
	v44 =	vsel vm15, v54, v57  }
0x281: {  	v45 =	vsel vm15, v55, v46;
	v57 =	vsel vm14, v63, v26;
	v46 =	vsel vm6, v56, v47  }
0x282: {  	vm11 =	vlt.f32 v38, v42;
	v63 =	vsel vm8, v59, v38;
	vm12 =	vlt.f32 v37, v53  }
0x283: {  	v58 =	vsel vm6, v57, v61;
	vm9 =	vlt.f32 v38, v44;
	vm10 =	vlt.f32 v38, v46  }
0x284: {  	v57 =	vsel vm12, v37, v53;
	v61 =	vsel vm9, v44, v38;
	v62 =	vsel vm10, v46, v38  }
0x285: {  	v48 =	vsel vm10, v58, v27;
	v54 =	vsel vm10, v63, v46;
	v55 =	vsel vm10, v52, v58  }
0x286: {  	v56 =	vsel vm9, v45, v27;
	v38 =	vsel vm12, v53, v37;
	v58 =	vsel vm12, v28, v40  }
0x287: {  	[tilespmem:s1+$0x0] =	vst v57;
	v40 =	vsel vm12, v40, v28;
	v41 =	vsel vm11, v61, v42;
	vm13 =	vlt.f32 v37, v54  }
0x288: {  	v42 =	vsel vm9, v62, v44;
	[tilespmem:s1+$0x1000] =	vst v58;
	v59 =	vsel vm9, v48, v45;
	v38 =	vsel vm13, v38, v54  }
0x289: {  	vm14 =	vlt.f32 v37, v42;
	v39 =	vsel vm13, v54, v37;
	v40 =	vsel vm13, v40, v55;
	[tilespmem:s13+$0x0] =	vst v38  }
0x28a: {  	v63 =	vsel vm11, v56, v43;
	v60 =	vsel vm13, v55, v28;
	v39 =	vsel vm14, v39, v42;
	[tilespmem:s1+$0x1080] =	vst v40  }
0x28b: {  	vm15 =	vlt.f32 v37, v41;
	v62 =	vsel vm14, v60, v59;
	v38 =	vsel vm14, v59, v28;
	[tilespmem:s12+$0x0] =	vst v39  }
0x28c: {  	v61 =	vsel vm14, v42, v37;
	v38 =	vsel vm15, v38, v63;
	[tilespmem:s1+$0x1100] =	vst v62  }
0x28d: {  	v37 =	vsel vm15, v61, v41;
	[tilespmem:s11+$0x1000] =	vst v38  }
0x28e: {  	[tilespmem:s11+$0x0] =	vst v37  }
.LBB2_21:
0x28f: {  	v44 =	vld [tilespmem:s14+$0x10000]  }
0x290: {  	v43 =	vld [tilespmem:s14+$0x10080]  }
0x291: {  	v42 =	vld [tilespmem:s14+$0x10100]  }
0x292: {  	v41 =	vld [tilespmem:s14+$0x10180]  }
0x293: {  	v40 =	vld [tilespmem:s14+$0x10200]  }
0x294: {  	v39 =	vld [tilespmem:s14+$0x10280]  }
0x295: {  	v38 =	vld [tilespmem:s14+$0x10300];
	v37 =	vmin.f32 v44, v43  }
0x296: {  	v46 =	vmin.f32 v37, v42;
	v37 =	vld [tilespmem:s14+$0x10380]  }
0x297: {  	v45 =	vld [tilespmem:s11+$0x0];
	v46 =	vmin.f32 v46, v41  }
0x298: {  	v46 =	vmin.f32 v46, v40  }
0x299: {  	v46 =	vmin.f32 v46, v39  }
0x29a: {  	v46 =	vmin.f32 v46, v38  }
0x29b: {  	v46 =	vmin.f32 v46, v37  }
0x29c: {  	vm0 =	vlt.f32 v46, v45  }
0x29d: {  	v46 =	vmpcnt.ones.xlane vm0;
	_ =	sdelay $0x1  }
0x29e: {  	(v2sf) =	vpush v46, $0x0;
	_ =	sdelay $0xe  }
0x29f: {  	s15 =	spop (v2sf)  }
0x2a0: {  	p2 =	slt.s32 s15, $0x1  }
.Ltmp16:
0x2a1: {  	_ = 	snop;
	(pc) =	sbr.rel @p2 .LBB2_23-.Ltmp16, $1  }
0x2a2: {  	_ =	sdelay $0x3  }
0x2a3: {  	v46 =	vld [tilespmem:s1+$0x0]  }
0x2a4: {  	v47 =	vld [tilespmem:s13+$0x0]  }
0x2a5: {  	v48 =	vld [tilespmem:s12+$0x0]  }
0x2a6: {  	v49 =	vld [tilespmem:s1+$0x1100]  }
0x2a7: {  	v51 =	vld [tilespmem:s1+$0x1080]  }
0x2a8: {  	v52 =	vld [tilespmem:s1+$0x1000]  }
0x2a9: {  	v50 =	vld [tilespmem:s11+$0x1000]  }
0x2aa: {  	vm2 =	vlt.f32 v44, v45;
	vm0 =	vlt.f32 v44, v47;
	vm1 =	vlt.f32 v44, v48  }
0x2ab: {  	vm8 =	vlt.f32 v44, v46;
	v53 =	vsel vm1, v48, v44;
	v54 =	vsel vm1, v49, v29  }
0x2ac: {  	v60 =	vsel vm0, v47, v44;
	v61 =	vsel vm0, v51, v29;
	v62 =	vsel vm8, v46, v44  }
0x2ad: {  	v63 =	vsel vm8, v52, v29;
	v57 =	vsel vm8, v44, v46;
	v58 =	vsel vm8, v29, v52  }
0x2ae: {  	v45 =	vsel vm2, v53, v45;
	v50 =	vsel vm2, v54, v50;
	v48 =	vsel vm1, v60, v48  }
0x2af: {  	v49 =	vsel vm1, v61, v49;
	v47 =	vsel vm0, v62, v47;
	v51 =	vsel vm0, v63, v51  }
0x2b0: {  	vm9 =	vlt.f32 v43, v57;
	vm10 =	vlt.f32 v43, v48;
	vm11 =	vlt.f32 v43, v47  }
0x2b1: {  	vm3 =	vlt.f32 v43, v45;
	v62 =	vsel vm9, v57, v43;
	v63 =	vsel vm9, v58, v30  }
0x2b2: {  	v56 =	vsel vm9, v43, v57;
	v57 =	vsel vm9, v30, v58;
	v59 =	vsel vm10, v48, v43  }
0x2b3: {  	v60 =	vsel vm10, v49, v30;
	v53 =	vsel vm11, v47, v43;
	v61 =	vsel vm11, v51, v30  }
0x2b4: {  	v47 =	vsel vm11, v62, v47;
	v51 =	vsel vm11, v63, v51;
	vm12 =	vlt.f32 v42, v56  }
0x2b5: {  	v45 =	vsel vm3, v59, v45;
	v50 =	vsel vm3, v60, v50;
	v48 =	vsel vm10, v53, v48  }
0x2b6: {  	v49 =	vsel vm10, v61, v49;
	vm14 =	vlt.f32 v42, v47;
	v61 =	vsel vm12, v56, v42  }
0x2b7: {  	v62 =	vsel vm12, v57, v31;
	v54 =	vsel vm12, v42, v56;
	v55 =	vsel vm12, v31, v57  }
0x2b8: {  	vm13 =	vlt.f32 v42, v48;
	vm15 =	vlt.f32 v42, v45;
	v52 =	vsel vm14, v47, v42  }
0x2b9: {  	v60 =	vsel vm14, v51, v31;
	v47 =	vsel vm14, v61, v47;
	v63 =	vsel vm14, v62, v51  }
0x2ba: {  	vm6 =	vlt.f32 v41, v54;
	v58 =	vsel vm13, v48, v42;
	v59 =	vsel vm13, v49, v31  }
0x2bb: {  	v48 =	vsel vm13, v52, v48;
	v49 =	vsel vm13, v60, v49;
	vm8 =	vlt.f32 v41, v47  }
0x2bc: {  	v61 =	vsel vm6, v54, v41;
	v62 =	vsel vm6, v55, v32;
	v52 =	vsel vm6, v41, v54  }
0x2bd: {  	v53 =	vsel vm6, v32, v55;
	v45 =	vsel vm15, v58, v45;
	v46 =	vsel vm15, v59, v50  }
0x2be: {  	vm7 =	vlt.f32 v41, v48;
	v58 =	vsel vm8, v47, v41;
	v60 =	vsel vm8, v63, v32  }
0x2bf: {  	v47 =	vsel vm8, v61, v47;
	v63 =	vsel vm8, v62, v63;
	vm10 =	vlt.f32 v40, v52  }
0x2c0: {  	vm9 =	vlt.f32 v41, v45;
	v56 =	vsel vm7, v48, v41;
	v57 =	vsel vm7, v49, v32  }
0x2c1: {  	v59 =	vsel vm7, v58, v48;
	v48 =	vsel vm7, v60, v49;
	vm12 =	vlt.f32 v40, v47  }
0x2c2: {  	v60 =	vsel vm10, v53, v33;
	v62 =	vsel vm10, v40, v52;
	v44 =	vsel vm9, v56, v45  }
0x2c3: {  	v45 =	vsel vm9, v57, v46;
	vm11 =	vlt.f32 v40, v59;
	v56 =	vsel vm12, v47, v40  }
0x2c4: {  	v58 =	vsel vm12, v63, v33;
	v61 =	vsel vm12, v60, v63;
	v63 =	vsel vm10, v33, v53  }
0x2c5: {  	vm14 =	vlt.f32 v39, v62;
	vm13 =	vlt.f32 v40, v44;
	v54 =	vsel vm11, v59, v40  }
0x2c6: {  	v55 =	vsel vm11, v48, v33;
	v57 =	vsel vm11, v56, v59;
	v46 =	vsel vm11, v58, v48  }
0x2c7: {  	v59 =	vsel vm10, v52, v40;
	v56 =	vsel vm14, v62, v39;
	v60 =	vsel vm14, v34, v63  }
0x2c8: {  	v43 =	vsel vm13, v54, v44;
	v44 =	vsel vm13, v55, v45;
	v47 =	vsel vm12, v59, v47  }
0x2c9: {  	vm15 =	vlt.f32 v39, v57;
	v59 =	vsel vm14, v39, v62;
	vm6 =	vlt.f32 v39, v47  }
0x2ca: {  	vm7 =	vlt.f32 v39, v43;
	v52 =	vsel vm15, v57, v39;
	v53 =	vsel vm15, v46, v34  }
0x2cb: {  	vm8 =	vlt.f32 v38, v59;
	v42 =	vsel vm7, v52, v43;
	v54 =	vsel vm6, v47, v39  }
0x2cc: {  	v43 =	vsel vm7, v53, v44;
	v55 =	vsel vm6, v61, v34;
	v52 =	vsel vm8, v60, v35  }
0x2cd: {  	v53 =	vsel vm8, v38, v59;
	v40 =	vsel vm8, v35, v60;
	v44 =	vsel vm15, v54, v57  }
0x2ce: {  	v45 =	vsel vm15, v55, v46;
	v57 =	vsel vm14, v63, v34;
	v46 =	vsel vm6, v56, v47  }
0x2cf: {  	vm11 =	vlt.f32 v38, v42;
	v63 =	vsel vm8, v59, v38;
	vm12 =	vlt.f32 v37, v53  }
0x2d0: {  	v58 =	vsel vm6, v57, v61;
	vm9 =	vlt.f32 v38, v44;
	vm10 =	vlt.f32 v38, v46  }
0x2d1: {  	v57 =	vsel vm12, v37, v53;
	v61 =	vsel vm9, v44, v38;
	v62 =	vsel vm10, v46, v38  }
0x2d2: {  	v48 =	vsel vm10, v58, v35;
	v54 =	vsel vm10, v63, v46;
	v55 =	vsel vm10, v52, v58  }
0x2d3: {  	v56 =	vsel vm9, v45, v35;
	v38 =	vsel vm12, v53, v37;
	v58 =	vsel vm12, v36, v40  }
0x2d4: {  	[tilespmem:s1+$0x0] =	vst v57;
	v40 =	vsel vm12, v40, v36;
	v41 =	vsel vm11, v61, v42;
	vm13 =	vlt.f32 v37, v54  }
0x2d5: {  	v42 =	vsel vm9, v62, v44;
	[tilespmem:s1+$0x1000] =	vst v58;
	v59 =	vsel vm9, v48, v45;
	v38 =	vsel vm13, v38, v54  }
0x2d6: {  	vm14 =	vlt.f32 v37, v42;
	v39 =	vsel vm13, v54, v37;
	v40 =	vsel vm13, v40, v55;
	[tilespmem:s13+$0x0] =	vst v38  }
.Ltmp17:
0x2d7: {  	v63 =	vsel vm11, v56, v43;
	v60 =	vsel vm13, v55, v36;
	v39 =	vsel vm14, v39, v42;
	[tilespmem:s1+$0x1080] =	vst v40;
	(pc) =	sbr.rel .LBB2_23-.Ltmp17, $4  }
0x2d8: {  	vm15 =	vlt.f32 v37, v41;
	v62 =	vsel vm14, v60, v59;
	v38 =	vsel vm14, v59, v36;
	[tilespmem:s12+$0x0] =	vst v39  }
0x2d9: {  	v61 =	vsel vm14, v42, v37;
	v38 =	vsel vm15, v38, v63;
	[tilespmem:s1+$0x1100] =	vst v62  }
0x2da: {  	v37 =	vsel vm15, v61, v41;
	[tilespmem:s11+$0x1000] =	vst v38  }
0x2db: {  	[tilespmem:s11+$0x0] =	vst v37  }
.LBB2_24:
.Ltmp18:
0x2dc: {  	(pc) =	sbr.rel @p1 .LBB2_26-.Ltmp18, $1  }
0x2dd: {  	_ =	sdelay $0x3  }
.Ltmp19:
0x2de: {  	(pc) =	sbr.rel .LBB2_4-.Ltmp19, $4  }
0x2df: {  	s0 =	sadd.s32 s31, s8  }
0x2e0: {  	s0 =	sshrl.u32 s0, $0x3  }
0x2e1: {  	s29 =	sadd.s32 $0x1, s29;
	s0 =	sadd.s32 s3, s0  }
0x2e2: {  	[tilespmem:s20], [sflag:$0x2] =	stream.linear.gather [hbm4b:s0+s2], $0x8000, $0x38;
	[tilespmem:$0x16000] =	vst v63  }
.LBB2_27:
0x2e3: {  	s0 =	rddreg [dreg:$0x5]  }
0x2e4: {  	[tilespmem:s25], [sflag:$0x3] =	stream.linear.gather [spmem:s0], $0x1000, $0x38;
	[tilespmem:$0x16000] =	vst v63  }
0x2e5: {  	_ =	swait.ge [sflag:s23], $0x1000  }
0x2e6: {  	[sflag:s23] =	ssyncset.done $0x0  }
0x2e7: {  	s30 =	rddreg [dreg:$0x6];
	[sflag:s23] =	ssyncadd.s32 $0xFFFFF000  }
0x2e8: {  	[tilespmem:s26], [sflag:$0x3] =	stream.linear.gather [spmem:s30], $0x1000, $0x38;
	[tilespmem:$0x16000] =	vst v63  }
0x2e9: {  	s31 =	simm.s32 $0x0;
	_ =	swait.ge [sflag:s23], $0x1000  }
0x2ea: {  	s1 =	sand.u32 $0x70, s31;
	s0 =	sand.u32 $0xE00, s31;
	[sflag:s23] =	ssyncset.done $0x0  }
0x2eb: {  	s0 =	sor.u32 s1, s0;
	[sflag:s23] =	ssyncadd.s32 $0xFFFFF000  }
0x2ec: {  	v8 =	vld [tilespmem:s0+$0x14000]  }
0x2ed: {  	v6 =	vld [tilespmem:s0+$0x80]  }
0x2ee: {  	v7 =	vld [tilespmem:s0+$0x0]  }
0x2ef: {  	v10 =	vld [tilespmem:s0+$0x1000]  }
0x2f0: {  	v5 =	vld [tilespmem:s0+$0x14080]  }
0x2f1: {  	v11 =	vld [tilespmem:s0+$0x15000]  }
0x2f2: {  	v12 =	vld [tilespmem:s0+$0x1080]  }
0x2f3: {  	v13 =	vld [tilespmem:s0+$0x100];
	_ =	sdelay $0x1  }
0x2f4: {  	v9 =	vld [tilespmem:s0+$0x15080];
	vm0 =	vlt.f32 v8, v7;
	vm2 =	vlt.f32 v8, v6  }
0x2f5: {  	v14 =	vsel vm0, v7, v8;
	v20 =	vsel vm0, v8, v7;
	v17 =	vsel vm2, v6, v8  }
0x2f6: {  	v7 =	vld [tilespmem:s0+$0x14100];
	v18 =	vsel vm0, v10, v11;
	v21 =	vsel vm0, v11, v10;
	v15 =	vsel vm2, v12, v11  }
0x2f7: {  	vm0 =	vlt.f32 v8, v13;
	v14 =	vsel vm2, v14, v6;
	vm3 =	vlt.f32 v5, v20;
	v6 =	vld [tilespmem:s0+$0x14180]  }
0x2f8: {  	v19 =	vsel vm2, v18, v12;
	v18 =	vld [tilespmem:s0+$0x180];
	v17 =	vsel vm0, v17, v13;
	vm1 =	vlt.f32 v5, v14  }
0x2f9: {  	v10 =	vld [tilespmem:s0+$0x15100];
	v16 =	vsel vm3, v21, v9;
	v22 =	vsel vm3, v5, v20;
	v24 =	vsel vm3, v9, v21  }
0x2fa: {  	v20 =	vsel vm3, v20, v5;
	vm4 =	vlt.f32 v5, v17;
	v12 =	vsel vm1, v14, v5  }
0x2fb: {  	v23 =	vsel vm1, v19, v9;
	v27 =	vsel vm1, v20, v14;
	vm6 =	vlt.f32 v7, v22  }
0x2fc: {  	v20 =	vld [tilespmem:s0+$0x1100];
	v14 =	vsel vm4, v12, v17;
	v21 =	vsel vm6, v22, v7;
	v22 =	vsel vm6, v7, v22  }
0x2fd: {  	vm2 =	vlt.f32 v7, v27;
	vm3 =	vlt.f32 v8, v18;
	vm5 =	vlt.f32 v6, v22  }
0x2fe: {  	s13 =	simm.s32 $0x10;
	s1 =	simm.s32 $0x40;
	v12 =	vld [tilespmem:s0+$0x15180];
	v25 =	vsel vm6, v10, v24;
	v21 =	vsel vm2, v21, v27;
	v26 =	vsel vm5, v22, v6  }
.LBB2_28:
0x2ff: {  	s11 =	smov.u32 s13  }
0x300: {  	s12 =	sand.u32 $0x70, s13;
	s14 =	sand.u32 $0xE00, s1;
	v13 =	vsel vm0, v13, v8;
	v27 =	vsel vm2, v27, v7;
	v24 =	vsel vm6, v24, v10;
	s11 =	sadd.s32 $0x10, s13  }
0x301: {  	p1 =	sne.s32 s13, $0x3F0;
	v16 =	vsel vm1, v16, v19;
	vm1 =	vlt.f32 v6, v21;
	s12 =	sor.u32 s12, s14;
	v15 =	vsel vm0, v15, v20;
	v28 =	vld [tilespmem:s0+$0x1180]  }
0x302: {  	v22 =	vsel vm5, v6, v22;
	v19 =	vsel vm4, v23, v15;
	v23 =	vsel vm1, v26, v21;
	v8 =	vld [tilespmem:s12+$0x14000]  }
0x303: {  	v13 =	vsel vm3, v13, v18;
	v11 =	vsel vm0, v20, v11;
	v18 =	vsel vm5, v12, v25;
	[tilespmem:s0+$0x80] =	vst v23  }
0x304: {  	v17 =	vsel vm4, v17, v5;
	v15 =	vsel vm4, v15, v9;
	v9 =	vsel vm5, v25, v12;
	v20 =	vld [tilespmem:s12+$0x80];
	[tilespmem:s0+$0x0] =	vst v22  }
0x305: {  	vm0 =	vlt.f32 v7, v14;
	v21 =	vsel vm1, v21, v6;
	v22 =	vsel vm2, v16, v10;
	[tilespmem:s0+$0x1000] =	vst v18  }
0x306: {  	vm4 =	vlt.f32 v5, v13;
	v23 =	vsel vm0, v27, v14;
	v16 =	vsel vm2, v24, v16;
	v18 =	vld [tilespmem:s12+$0x0]  }
0x307: {  	v13 =	vsel vm4, v17, v13;
	v17 =	vsel vm1, v16, v12;
	v25 =	vsel vm3, v11, v28;
	v24 =	vld [tilespmem:s12+$0x1000]  }
0x308: {  	vm2 =	vlt.f32 v6, v23;
	v9 =	vsel vm1, v9, v16;
	vm3 =	vlt.f32 v7, v13;
	v5 =	vld [tilespmem:s12+$0x14080]  }
0x309: {  	v16 =	vsel vm2, v21, v23;
	v7 =	vsel vm0, v14, v7;
	v14 =	vsel vm2, v23, v6;
	v11 =	vld [tilespmem:s12+$0x15000];
	[tilespmem:s0+$0x1080] =	vst v9  }
0x30a: {  	v15 =	vsel vm4, v15, v25;
	v21 =	vsel vm3, v7, v13;
	v7 =	vsel vm0, v19, v10;
	v9 =	vld [tilespmem:s12+$0x15080];
	[tilespmem:s0+$0x100] =	vst v16  }
0x30b: {  	vm5 =	vlt.f32 v6, v21;
	vm4 =	vlt.f32 v8, v20;
	v10 =	vld [tilespmem:s12+$0x1080];
	vm1 =	vlt.f32 v8, v18  }
0x30c: {  	v22 =	vsel vm0, v22, v19;
	v13 =	vld [tilespmem:s12+$0x100];
	v6 =	vsel vm1, v18, v8;
	v23 =	vsel vm1, v8, v18  }
0x30d: {  	v25 =	vsel vm4, v20, v8;
	v18 =	vsel vm3, v7, v15;
	v26 =	vsel vm4, v6, v20  }
0x30e: {  	vm3 =	vlt.f32 v5, v23;
	v6 =	vsel vm5, v14, v21;
	v19 =	vsel vm1, v24, v11;
	v7 =	vld [tilespmem:s12+$0x14100]  }
0x30f: {  	v12 =	vsel vm2, v22, v12;
	v14 =	vsel vm1, v11, v24;
	vm1 =	vlt.f32 v5, v26;
	[tilespmem:s0+$0x180] =	vst v6  }
0x310: {  	v12 =	vsel vm5, v12, v18;
	v16 =	vsel vm3, v14, v9;
	v15 =	vsel vm4, v10, v11;
	v6 =	vld [tilespmem:s12+$0x14180]  }
0x311: {  	v21 =	vsel vm1, v26, v5;
	v19 =	vsel vm4, v19, v10;
	vm0 =	vlt.f32 v8, v13;
	v10 =	vld [tilespmem:s12+$0x15100];
	[tilespmem:s0+$0x1180] =	vst v12  }
0x312: {  	v24 =	vsel vm3, v9, v14;
	v14 =	vsel vm2, v17, v22;
	v12 =	vsel vm3, v5, v23;
	v18 =	vld [tilespmem:s12+$0x180]  }
.Ltmp20:
0x313: {  	v17 =	vsel vm0, v25, v13;
	v25 =	vsel vm3, v23, v5;
	vm6 =	vlt.f32 v7, v12;
	[tilespmem:s0+$0x1100] =	vst v14;
	s0 =	smov.u32 s12;
	(pc) =	sbr.rel @p1 .LBB2_28-.Ltmp20, $4  }
0x314: {  	v23 =	vsel vm1, v19, v9;
	v20 =	vld [tilespmem:s0+$0x1100];
	v28 =	vsel vm6, v12, v7;
	v22 =	vsel vm6, v7, v12  }
0x315: {  	vm4 =	vlt.f32 v5, v17;
	v27 =	vsel vm1, v25, v26;
	vm5 =	vlt.f32 v6, v22  }
0x316: {  	v14 =	vsel vm4, v21, v17;
	vm2 =	vlt.f32 v7, v27;
	v12 =	vld [tilespmem:s0+$0x15180];
	v26 =	vsel vm5, v22, v6  }
0x317: {  	s1 =	sadd.s32 $0x40, s1;
	s13 =	smov.u32 s11;
	v21 =	vsel vm2, v28, v27;
	v25 =	vsel vm6, v10, v24;
	vm3 =	vlt.f32 v8, v18  }
0x318: {  	v8 =	vsel vm0, v13, v8  }
0x319: {  	v13 =	vsel vm2, v27, v7;
	v24 =	vsel vm6, v24, v10;
	v16 =	vsel vm1, v16, v19  }
0x31a: {  	vm1 =	vlt.f32 v6, v21;
	v22 =	vsel vm5, v6, v22;
	v17 =	vsel vm4, v17, v5  }
0x31b: {  	v15 =	vsel vm0, v15, v20;
	v26 =	vsel vm1, v26, v21;
	v8 =	vsel vm3, v8, v18  }
0x31c: {  	v11 =	vsel vm0, v20, v11;
	vm0 =	vlt.f32 v7, v14;
	v19 =	vsel vm4, v23, v15;
	v23 =	vld [tilespmem:s0+$0x1180]  }
0x31d: {  	v20 =	vsel vm2, v16, v10;
	v21 =	vsel vm1, v21, v6;
	v9 =	vsel vm4, v15, v9  }
0x31e: {  	vm4 =	vlt.f32 v5, v8;
	v5 =	vsel vm0, v13, v14;
	v13 =	vsel vm2, v24, v16  }
0x31f: {  	v18 =	vsel vm5, v12, v25;
	v15 =	vsel vm5, v25, v12;
	v8 =	vsel vm4, v17, v8  }
0x320: {  	[tilespmem:s0+$0x0] =	vst v22;
	vm2 =	vlt.f32 v7, v8;
	v15 =	vsel vm1, v15, v13;
	v7 =	vsel vm0, v14, v7  }
0x321: {  	[tilespmem:s0+$0x80] =	vst v26;
	v7 =	vsel vm2, v7, v8;
	v11 =	vsel vm3, v11, v23;
	vm3 =	vlt.f32 v6, v5  }
0x322: {  	[tilespmem:s0+$0x1000] =	vst v18;
	v8 =	vsel vm0, v19, v10;
	v14 =	vsel vm3, v5, v6;
	v5 =	vsel vm3, v21, v5  }
0x323: {  	[tilespmem:s0+$0x1080] =	vst v15;
	v9 =	vsel vm4, v9, v11;
	vm4 =	vlt.f32 v6, v7;
	v6 =	vsel vm0, v20, v19  }
0x324: {  	[tilespmem:s0+$0x100] =	vst v5;
	v5 =	vsel vm2, v8, v9;
	v7 =	vsel vm4, v14, v7;
	v8 =	vsel vm3, v6, v12  }
0x325: {  	v9 =	vsel vm1, v13, v12;
	[tilespmem:s0+$0x180] =	vst v7;
	v5 =	vsel vm4, v8, v5  }
0x326: {  	[tilespmem:s0+$0x1180] =	vst v5;
	v5 =	vsel vm3, v9, v6  }
0x327: {  	s29 =	rddreg [dreg:$0x7];
	[tilespmem:s0+$0x1100] =	vst v5  }
0x328: {  	[tilespmem:s25], [sflag:$0x3] =	stream.linear.gather [spmem:s29], $0x1000, $0x38;
	[tilespmem:$0x16000] =	vst v63  }
0x329: {  	_ =	swait.ge [sflag:s23], $0x1000  }
0x32a: {  	[sflag:s23] =	ssyncset.done $0x0  }
0x32b: {  	s30 =	rddreg [dreg:$0x8];
	[sflag:s23] =	ssyncadd.s32 $0xFFFFF000  }
0x32c: {  	[tilespmem:s26], [sflag:$0x3] =	stream.linear.gather [spmem:s30], $0x1000, $0x38;
	[tilespmem:$0x16000] =	vst v63  }
0x32d: {  	s31 =	simm.s32 $0x0;
	_ =	swait.ge [sflag:s23], $0x1000  }
0x32e: {  	s1 =	sand.u32 $0x70, s31;
	s0 =	sand.u32 $0xE00, s31;
	[sflag:s23] =	ssyncset.done $0x0  }
0x32f: {  	s0 =	sor.u32 s1, s0;
	[sflag:s23] =	ssyncadd.s32 $0xFFFFF000  }
0x330: {  	v8 =	vld [tilespmem:s0+$0x14000]  }
0x331: {  	v6 =	vld [tilespmem:s0+$0x80]  }
0x332: {  	v7 =	vld [tilespmem:s0+$0x0]  }
0x333: {  	v10 =	vld [tilespmem:s0+$0x1000]  }
0x334: {  	v5 =	vld [tilespmem:s0+$0x14080]  }
0x335: {  	v11 =	vld [tilespmem:s0+$0x15000]  }
0x336: {  	v12 =	vld [tilespmem:s0+$0x1080]  }
0x337: {  	v13 =	vld [tilespmem:s0+$0x100];
	_ =	sdelay $0x1  }
0x338: {  	v9 =	vld [tilespmem:s0+$0x15080];
	vm0 =	vlt.f32 v8, v7;
	vm2 =	vlt.f32 v8, v6  }
0x339: {  	v14 =	vsel vm0, v7, v8;
	v20 =	vsel vm0, v8, v7;
	v17 =	vsel vm2, v6, v8  }
0x33a: {  	v7 =	vld [tilespmem:s0+$0x14100];
	v18 =	vsel vm0, v10, v11;
	v21 =	vsel vm0, v11, v10;
	v15 =	vsel vm2, v12, v11  }
0x33b: {  	vm0 =	vlt.f32 v8, v13;
	v14 =	vsel vm2, v14, v6;
	vm3 =	vlt.f32 v5, v20;
	v6 =	vld [tilespmem:s0+$0x14180]  }
0x33c: {  	v19 =	vsel vm2, v18, v12;
	v18 =	vld [tilespmem:s0+$0x180];
	v17 =	vsel vm0, v17, v13;
	vm1 =	vlt.f32 v5, v14  }
0x33d: {  	v10 =	vld [tilespmem:s0+$0x15100];
	v16 =	vsel vm3, v21, v9;
	v22 =	vsel vm3, v5, v20;
	v24 =	vsel vm3, v9, v21  }
0x33e: {  	v20 =	vsel vm3, v20, v5;
	vm4 =	vlt.f32 v5, v17;
	v12 =	vsel vm1, v14, v5  }
0x33f: {  	v23 =	vsel vm1, v19, v9;
	v27 =	vsel vm1, v20, v14;
	vm6 =	vlt.f32 v7, v22  }
0x340: {  	v20 =	vld [tilespmem:s0+$0x1100];
	v14 =	vsel vm4, v12, v17;
	v21 =	vsel vm6, v22, v7;
	v22 =	vsel vm6, v7, v22  }
0x341: {  	vm2 =	vlt.f32 v7, v27;
	vm3 =	vlt.f32 v8, v18;
	vm5 =	vlt.f32 v6, v22  }
0x342: {  	s13 =	simm.s32 $0x10;
	s1 =	simm.s32 $0x40;
	v12 =	vld [tilespmem:s0+$0x15180];
	v25 =	vsel vm6, v10, v24;
	v21 =	vsel vm2, v21, v27;
	v26 =	vsel vm5, v22, v6  }
.LBB2_30:
0x343: {  	s11 =	smov.u32 s13  }
0x344: {  	s12 =	sand.u32 $0x70, s13;
	s14 =	sand.u32 $0xE00, s1;
	v13 =	vsel vm0, v13, v8;
	v27 =	vsel vm2, v27, v7;
	v24 =	vsel vm6, v24, v10;
	s11 =	sadd.s32 $0x10, s13  }
0x345: {  	p1 =	sne.s32 s13, $0x3F0;
	v16 =	vsel vm1, v16, v19;
	vm1 =	vlt.f32 v6, v21;
	s12 =	sor.u32 s12, s14;
	v15 =	vsel vm0, v15, v20;
	v28 =	vld [tilespmem:s0+$0x1180]  }
0x346: {  	v22 =	vsel vm5, v6, v22;
	v19 =	vsel vm4, v23, v15;
	v23 =	vsel vm1, v26, v21;
	v8 =	vld [tilespmem:s12+$0x14000]  }
0x347: {  	v13 =	vsel vm3, v13, v18;
	v11 =	vsel vm0, v20, v11;
	v18 =	vsel vm5, v12, v25;
	[tilespmem:s0+$0x80] =	vst v23  }
0x348: {  	v17 =	vsel vm4, v17, v5;
	v15 =	vsel vm4, v15, v9;
	v9 =	vsel vm5, v25, v12;
	v20 =	vld [tilespmem:s12+$0x80];
	[tilespmem:s0+$0x0] =	vst v22  }
0x349: {  	vm0 =	vlt.f32 v7, v14;
	v21 =	vsel vm1, v21, v6;
	v22 =	vsel vm2, v16, v10;
	[tilespmem:s0+$0x1000] =	vst v18  }
0x34a: {  	vm4 =	vlt.f32 v5, v13;
	v23 =	vsel vm0, v27, v14;
	v16 =	vsel vm2, v24, v16;
	v18 =	vld [tilespmem:s12+$0x0]  }
0x34b: {  	v13 =	vsel vm4, v17, v13;
	v17 =	vsel vm1, v16, v12;
	v25 =	vsel vm3, v11, v28;
	v24 =	vld [tilespmem:s12+$0x1000]  }
0x34c: {  	vm2 =	vlt.f32 v6, v23;
	v9 =	vsel vm1, v9, v16;
	vm3 =	vlt.f32 v7, v13;
	v5 =	vld [tilespmem:s12+$0x14080]  }
0x34d: {  	v16 =	vsel vm2, v21, v23;
	v7 =	vsel vm0, v14, v7;
	v14 =	vsel vm2, v23, v6;
	v11 =	vld [tilespmem:s12+$0x15000];
	[tilespmem:s0+$0x1080] =	vst v9  }
0x34e: {  	v15 =	vsel vm4, v15, v25;
	v21 =	vsel vm3, v7, v13;
	v7 =	vsel vm0, v19, v10;
	v9 =	vld [tilespmem:s12+$0x15080];
	[tilespmem:s0+$0x100] =	vst v16  }
0x34f: {  	vm5 =	vlt.f32 v6, v21;
	vm4 =	vlt.f32 v8, v20;
	v10 =	vld [tilespmem:s12+$0x1080];
	vm1 =	vlt.f32 v8, v18  }
0x350: {  	v22 =	vsel vm0, v22, v19;
	v13 =	vld [tilespmem:s12+$0x100];
	v6 =	vsel vm1, v18, v8;
	v23 =	vsel vm1, v8, v18  }
0x351: {  	v25 =	vsel vm4, v20, v8;
	v18 =	vsel vm3, v7, v15;
	v26 =	vsel vm4, v6, v20  }
0x352: {  	vm3 =	vlt.f32 v5, v23;
	v6 =	vsel vm5, v14, v21;
	v19 =	vsel vm1, v24, v11;
	v7 =	vld [tilespmem:s12+$0x14100]  }
0x353: {  	v12 =	vsel vm2, v22, v12;
	v14 =	vsel vm1, v11, v24;
	vm1 =	vlt.f32 v5, v26;
	[tilespmem:s0+$0x180] =	vst v6  }
0x354: {  	v12 =	vsel vm5, v12, v18;
	v16 =	vsel vm3, v14, v9;
	v15 =	vsel vm4, v10, v11;
	v6 =	vld [tilespmem:s12+$0x14180]  }
0x355: {  	v21 =	vsel vm1, v26, v5;
	v19 =	vsel vm4, v19, v10;
	vm0 =	vlt.f32 v8, v13;
	v10 =	vld [tilespmem:s12+$0x15100];
	[tilespmem:s0+$0x1180] =	vst v12  }
0x356: {  	v24 =	vsel vm3, v9, v14;
	v14 =	vsel vm2, v17, v22;
	v12 =	vsel vm3, v5, v23;
	v18 =	vld [tilespmem:s12+$0x180]  }
.Ltmp21:
0x357: {  	v17 =	vsel vm0, v25, v13;
	v25 =	vsel vm3, v23, v5;
	vm6 =	vlt.f32 v7, v12;
	[tilespmem:s0+$0x1100] =	vst v14;
	s0 =	smov.u32 s12;
	(pc) =	sbr.rel @p1 .LBB2_30-.Ltmp21, $4  }
0x358: {  	v23 =	vsel vm1, v19, v9;
	v20 =	vld [tilespmem:s0+$0x1100];
	v28 =	vsel vm6, v12, v7;
	v22 =	vsel vm6, v7, v12  }
0x359: {  	vm4 =	vlt.f32 v5, v17;
	v27 =	vsel vm1, v25, v26;
	vm5 =	vlt.f32 v6, v22  }
0x35a: {  	v14 =	vsel vm4, v21, v17;
	vm2 =	vlt.f32 v7, v27;
	v12 =	vld [tilespmem:s0+$0x15180];
	v26 =	vsel vm5, v22, v6  }
0x35b: {  	s1 =	sadd.s32 $0x40, s1;
	s13 =	smov.u32 s11;
	v21 =	vsel vm2, v28, v27;
	v25 =	vsel vm6, v10, v24;
	vm3 =	vlt.f32 v8, v18  }
0x35c: {  	v8 =	vsel vm0, v13, v8  }
0x35d: {  	v13 =	vsel vm2, v27, v7;
	v24 =	vsel vm6, v24, v10;
	v16 =	vsel vm1, v16, v19  }
0x35e: {  	vm1 =	vlt.f32 v6, v21;
	v22 =	vsel vm5, v6, v22;
	v17 =	vsel vm4, v17, v5  }
0x35f: {  	v15 =	vsel vm0, v15, v20;
	v26 =	vsel vm1, v26, v21;
	v8 =	vsel vm3, v8, v18  }
0x360: {  	v11 =	vsel vm0, v20, v11;
	vm0 =	vlt.f32 v7, v14;
	v19 =	vsel vm4, v23, v15;
	v23 =	vld [tilespmem:s0+$0x1180]  }
0x361: {  	v20 =	vsel vm2, v16, v10;
	v21 =	vsel vm1, v21, v6;
	v9 =	vsel vm4, v15, v9  }
0x362: {  	vm4 =	vlt.f32 v5, v8;
	v5 =	vsel vm0, v13, v14;
	v13 =	vsel vm2, v24, v16  }
0x363: {  	v18 =	vsel vm5, v12, v25;
	v15 =	vsel vm5, v25, v12;
	v8 =	vsel vm4, v17, v8  }
0x364: {  	[tilespmem:s0+$0x0] =	vst v22;
	vm2 =	vlt.f32 v7, v8;
	v15 =	vsel vm1, v15, v13;
	v7 =	vsel vm0, v14, v7  }
0x365: {  	[tilespmem:s0+$0x80] =	vst v26;
	v7 =	vsel vm2, v7, v8;
	v11 =	vsel vm3, v11, v23;
	vm3 =	vlt.f32 v6, v5  }
0x366: {  	[tilespmem:s0+$0x1000] =	vst v18;
	v8 =	vsel vm0, v19, v10;
	v14 =	vsel vm3, v5, v6;
	v5 =	vsel vm3, v21, v5  }
0x367: {  	[tilespmem:s0+$0x1080] =	vst v15;
	v9 =	vsel vm4, v9, v11;
	vm4 =	vlt.f32 v6, v7;
	v6 =	vsel vm0, v20, v19  }
0x368: {  	[tilespmem:s0+$0x100] =	vst v5;
	v5 =	vsel vm2, v8, v9;
	v7 =	vsel vm4, v14, v7;
	v8 =	vsel vm3, v6, v12  }
0x369: {  	v9 =	vsel vm1, v13, v12;
	[tilespmem:s0+$0x180] =	vst v7;
	v5 =	vsel vm4, v8, v5  }
0x36a: {  	[tilespmem:s0+$0x1180] =	vst v5;
	v5 =	vsel vm3, v9, v6  }
0x36b: {  	s30 =	rddreg [dreg:$0x9];
	[tilespmem:s0+$0x1100] =	vst v5  }
0x36c: {  	[tilespmem:s25], [sflag:$0x3] =	stream.linear.gather [spmem:s30], $0x1000, $0x38;
	[tilespmem:$0x16000] =	vst v63  }
0x36d: {  	_ =	swait.ge [sflag:s23], $0x1000  }
0x36e: {  	[sflag:s23] =	ssyncset.done $0x0  }
0x36f: {  	[sflag:s23] =	ssyncadd.s32 $0xFFFFF000  }
0x370: {  	[tilespmem:s26], [sflag:$0x3] =	stream.linear.gather [spmem:s16], $0x1000, $0x38;
	[tilespmem:$0x16000] =	vst v63  }
0x371: {  	s31 =	simm.s32 $0x0;
	_ =	swait.ge [sflag:s23], $0x1000  }
0x372: {  	s1 =	sand.u32 $0x70, s31;
	s0 =	sand.u32 $0xE00, s31;
	[sflag:s23] =	ssyncset.done $0x0  }
0x373: {  	s0 =	sor.u32 s1, s0;
	[sflag:s23] =	ssyncadd.s32 $0xFFFFF000  }
0x374: {  	v8 =	vld [tilespmem:s0+$0x14000]  }
0x375: {  	v6 =	vld [tilespmem:s0+$0x80]  }
0x376: {  	v7 =	vld [tilespmem:s0+$0x0]  }
0x377: {  	v10 =	vld [tilespmem:s0+$0x1000]  }
0x378: {  	v5 =	vld [tilespmem:s0+$0x14080]  }
0x379: {  	v11 =	vld [tilespmem:s0+$0x15000]  }
0x37a: {  	v12 =	vld [tilespmem:s0+$0x1080]  }
0x37b: {  	v13 =	vld [tilespmem:s0+$0x100];
	_ =	sdelay $0x1  }
0x37c: {  	v9 =	vld [tilespmem:s0+$0x15080];
	vm0 =	vlt.f32 v8, v7;
	vm2 =	vlt.f32 v8, v6  }
0x37d: {  	v14 =	vsel vm0, v7, v8;
	v20 =	vsel vm0, v8, v7;
	v17 =	vsel vm2, v6, v8  }
0x37e: {  	v7 =	vld [tilespmem:s0+$0x14100];
	v18 =	vsel vm0, v10, v11;
	v21 =	vsel vm0, v11, v10;
	v15 =	vsel vm2, v12, v11  }
0x37f: {  	vm0 =	vlt.f32 v8, v13;
	v14 =	vsel vm2, v14, v6;
	vm3 =	vlt.f32 v5, v20;
	v6 =	vld [tilespmem:s0+$0x14180]  }
0x380: {  	v19 =	vsel vm2, v18, v12;
	v18 =	vld [tilespmem:s0+$0x180];
	v17 =	vsel vm0, v17, v13;
	vm1 =	vlt.f32 v5, v14  }
0x381: {  	v10 =	vld [tilespmem:s0+$0x15100];
	v16 =	vsel vm3, v21, v9;
	v22 =	vsel vm3, v5, v20;
	v24 =	vsel vm3, v9, v21  }
0x382: {  	v20 =	vsel vm3, v20, v5;
	vm4 =	vlt.f32 v5, v17;
	v12 =	vsel vm1, v14, v5  }
0x383: {  	v23 =	vsel vm1, v19, v9;
	v27 =	vsel vm1, v20, v14;
	vm6 =	vlt.f32 v7, v22  }
0x384: {  	v20 =	vld [tilespmem:s0+$0x1100];
	v14 =	vsel vm4, v12, v17;
	v21 =	vsel vm6, v22, v7;
	v22 =	vsel vm6, v7, v22  }
0x385: {  	vm2 =	vlt.f32 v7, v27;
	vm3 =	vlt.f32 v8, v18;
	vm5 =	vlt.f32 v6, v22  }
0x386: {  	s13 =	simm.s32 $0x10;
	s1 =	simm.s32 $0x40;
	v12 =	vld [tilespmem:s0+$0x15180];
	v25 =	vsel vm6, v10, v24;
	v21 =	vsel vm2, v21, v27;
	v26 =	vsel vm5, v22, v6  }
.LBB2_32:
0x387: {  	s11 =	smov.u32 s13  }
0x388: {  	s12 =	sand.u32 $0x70, s13;
	s14 =	sand.u32 $0xE00, s1;
	v13 =	vsel vm0, v13, v8;
	v27 =	vsel vm2, v27, v7;
	v24 =	vsel vm6, v24, v10;
	s11 =	sadd.s32 $0x10, s13  }
0x389: {  	p1 =	sne.s32 s13, $0x3F0;
	v16 =	vsel vm1, v16, v19;
	vm1 =	vlt.f32 v6, v21;
	s12 =	sor.u32 s12, s14;
	v15 =	vsel vm0, v15, v20;
	v28 =	vld [tilespmem:s0+$0x1180]  }
0x38a: {  	v22 =	vsel vm5, v6, v22;
	v19 =	vsel vm4, v23, v15;
	v23 =	vsel vm1, v26, v21;
	v8 =	vld [tilespmem:s12+$0x14000]  }
0x38b: {  	v13 =	vsel vm3, v13, v18;
	v11 =	vsel vm0, v20, v11;
	v18 =	vsel vm5, v12, v25;
	[tilespmem:s0+$0x80] =	vst v23  }
0x38c: {  	v17 =	vsel vm4, v17, v5;
	v15 =	vsel vm4, v15, v9;
	v9 =	vsel vm5, v25, v12;
	v20 =	vld [tilespmem:s12+$0x80];
	[tilespmem:s0+$0x0] =	vst v22  }
0x38d: {  	vm0 =	vlt.f32 v7, v14;
	v21 =	vsel vm1, v21, v6;
	v22 =	vsel vm2, v16, v10;
	[tilespmem:s0+$0x1000] =	vst v18  }
0x38e: {  	vm4 =	vlt.f32 v5, v13;
	v23 =	vsel vm0, v27, v14;
	v16 =	vsel vm2, v24, v16;
	v18 =	vld [tilespmem:s12+$0x0]  }
0x38f: {  	v13 =	vsel vm4, v17, v13;
	v17 =	vsel vm1, v16, v12;
	v25 =	vsel vm3, v11, v28;
	v24 =	vld [tilespmem:s12+$0x1000]  }
0x390: {  	vm2 =	vlt.f32 v6, v23;
	v9 =	vsel vm1, v9, v16;
	vm3 =	vlt.f32 v7, v13;
	v5 =	vld [tilespmem:s12+$0x14080]  }
0x391: {  	v16 =	vsel vm2, v21, v23;
	v7 =	vsel vm0, v14, v7;
	v14 =	vsel vm2, v23, v6;
	v11 =	vld [tilespmem:s12+$0x15000];
	[tilespmem:s0+$0x1080] =	vst v9  }
0x392: {  	v15 =	vsel vm4, v15, v25;
	v21 =	vsel vm3, v7, v13;
	v7 =	vsel vm0, v19, v10;
	v9 =	vld [tilespmem:s12+$0x15080];
	[tilespmem:s0+$0x100] =	vst v16  }
0x393: {  	vm5 =	vlt.f32 v6, v21;
	vm4 =	vlt.f32 v8, v20;
	v10 =	vld [tilespmem:s12+$0x1080];
	vm1 =	vlt.f32 v8, v18  }
0x394: {  	v22 =	vsel vm0, v22, v19;
	v13 =	vld [tilespmem:s12+$0x100];
	v6 =	vsel vm1, v18, v8;
	v23 =	vsel vm1, v8, v18  }
0x395: {  	v25 =	vsel vm4, v20, v8;
	v18 =	vsel vm3, v7, v15;
	v26 =	vsel vm4, v6, v20  }
0x396: {  	vm3 =	vlt.f32 v5, v23;
	v6 =	vsel vm5, v14, v21;
	v19 =	vsel vm1, v24, v11;
	v7 =	vld [tilespmem:s12+$0x14100]  }
0x397: {  	v12 =	vsel vm2, v22, v12;
	v14 =	vsel vm1, v11, v24;
	vm1 =	vlt.f32 v5, v26;
	[tilespmem:s0+$0x180] =	vst v6  }
0x398: {  	v12 =	vsel vm5, v12, v18;
	v16 =	vsel vm3, v14, v9;
	v15 =	vsel vm4, v10, v11;
	v6 =	vld [tilespmem:s12+$0x14180]  }
0x399: {  	v21 =	vsel vm1, v26, v5;
	v19 =	vsel vm4, v19, v10;
	vm0 =	vlt.f32 v8, v13;
	v10 =	vld [tilespmem:s12+$0x15100];
	[tilespmem:s0+$0x1180] =	vst v12  }
0x39a: {  	v24 =	vsel vm3, v9, v14;
	v14 =	vsel vm2, v17, v22;
	v12 =	vsel vm3, v5, v23;
	v18 =	vld [tilespmem:s12+$0x180]  }
.Ltmp22:
0x39b: {  	v17 =	vsel vm0, v25, v13;
	v25 =	vsel vm3, v23, v5;
	vm6 =	vlt.f32 v7, v12;
	[tilespmem:s0+$0x1100] =	vst v14;
	s0 =	smov.u32 s12;
	(pc) =	sbr.rel @p1 .LBB2_32-.Ltmp22, $4  }
0x39c: {  	v23 =	vsel vm1, v19, v9;
	v20 =	vld [tilespmem:s0+$0x1100];
	v28 =	vsel vm6, v12, v7;
	v22 =	vsel vm6, v7, v12  }
0x39d: {  	vm4 =	vlt.f32 v5, v17;
	v27 =	vsel vm1, v25, v26;
	vm5 =	vlt.f32 v6, v22  }
0x39e: {  	v14 =	vsel vm4, v21, v17;
	vm2 =	vlt.f32 v7, v27;
	v12 =	vld [tilespmem:s0+$0x15180];
	v26 =	vsel vm5, v22, v6  }
0x39f: {  	s1 =	sadd.s32 $0x40, s1;
	s13 =	smov.u32 s11;
	v21 =	vsel vm2, v28, v27;
	v25 =	vsel vm6, v10, v24;
	vm3 =	vlt.f32 v8, v18  }
0x3a0: {  	v8 =	vsel vm0, v13, v8  }
0x3a1: {  	v52 =	vsel vm2, v27, v7;
	v24 =	vsel vm6, v24, v10;
	v16 =	vsel vm1, v16, v19  }
0x3a2: {  	vm10 =	vlt.f32 v6, v21;
	v22 =	vsel vm5, v6, v22;
	v17 =	vsel vm4, v17, v5  }
0x3a3: {  	vm11 =	vlt.f32 v7, v14;
	v15 =	vsel vm0, v15, v20;
	v26 =	vsel vm10, v26, v21  }
0x3a4: {  	v8 =	vsel vm3, v8, v18;
	v11 =	vsel vm0, v20, v11;
	v57 =	vsel vm2, v16, v10  }
0x3a5: {  	v54 =	vld [tilespmem:s0+$0x1180];
	v58 =	vsel vm10, v21, v6;
	v59 =	vsel vm2, v24, v16;
	v53 =	vsel vm4, v23, v15  }
0x3a6: {  	v9 =	vsel vm4, v15, v9;
	vm12 =	vlt.f32 v5, v8;
	v5 =	vsel vm11, v52, v14  }
0x3a7: {  	v55 =	vsel vm5, v12, v25;
	v56 =	vsel vm5, v25, v12;
	v8 =	vsel vm12, v17, v8  }
0x3a8: {  	[tilespmem:s0+$0x0] =	vst v22;
	vm14 =	vlt.f32 v6, v5;
	v61 =	vsel vm11, v53, v10;
	vm13 =	vlt.f32 v7, v8  }
0x3a9: {  	[tilespmem:s0+$0x80] =	vst v26;
	v15 =	vsel vm10, v56, v59;
	v7 =	vsel vm11, v14, v7;
	v60 =	vsel vm14, v5, v6  }
0x3aa: {  	[tilespmem:s0+$0x1000] =	vst v55;
	v5 =	vsel vm14, v58, v5;
	v11 =	vsel vm3, v11, v54;
	v7 =	vsel vm13, v7, v8  }
0x3ab: {  	[tilespmem:s0+$0x1080] =	vst v15;
	v9 =	vsel vm12, v9, v11;
	vm15 =	vlt.f32 v6, v7;
	v6 =	vsel vm11, v57, v53  }
0x3ac: {  	[tilespmem:s0+$0x100] =	vst v5;
	v5 =	vsel vm13, v61, v9;
	v7 =	vsel vm15, v60, v7;
	v62 =	vsel vm14, v6, v12  }
0x3ad: {  	v63 =	vsel vm10, v59, v12;
	[tilespmem:s0+$0x180] =	vst v7;
	v5 =	vsel vm15, v62, v5  }
0x3ae: {  	[tilespmem:s0+$0x1180] =	vst v5;
	v5 =	vsel vm14, v63, v6  }
.Ltmp23:
0x3af: {  	[tilespmem:s0+$0x1100] =	vst v5;
	(pc) =	sbr.rel .LBB2_34-.Ltmp23, $4  }
0x3b0: {  	[hbm4b:s17+s2] =	stream.linear.scatter [tilespmem:s24], [sflag:$0x3], $0x1000, $0x38;
	[tilespmem:$0x16000] =	vst v63  }
0x3b1: {  	_ =	swait.ge [sflag:s23], $0x1000  }
0x3b2: {  	[sflag:s23] =	ssyncset.done $0x0  }
0x3b3: {  	[sflag:s23] =	ssyncadd.s32 $0xFFFFF000  }
.LBB2_35:
0x3b4: {  	_ =	sfence.sel $0x180000  }
0x3b5: {  	[bflag:$0x0] =	sbarrier.arrive $0xFFFF  }
0x3b6: {  	_ =	strace $0x90000047  }
0x3b7: {  	s0 =	stileid.u32;
	[bflag:$0x2] =	sbarrier.arrive $0xFFFF  }
0x3b8: {  	p0 =	sne.s32 s0, $0x0;
	s0 =	rddreg [dreg:$0x4]  }
0x3b9: {  	s0 =	sadd.s32 @!p0 $0x100000, s0  }
0x3ba: {  	[sflag:s0] =	ssyncadd.tile.s32 @!p0 $0x1;
	_ =	shalt  }
.Lfunc_end2:
_tile_overlayer_lowered:
.L_overlay_start_2:
0x3bb: {  	(tag) =	ssettag $0x2  }
0x3bc: {  	s0 =	rddreg [dreg:$0x0];
	s2 =	stileid.u32  }
0x3bd: {  	s1 =	rddreg [dreg:$0x1];
	p0 =	sne.s32 s2, $0x0  }
0x3be: {  	s3 =	rddreg [dreg:$0x2];
	[bflag:$0x3] =	sbarrier.arrive $0xFFFF;
	s2 =	simm.s32 @!p0 $0x1C03  }
0x3bf: {  	[timem:s3], [sflag:s2] =	dma.local @!p0 [hbm:s0], s1  }
0x3c0: {  	s0 =	simm.s32 @!p0 $0x3  }
0x3c1: {  	_ =	swait.ge @!p0 [sflag:s0], s1  }
0x3c2: {  	s1 =	ssub.s32 @!p0 $0x0, s1;
	[sflag:s0] =	ssyncset.done @!p0 $0x0  }
0x3c3: {  	[sflag:s0] =	ssyncadd.s32 @!p0 s1  }
0x3c4: {  	[bflag:$0x3] =	sbarrier.arrive $0xFFFF  }
0x3c5: {  	_ =	shalt  }

</sc_bundles>
